<compile_context>
chip_gen: v7x
topology: tpu7x:2x2x1
jax: 0.10.2.dev20260603
libtpu: 0.0.44.dev20260713+nightly
codegen_flags: <defaults>
</compile_context>

<pallas_src>
import jax
import jax.numpy as jnp
from jax import lax
from jax.experimental import pallas as pl
from jax.experimental.pallas import tpu as pltpu
from jax.experimental.pallas import tpu_sc as plsc

N = 100000
E = 3200000
HIDDEN = 128
OUT = 128
G = 64

NC = 2
NS = 16
NW = NC * NS

CH = 5000
CHUNKS_PER_TILE = E // (NW * CH)
SLICE = 6400
NP_SC = NS * SLICE


def _sc_agg(xa, sa, da, xp, sp, dp, xn, sn, dn, zeros, out, agg_sh, x_sh,
            tailbuf, src0, dst0, vals0, src1, dst1, vals1, src2, dst2, vals2,
            src3, dst3, vals3, ig0, ig1, ig2, ig3, sg0, sg1, sg2, sg3,
            ss0, ss1, ss2, ss3):
    cid = lax.axis_index("c")
    sid = lax.axis_index("s")
    wid = sid * NC + cid
    nbase = sid * SLICE
    cbase = wid * CHUNKS_PER_TILE

    srcs = (src0, src1, src2, src3)
    dsts = (dst0, dst1, dst2, dst3)
    vlss = (vals0, vals1, vals2, vals3)
    igs = (ig0, ig1, ig2, ig3)
    sgs = (sg0, sg1, sg2, sg3)
    sss = (ss0, ss1, ss2, ss3)
    NB = 4

    for g, (x_hbm, s_hbm, d_hbm) in enumerate(
            ((xa, sa, da), (xp, sp, dp), (xn, sn, dn))):
        pltpu.sync_copy(zeros.at[pl.ds(nbase, SLICE)],
                        agg_sh.at[pl.ds(nbase, SLICE)])
        XTAIL = N - 15 * SLICE
        @pl.when(sid < 15)
        def _sx():
            pltpu.sync_copy(x_hbm.at[pl.ds(nbase, SLICE)],
                            x_sh.at[pl.ds(nbase, SLICE)])
        @pl.when(sid == 15)
        def _sxt():
            pltpu.sync_copy(x_hbm.at[pl.ds(15 * SLICE, XTAIL)], tailbuf)
            pltpu.sync_copy(tailbuf, x_sh.at[pl.ds(15 * SLICE, XTAIL)])
        plsc.subcore_barrier()

        def start_idx(k):
            p = k % NB
            base = (cbase + k) * CH
            pltpu.async_copy(s_hbm.at[pl.ds(base, CH)], srcs[p], igs[p])
            pltpu.async_copy(d_hbm.at[pl.ds(base, CH)], dsts[p], igs[p])

        def wait_idx(p):
            pltpu.make_async_copy(s_hbm.at[pl.ds(0, CH)], srcs[p], igs[p]).wait()
            pltpu.make_async_copy(d_hbm.at[pl.ds(0, CH)], dsts[p], igs[p]).wait()

        def start_gather(p):
            pltpu.async_copy(x_sh.at[srcs[p]], vlss[p], sgs[p])

        def wait_gather(p):
            pltpu.make_async_copy(x_sh.at[srcs[p]], vlss[p], sgs[p]).wait()

        def start_scatter(p):
            pltpu.async_copy(vlss[p], agg_sh.at[dsts[p]], sss[p], add=True)

        def wait_scatter(p):
            pltpu.make_async_copy(vlss[p], agg_sh.at[dsts[p]], sss[p]).wait()

        CPT = CHUNKS_PER_TILE
        start_idx(0)
        for k in range(CPT):
            p = k % NB
            wait_idx(p)
            if k >= 3:
                wait_scatter((k - 3) % NB)
            if k + 1 < CPT:
                start_idx(k + 1)
            start_gather(p)
            if k >= 2:
                q = (k - 2) % NB
                wait_gather(q)
                start_scatter(q)
        for k in (CPT - 2, CPT - 1):
            wait_gather(k % NB)
            start_scatter(k % NB)
        for k in (CPT - 3, CPT - 2, CPT - 1):
            wait_scatter(k % NB)
        plsc.subcore_barrier()

        obase = (g * NC + cid) * NP_SC + nbase
        pltpu.sync_copy(agg_sh.at[pl.ds(nbase, SLICE)],
                        out.at[pl.ds(obase, SLICE)])
        plsc.subcore_barrier()


def _sc_call(xa, ea, xp, ep, xn, en):
    mesh = plsc.VectorSubcoreMesh(core_axis_name="c", subcore_axis_name="s",
                                  num_cores=NC, num_subcores=NS)
    zeros = jnp.zeros((NP_SC,), jnp.float32)
    return pl.kernel(
        _sc_agg,
        out_type=jax.ShapeDtypeStruct((3 * NC * NP_SC,), jnp.float32),
        mesh=mesh,
        scratch_types=[
            pltpu.VMEM_SHARED((NP_SC,), jnp.float32),
            pltpu.VMEM_SHARED((NP_SC,), jnp.float32),
            pltpu.VMEM((N - 15 * SLICE,), jnp.float32),
        ] + [pltpu.VMEM((CH,), jnp.int32),
             pltpu.VMEM((CH,), jnp.int32),
             pltpu.VMEM((CH,), jnp.float32)] * 4
          + [pltpu.SemaphoreType.DMA] * 12,
    )(xa, ea[0], ea[1], xp, ep[0], ep[1], xn, en[0], en[1], zeros)


BN = 4096
NBLK = NP_SC // BN


def _tc_body(xa, xp, xn, ba, bp, bn, a0, a1, a2, a3, a4, a5,
             w1, b1, w2t, b2, fwt, fb, out_ref, acc, cnt):
    b = pl.program_id(0)

    @pl.when(b == 0)
    def _init():
        acc[...] = jnp.zeros_like(acc)
        cnt[...] = jnp.zeros_like(cnt)

    lane = lax.broadcasted_iota(jnp.int32, (1, BN), 1)
    valid = (b * BN + lane) < N
    gid = lax.broadcasted_iota(jnp.int32, (G, BN), 0)
    nt = (((1,), (1,)), ((), ()))

    for g, (xr, btr, p0, p1) in enumerate(
            ((xa, ba, a0, a1), (xp, bp, a2, a3), (xn, bn, a4, a5))):
        h = (xr[...] + p0[...] + p1[...]).reshape(1, BN)
        rt = jnp.maximum(w1[...] * h + b1[...], 0.0)
        rt = jnp.where(valid, rt, 0.0)
        bt = btr[...].reshape(1, BN)
        oh = ((gid == bt) & valid).astype(jnp.float32)
        acc[:, G * g:G * (g + 1)] += lax.dot_general(
            rt, oh, nt, preferred_element_type=jnp.float32)
        cnt[:, g:g + 1] += jnp.sum(oh, axis=1, keepdims=True)

    @pl.when(b == NBLK - 1)
    def _fin():
        for g in range(3):
            t = jnp.dot(w2t[...], acc[:, G * g:G * (g + 1)],
                        preferred_element_type=jnp.float32)
            t = t + lax.dot_general(b2[...], cnt[:, g:g + 1], nt,
                                    preferred_element_type=jnp.float32)
            o = jnp.dot(fwt[...], t, preferred_element_type=jnp.float32)
            out_ref[g] = o + fb[...]


def _tc_call(xa, xp, xn, ba, bp, bn, agg, W1, b1, W2, b2, fc_W, fc_b):
    node_spec = pl.BlockSpec((BN,), lambda b: (b,))
    agg_specs = [
        pl.BlockSpec((BN,), lambda b, r=r: (r * (NP_SC // BN) + b,))
        for r in range(6)
    ]
    return pl.pallas_call(
        _tc_body,
        grid=(NBLK,),
        in_specs=[node_spec] * 6 + agg_specs + [
            pl.BlockSpec((HIDDEN, 1), lambda b: (0, 0)),
            pl.BlockSpec((HIDDEN, 1), lambda b: (0, 0)),
            pl.BlockSpec((HIDDEN, HIDDEN), lambda b: (0, 0)),
            pl.BlockSpec((HIDDEN, 1), lambda b: (0, 0)),
            pl.BlockSpec((OUT, HIDDEN), lambda b: (0, 0)),
            pl.BlockSpec((OUT, 1), lambda b: (0, 0)),
        ],
        out_specs=pl.BlockSpec((3, OUT, G), lambda b: (0, 0, 0)),
        out_shape=jax.ShapeDtypeStruct((3, OUT, G), jnp.float32),
        scratch_shapes=[
            pltpu.VMEM((HIDDEN, 3 * G), jnp.float32),
            pltpu.VMEM((G, 8), jnp.float32),
        ],
    )(xa, xp, xn, ba, bp, bn, agg, agg, agg, agg, agg, agg,
      W1.T, b1[:, None], W2.T, b2[:, None], fc_W.T, fc_b[:, None])


@jax.jit
def kernel(anchor_x, anchor_edge_index, anchor_batch,
           positive_x, positive_edge_index, positive_batch,
           negative_x, negative_edge_index, negative_batch,
           W1, b1, W2, b2, fc_W, fc_b):
    xa = anchor_x[:, 0]
    xp = positive_x[:, 0]
    xn = negative_x[:, 0]

    agg = _sc_call(xa, anchor_edge_index, xp, positive_edge_index,
                   xn, negative_edge_index)

    outt = _tc_call(xa, xp, xn, anchor_batch, positive_batch, negative_batch,
                    agg, W1, b1, W2, b2, fc_W, fc_b)
    out = jnp.swapaxes(outt, 1, 2)
    return out[0], out[1], out[2]

# --- scband reference (transcript-rebuilt; emitter-appended) ---
"""Pipeline reference for scband-ginmodel-19877108646248 (READ-ONLY COPY).

The authoritative reference and input builder live on the scoring server;
editing this copy changes nothing except your own understanding.
"""

import jax, jax.numpy as jnp
import numpy as np

N = 100000
E = 3200000
HIDDEN = 128
OUT = 128
G = 64


def setup_inputs(seed: int = 0):
    key = jax.random.key(seed)
    ks = jax.random.split(key, 16)
    inp = {}
    for i, nm in enumerate(['anchor', 'positive', 'negative']):
        inp[nm + '_x'] = jax.random.normal(ks[i * 3], (N, 1), dtype=jnp.float32)
        inp[nm + '_edge_index'] = jax.random.randint(ks[i * 3 + 1], (2, E), 0, N, dtype=jnp.int32)
        inp[nm + '_batch'] = jnp.sort(jax.random.randint(ks[i * 3 + 2], (N,), 0, G, dtype=jnp.int32))
    inp['W1'] = jax.random.normal(ks[9], (1, HIDDEN), dtype=jnp.float32) * 0.1
    inp['b1'] = jnp.zeros((HIDDEN,), dtype=jnp.float32)
    inp['W2'] = jax.random.normal(ks[10], (HIDDEN, HIDDEN), dtype=jnp.float32) * 0.05
    inp['b2'] = jnp.zeros((HIDDEN,), dtype=jnp.float32)
    inp['fc_W'] = jax.random.normal(ks[11], (HIDDEN, OUT), dtype=jnp.float32) * 0.05
    inp['fc_b'] = jnp.zeros((OUT,), dtype=jnp.float32)
    return inp


def _forward_once(x, edge_index, batch, W1, b1, W2, b2, fc_W, fc_b):
    # GINConv with eps=0: h_i = MLP(x_i + sum_{j in N(i)} x_j)
    src = edge_index[0]
    dst = edge_index[1]
    agg = jnp.zeros_like(x).at[dst].add(x[src])
    h = x + agg
    h = jnp.maximum(h @ W1 + b1, 0.0) @ W2 + b2
    # global_add_pool over batch assignment
    pooled = jax.ops.segment_sum(h, batch, num_segments=G)
    return pooled @ fc_W + fc_b


def reference(anchor_x, anchor_edge_index, anchor_batch,
              positive_x, positive_edge_index, positive_batch,
              negative_x, negative_edge_index, negative_batch,
              W1, b1, W2, b2, fc_W, fc_b):
    a = _forward_once(anchor_x, anchor_edge_index, anchor_batch, W1, b1, W2, b2, fc_W, fc_b)
    p = _forward_once(positive_x, positive_edge_index, positive_batch, W1, b1, W2, b2, fc_W, fc_b)
    n = _forward_once(negative_x, negative_edge_index, negative_batch, W1, b1, W2, b2, fc_W, fc_b)
    return (a, p, n)

if __name__ == "__main__":
    import jax
    _d = setup_inputs()
    print(jax.jit(kernel)(*tuple(_d.values())))

</pallas_src>

<mosaic_0001>
#map = affine_map<(d0, d1) -> (0)>
module attributes {stable_mosaic.version = 14 : i64} {
  func.func @_sc_agg(%arg0: i32, %arg1: i32, %arg2: memref<100000xf32, #tpu.memory_space<hbm>>, %arg3: memref<3200000xi32, #tpu.memory_space<hbm>>, %arg4: memref<3200000xi32, #tpu.memory_space<hbm>>, %arg5: memref<100000xf32, #tpu.memory_space<hbm>>, %arg6: memref<3200000xi32, #tpu.memory_space<hbm>>, %arg7: memref<3200000xi32, #tpu.memory_space<hbm>>, %arg8: memref<100000xf32, #tpu.memory_space<hbm>>, %arg9: memref<3200000xi32, #tpu.memory_space<hbm>>, %arg10: memref<3200000xi32, #tpu.memory_space<hbm>>, %arg11: memref<102400xf32, #tpu.memory_space<hbm>>, %arg12: memref<614400xf32, #tpu.memory_space<hbm>>, %arg13: memref<102400xf32, #tpu.memory_space<vmem_shared>>, %arg14: memref<102400xf32, #tpu.memory_space<vmem_shared>>, %arg15: memref<4000xf32, #tpu.memory_space<vmem>>, %arg16: memref<5000xi32, #tpu.memory_space<vmem>>, %arg17: memref<5000xi32, #tpu.memory_space<vmem>>, %arg18: memref<5000xf32, #tpu.memory_space<vmem>>, %arg19: memref<5000xi32, #tpu.memory_space<vmem>>, %arg20: memref<5000xi32, #tpu.memory_space<vmem>>, %arg21: memref<5000xf32, #tpu.memory_space<vmem>>, %arg22: memref<5000xi32, #tpu.memory_space<vmem>>, %arg23: memref<5000xi32, #tpu.memory_space<vmem>>, %arg24: memref<5000xf32, #tpu.memory_space<vmem>>, %arg25: memref<5000xi32, #tpu.memory_space<vmem>>, %arg26: memref<5000xi32, #tpu.memory_space<vmem>>, %arg27: memref<5000xf32, #tpu.memory_space<vmem>>, %arg28: memref<!tpu.dma_semaphore, #tpu.memory_space<semaphore_mem>>, %arg29: memref<!tpu.dma_semaphore, #tpu.memory_space<semaphore_mem>>, %arg30: memref<!tpu.dma_semaphore, #tpu.memory_space<semaphore_mem>>, %arg31: memref<!tpu.dma_semaphore, #tpu.memory_space<semaphore_mem>>, %arg32: memref<!tpu.dma_semaphore, #tpu.memory_space<semaphore_mem>>, %arg33: memref<!tpu.dma_semaphore, #tpu.memory_space<semaphore_mem>>, %arg34: memref<!tpu.dma_semaphore, #tpu.memory_space<semaphore_mem>>, %arg35: memref<!tpu.dma_semaphore, #tpu.memory_space<semaphore_mem>>, %arg36: memref<!tpu.dma_semaphore, #tpu.memory_space<semaphore_mem>>, %arg37: memref<!tpu.dma_semaphore, #tpu.memory_space<semaphore_mem>>, %arg38: memref<!tpu.dma_semaphore, #tpu.memory_space<semaphore_mem>>, %arg39: memref<!tpu.dma_semaphore, #tpu.memory_space<semaphore_mem>>) attributes {dimension_semantics = [#tpu.dimension_semantics<core_parallel>, #tpu.dimension_semantics<subcore_parallel>], iteration_bounds = array<i64: 2, 16>, scalar_prefetch = 0 : i64, scratch_operands = 27 : i64, tpu.core_type = #tpu.core_type<sc_vector_subcore>, window_params = [{transform_indices = #map}, {transform_indices = #map}, {transform_indices = #map}, {transform_indices = #map}, {transform_indices = #map}, {transform_indices = #map}, {transform_indices = #map}, {transform_indices = #map}, {transform_indices = #map}, {transform_indices = #map}, {transform_indices = #map}]} {
    %mul3A = arith.constant 2 : i32
    %mul3A_0 = arith.muli %arg1, %mul3A : i32
    %add3A = arith.addi %mul3A_0, %arg0 : i32
    %mul3A_1 = arith.constant 6400 : i32
    %mul3A_2 = arith.muli %arg1, %mul3A_1 : i32
    %mul3A_3 = arith.constant 20 : i32
    %mul3A_4 = arith.muli %add3A, %mul3A_3 : i32
    "tpu.region"() ({
      %run_scoped3A = tpu.sem_alloc : memref<!tpu.dma_semaphore, #tpu.memory_space<semaphore_mem>>
      %dma_start3A_1492 = tpu.memref_slice %arg13[%mul3A_2] : memref<102400xf32, #tpu.memory_space<vmem_shared>> -> memref<6400xf32, #tpu.memory_space<vmem_shared>>
      %dma_start3A_1493 = tpu.memref_slice %arg11[%mul3A_2] : memref<102400xf32, #tpu.memory_space<hbm>> -> memref<6400xf32, #tpu.memory_space<hbm>>
      tpu.enqueue_dma source(%dma_start3A_1493 : memref<6400xf32, #tpu.memory_space<hbm>>) target(%dma_start3A_1492 : memref<6400xf32, #tpu.memory_space<vmem_shared>>) target_semaphore(%run_scoped3A : memref<!tpu.dma_semaphore, #tpu.memory_space<semaphore_mem>>)
      %dma_wait3A_1494 = tpu.memref_slice %arg13[%mul3A_2] : memref<102400xf32, #tpu.memory_space<vmem_shared>> -> memref<6400xf32, #tpu.memory_space<vmem_shared>>
      %dma_wait3A_1495 = tpu.memref_slice %arg11[%mul3A_2] : memref<102400xf32, #tpu.memory_space<hbm>> -> memref<6400xf32, #tpu.memory_space<hbm>>
      tpu.wait_dma2 semaphore(%run_scoped3A : memref<!tpu.dma_semaphore, #tpu.memory_space<semaphore_mem>>) src(%dma_wait3A_1495 : memref<6400xf32, #tpu.memory_space<hbm>>) dst(%dma_wait3A_1494 : memref<6400xf32, #tpu.memory_space<vmem_shared>>)
      tpu.yield
    }) : () -> ()
    %lt3A = arith.constant 15 : i32
    %lt3A_5 = arith.cmpi slt, %arg1, %lt3A : i32
    %convert_element_type3A = arith.extui %lt3A_5 : i1 to i32
    %cond3A = arith.constant 0 : i32
    %cond3A_6 = arith.cmpi ne, %convert_element_type3A, %cond3A : i32
    scf.if %cond3A_6 {
      "tpu.region"() ({
        %run_scoped3A = tpu.sem_alloc : memref<!tpu.dma_semaphore, #tpu.memory_space<semaphore_mem>>
        %dma_start3A_1492 = tpu.memref_slice %arg14[%mul3A_2] : memref<102400xf32, #tpu.memory_space<vmem_shared>> -> memref<6400xf32, #tpu.memory_space<vmem_shared>>
        %dma_start3A_1493 = tpu.memref_slice %arg2[%mul3A_2] : memref<100000xf32, #tpu.memory_space<hbm>> -> memref<6400xf32, #tpu.memory_space<hbm>>
        tpu.enqueue_dma source(%dma_start3A_1493 : memref<6400xf32, #tpu.memory_space<hbm>>) target(%dma_start3A_1492 : memref<6400xf32, #tpu.memory_space<vmem_shared>>) target_semaphore(%run_scoped3A : memref<!tpu.dma_semaphore, #tpu.memory_space<semaphore_mem>>)
        %dma_wait3A_1494 = tpu.memref_slice %arg14[%mul3A_2] : memref<102400xf32, #tpu.memory_space<vmem_shared>> -> memref<6400xf32, #tpu.memory_space<vmem_shared>>
        %dma_wait3A_1495 = tpu.memref_slice %arg2[%mul3A_2] : memref<100000xf32, #tpu.memory_space<hbm>> -> memref<6400xf32, #tpu.memory_space<hbm>>
        tpu.wait_dma2 semaphore(%run_scoped3A : memref<!tpu.dma_semaphore, #tpu.memory_space<semaphore_mem>>) src(%dma_wait3A_1495 : memref<6400xf32, #tpu.memory_space<hbm>>) dst(%dma_wait3A_1494 : memref<6400xf32, #tpu.memory_space<vmem_shared>>)
        tpu.yield
      }) : () -> ()
    } else {
    }
    %eq3A = arith.constant 15 : i32
    %eq3A_7 = arith.cmpi eq, %arg1, %eq3A : i32
    %convert_element_type3A_8 = arith.extui %eq3A_7 : i1 to i32
    %cond3A_9 = arith.constant 0 : i32
    %cond3A_10 = arith.cmpi ne, %convert_element_type3A_8, %cond3A_9 : i32
    scf.if %cond3A_10 {
      "tpu.region"() ({
        %run_scoped3A = tpu.sem_alloc : memref<!tpu.dma_semaphore, #tpu.memory_space<semaphore_mem>>
        %dma_start3A_1492 = arith.constant 96000 : i32
        %dma_start3A_1493 = tpu.memref_slice %arg2[%dma_start3A_1492] : memref<100000xf32, #tpu.memory_space<hbm>> -> memref<4000xf32, #tpu.memory_space<hbm>>
        %dma_start3A_1494 = arith.constant 96000 : i32
        %dma_start3A_1495 = tpu.memref_slice %arg2[%dma_start3A_1494] : memref<100000xf32, #tpu.memory_space<hbm>> -> memref<4000xf32, #tpu.memory_space<hbm>>
        tpu.enqueue_dma source(%dma_start3A_1495 : memref<4000xf32, #tpu.memory_space<hbm>>) target(%arg15 : memref<4000xf32, #tpu.memory_space<vmem>>) target_semaphore(%run_scoped3A : memref<!tpu.dma_semaphore, #tpu.memory_space<semaphore_mem>>)
        %dma_wait3A_1496 = arith.constant 96000 : i32
        %dma_wait3A_1497 = tpu.memref_slice %arg2[%dma_wait3A_1496] : memref<100000xf32, #tpu.memory_space<hbm>> -> memref<4000xf32, #tpu.memory_space<hbm>>
        %dma_wait3A_1498 = arith.constant 96000 : i32
        %dma_wait3A_1499 = tpu.memref_slice %arg2[%dma_wait3A_1498] : memref<100000xf32, #tpu.memory_space<hbm>> -> memref<4000xf32, #tpu.memory_space<hbm>>
        tpu.wait_dma2 semaphore(%run_scoped3A : memref<!tpu.dma_semaphore, #tpu.memory_space<semaphore_mem>>) src(%dma_wait3A_1499 : memref<4000xf32, #tpu.memory_space<hbm>>) dst(%arg15 : memref<4000xf32, #tpu.memory_space<vmem>>)
        tpu.yield
      }) : () -> ()
      "tpu.region"() ({
        %run_scoped3A = tpu.sem_alloc : memref<!tpu.dma_semaphore, #tpu.memory_space<semaphore_mem>>
        %dma_start3A_1492 = arith.constant 96000 : i32
        %dma_start3A_1493 = tpu.memref_slice %arg14[%dma_start3A_1492] : memref<102400xf32, #tpu.memory_space<vmem_shared>> -> memref<4000xf32, #tpu.memory_space<vmem_shared>>
        %dma_start3A_1494 = arith.constant 96000 : i32
        %dma_start3A_1495 = tpu.memref_slice %arg14[%dma_start3A_1494] : memref<102400xf32, #tpu.memory_space<vmem_shared>> -> memref<4000xf32, #tpu.memory_space<vmem_shared>>
        tpu.enqueue_dma source(%arg15 : memref<4000xf32, #tpu.memory_space<vmem>>) target(%dma_start3A_1495 : memref<4000xf32, #tpu.memory_space<vmem_shared>>) target_semaphore(%run_scoped3A : memref<!tpu.dma_semaphore, #tpu.memory_space<semaphore_mem>>)
        %dma_wait3A_1496 = arith.constant 96000 : i32
        %dma_wait3A_1497 = tpu.memref_slice %arg14[%dma_wait3A_1496] : memref<102400xf32, #tpu.memory_space<vmem_shared>> -> memref<4000xf32, #tpu.memory_space<vmem_shared>>
        %dma_wait3A_1498 = arith.constant 96000 : i32
        %dma_wait3A_1499 = tpu.memref_slice %arg14[%dma_wait3A_1498] : memref<102400xf32, #tpu.memory_space<vmem_shared>> -> memref<4000xf32, #tpu.memory_space<vmem_shared>>
        tpu.wait_dma2 semaphore(%run_scoped3A : memref<!tpu.dma_semaphore, #tpu.memory_space<semaphore_mem>>) src(%arg15 : memref<4000xf32, #tpu.memory_space<vmem>>) dst(%dma_wait3A_1499 : memref<4000xf32, #tpu.memory_space<vmem_shared>>)
        tpu.yield
      }) : () -> ()
    } else {
    }
    %barrier3A = arith.constant 0 : index
    tpu.barrier barrier_id(%barrier3A)
    %add3A_11 = arith.constant 0 : i32
    %add3A_12 = arith.addi %mul3A_4, %add3A_11 : i32
    %mul3A_13 = arith.constant 5000 : i32
    %mul3A_14 = arith.muli %add3A_12, %mul3A_13 : i32
    %dma_start3A = tpu.memref_slice %arg3[%mul3A_14] : memref<3200000xi32, #tpu.memory_space<hbm>> -> memref<5000xi32, #tpu.memory_space<hbm>>
    %dma_start3A_15 = tpu.memref_slice %arg3[%mul3A_14] : memref<3200000xi32, #tpu.memory_space<hbm>> -> memref<5000xi32, #tpu.memory_space<hbm>>
    tpu.enqueue_dma source(%dma_start3A_15 : memref<5000xi32, #tpu.memory_space<hbm>>) target(%arg16 : memref<5000xi32, #tpu.memory_space<vmem>>) target_semaphore(%arg28 : memref<!tpu.dma_semaphore, #tpu.memory_space<semaphore_mem>>)
    %dma_start3A_16 = tpu.memref_slice %arg4[%mul3A_14] : memref<3200000xi32, #tpu.memory_space<hbm>> -> memref<5000xi32, #tpu.memory_space<hbm>>
    %dma_start3A_17 = tpu.memref_slice %arg4[%mul3A_14] : memref<3200000xi32, #tpu.memory_space<hbm>> -> memref<5000xi32, #tpu.memory_space<hbm>>
    tpu.enqueue_dma source(%dma_start3A_17 : memref<5000xi32, #tpu.memory_space<hbm>>) target(%arg17 : memref<5000xi32, #tpu.memory_space<vmem>>) target_semaphore(%arg28 : memref<!tpu.dma_semaphore, #tpu.memory_space<semaphore_mem>>)
    %dma_wait3A = arith.constant 0 : i32
    %dma_wait3A_18 = tpu.memref_slice %arg3[%dma_wait3A] : memref<3200000xi32, #tpu.memory_space<hbm>> -> memref<5000xi32, #tpu.memory_space<hbm>>
    %dma_wait3A_19 = arith.constant 0 : i32
    %dma_wait3A_20 = tpu.memref_slice %arg3[%dma_wait3A_19] : memref<3200000xi32, #tpu.memory_space<hbm>> -> memref<5000xi32, #tpu.memory_space<hbm>>
    tpu.wait_dma2 semaphore(%arg28 : memref<!tpu.dma_semaphore, #tpu.memory_space<semaphore_mem>>) src(%dma_wait3A_20 : memref<5000xi32, #tpu.memory_space<hbm>>) dst(%arg16 : memref<5000xi32, #tpu.memory_space<vmem>>)
    %dma_wait3A_21 = arith.constant 0 : i32
    %dma_wait3A_22 = tpu.memref_slice %arg4[%dma_wait3A_21] : memref<3200000xi32, #tpu.memory_space<hbm>> -> memref<5000xi32, #tpu.memory_space<hbm>>
    %dma_wait3A_23 = arith.constant 0 : i32
    %dma_wait3A_24 = tpu.memref_slice %arg4[%dma_wait3A_23] : memref<3200000xi32, #tpu.memory_space<hbm>> -> memref<5000xi32, #tpu.memory_space<hbm>>
    tpu.wait_dma2 semaphore(%arg28 : memref<!tpu.dma_semaphore, #tpu.memory_space<semaphore_mem>>) src(%dma_wait3A_24 : memref<5000xi32, #tpu.memory_space<hbm>>) dst(%arg17 : memref<5000xi32, #tpu.memory_space<vmem>>)
    %add3A_25 = arith.constant 1 : i32
    %add3A_26 = arith.addi %mul3A_4, %add3A_25 : i32
    %mul3A_27 = arith.constant 5000 : i32
    %mul3A_28 = arith.muli %add3A_26, %mul3A_27 : i32
    %dma_start3A_29 = tpu.memref_slice %arg3[%mul3A_28] : memref<3200000xi32, #tpu.memory_space<hbm>> -> memref<5000xi32, #tpu.memory_space<hbm>>
    %dma_start3A_30 = tpu.memref_slice %arg3[%mul3A_28] : memref<3200000xi32, #tpu.memory_space<hbm>> -> memref<5000xi32, #tpu.memory_space<hbm>>
    tpu.enqueue_dma source(%dma_start3A_30 : memref<5000xi32, #tpu.memory_space<hbm>>) target(%arg19 : memref<5000xi32, #tpu.memory_space<vmem>>) target_semaphore(%arg29 : memref<!tpu.dma_semaphore, #tpu.memory_space<semaphore_mem>>)
    %dma_start3A_31 = tpu.memref_slice %arg4[%mul3A_28] : memref<3200000xi32, #tpu.memory_space<hbm>> -> memref<5000xi32, #tpu.memory_space<hbm>>
    %dma_start3A_32 = tpu.memref_slice %arg4[%mul3A_28] : memref<3200000xi32, #tpu.memory_space<hbm>> -> memref<5000xi32, #tpu.memory_space<hbm>>
    tpu.enqueue_dma source(%dma_start3A_32 : memref<5000xi32, #tpu.memory_space<hbm>>) target(%arg20 : memref<5000xi32, #tpu.memory_space<vmem>>) target_semaphore(%arg29 : memref<!tpu.dma_semaphore, #tpu.memory_space<semaphore_mem>>)
    %dma_start3A_33 = arith.constant 0 : i32
    %dma_start3A_34 = tpu.memref_slice %arg14[%dma_start3A_33] : memref<102400xf32, #tpu.memory_space<vmem_shared>> -> memref<102400xf32, #tpu.memory_space<vmem_shared>>
    tpu.enqueue_indirect_dma source(%dma_start3A_34 : memref<102400xf32, #tpu.memory_space<vmem_shared>>) target(%arg18 : memref<5000xf32, #tpu.memory_space<vmem>>) offsets(%arg16 : memref<5000xi32, #tpu.memory_space<vmem>>) semaphore(%arg32 : memref<!tpu.dma_semaphore, #tpu.memory_space<semaphore_mem>>)
    %dma_wait3A_35 = arith.constant 0 : i32
    %dma_wait3A_36 = tpu.memref_slice %arg3[%dma_wait3A_35] : memref<3200000xi32, #tpu.memory_space<hbm>> -> memref<5000xi32, #tpu.memory_space<hbm>>
    %dma_wait3A_37 = arith.constant 0 : i32
    %dma_wait3A_38 = tpu.memref_slice %arg3[%dma_wait3A_37] : memref<3200000xi32, #tpu.memory_space<hbm>> -> memref<5000xi32, #tpu.memory_space<hbm>>
    tpu.wait_dma2 semaphore(%arg29 : memref<!tpu.dma_semaphore, #tpu.memory_space<semaphore_mem>>) src(%dma_wait3A_38 : memref<5000xi32, #tpu.memory_space<hbm>>) dst(%arg19 : memref<5000xi32, #tpu.memory_space<vmem>>)
    %dma_wait3A_39 = arith.constant 0 : i32
    %dma_wait3A_40 = tpu.memref_slice %arg4[%dma_wait3A_39] : memref<3200000xi32, #tpu.memory_space<hbm>> -> memref<5000xi32, #tpu.memory_space<hbm>>
    %dma_wait3A_41 = arith.constant 0 : i32
    %dma_wait3A_42 = tpu.memref_slice %arg4[%dma_wait3A_41] : memref<3200000xi32, #tpu.memory_space<hbm>> -> memref<5000xi32, #tpu.memory_space<hbm>>
    tpu.wait_dma2 semaphore(%arg29 : memref<!tpu.dma_semaphore, #tpu.memory_space<semaphore_mem>>) src(%dma_wait3A_42 : memref<5000xi32, #tpu.memory_space<hbm>>) dst(%arg20 : memref<5000xi32, #tpu.memory_space<vmem>>)
    %add3A_43 = arith.constant 2 : i32
    %add3A_44 = arith.addi %mul3A_4, %add3A_43 : i32
    %mul3A_45 = arith.constant 5000 : i32
    %mul3A_46 = arith.muli %add3A_44, %mul3A_45 : i32
    %dma_start3A_47 = tpu.memref_slice %arg3[%mul3A_46] : memref<3200000xi32, #tpu.memory_space<hbm>> -> memref<5000xi32, #tpu.memory_space<hbm>>
    %dma_start3A_48 = tpu.memref_slice %arg3[%mul3A_46] : memref<3200000xi32, #tpu.memory_space<hbm>> -> memref<5000xi32, #tpu.memory_space<hbm>>
    tpu.enqueue_dma source(%dma_start3A_48 : memref<5000xi32, #tpu.memory_space<hbm>>) target(%arg22 : memref<5000xi32, #tpu.memory_space<vmem>>) target_semaphore(%arg30 : memref<!tpu.dma_semaphore, #tpu.memory_space<semaphore_mem>>)
    %dma_start3A_49 = tpu.memref_slice %arg4[%mul3A_46] : memref<3200000xi32, #tpu.memory_space<hbm>> -> memref<5000xi32, #tpu.memory_space<hbm>>
    %dma_start3A_50 = tpu.memref_slice %arg4[%mul3A_46] : memref<3200000xi32, #tpu.memory_space<hbm>> -> memref<5000xi32, #tpu.memory_space<hbm>>
    tpu.enqueue_dma source(%dma_start3A_50 : memref<5000xi32, #tpu.memory_space<hbm>>) target(%arg23 : memref<5000xi32, #tpu.memory_space<vmem>>) target_semaphore(%arg30 : memref<!tpu.dma_semaphore, #tpu.memory_space<semaphore_mem>>)
    %dma_start3A_51 = arith.constant 0 : i32
    %dma_start3A_52 = tpu.memref_slice %arg14[%dma_start3A_51] : memref<102400xf32, #tpu.memory_space<vmem_shared>> -> memref<102400xf32, #tpu.memory_space<vmem_shared>>
    tpu.enqueue_indirect_dma source(%dma_start3A_52 : memref<102400xf32, #tpu.memory_space<vmem_shared>>) target(%arg21 : memref<5000xf32, #tpu.memory_space<vmem>>) offsets(%arg19 : memref<5000xi32, #tpu.memory_space<vmem>>) semaphore(%arg33 : memref<!tpu.dma_semaphore, #tpu.memory_space<semaphore_mem>>)
    %dma_wait3A_53 = arith.constant 0 : i32
    %dma_wait3A_54 = tpu.memref_slice %arg3[%dma_wait3A_53] : memref<3200000xi32, #tpu.memory_space<hbm>> -> memref<5000xi32, #tpu.memory_space<hbm>>
    %dma_wait3A_55 = arith.constant 0 : i32
    %dma_wait3A_56 = tpu.memref_slice %arg3[%dma_wait3A_55] : memref<3200000xi32, #tpu.memory_space<hbm>> -> memref<5000xi32, #tpu.memory_space<hbm>>
    tpu.wait_dma2 semaphore(%arg30 : memref<!tpu.dma_semaphore, #tpu.memory_space<semaphore_mem>>) src(%dma_wait3A_56 : memref<5000xi32, #tpu.memory_space<hbm>>) dst(%arg22 : memref<5000xi32, #tpu.memory_space<vmem>>)
    %dma_wait3A_57 = arith.constant 0 : i32
    %dma_wait3A_58 = tpu.memref_slice %arg4[%dma_wait3A_57] : memref<3200000xi32, #tpu.memory_space<hbm>> -> memref<5000xi32, #tpu.memory_space<hbm>>
    %dma_wait3A_59 = arith.constant 0 : i32
    %dma_wait3A_60 = tpu.memref_slice %arg4[%dma_wait3A_59] : memref<3200000xi32, #tpu.memory_space<hbm>> -> memref<5000xi32, #tpu.memory_space<hbm>>
    tpu.wait_dma2 semaphore(%arg30 : memref<!tpu.dma_semaphore, #tpu.memory_space<semaphore_mem>>) src(%dma_wait3A_60 : memref<5000xi32, #tpu.memory_space<hbm>>) dst(%arg23 : memref<5000xi32, #tpu.memory_space<vmem>>)
    %add3A_61 = arith.constant 3 : i32
    %add3A_62 = arith.addi %mul3A_4, %add3A_61 : i32
    %mul3A_63 = arith.constant 5000 : i32
    %mul3A_64 = arith.muli %add3A_62, %mul3A_63 : i32
    %dma_start3A_65 = tpu.memref_slice %arg3[%mul3A_64] : memref<3200000xi32, #tpu.memory_space<hbm>> -> memref<5000xi32, #tpu.memory_space<hbm>>
    %dma_start3A_66 = tpu.memref_slice %arg3[%mul3A_64] : memref<3200000xi32, #tpu.memory_space<hbm>> -> memref<5000xi32, #tpu.memory_space<hbm>>
    tpu.enqueue_dma source(%dma_start3A_66 : memref<5000xi32, #tpu.memory_space<hbm>>) target(%arg25 : memref<5000xi32, #tpu.memory_space<vmem>>) target_semaphore(%arg31 : memref<!tpu.dma_semaphore, #tpu.memory_space<semaphore_mem>>)
    %dma_start3A_67 = tpu.memref_slice %arg4[%mul3A_64] : memref<3200000xi32, #tpu.memory_space<hbm>> -> memref<5000xi32, #tpu.memory_space<hbm>>
    %dma_start3A_68 = tpu.memref_slice %arg4[%mul3A_64] : memref<3200000xi32, #tpu.memory_space<hbm>> -> memref<5000xi32, #tpu.memory_space<hbm>>
    tpu.enqueue_dma source(%dma_start3A_68 : memref<5000xi32, #tpu.memory_space<hbm>>) target(%arg26 : memref<5000xi32, #tpu.memory_space<vmem>>) target_semaphore(%arg31 : memref<!tpu.dma_semaphore, #tpu.memory_space<semaphore_mem>>)
    %dma_start3A_69 = arith.constant 0 : i32
    %dma_start3A_70 = tpu.memref_slice %arg14[%dma_start3A_69] : memref<102400xf32, #tpu.memory_space<vmem_shared>> -> memref<102400xf32, #tpu.memory_space<vmem_shared>>
    tpu.enqueue_indirect_dma source(%dma_start3A_70 : memref<102400xf32, #tpu.memory_space<vmem_shared>>) target(%arg24 : memref<5000xf32, #tpu.memory_space<vmem>>) offsets(%arg22 : memref<5000xi32, #tpu.memory_space<vmem>>) semaphore(%arg34 : memref<!tpu.dma_semaphore, #tpu.memory_space<semaphore_mem>>)
    %dma_wait3A_71 = arith.constant 0 : i32
    %dma_wait3A_72 = tpu.memref_slice %arg14[%dma_wait3A_71] : memref<102400xf32, #tpu.memory_space<vmem_shared>> -> memref<102400xf32, #tpu.memory_space<vmem_shared>>
    tpu.wait_indirect_dma semaphore(%arg32 : memref<!tpu.dma_semaphore, #tpu.memory_space<semaphore_mem>>) src(%dma_wait3A_72 : memref<102400xf32, #tpu.memory_space<vmem_shared>>) dst(%arg18 : memref<5000xf32, #tpu.memory_space<vmem>>)
    %dma_start3A_73 = arith.constant 0 : i32
    %dma_start3A_74 = tpu.memref_slice %arg13[%dma_start3A_73] : memref<102400xf32, #tpu.memory_space<vmem_shared>> -> memref<102400xf32, #tpu.memory_space<vmem_shared>>
    tpu.enqueue_indirect_dma source(%arg18 : memref<5000xf32, #tpu.memory_space<vmem>>) target(%dma_start3A_74 : memref<102400xf32, #tpu.memory_space<vmem_shared>>) offsets(%arg17 : memref<5000xi32, #tpu.memory_space<vmem>>) semaphore(%arg36 : memref<!tpu.dma_semaphore, #tpu.memory_space<semaphore_mem>>) {add = true}
    %dma_wait3A_75 = arith.constant 0 : i32
    %dma_wait3A_76 = tpu.memref_slice %arg3[%dma_wait3A_75] : memref<3200000xi32, #tpu.memory_space<hbm>> -> memref<5000xi32, #tpu.memory_space<hbm>>
    %dma_wait3A_77 = arith.constant 0 : i32
    %dma_wait3A_78 = tpu.memref_slice %arg3[%dma_wait3A_77] : memref<3200000xi32, #tpu.memory_space<hbm>> -> memref<5000xi32, #tpu.memory_space<hbm>>
    tpu.wait_dma2 semaphore(%arg31 : memref<!tpu.dma_semaphore, #tpu.memory_space<semaphore_mem>>) src(%dma_wait3A_78 : memref<5000xi32, #tpu.memory_space<hbm>>) dst(%arg25 : memref<5000xi32, #tpu.memory_space<vmem>>)
    %dma_wait3A_79 = arith.constant 0 : i32
    %dma_wait3A_80 = tpu.memref_slice %arg4[%dma_wait3A_79] : memref<3200000xi32, #tpu.memory_space<hbm>> -> memref<5000xi32, #tpu.memory_space<hbm>>
    %dma_wait3A_81 = arith.constant 0 : i32
    %dma_wait3A_82 = tpu.memref_slice %arg4[%dma_wait3A_81] : memref<3200000xi32, #tpu.memory_space<hbm>> -> memref<5000xi32, #tpu.memory_space<hbm>>
    tpu.wait_dma2 semaphore(%arg31 : memref<!tpu.dma_semaphore, #tpu.memory_space<semaphore_mem>>) src(%dma_wait3A_82 : memref<5000xi32, #tpu.memory_space<hbm>>) dst(%arg26 : memref<5000xi32, #tpu.memory_space<vmem>>)
    %dma_wait3A_83 = arith.constant 0 : i32
    %dma_wait3A_84 = tpu.memref_slice %arg13[%dma_wait3A_83] : memref<102400xf32, #tpu.memory_space<vmem_shared>> -> memref<102400xf32, #tpu.memory_space<vmem_shared>>
    tpu.wait_indirect_dma semaphore(%arg36 : memref<!tpu.dma_semaphore, #tpu.memory_space<semaphore_mem>>) src(%arg18 : memref<5000xf32, #tpu.memory_space<vmem>>) dst(%dma_wait3A_84 : memref<102400xf32, #tpu.memory_space<vmem_shared>>)
    %add3A_85 = arith.constant 4 : i32
    %add3A_86 = arith.addi %mul3A_4, %add3A_85 : i32
    %mul3A_87 = arith.constant 5000 : i32
    %mul3A_88 = arith.muli %add3A_86, %mul3A_87 : i32
    %dma_start3A_89 = tpu.memref_slice %arg3[%mul3A_88] : memref<3200000xi32, #tpu.memory_space<hbm>> -> memref<5000xi32, #tpu.memory_space<hbm>>
    %dma_start3A_90 = tpu.memref_slice %arg3[%mul3A_88] : memref<3200000xi32, #tpu.memory_space<hbm>> -> memref<5000xi32, #tpu.memory_space<hbm>>
    tpu.enqueue_dma source(%dma_start3A_90 : memref<5000xi32, #tpu.memory_space<hbm>>) target(%arg16 : memref<5000xi32, #tpu.memory_space<vmem>>) target_semaphore(%arg28 : memref<!tpu.dma_semaphore, #tpu.memory_space<semaphore_mem>>)
    %dma_start3A_91 = tpu.memref_slice %arg4[%mul3A_88] : memref<3200000xi32, #tpu.memory_space<hbm>> -> memref<5000xi32, #tpu.memory_space<hbm>>
    %dma_start3A_92 = tpu.memref_slice %arg4[%mul3A_88] : memref<3200000xi32, #tpu.memory_space<hbm>> -> memref<5000xi32, #tpu.memory_space<hbm>>
    tpu.enqueue_dma source(%dma_start3A_92 : memref<5000xi32, #tpu.memory_space<hbm>>) target(%arg17 : memref<5000xi32, #tpu.memory_space<vmem>>) target_semaphore(%arg28 : memref<!tpu.dma_semaphore, #tpu.memory_space<semaphore_mem>>)
    %dma_start3A_93 = arith.constant 0 : i32
    %dma_start3A_94 = tpu.memref_slice %arg14[%dma_start3A_93] : memref<102400xf32, #tpu.memory_space<vmem_shared>> -> memref<102400xf32, #tpu.memory_space<vmem_shared>>
    tpu.enqueue_indirect_dma source(%dma_start3A_94 : memref<102400xf32, #tpu.memory_space<vmem_shared>>) target(%arg27 : memref<5000xf32, #tpu.memory_space<vmem>>) offsets(%arg25 : memref<5000xi32, #tpu.memory_space<vmem>>) semaphore(%arg35 : memref<!tpu.dma_semaphore, #tpu.memory_space<semaphore_mem>>)
    %dma_wait3A_95 = arith.constant 0 : i32
    %dma_wait3A_96 = tpu.memref_slice %arg14[%dma_wait3A_95] : memref<102400xf32, #tpu.memory_space<vmem_shared>> -> memref<102400xf32, #tpu.memory_space<vmem_shared>>
    tpu.wait_indirect_dma semaphore(%arg33 : memref<!tpu.dma_semaphore, #tpu.memory_space<semaphore_mem>>) src(%dma_wait3A_96 : memref<102400xf32, #tpu.memory_space<vmem_shared>>) dst(%arg21 : memref<5000xf32, #tpu.memory_space<vmem>>)
    %dma_start3A_97 = arith.constant 0 : i32
    %dma_start3A_98 = tpu.memref_slice %arg13[%dma_start3A_97] : memref<102400xf32, #tpu.memory_space<vmem_shared>> -> memref<102400xf32, #tpu.memory_space<vmem_shared>>
    tpu.enqueue_indirect_dma source(%arg21 : memref<5000xf32, #tpu.memory_space<vmem>>) target(%dma_start3A_98 : memref<102400xf32, #tpu.memory_space<vmem_shared>>) offsets(%arg20 : memref<5000xi32, #tpu.memory_space<vmem>>) semaphore(%arg37 : memref<!tpu.dma_semaphore, #tpu.memory_space<semaphore_mem>>) {add = true}
    %dma_wait3A_99 = arith.constant 0 : i32
    %dma_wait3A_100 = tpu.memref_slice %arg3[%dma_wait3A_99] : memref<3200000xi32, #tpu.memory_space<hbm>> -> memref<5000xi32, #tpu.memory_space<hbm>>
    %dma_wait3A_101 = arith.constant 0 : i32
    %dma_wait3A_102 = tpu.memref_slice %arg3[%dma_wait3A_101] : memref<3200000xi32, #tpu.memory_space<hbm>> -> memref<5000xi32, #tpu.memory_space<hbm>>
    tpu.wait_dma2 semaphore(%arg28 : memref<!tpu.dma_semaphore, #tpu.memory_space<semaphore_mem>>) src(%dma_wait3A_102 : memref<5000xi32, #tpu.memory_space<hbm>>) dst(%arg16 : memref<5000xi32, #tpu.memory_space<vmem>>)
    %dma_wait3A_103 = arith.constant 0 : i32
    %dma_wait3A_104 = tpu.memref_slice %arg4[%dma_wait3A_103] : memref<3200000xi32, #tpu.memory_space<hbm>> -> memref<5000xi32, #tpu.memory_space<hbm>>
    %dma_wait3A_105 = arith.constant 0 : i32
    %dma_wait3A_106 = tpu.memref_slice %arg4[%dma_wait3A_105] : memref<3200000xi32, #tpu.memory_space<hbm>> -> memref<5000xi32, #tpu.memory_space<hbm>>
    tpu.wait_dma2 semaphore(%arg28 : memref<!tpu.dma_semaphore, #tpu.memory_space<semaphore_mem>>) src(%dma_wait3A_106 : memref<5000xi32, #tpu.memory_space<hbm>>) dst(%arg17 : memref<5000xi32, #tpu.memory_space<vmem>>)
    %dma_wait3A_107 = arith.constant 0 : i32
    %dma_wait3A_108 = tpu.memref_slice %arg13[%dma_wait3A_107] : memref<102400xf32, #tpu.memory_space<vmem_shared>> -> memref<102400xf32, #tpu.memory_space<vmem_shared>>
    tpu.wait_indirect_dma semaphore(%arg37 : memref<!tpu.dma_semaphore, #tpu.memory_space<semaphore_mem>>) src(%arg21 : memref<5000xf32, #tpu.memory_space<vmem>>) dst(%dma_wait3A_108 : memref<102400xf32, #tpu.memory_space<vmem_shared>>)
    %add3A_109 = arith.constant 5 : i32
    %add3A_110 = arith.addi %mul3A_4, %add3A_109 : i32
    %mul3A_111 = arith.constant 5000 : i32
    %mul3A_112 = arith.muli %add3A_110, %mul3A_111 : i32
    %dma_start3A_113 = tpu.memref_slice %arg3[%mul3A_112] : memref<3200000xi32, #tpu.memory_space<hbm>> -> memref<5000xi32, #tpu.memory_space<hbm>>
    %dma_start3A_114 = tpu.memref_slice %arg3[%mul3A_112] : memref<3200000xi32, #tpu.memory_space<hbm>> -> memref<5000xi32, #tpu.memory_space<hbm>>
    tpu.enqueue_dma source(%dma_start3A_114 : memref<5000xi32, #tpu.memory_space<hbm>>) target(%arg19 : memref<5000xi32, #tpu.memory_space<vmem>>) target_semaphore(%arg29 : memref<!tpu.dma_semaphore, #tpu.memory_space<semaphore_mem>>)
    %dma_start3A_115 = tpu.memref_slice %arg4[%mul3A_112] : memref<3200000xi32, #tpu.memory_space<hbm>> -> memref<5000xi32, #tpu.memory_space<hbm>>
    %dma_start3A_116 = tpu.memref_slice %arg4[%mul3A_112] : memref<3200000xi32, #tpu.memory_space<hbm>> -> memref<5000xi32, #tpu.memory_space<hbm>>
    tpu.enqueue_dma source(%dma_start3A_116 : memref<5000xi32, #tpu.memory_space<hbm>>) target(%arg20 : memref<5000xi32, #tpu.memory_space<vmem>>) target_semaphore(%arg29 : memref<!tpu.dma_semaphore, #tpu.memory_space<semaphore_mem>>)
    %dma_start3A_117 = arith.constant 0 : i32
    %dma_start3A_118 = tpu.memref_slice %arg14[%dma_start3A_117] : memref<102400xf32, #tpu.memory_space<vmem_shared>> -> memref<102400xf32, #tpu.memory_space<vmem_shared>>
    tpu.enqueue_indirect_dma source(%dma_start3A_118 : memref<102400xf32, #tpu.memory_space<vmem_shared>>) target(%arg18 : memref<5000xf32, #tpu.memory_space<vmem>>) offsets(%arg16 : memref<5000xi32, #tpu.memory_space<vmem>>) semaphore(%arg32 : memref<!tpu.dma_semaphore, #tpu.memory_space<semaphore_mem>>)
    %dma_wait3A_119 = arith.constant 0 : i32
    %dma_wait3A_120 = tpu.memref_slice %arg14[%dma_wait3A_119] : memref<102400xf32, #tpu.memory_space<vmem_shared>> -> memref<102400xf32, #tpu.memory_space<vmem_shared>>
    tpu.wait_indirect_dma semaphore(%arg34 : memref<!tpu.dma_semaphore, #tpu.memory_space<semaphore_mem>>) src(%dma_wait3A_120 : memref<102400xf32, #tpu.memory_space<vmem_shared>>) dst(%arg24 : memref<5000xf32, #tpu.memory_space<vmem>>)
    %dma_start3A_121 = arith.constant 0 : i32
    %dma_start3A_122 = tpu.memref_slice %arg13[%dma_start3A_121] : memref<102400xf32, #tpu.memory_space<vmem_shared>> -> memref<102400xf32, #tpu.memory_space<vmem_shared>>
    tpu.enqueue_indirect_dma source(%arg24 : memref<5000xf32, #tpu.memory_space<vmem>>) target(%dma_start3A_122 : memref<102400xf32, #tpu.memory_space<vmem_shared>>) offsets(%arg23 : memref<5000xi32, #tpu.memory_space<vmem>>) semaphore(%arg38 : memref<!tpu.dma_semaphore, #tpu.memory_space<semaphore_mem>>) {add = true}
    %dma_wait3A_123 = arith.constant 0 : i32
    %dma_wait3A_124 = tpu.memref_slice %arg3[%dma_wait3A_123] : memref<3200000xi32, #tpu.memory_space<hbm>> -> memref<5000xi32, #tpu.memory_space<hbm>>
    %dma_wait3A_125 = arith.constant 0 : i32
    %dma_wait3A_126 = tpu.memref_slice %arg3[%dma_wait3A_125] : memref<3200000xi32, #tpu.memory_space<hbm>> -> memref<5000xi32, #tpu.memory_space<hbm>>
    tpu.wait_dma2 semaphore(%arg29 : memref<!tpu.dma_semaphore, #tpu.memory_space<semaphore_mem>>) src(%dma_wait3A_126 : memref<5000xi32, #tpu.memory_space<hbm>>) dst(%arg19 : memref<5000xi32, #tpu.memory_space<vmem>>)
    %dma_wait3A_127 = arith.constant 0 : i32
    %dma_wait3A_128 = tpu.memref_slice %arg4[%dma_wait3A_127] : memref<3200000xi32, #tpu.memory_space<hbm>> -> memref<5000xi32, #tpu.memory_space<hbm>>
    %dma_wait3A_129 = arith.constant 0 : i32
    %dma_wait3A_130 = tpu.memref_slice %arg4[%dma_wait3A_129] : memref<3200000xi32, #tpu.memory_space<hbm>> -> memref<5000xi32, #tpu.memory_space<hbm>>
    tpu.wait_dma2 semaphore(%arg29 : memref<!tpu.dma_semaphore, #tpu.memory_space<semaphore_mem>>) src(%dma_wait3A_130 : memref<5000xi32, #tpu.memory_space<hbm>>) dst(%arg20 : memref<5000xi32, #tpu.memory_space<vmem>>)
    %dma_wait3A_131 = arith.constant 0 : i32
    %dma_wait3A_132 = tpu.memref_slice %arg13[%dma_wait3A_131] : memref<102400xf32, #tpu.memory_space<vmem_shared>> -> memref<102400xf32, #tpu.memory_space<vmem_shared>>
    tpu.wait_indirect_dma semaphore(%arg38 : memref<!tpu.dma_semaphore, #tpu.memory_space<semaphore_mem>>) src(%arg24 : memref<5000xf32, #tpu.memory_space<vmem>>) dst(%dma_wait3A_132 : memref<102400xf32, #tpu.memory_space<vmem_shared>>)
    %add3A_133 = arith.constant 6 : i32
    %add3A_134 = arith.addi %mul3A_4, %add3A_133 : i32
    %mul3A_135 = arith.constant 5000 : i32
    %mul3A_136 = arith.muli %add3A_134, %mul3A_135 : i32
    %dma_start3A_137 = tpu.memref_slice %arg3[%mul3A_136] : memref<3200000xi32, #tpu.memory_space<hbm>> -> memref<5000xi32, #tpu.memory_space<hbm>>
    %dma_start3A_138 = tpu.memref_slice %arg3[%mul3A_136] : memref<3200000xi32, #tpu.memory_space<hbm>> -> memref<5000xi32, #tpu.memory_space<hbm>>
    tpu.enqueue_dma source(%dma_start3A_138 : memref<5000xi32, #tpu.memory_space<hbm>>) target(%arg22 : memref<5000xi32, #tpu.memory_space<vmem>>) target_semaphore(%arg30 : memref<!tpu.dma_semaphore, #tpu.memory_space<semaphore_mem>>)
    %dma_start3A_139 = tpu.memref_slice %arg4[%mul3A_136] : memref<3200000xi32, #tpu.memory_space<hbm>> -> memref<5000xi32, #tpu.memory_space<hbm>>
    %dma_start3A_140 = tpu.memref_slice %arg4[%mul3A_136] : memref<3200000xi32, #tpu.memory_space<hbm>> -> memref<5000xi32, #tpu.memory_space<hbm>>
    tpu.enqueue_dma source(%dma_start3A_140 : memref<5000xi32, #tpu.memory_space<hbm>>) target(%arg23 : memref<5000xi32, #tpu.memory_space<vmem>>) target_semaphore(%arg30 : memref<!tpu.dma_semaphore, #tpu.memory_space<semaphore_mem>>)
    %dma_start3A_141 = arith.constant 0 : i32
    %dma_start3A_142 = tpu.memref_slice %arg14[%dma_start3A_141] : memref<102400xf32, #tpu.memory_space<vmem_shared>> -> memref<102400xf32, #tpu.memory_space<vmem_shared>>
    tpu.enqueue_indirect_dma source(%dma_start3A_142 : memref<102400xf32, #tpu.memory_space<vmem_shared>>) target(%arg21 : memref<5000xf32, #tpu.memory_space<vmem>>) offsets(%arg19 : memref<5000xi32, #tpu.memory_space<vmem>>) semaphore(%arg33 : memref<!tpu.dma_semaphore, #tpu.memory_space<semaphore_mem>>)
    %dma_wait3A_143 = arith.constant 0 : i32
    %dma_wait3A_144 = tpu.memref_slice %arg14[%dma_wait3A_143] : memref<102400xf32, #tpu.memory_space<vmem_shared>> -> memref<102400xf32, #tpu.memory_space<vmem_shared>>
    tpu.wait_indirect_dma semaphore(%arg35 : memref<!tpu.dma_semaphore, #tpu.memory_space<semaphore_mem>>) src(%dma_wait3A_144 : memref<102400xf32, #tpu.memory_space<vmem_shared>>) dst(%arg27 : memref<5000xf32, #tpu.memory_space<vmem>>)
    %dma_start3A_145 = arith.constant 0 : i32
    %dma_start3A_146 = tpu.memref_slice %arg13[%dma_start3A_145] : memref<102400xf32, #tpu.memory_space<vmem_shared>> -> memref<102400xf32, #tpu.memory_space<vmem_shared>>
    tpu.enqueue_indirect_dma source(%arg27 : memref<5000xf32, #tpu.memory_space<vmem>>) target(%dma_start3A_146 : memref<102400xf32, #tpu.memory_space<vmem_shared>>) offsets(%arg26 : memref<5000xi32, #tpu.memory_space<vmem>>) semaphore(%arg39 : memref<!tpu.dma_semaphore, #tpu.memory_space<semaphore_mem>>) {add = true}
    %dma_wait3A_147 = arith.constant 0 : i32
    %dma_wait3A_148 = tpu.memref_slice %arg3[%dma_wait3A_147] : memref<3200000xi32, #tpu.memory_space<hbm>> -> memref<5000xi32, #tpu.memory_space<hbm>>
    %dma_wait3A_149 = arith.constant 0 : i32
    %dma_wait3A_150 = tpu.memref_slice %arg3[%dma_wait3A_149] : memref<3200000xi32, #tpu.memory_space<hbm>> -> memref<5000xi32, #tpu.memory_space<hbm>>
    tpu.wait_dma2 semaphore(%arg30 : memref<!tpu.dma_semaphore, #tpu.memory_space<semaphore_mem>>) src(%dma_wait3A_150 : memref<5000xi32, #tpu.memory_space<hbm>>) dst(%arg22 : memref<5000xi32, #tpu.memory_space<vmem>>)
    %dma_wait3A_151 = arith.constant 0 : i32
    %dma_wait3A_152 = tpu.memref_slice %arg4[%dma_wait3A_151] : memref<3200000xi32, #tpu.memory_space<hbm>> -> memref<5000xi32, #tpu.memory_space<hbm>>
    %dma_wait3A_153 = arith.constant 0 : i32
    %dma_wait3A_154 = tpu.memref_slice %arg4[%dma_wait3A_153] : memref<3200000xi32, #tpu.memory_space<hbm>> -> memref<5000xi32, #tpu.memory_space<hbm>>
    tpu.wait_dma2 semaphore(%arg30 : memref<!tpu.dma_semaphore, #tpu.memory_space<semaphore_mem>>) src(%dma_wait3A_154 : memref<5000xi32, #tpu.memory_space<hbm>>) dst(%arg23 : memref<5000xi32, #tpu.memory_space<vmem>>)
    %dma_wait3A_155 = arith.constant 0 : i32
    %dma_wait3A_156 = tpu.memref_slice %arg13[%dma_wait3A_155] : memref<102400xf32, #tpu.memory_space<vmem_shared>> -> memref<102400xf32, #tpu.memory_space<vmem_shared>>
    tpu.wait_indirect_dma semaphore(%arg39 : memref<!tpu.dma_semaphore, #tpu.memory_space<semaphore_mem>>) src(%arg27 : memref<5000xf32, #tpu.memory_space<vmem>>) dst(%dma_wait3A_156 : memref<102400xf32, #tpu.memory_space<vmem_shared>>)
    %add3A_157 = arith.constant 7 : i32
    %add3A_158 = arith.addi %mul3A_4, %add3A_157 : i32
    %mul3A_159 = arith.constant 5000 : i32
    %mul3A_160 = arith.muli %add3A_158, %mul3A_159 : i32
    %dma_start3A_161 = tpu.memref_slice %arg3[%mul3A_160] : memref<3200000xi32, #tpu.memory_space<hbm>> -> memref<5000xi32, #tpu.memory_space<hbm>>
    %dma_start3A_162 = tpu.memref_slice %arg3[%mul3A_160] : memref<3200000xi32, #tpu.memory_space<hbm>> -> memref<5000xi32, #tpu.memory_space<hbm>>
    tpu.enqueue_dma source(%dma_start3A_162 : memref<5000xi32, #tpu.memory_space<hbm>>) target(%arg25 : memref<5000xi32, #tpu.memory_space<vmem>>) target_semaphore(%arg31 : memref<!tpu.dma_semaphore, #tpu.memory_space<semaphore_mem>>)
    %dma_start3A_163 = tpu.memref_slice %arg4[%mul3A_160] : memref<3200000xi32, #tpu.memory_space<hbm>> -> memref<5000xi32, #tpu.memory_space<hbm>>
    %dma_start3A_164 = tpu.memref_slice %arg4[%mul3A_160] : memref<3200000xi32, #tpu.memory_space<hbm>> -> memref<5000xi32, #tpu.memory_space<hbm>>
    tpu.enqueue_dma source(%dma_start3A_164 : memref<5000xi32, #tpu.memory_space<hbm>>) target(%arg26 : memref<5000xi32, #tpu.memory_space<vmem>>) target_semaphore(%arg31 : memref<!tpu.dma_semaphore, #tpu.memory_space<semaphore_mem>>)
    %dma_start3A_165 = arith.constant 0 : i32
    %dma_start3A_166 = tpu.memref_slice %arg14[%dma_start3A_165] : memref<102400xf32, #tpu.memory_space<vmem_shared>> -> memref<102400xf32, #tpu.memory_space<vmem_shared>>
    tpu.enqueue_indirect_dma source(%dma_start3A_166 : memref<102400xf32, #tpu.memory_space<vmem_shared>>) target(%arg24 : memref<5000xf32, #tpu.memory_space<vmem>>) offsets(%arg22 : memref<5000xi32, #tpu.memory_space<vmem>>) semaphore(%arg34 : memref<!tpu.dma_semaphore, #tpu.memory_space<semaphore_mem>>)
    %dma_wait3A_167 = arith.constant 0 : i32
    %dma_wait3A_168 = tpu.memref_slice %arg14[%dma_wait3A_167] : memref<102400xf32, #tpu.memory_space<vmem_shared>> -> memref<102400xf32, #tpu.memory_space<vmem_shared>>
    tpu.wait_indirect_dma semaphore(%arg32 : memref<!tpu.dma_semaphore, #tpu.memory_space<semaphore_mem>>) src(%dma_wait3A_168 : memref<102400xf32, #tpu.memory_space<vmem_shared>>) dst(%arg18 : memref<5000xf32, #tpu.memory_space<vmem>>)
    %dma_start3A_169 = arith.constant 0 : i32
    %dma_start3A_170 = tpu.memref_slice %arg13[%dma_start3A_169] : memref<102400xf32, #tpu.memory_space<vmem_shared>> -> memref<102400xf32, #tpu.memory_space<vmem_shared>>
    tpu.enqueue_indirect_dma source(%arg18 : memref<5000xf32, #tpu.memory_space<vmem>>) target(%dma_start3A_170 : memref<102400xf32, #tpu.memory_space<vmem_shared>>) offsets(%arg17 : memref<5000xi32, #tpu.memory_space<vmem>>) semaphore(%arg36 : memref<!tpu.dma_semaphore, #tpu.memory_space<semaphore_mem>>) {add = true}
    %dma_wait3A_171 = arith.constant 0 : i32
    %dma_wait3A_172 = tpu.memref_slice %arg3[%dma_wait3A_171] : memref<3200000xi32, #tpu.memory_space<hbm>> -> memref<5000xi32, #tpu.memory_space<hbm>>
    %dma_wait3A_173 = arith.constant 0 : i32
    %dma_wait3A_174 = tpu.memref_slice %arg3[%dma_wait3A_173] : memref<3200000xi32, #tpu.memory_space<hbm>> -> memref<5000xi32, #tpu.memory_space<hbm>>
    tpu.wait_dma2 semaphore(%arg31 : memref<!tpu.dma_semaphore, #tpu.memory_space<semaphore_mem>>) src(%dma_wait3A_174 : memref<5000xi32, #tpu.memory_space<hbm>>) dst(%arg25 : memref<5000xi32, #tpu.memory_space<vmem>>)
    %dma_wait3A_175 = arith.constant 0 : i32
    %dma_wait3A_176 = tpu.memref_slice %arg4[%dma_wait3A_175] : memref<3200000xi32, #tpu.memory_space<hbm>> -> memref<5000xi32, #tpu.memory_space<hbm>>
    %dma_wait3A_177 = arith.constant 0 : i32
    %dma_wait3A_178 = tpu.memref_slice %arg4[%dma_wait3A_177] : memref<3200000xi32, #tpu.memory_space<hbm>> -> memref<5000xi32, #tpu.memory_space<hbm>>
    tpu.wait_dma2 semaphore(%arg31 : memref<!tpu.dma_semaphore, #tpu.memory_space<semaphore_mem>>) src(%dma_wait3A_178 : memref<5000xi32, #tpu.memory_space<hbm>>) dst(%arg26 : memref<5000xi32, #tpu.memory_space<vmem>>)
    %dma_wait3A_179 = arith.constant 0 : i32
    %dma_wait3A_180 = tpu.memref_slice %arg13[%dma_wait3A_179] : memref<102400xf32, #tpu.memory_space<vmem_shared>> -> memref<102400xf32, #tpu.memory_space<vmem_shared>>
    tpu.wait_indirect_dma semaphore(%arg36 : memref<!tpu.dma_semaphore, #tpu.memory_space<semaphore_mem>>) src(%arg18 : memref<5000xf32, #tpu.memory_space<vmem>>) dst(%dma_wait3A_180 : memref<102400xf32, #tpu.memory_space<vmem_shared>>)
    %add3A_181 = arith.constant 8 : i32
    %add3A_182 = arith.addi %mul3A_4, %add3A_181 : i32
    %mul3A_183 = arith.constant 5000 : i32
    %mul3A_184 = arith.muli %add3A_182, %mul3A_183 : i32
    %dma_start3A_185 = tpu.memref_slice %arg3[%mul3A_184] : memref<3200000xi32, #tpu.memory_space<hbm>> -> memref<5000xi32, #tpu.memory_space<hbm>>
    %dma_start3A_186 = tpu.memref_slice %arg3[%mul3A_184] : memref<3200000xi32, #tpu.memory_space<hbm>> -> memref<5000xi32, #tpu.memory_space<hbm>>
    tpu.enqueue_dma source(%dma_start3A_186 : memref<5000xi32, #tpu.memory_space<hbm>>) target(%arg16 : memref<5000xi32, #tpu.memory_space<vmem>>) target_semaphore(%arg28 : memref<!tpu.dma_semaphore, #tpu.memory_space<semaphore_mem>>)
    %dma_start3A_187 = tpu.memref_slice %arg4[%mul3A_184] : memref<3200000xi32, #tpu.memory_space<hbm>> -> memref<5000xi32, #tpu.memory_space<hbm>>
    %dma_start3A_188 = tpu.memref_slice %arg4[%mul3A_184] : memref<3200000xi32, #tpu.memory_space<hbm>> -> memref<5000xi32, #tpu.memory_space<hbm>>
    tpu.enqueue_dma source(%dma_start3A_188 : memref<5000xi32, #tpu.memory_space<hbm>>) target(%arg17 : memref<5000xi32, #tpu.memory_space<vmem>>) target_semaphore(%arg28 : memref<!tpu.dma_semaphore, #tpu.memory_space<semaphore_mem>>)
    %dma_start3A_189 = arith.constant 0 : i32
    %dma_start3A_190 = tpu.memref_slice %arg14[%dma_start3A_189] : memref<102400xf32, #tpu.memory_space<vmem_shared>> -> memref<102400xf32, #tpu.memory_space<vmem_shared>>
    tpu.enqueue_indirect_dma source(%dma_start3A_190 : memref<102400xf32, #tpu.memory_space<vmem_shared>>) target(%arg27 : memref<5000xf32, #tpu.memory_space<vmem>>) offsets(%arg25 : memref<5000xi32, #tpu.memory_space<vmem>>) semaphore(%arg35 : memref<!tpu.dma_semaphore, #tpu.memory_space<semaphore_mem>>)
    %dma_wait3A_191 = arith.constant 0 : i32
    %dma_wait3A_192 = tpu.memref_slice %arg14[%dma_wait3A_191] : memref<102400xf32, #tpu.memory_space<vmem_shared>> -> memref<102400xf32, #tpu.memory_space<vmem_shared>>
    tpu.wait_indirect_dma semaphore(%arg33 : memref<!tpu.dma_semaphore, #tpu.memory_space<semaphore_mem>>) src(%dma_wait3A_192 : memref<102400xf32, #tpu.memory_space<vmem_shared>>) dst(%arg21 : memref<5000xf32, #tpu.memory_space<vmem>>)
    %dma_start3A_193 = arith.constant 0 : i32
    %dma_start3A_194 = tpu.memref_slice %arg13[%dma_start3A_193] : memref<102400xf32, #tpu.memory_space<vmem_shared>> -> memref<102400xf32, #tpu.memory_space<vmem_shared>>
    tpu.enqueue_indirect_dma source(%arg21 : memref<5000xf32, #tpu.memory_space<vmem>>) target(%dma_start3A_194 : memref<102400xf32, #tpu.memory_space<vmem_shared>>) offsets(%arg20 : memref<5000xi32, #tpu.memory_space<vmem>>) semaphore(%arg37 : memref<!tpu.dma_semaphore, #tpu.memory_space<semaphore_mem>>) {add = true}
    %dma_wait3A_195 = arith.constant 0 : i32
    %dma_wait3A_196 = tpu.memref_slice %arg3[%dma_wait3A_195] : memref<3200000xi32, #tpu.memory_space<hbm>> -> memref<5000xi32, #tpu.memory_space<hbm>>
    %dma_wait3A_197 = arith.constant 0 : i32
    %dma_wait3A_198 = tpu.memref_slice %arg3[%dma_wait3A_197] : memref<3200000xi32, #tpu.memory_space<hbm>> -> memref<5000xi32, #tpu.memory_space<hbm>>
    tpu.wait_dma2 semaphore(%arg28 : memref<!tpu.dma_semaphore, #tpu.memory_space<semaphore_mem>>) src(%dma_wait3A_198 : memref<5000xi32, #tpu.memory_space<hbm>>) dst(%arg16 : memref<5000xi32, #tpu.memory_space<vmem>>)
    %dma_wait3A_199 = arith.constant 0 : i32
    %dma_wait3A_200 = tpu.memref_slice %arg4[%dma_wait3A_199] : memref<3200000xi32, #tpu.memory_space<hbm>> -> memref<5000xi32, #tpu.memory_space<hbm>>
    %dma_wait3A_201 = arith.constant 0 : i32
    %dma_wait3A_202 = tpu.memref_slice %arg4[%dma_wait3A_201] : memref<3200000xi32, #tpu.memory_space<hbm>> -> memref<5000xi32, #tpu.memory_space<hbm>>
    tpu.wait_dma2 semaphore(%arg28 : memref<!tpu.dma_semaphore, #tpu.memory_space<semaphore_mem>>) src(%dma_wait3A_202 : memref<5000xi32, #tpu.memory_space<hbm>>) dst(%arg17 : memref<5000xi32, #tpu.memory_space<vmem>>)
    %dma_wait3A_203 = arith.constant 0 : i32
    %dma_wait3A_204 = tpu.memref_slice %arg13[%dma_wait3A_203] : memref<102400xf32, #tpu.memory_space<vmem_shared>> -> memref<102400xf32, #tpu.memory_space<vmem_shared>>
    tpu.wait_indirect_dma semaphore(%arg37 : memref<!tpu.dma_semaphore, #tpu.memory_space<semaphore_mem>>) src(%arg21 : memref<5000xf32, #tpu.memory_space<vmem>>) dst(%dma_wait3A_204 : memref<102400xf32, #tpu.memory_space<vmem_shared>>)
    %add3A_205 = arith.constant 9 : i32
    %add3A_206 = arith.addi %mul3A_4, %add3A_205 : i32
    %mul3A_207 = arith.constant 5000 : i32
    %mul3A_208 = arith.muli %add3A_206, %mul3A_207 : i32
    %dma_start3A_209 = tpu.memref_slice %arg3[%mul3A_208] : memref<3200000xi32, #tpu.memory_space<hbm>> -> memref<5000xi32, #tpu.memory_space<hbm>>
    %dma_start3A_210 = tpu.memref_slice %arg3[%mul3A_208] : memref<3200000xi32, #tpu.memory_space<hbm>> -> memref<5000xi32, #tpu.memory_space<hbm>>
    tpu.enqueue_dma source(%dma_start3A_210 : memref<5000xi32, #tpu.memory_space<hbm>>) target(%arg19 : memref<5000xi32, #tpu.memory_space<vmem>>) target_semaphore(%arg29 : memref<!tpu.dma_semaphore, #tpu.memory_space<semaphore_mem>>)
    %dma_start3A_211 = tpu.memref_slice %arg4[%mul3A_208] : memref<3200000xi32, #tpu.memory_space<hbm>> -> memref<5000xi32, #tpu.memory_space<hbm>>
    %dma_start3A_212 = tpu.memref_slice %arg4[%mul3A_208] : memref<3200000xi32, #tpu.memory_space<hbm>> -> memref<5000xi32, #tpu.memory_space<hbm>>
    tpu.enqueue_dma source(%dma_start3A_212 : memref<5000xi32, #tpu.memory_space<hbm>>) target(%arg20 : memref<5000xi32, #tpu.memory_space<vmem>>) target_semaphore(%arg29 : memref<!tpu.dma_semaphore, #tpu.memory_space<semaphore_mem>>)
    %dma_start3A_213 = arith.constant 0 : i32
    %dma_start3A_214 = tpu.memref_slice %arg14[%dma_start3A_213] : memref<102400xf32, #tpu.memory_space<vmem_shared>> -> memref<102400xf32, #tpu.memory_space<vmem_shared>>
    tpu.enqueue_indirect_dma source(%dma_start3A_214 : memref<102400xf32, #tpu.memory_space<vmem_shared>>) target(%arg18 : memref<5000xf32, #tpu.memory_space<vmem>>) offsets(%arg16 : memref<5000xi32, #tpu.memory_space<vmem>>) semaphore(%arg32 : memref<!tpu.dma_semaphore, #tpu.memory_space<semaphore_mem>>)
    %dma_wait3A_215 = arith.constant 0 : i32
    %dma_wait3A_216 = tpu.memref_slice %arg14[%dma_wait3A_215] : memref<102400xf32, #tpu.memory_space<vmem_shared>> -> memref<102400xf32, #tpu.memory_space<vmem_shared>>
    tpu.wait_indirect_dma semaphore(%arg34 : memref<!tpu.dma_semaphore, #tpu.memory_space<semaphore_mem>>) src(%dma_wait3A_216 : memref<102400xf32, #tpu.memory_space<vmem_shared>>) dst(%arg24 : memref<5000xf32, #tpu.memory_space<vmem>>)
    %dma_start3A_217 = arith.constant 0 : i32
    %dma_start3A_218 = tpu.memref_slice %arg13[%dma_start3A_217] : memref<102400xf32, #tpu.memory_space<vmem_shared>> -> memref<102400xf32, #tpu.memory_space<vmem_shared>>
    tpu.enqueue_indirect_dma source(%arg24 : memref<5000xf32, #tpu.memory_space<vmem>>) target(%dma_start3A_218 : memref<102400xf32, #tpu.memory_space<vmem_shared>>) offsets(%arg23 : memref<5000xi32, #tpu.memory_space<vmem>>) semaphore(%arg38 : memref<!tpu.dma_semaphore, #tpu.memory_space<semaphore_mem>>) {add = true}
    %dma_wait3A_219 = arith.constant 0 : i32
    %dma_wait3A_220 = tpu.memref_slice %arg3[%dma_wait3A_219] : memref<3200000xi32, #tpu.memory_space<hbm>> -> memref<5000xi32, #tpu.memory_space<hbm>>
    %dma_wait3A_221 = arith.constant 0 : i32
    %dma_wait3A_222 = tpu.memref_slice %arg3[%dma_wait3A_221] : memref<3200000xi32, #tpu.memory_space<hbm>> -> memref<5000xi32, #tpu.memory_space<hbm>>
    tpu.wait_dma2 semaphore(%arg29 : memref<!tpu.dma_semaphore, #tpu.memory_space<semaphore_mem>>) src(%dma_wait3A_222 : memref<5000xi32, #tpu.memory_space<hbm>>) dst(%arg19 : memref<5000xi32, #tpu.memory_space<vmem>>)
    %dma_wait3A_223 = arith.constant 0 : i32
    %dma_wait3A_224 = tpu.memref_slice %arg4[%dma_wait3A_223] : memref<3200000xi32, #tpu.memory_space<hbm>> -> memref<5000xi32, #tpu.memory_space<hbm>>
    %dma_wait3A_225 = arith.constant 0 : i32
    %dma_wait3A_226 = tpu.memref_slice %arg4[%dma_wait3A_225] : memref<3200000xi32, #tpu.memory_space<hbm>> -> memref<5000xi32, #tpu.memory_space<hbm>>
    tpu.wait_dma2 semaphore(%arg29 : memref<!tpu.dma_semaphore, #tpu.memory_space<semaphore_mem>>) src(%dma_wait3A_226 : memref<5000xi32, #tpu.memory_space<hbm>>) dst(%arg20 : memref<5000xi32, #tpu.memory_space<vmem>>)
    %dma_wait3A_227 = arith.constant 0 : i32
    %dma_wait3A_228 = tpu.memref_slice %arg13[%dma_wait3A_227] : memref<102400xf32, #tpu.memory_space<vmem_shared>> -> memref<102400xf32, #tpu.memory_space<vmem_shared>>
    tpu.wait_indirect_dma semaphore(%arg38 : memref<!tpu.dma_semaphore, #tpu.memory_space<semaphore_mem>>) src(%arg24 : memref<5000xf32, #tpu.memory_space<vmem>>) dst(%dma_wait3A_228 : memref<102400xf32, #tpu.memory_space<vmem_shared>>)
    %add3A_229 = arith.constant 10 : i32
    %add3A_230 = arith.addi %mul3A_4, %add3A_229 : i32
    %mul3A_231 = arith.constant 5000 : i32
    %mul3A_232 = arith.muli %add3A_230, %mul3A_231 : i32
    %dma_start3A_233 = tpu.memref_slice %arg3[%mul3A_232] : memref<3200000xi32, #tpu.memory_space<hbm>> -> memref<5000xi32, #tpu.memory_space<hbm>>
    %dma_start3A_234 = tpu.memref_slice %arg3[%mul3A_232] : memref<3200000xi32, #tpu.memory_space<hbm>> -> memref<5000xi32, #tpu.memory_space<hbm>>
    tpu.enqueue_dma source(%dma_start3A_234 : memref<5000xi32, #tpu.memory_space<hbm>>) target(%arg22 : memref<5000xi32, #tpu.memory_space<vmem>>) target_semaphore(%arg30 : memref<!tpu.dma_semaphore, #tpu.memory_space<semaphore_mem>>)
    %dma_start3A_235 = tpu.memref_slice %arg4[%mul3A_232] : memref<3200000xi32, #tpu.memory_space<hbm>> -> memref<5000xi32, #tpu.memory_space<hbm>>
    %dma_start3A_236 = tpu.memref_slice %arg4[%mul3A_232] : memref<3200000xi32, #tpu.memory_space<hbm>> -> memref<5000xi32, #tpu.memory_space<hbm>>
    tpu.enqueue_dma source(%dma_start3A_236 : memref<5000xi32, #tpu.memory_space<hbm>>) target(%arg23 : memref<5000xi32, #tpu.memory_space<vmem>>) target_semaphore(%arg30 : memref<!tpu.dma_semaphore, #tpu.memory_space<semaphore_mem>>)
    %dma_start3A_237 = arith.constant 0 : i32
    %dma_start3A_238 = tpu.memref_slice %arg14[%dma_start3A_237] : memref<102400xf32, #tpu.memory_space<vmem_shared>> -> memref<102400xf32, #tpu.memory_space<vmem_shared>>
    tpu.enqueue_indirect_dma source(%dma_start3A_238 : memref<102400xf32, #tpu.memory_space<vmem_shared>>) target(%arg21 : memref<5000xf32, #tpu.memory_space<vmem>>) offsets(%arg19 : memref<5000xi32, #tpu.memory_space<vmem>>) semaphore(%arg33 : memref<!tpu.dma_semaphore, #tpu.memory_space<semaphore_mem>>)
    %dma_wait3A_239 = arith.constant 0 : i32
    %dma_wait3A_240 = tpu.memref_slice %arg14[%dma_wait3A_239] : memref<102400xf32, #tpu.memory_space<vmem_shared>> -> memref<102400xf32, #tpu.memory_space<vmem_shared>>
    tpu.wait_indirect_dma semaphore(%arg35 : memref<!tpu.dma_semaphore, #tpu.memory_space<semaphore_mem>>) src(%dma_wait3A_240 : memref<102400xf32, #tpu.memory_space<vmem_shared>>) dst(%arg27 : memref<5000xf32, #tpu.memory_space<vmem>>)
    %dma_start3A_241 = arith.constant 0 : i32
    %dma_start3A_242 = tpu.memref_slice %arg13[%dma_start3A_241] : memref<102400xf32, #tpu.memory_space<vmem_shared>> -> memref<102400xf32, #tpu.memory_space<vmem_shared>>
    tpu.enqueue_indirect_dma source(%arg27 : memref<5000xf32, #tpu.memory_space<vmem>>) target(%dma_start3A_242 : memref<102400xf32, #tpu.memory_space<vmem_shared>>) offsets(%arg26 : memref<5000xi32, #tpu.memory_space<vmem>>) semaphore(%arg39 : memref<!tpu.dma_semaphore, #tpu.memory_space<semaphore_mem>>) {add = true}
    %dma_wait3A_243 = arith.constant 0 : i32
    %dma_wait3A_244 = tpu.memref_slice %arg3[%dma_wait3A_243] : memref<3200000xi32, #tpu.memory_space<hbm>> -> memref<5000xi32, #tpu.memory_space<hbm>>
    %dma_wait3A_245 = arith.constant 0 : i32
    %dma_wait3A_246 = tpu.memref_slice %arg3[%dma_wait3A_245] : memref<3200000xi32, #tpu.memory_space<hbm>> -> memref<5000xi32, #tpu.memory_space<hbm>>
    tpu.wait_dma2 semaphore(%arg30 : memref<!tpu.dma_semaphore, #tpu.memory_space<semaphore_mem>>) src(%dma_wait3A_246 : memref<5000xi32, #tpu.memory_space<hbm>>) dst(%arg22 : memref<5000xi32, #tpu.memory_space<vmem>>)
    %dma_wait3A_247 = arith.constant 0 : i32
    %dma_wait3A_248 = tpu.memref_slice %arg4[%dma_wait3A_247] : memref<3200000xi32, #tpu.memory_space<hbm>> -> memref<5000xi32, #tpu.memory_space<hbm>>
    %dma_wait3A_249 = arith.constant 0 : i32
    %dma_wait3A_250 = tpu.memref_slice %arg4[%dma_wait3A_249] : memref<3200000xi32, #tpu.memory_space<hbm>> -> memref<5000xi32, #tpu.memory_space<hbm>>
    tpu.wait_dma2 semaphore(%arg30 : memref<!tpu.dma_semaphore, #tpu.memory_space<semaphore_mem>>) src(%dma_wait3A_250 : memref<5000xi32, #tpu.memory_space<hbm>>) dst(%arg23 : memref<5000xi32, #tpu.memory_space<vmem>>)
    %dma_wait3A_251 = arith.constant 0 : i32
    %dma_wait3A_252 = tpu.memref_slice %arg13[%dma_wait3A_251] : memref<102400xf32, #tpu.memory_space<vmem_shared>> -> memref<102400xf32, #tpu.memory_space<vmem_shared>>
    tpu.wait_indirect_dma semaphore(%arg39 : memref<!tpu.dma_semaphore, #tpu.memory_space<semaphore_mem>>) src(%arg27 : memref<5000xf32, #tpu.memory_space<vmem>>) dst(%dma_wait3A_252 : memref<102400xf32, #tpu.memory_space<vmem_shared>>)
    %add3A_253 = arith.constant 11 : i32
    %add3A_254 = arith.addi %mul3A_4, %add3A_253 : i32
    %mul3A_255 = arith.constant 5000 : i32
    %mul3A_256 = arith.muli %add3A_254, %mul3A_255 : i32
    %dma_start3A_257 = tpu.memref_slice %arg3[%mul3A_256] : memref<3200000xi32, #tpu.memory_space<hbm>> -> memref<5000xi32, #tpu.memory_space<hbm>>
    %dma_start3A_258 = tpu.memref_slice %arg3[%mul3A_256] : memref<3200000xi32, #tpu.memory_space<hbm>> -> memref<5000xi32, #tpu.memory_space<hbm>>
    tpu.enqueue_dma source(%dma_start3A_258 : memref<5000xi32, #tpu.memory_space<hbm>>) target(%arg25 : memref<5000xi32, #tpu.memory_space<vmem>>) target_semaphore(%arg31 : memref<!tpu.dma_semaphore, #tpu.memory_space<semaphore_mem>>)
    %dma_start3A_259 = tpu.memref_slice %arg4[%mul3A_256] : memref<3200000xi32, #tpu.memory_space<hbm>> -> memref<5000xi32, #tpu.memory_space<hbm>>
    %dma_start3A_260 = tpu.memref_slice %arg4[%mul3A_256] : memref<3200000xi32, #tpu.memory_space<hbm>> -> memref<5000xi32, #tpu.memory_space<hbm>>
    tpu.enqueue_dma source(%dma_start3A_260 : memref<5000xi32, #tpu.memory_space<hbm>>) target(%arg26 : memref<5000xi32, #tpu.memory_space<vmem>>) target_semaphore(%arg31 : memref<!tpu.dma_semaphore, #tpu.memory_space<semaphore_mem>>)
    %dma_start3A_261 = arith.constant 0 : i32
    %dma_start3A_262 = tpu.memref_slice %arg14[%dma_start3A_261] : memref<102400xf32, #tpu.memory_space<vmem_shared>> -> memref<102400xf32, #tpu.memory_space<vmem_shared>>
    tpu.enqueue_indirect_dma source(%dma_start3A_262 : memref<102400xf32, #tpu.memory_space<vmem_shared>>) target(%arg24 : memref<5000xf32, #tpu.memory_space<vmem>>) offsets(%arg22 : memref<5000xi32, #tpu.memory_space<vmem>>) semaphore(%arg34 : memref<!tpu.dma_semaphore, #tpu.memory_space<semaphore_mem>>)
    %dma_wait3A_263 = arith.constant 0 : i32
    %dma_wait3A_264 = tpu.memref_slice %arg14[%dma_wait3A_263] : memref<102400xf32, #tpu.memory_space<vmem_shared>> -> memref<102400xf32, #tpu.memory_space<vmem_shared>>
    tpu.wait_indirect_dma semaphore(%arg32 : memref<!tpu.dma_semaphore, #tpu.memory_space<semaphore_mem>>) src(%dma_wait3A_264 : memref<102400xf32, #tpu.memory_space<vmem_shared>>) dst(%arg18 : memref<5000xf32, #tpu.memory_space<vmem>>)
    %dma_start3A_265 = arith.constant 0 : i32
    %dma_start3A_266 = tpu.memref_slice %arg13[%dma_start3A_265] : memref<102400xf32, #tpu.memory_space<vmem_shared>> -> memref<102400xf32, #tpu.memory_space<vmem_shared>>
    tpu.enqueue_indirect_dma source(%arg18 : memref<5000xf32, #tpu.memory_space<vmem>>) target(%dma_start3A_266 : memref<102400xf32, #tpu.memory_space<vmem_shared>>) offsets(%arg17 : memref<5000xi32, #tpu.memory_space<vmem>>) semaphore(%arg36 : memref<!tpu.dma_semaphore, #tpu.memory_space<semaphore_mem>>) {add = true}
    %dma_wait3A_267 = arith.constant 0 : i32
    %dma_wait3A_268 = tpu.memref_slice %arg3[%dma_wait3A_267] : memref<3200000xi32, #tpu.memory_space<hbm>> -> memref<5000xi32, #tpu.memory_space<hbm>>
    %dma_wait3A_269 = arith.constant 0 : i32
    %dma_wait3A_270 = tpu.memref_slice %arg3[%dma_wait3A_269] : memref<3200000xi32, #tpu.memory_space<hbm>> -> memref<5000xi32, #tpu.memory_space<hbm>>
    tpu.wait_dma2 semaphore(%arg31 : memref<!tpu.dma_semaphore, #tpu.memory_space<semaphore_mem>>) src(%dma_wait3A_270 : memref<5000xi32, #tpu.memory_space<hbm>>) dst(%arg25 : memref<5000xi32, #tpu.memory_space<vmem>>)
    %dma_wait3A_271 = arith.constant 0 : i32
    %dma_wait3A_272 = tpu.memref_slice %arg4[%dma_wait3A_271] : memref<3200000xi32, #tpu.memory_space<hbm>> -> memref<5000xi32, #tpu.memory_space<hbm>>
    %dma_wait3A_273 = arith.constant 0 : i32
    %dma_wait3A_274 = tpu.memref_slice %arg4[%dma_wait3A_273] : memref<3200000xi32, #tpu.memory_space<hbm>> -> memref<5000xi32, #tpu.memory_space<hbm>>
    tpu.wait_dma2 semaphore(%arg31 : memref<!tpu.dma_semaphore, #tpu.memory_space<semaphore_mem>>) src(%dma_wait3A_274 : memref<5000xi32, #tpu.memory_space<hbm>>) dst(%arg26 : memref<5000xi32, #tpu.memory_space<vmem>>)
    %dma_wait3A_275 = arith.constant 0 : i32
    %dma_wait3A_276 = tpu.memref_slice %arg13[%dma_wait3A_275] : memref<102400xf32, #tpu.memory_space<vmem_shared>> -> memref<102400xf32, #tpu.memory_space<vmem_shared>>
    tpu.wait_indirect_dma semaphore(%arg36 : memref<!tpu.dma_semaphore, #tpu.memory_space<semaphore_mem>>) src(%arg18 : memref<5000xf32, #tpu.memory_space<vmem>>) dst(%dma_wait3A_276 : memref<102400xf32, #tpu.memory_space<vmem_shared>>)
    %add3A_277 = arith.constant 12 : i32
    %add3A_278 = arith.addi %mul3A_4, %add3A_277 : i32
    %mul3A_279 = arith.constant 5000 : i32
    %mul3A_280 = arith.muli %add3A_278, %mul3A_279 : i32
    %dma_start3A_281 = tpu.memref_slice %arg3[%mul3A_280] : memref<3200000xi32, #tpu.memory_space<hbm>> -> memref<5000xi32, #tpu.memory_space<hbm>>
    %dma_start3A_282 = tpu.memref_slice %arg3[%mul3A_280] : memref<3200000xi32, #tpu.memory_space<hbm>> -> memref<5000xi32, #tpu.memory_space<hbm>>
    tpu.enqueue_dma source(%dma_start3A_282 : memref<5000xi32, #tpu.memory_space<hbm>>) target(%arg16 : memref<5000xi32, #tpu.memory_space<vmem>>) target_semaphore(%arg28 : memref<!tpu.dma_semaphore, #tpu.memory_space<semaphore_mem>>)
    %dma_start3A_283 = tpu.memref_slice %arg4[%mul3A_280] : memref<3200000xi32, #tpu.memory_space<hbm>> -> memref<5000xi32, #tpu.memory_space<hbm>>
    %dma_start3A_284 = tpu.memref_slice %arg4[%mul3A_280] : memref<3200000xi32, #tpu.memory_space<hbm>> -> memref<5000xi32, #tpu.memory_space<hbm>>
    tpu.enqueue_dma source(%dma_start3A_284 : memref<5000xi32, #tpu.memory_space<hbm>>) target(%arg17 : memref<5000xi32, #tpu.memory_space<vmem>>) target_semaphore(%arg28 : memref<!tpu.dma_semaphore, #tpu.memory_space<semaphore_mem>>)
    %dma_start3A_285 = arith.constant 0 : i32
    %dma_start3A_286 = tpu.memref_slice %arg14[%dma_start3A_285] : memref<102400xf32, #tpu.memory_space<vmem_shared>> -> memref<102400xf32, #tpu.memory_space<vmem_shared>>
    tpu.enqueue_indirect_dma source(%dma_start3A_286 : memref<102400xf32, #tpu.memory_space<vmem_shared>>) target(%arg27 : memref<5000xf32, #tpu.memory_space<vmem>>) offsets(%arg25 : memref<5000xi32, #tpu.memory_space<vmem>>) semaphore(%arg35 : memref<!tpu.dma_semaphore, #tpu.memory_space<semaphore_mem>>)
    %dma_wait3A_287 = arith.constant 0 : i32
    %dma_wait3A_288 = tpu.memref_slice %arg14[%dma_wait3A_287] : memref<102400xf32, #tpu.memory_space<vmem_shared>> -> memref<102400xf32, #tpu.memory_space<vmem_shared>>
    tpu.wait_indirect_dma semaphore(%arg33 : memref<!tpu.dma_semaphore, #tpu.memory_space<semaphore_mem>>) src(%dma_wait3A_288 : memref<102400xf32, #tpu.memory_space<vmem_shared>>) dst(%arg21 : memref<5000xf32, #tpu.memory_space<vmem>>)
    %dma_start3A_289 = arith.constant 0 : i32
    %dma_start3A_290 = tpu.memref_slice %arg13[%dma_start3A_289] : memref<102400xf32, #tpu.memory_space<vmem_shared>> -> memref<102400xf32, #tpu.memory_space<vmem_shared>>
    tpu.enqueue_indirect_dma source(%arg21 : memref<5000xf32, #tpu.memory_space<vmem>>) target(%dma_start3A_290 : memref<102400xf32, #tpu.memory_space<vmem_shared>>) offsets(%arg20 : memref<5000xi32, #tpu.memory_space<vmem>>) semaphore(%arg37 : memref<!tpu.dma_semaphore, #tpu.memory_space<semaphore_mem>>) {add = true}
    %dma_wait3A_291 = arith.constant 0 : i32
    %dma_wait3A_292 = tpu.memref_slice %arg3[%dma_wait3A_291] : memref<3200000xi32, #tpu.memory_space<hbm>> -> memref<5000xi32, #tpu.memory_space<hbm>>
    %dma_wait3A_293 = arith.constant 0 : i32
    %dma_wait3A_294 = tpu.memref_slice %arg3[%dma_wait3A_293] : memref<3200000xi32, #tpu.memory_space<hbm>> -> memref<5000xi32, #tpu.memory_space<hbm>>
    tpu.wait_dma2 semaphore(%arg28 : memref<!tpu.dma_semaphore, #tpu.memory_space<semaphore_mem>>) src(%dma_wait3A_294 : memref<5000xi32, #tpu.memory_space<hbm>>) dst(%arg16 : memref<5000xi32, #tpu.memory_space<vmem>>)
    %dma_wait3A_295 = arith.constant 0 : i32
    %dma_wait3A_296 = tpu.memref_slice %arg4[%dma_wait3A_295] : memref<3200000xi32, #tpu.memory_space<hbm>> -> memref<5000xi32, #tpu.memory_space<hbm>>
    %dma_wait3A_297 = arith.constant 0 : i32
    %dma_wait3A_298 = tpu.memref_slice %arg4[%dma_wait3A_297] : memref<3200000xi32, #tpu.memory_space<hbm>> -> memref<5000xi32, #tpu.memory_space<hbm>>
    tpu.wait_dma2 semaphore(%arg28 : memref<!tpu.dma_semaphore, #tpu.memory_space<semaphore_mem>>) src(%dma_wait3A_298 : memref<5000xi32, #tpu.memory_space<hbm>>) dst(%arg17 : memref<5000xi32, #tpu.memory_space<vmem>>)
    %dma_wait3A_299 = arith.constant 0 : i32
    %dma_wait3A_300 = tpu.memref_slice %arg13[%dma_wait3A_299] : memref<102400xf32, #tpu.memory_space<vmem_shared>> -> memref<102400xf32, #tpu.memory_space<vmem_shared>>
    tpu.wait_indirect_dma semaphore(%arg37 : memref<!tpu.dma_semaphore, #tpu.memory_space<semaphore_mem>>) src(%arg21 : memref<5000xf32, #tpu.memory_space<vmem>>) dst(%dma_wait3A_300 : memref<102400xf32, #tpu.memory_space<vmem_shared>>)
    %add3A_301 = arith.constant 13 : i32
    %add3A_302 = arith.addi %mul3A_4, %add3A_301 : i32
    %mul3A_303 = arith.constant 5000 : i32
    %mul3A_304 = arith.muli %add3A_302, %mul3A_303 : i32
    %dma_start3A_305 = tpu.memref_slice %arg3[%mul3A_304] : memref<3200000xi32, #tpu.memory_space<hbm>> -> memref<5000xi32, #tpu.memory_space<hbm>>
    %dma_start3A_306 = tpu.memref_slice %arg3[%mul3A_304] : memref<3200000xi32, #tpu.memory_space<hbm>> -> memref<5000xi32, #tpu.memory_space<hbm>>
    tpu.enqueue_dma source(%dma_start3A_306 : memref<5000xi32, #tpu.memory_space<hbm>>) target(%arg19 : memref<5000xi32, #tpu.memory_space<vmem>>) target_semaphore(%arg29 : memref<!tpu.dma_semaphore, #tpu.memory_space<semaphore_mem>>)
    %dma_start3A_307 = tpu.memref_slice %arg4[%mul3A_304] : memref<3200000xi32, #tpu.memory_space<hbm>> -> memref<5000xi32, #tpu.memory_space<hbm>>
    %dma_start3A_308 = tpu.memref_slice %arg4[%mul3A_304] : memref<3200000xi32, #tpu.memory_space<hbm>> -> memref<5000xi32, #tpu.memory_space<hbm>>
    tpu.enqueue_dma source(%dma_start3A_308 : memref<5000xi32, #tpu.memory_space<hbm>>) target(%arg20 : memref<5000xi32, #tpu.memory_space<vmem>>) target_semaphore(%arg29 : memref<!tpu.dma_semaphore, #tpu.memory_space<semaphore_mem>>)
    %dma_start3A_309 = arith.constant 0 : i32
    %dma_start3A_310 = tpu.memref_slice %arg14[%dma_start3A_309] : memref<102400xf32, #tpu.memory_space<vmem_shared>> -> memref<102400xf32, #tpu.memory_space<vmem_shared>>
    tpu.enqueue_indirect_dma source(%dma_start3A_310 : memref<102400xf32, #tpu.memory_space<vmem_shared>>) target(%arg18 : memref<5000xf32, #tpu.memory_space<vmem>>) offsets(%arg16 : memref<5000xi32, #tpu.memory_space<vmem>>) semaphore(%arg32 : memref<!tpu.dma_semaphore, #tpu.memory_space<semaphore_mem>>)
    %dma_wait3A_311 = arith.constant 0 : i32
    %dma_wait3A_312 = tpu.memref_slice %arg14[%dma_wait3A_311] : memref<102400xf32, #tpu.memory_space<vmem_shared>> -> memref<102400xf32, #tpu.memory_space<vmem_shared>>
    tpu.wait_indirect_dma semaphore(%arg34 : memref<!tpu.dma_semaphore, #tpu.memory_space<semaphore_mem>>) src(%dma_wait3A_312 : memref<102400xf32, #tpu.memory_space<vmem_shared>>) dst(%arg24 : memref<5000xf32, #tpu.memory_space<vmem>>)
    %dma_start3A_313 = arith.constant 0 : i32
    %dma_start3A_314 = tpu.memref_slice %arg13[%dma_start3A_313] : memref<102400xf32, #tpu.memory_space<vmem_shared>> -> memref<102400xf32, #tpu.memory_space<vmem_shared>>
    tpu.enqueue_indirect_dma source(%arg24 : memref<5000xf32, #tpu.memory_space<vmem>>) target(%dma_start3A_314 : memref<102400xf32, #tpu.memory_space<vmem_shared>>) offsets(%arg23 : memref<5000xi32, #tpu.memory_space<vmem>>) semaphore(%arg38 : memref<!tpu.dma_semaphore, #tpu.memory_space<semaphore_mem>>) {add = true}
    %dma_wait3A_315 = arith.constant 0 : i32
    %dma_wait3A_316 = tpu.memref_slice %arg3[%dma_wait3A_315] : memref<3200000xi32, #tpu.memory_space<hbm>> -> memref<5000xi32, #tpu.memory_space<hbm>>
    %dma_wait3A_317 = arith.constant 0 : i32
    %dma_wait3A_318 = tpu.memref_slice %arg3[%dma_wait3A_317] : memref<3200000xi32, #tpu.memory_space<hbm>> -> memref<5000xi32, #tpu.memory_space<hbm>>
    tpu.wait_dma2 semaphore(%arg29 : memref<!tpu.dma_semaphore, #tpu.memory_space<semaphore_mem>>) src(%dma_wait3A_318 : memref<5000xi32, #tpu.memory_space<hbm>>) dst(%arg19 : memref<5000xi32, #tpu.memory_space<vmem>>)
    %dma_wait3A_319 = arith.constant 0 : i32
    %dma_wait3A_320 = tpu.memref_slice %arg4[%dma_wait3A_319] : memref<3200000xi32, #tpu.memory_space<hbm>> -> memref<5000xi32, #tpu.memory_space<hbm>>
    %dma_wait3A_321 = arith.constant 0 : i32
    %dma_wait3A_322 = tpu.memref_slice %arg4[%dma_wait3A_321] : memref<3200000xi32, #tpu.memory_space<hbm>> -> memref<5000xi32, #tpu.memory_space<hbm>>
    tpu.wait_dma2 semaphore(%arg29 : memref<!tpu.dma_semaphore, #tpu.memory_space<semaphore_mem>>) src(%dma_wait3A_322 : memref<5000xi32, #tpu.memory_space<hbm>>) dst(%arg20 : memref<5000xi32, #tpu.memory_space<vmem>>)
    %dma_wait3A_323 = arith.constant 0 : i32
    %dma_wait3A_324 = tpu.memref_slice %arg13[%dma_wait3A_323] : memref<102400xf32, #tpu.memory_space<vmem_shared>> -> memref<102400xf32, #tpu.memory_space<vmem_shared>>
    tpu.wait_indirect_dma semaphore(%arg38 : memref<!tpu.dma_semaphore, #tpu.memory_space<semaphore_mem>>) src(%arg24 : memref<5000xf32, #tpu.memory_space<vmem>>) dst(%dma_wait3A_324 : memref<102400xf32, #tpu.memory_space<vmem_shared>>)
    %add3A_325 = arith.constant 14 : i32
    %add3A_326 = arith.addi %mul3A_4, %add3A_325 : i32
    %mul3A_327 = arith.constant 5000 : i32
    %mul3A_328 = arith.muli %add3A_326, %mul3A_327 : i32
    %dma_start3A_329 = tpu.memref_slice %arg3[%mul3A_328] : memref<3200000xi32, #tpu.memory_space<hbm>> -> memref<5000xi32, #tpu.memory_space<hbm>>
    %dma_start3A_330 = tpu.memref_slice %arg3[%mul3A_328] : memref<3200000xi32, #tpu.memory_space<hbm>> -> memref<5000xi32, #tpu.memory_space<hbm>>
    tpu.enqueue_dma source(%dma_start3A_330 : memref<5000xi32, #tpu.memory_space<hbm>>) target(%arg22 : memref<5000xi32, #tpu.memory_space<vmem>>) target_semaphore(%arg30 : memref<!tpu.dma_semaphore, #tpu.memory_space<semaphore_mem>>)
    %dma_start3A_331 = tpu.memref_slice %arg4[%mul3A_328] : memref<3200000xi32, #tpu.memory_space<hbm>> -> memref<5000xi32, #tpu.memory_space<hbm>>
    %dma_start3A_332 = tpu.memref_slice %arg4[%mul3A_328] : memref<3200000xi32, #tpu.memory_space<hbm>> -> memref<5000xi32, #tpu.memory_space<hbm>>
    tpu.enqueue_dma source(%dma_start3A_332 : memref<5000xi32, #tpu.memory_space<hbm>>) target(%arg23 : memref<5000xi32, #tpu.memory_space<vmem>>) target_semaphore(%arg30 : memref<!tpu.dma_semaphore, #tpu.memory_space<semaphore_mem>>)
    %dma_start3A_333 = arith.constant 0 : i32
    %dma_start3A_334 = tpu.memref_slice %arg14[%dma_start3A_333] : memref<102400xf32, #tpu.memory_space<vmem_shared>> -> memref<102400xf32, #tpu.memory_space<vmem_shared>>
    tpu.enqueue_indirect_dma source(%dma_start3A_334 : memref<102400xf32, #tpu.memory_space<vmem_shared>>) target(%arg21 : memref<5000xf32, #tpu.memory_space<vmem>>) offsets(%arg19 : memref<5000xi32, #tpu.memory_space<vmem>>) semaphore(%arg33 : memref<!tpu.dma_semaphore, #tpu.memory_space<semaphore_mem>>)
    %dma_wait3A_335 = arith.constant 0 : i32
    %dma_wait3A_336 = tpu.memref_slice %arg14[%dma_wait3A_335] : memref<102400xf32, #tpu.memory_space<vmem_shared>> -> memref<102400xf32, #tpu.memory_space<vmem_shared>>
    tpu.wait_indirect_dma semaphore(%arg35 : memref<!tpu.dma_semaphore, #tpu.memory_space<semaphore_mem>>) src(%dma_wait3A_336 : memref<102400xf32, #tpu.memory_space<vmem_shared>>) dst(%arg27 : memref<5000xf32, #tpu.memory_space<vmem>>)
    %dma_start3A_337 = arith.constant 0 : i32
    %dma_start3A_338 = tpu.memref_slice %arg13[%dma_start3A_337] : memref<102400xf32, #tpu.memory_space<vmem_shared>> -> memref<102400xf32, #tpu.memory_space<vmem_shared>>
    tpu.enqueue_indirect_dma source(%arg27 : memref<5000xf32, #tpu.memory_space<vmem>>) target(%dma_start3A_338 : memref<102400xf32, #tpu.memory_space<vmem_shared>>) offsets(%arg26 : memref<5000xi32, #tpu.memory_space<vmem>>) semaphore(%arg39 : memref<!tpu.dma_semaphore, #tpu.memory_space<semaphore_mem>>) {add = true}
    %dma_wait3A_339 = arith.constant 0 : i32
    %dma_wait3A_340 = tpu.memref_slice %arg3[%dma_wait3A_339] : memref<3200000xi32, #tpu.memory_space<hbm>> -> memref<5000xi32, #tpu.memory_space<hbm>>
    %dma_wait3A_341 = arith.constant 0 : i32
    %dma_wait3A_342 = tpu.memref_slice %arg3[%dma_wait3A_341] : memref<3200000xi32, #tpu.memory_space<hbm>> -> memref<5000xi32, #tpu.memory_space<hbm>>
    tpu.wait_dma2 semaphore(%arg30 : memref<!tpu.dma_semaphore, #tpu.memory_space<semaphore_mem>>) src(%dma_wait3A_342 : memref<5000xi32, #tpu.memory_space<hbm>>) dst(%arg22 : memref<5000xi32, #tpu.memory_space<vmem>>)
    %dma_wait3A_343 = arith.constant 0 : i32
    %dma_wait3A_344 = tpu.memref_slice %arg4[%dma_wait3A_343] : memref<3200000xi32, #tpu.memory_space<hbm>> -> memref<5000xi32, #tpu.memory_space<hbm>>
    %dma_wait3A_345 = arith.constant 0 : i32
    %dma_wait3A_346 = tpu.memref_slice %arg4[%dma_wait3A_345] : memref<3200000xi32, #tpu.memory_space<hbm>> -> memref<5000xi32, #tpu.memory_space<hbm>>
    tpu.wait_dma2 semaphore(%arg30 : memref<!tpu.dma_semaphore, #tpu.memory_space<semaphore_mem>>) src(%dma_wait3A_346 : memref<5000xi32, #tpu.memory_space<hbm>>) dst(%arg23 : memref<5000xi32, #tpu.memory_space<vmem>>)
    %dma_wait3A_347 = arith.constant 0 : i32
    %dma_wait3A_348 = tpu.memref_slice %arg13[%dma_wait3A_347] : memref<102400xf32, #tpu.memory_space<vmem_shared>> -> memref<102400xf32, #tpu.memory_space<vmem_shared>>
    tpu.wait_indirect_dma semaphore(%arg39 : memref<!tpu.dma_semaphore, #tpu.memory_space<semaphore_mem>>) src(%arg27 : memref<5000xf32, #tpu.memory_space<vmem>>) dst(%dma_wait3A_348 : memref<102400xf32, #tpu.memory_space<vmem_shared>>)
    %add3A_349 = arith.constant 15 : i32
    %add3A_350 = arith.addi %mul3A_4, %add3A_349 : i32
    %mul3A_351 = arith.constant 5000 : i32
    %mul3A_352 = arith.muli %add3A_350, %mul3A_351 : i32
    %dma_start3A_353 = tpu.memref_slice %arg3[%mul3A_352] : memref<3200000xi32, #tpu.memory_space<hbm>> -> memref<5000xi32, #tpu.memory_space<hbm>>
    %dma_start3A_354 = tpu.memref_slice %arg3[%mul3A_352] : memref<3200000xi32, #tpu.memory_space<hbm>> -> memref<5000xi32, #tpu.memory_space<hbm>>
    tpu.enqueue_dma source(%dma_start3A_354 : memref<5000xi32, #tpu.memory_space<hbm>>) target(%arg25 : memref<5000xi32, #tpu.memory_space<vmem>>) target_semaphore(%arg31 : memref<!tpu.dma_semaphore, #tpu.memory_space<semaphore_mem>>)
    %dma_start3A_355 = tpu.memref_slice %arg4[%mul3A_352] : memref<3200000xi32, #tpu.memory_space<hbm>> -> memref<5000xi32, #tpu.memory_space<hbm>>
    %dma_start3A_356 = tpu.memref_slice %arg4[%mul3A_352] : memref<3200000xi32, #tpu.memory_space<hbm>> -> memref<5000xi32, #tpu.memory_space<hbm>>
    tpu.enqueue_dma source(%dma_start3A_356 : memref<5000xi32, #tpu.memory_space<hbm>>) target(%arg26 : memref<5000xi32, #tpu.memory_space<vmem>>) target_semaphore(%arg31 : memref<!tpu.dma_semaphore, #tpu.memory_space<semaphore_mem>>)
    %dma_start3A_357 = arith.constant 0 : i32
    %dma_start3A_358 = tpu.memref_slice %arg14[%dma_start3A_357] : memref<102400xf32, #tpu.memory_space<vmem_shared>> -> memref<102400xf32, #tpu.memory_space<vmem_shared>>
    tpu.enqueue_indirect_dma source(%dma_start3A_358 : memref<102400xf32, #tpu.memory_space<vmem_shared>>) target(%arg24 : memref<5000xf32, #tpu.memory_space<vmem>>) offsets(%arg22 : memref<5000xi32, #tpu.memory_space<vmem>>) semaphore(%arg34 : memref<!tpu.dma_semaphore, #tpu.memory_space<semaphore_mem>>)
    %dma_wait3A_359 = arith.constant 0 : i32
    %dma_wait3A_360 = tpu.memref_slice %arg14[%dma_wait3A_359] : memref<102400xf32, #tpu.memory_space<vmem_shared>> -> memref<102400xf32, #tpu.memory_space<vmem_shared>>
    tpu.wait_indirect_dma semaphore(%arg32 : memref<!tpu.dma_semaphore, #tpu.memory_space<semaphore_mem>>) src(%dma_wait3A_360 : memref<102400xf32, #tpu.memory_space<vmem_shared>>) dst(%arg18 : memref<5000xf32, #tpu.memory_space<vmem>>)
    %dma_start3A_361 = arith.constant 0 : i32
    %dma_start3A_362 = tpu.memref_slice %arg13[%dma_start3A_361] : memref<102400xf32, #tpu.memory_space<vmem_shared>> -> memref<102400xf32, #tpu.memory_space<vmem_shared>>
    tpu.enqueue_indirect_dma source(%arg18 : memref<5000xf32, #tpu.memory_space<vmem>>) target(%dma_start3A_362 : memref<102400xf32, #tpu.memory_space<vmem_shared>>) offsets(%arg17 : memref<5000xi32, #tpu.memory_space<vmem>>) semaphore(%arg36 : memref<!tpu.dma_semaphore, #tpu.memory_space<semaphore_mem>>) {add = true}
    %dma_wait3A_363 = arith.constant 0 : i32
    %dma_wait3A_364 = tpu.memref_slice %arg3[%dma_wait3A_363] : memref<3200000xi32, #tpu.memory_space<hbm>> -> memref<5000xi32, #tpu.memory_space<hbm>>
    %dma_wait3A_365 = arith.constant 0 : i32
    %dma_wait3A_366 = tpu.memref_slice %arg3[%dma_wait3A_365] : memref<3200000xi32, #tpu.memory_space<hbm>> -> memref<5000xi32, #tpu.memory_space<hbm>>
    tpu.wait_dma2 semaphore(%arg31 : memref<!tpu.dma_semaphore, #tpu.memory_space<semaphore_mem>>) src(%dma_wait3A_366 : memref<5000xi32, #tpu.memory_space<hbm>>) dst(%arg25 : memref<5000xi32, #tpu.memory_space<vmem>>)
    %dma_wait3A_367 = arith.constant 0 : i32
    %dma_wait3A_368 = tpu.memref_slice %arg4[%dma_wait3A_367] : memref<3200000xi32, #tpu.memory_space<hbm>> -> memref<5000xi32, #tpu.memory_space<hbm>>
    %dma_wait3A_369 = arith.constant 0 : i32
    %dma_wait3A_370 = tpu.memref_slice %arg4[%dma_wait3A_369] : memref<3200000xi32, #tpu.memory_space<hbm>> -> memref<5000xi32, #tpu.memory_space<hbm>>
    tpu.wait_dma2 semaphore(%arg31 : memref<!tpu.dma_semaphore, #tpu.memory_space<semaphore_mem>>) src(%dma_wait3A_370 : memref<5000xi32, #tpu.memory_space<hbm>>) dst(%arg26 : memref<5000xi32, #tpu.memory_space<vmem>>)
    %dma_wait3A_371 = arith.constant 0 : i32
    %dma_wait3A_372 = tpu.memref_slice %arg13[%dma_wait3A_371] : memref<102400xf32, #tpu.memory_space<vmem_shared>> -> memref<102400xf32, #tpu.memory_space<vmem_shared>>
    tpu.wait_indirect_dma semaphore(%arg36 : memref<!tpu.dma_semaphore, #tpu.memory_space<semaphore_mem>>) src(%arg18 : memref<5000xf32, #tpu.memory_space<vmem>>) dst(%dma_wait3A_372 : memref<102400xf32, #tpu.memory_space<vmem_shared>>)
    %add3A_373 = arith.constant 16 : i32
    %add3A_374 = arith.addi %mul3A_4, %add3A_373 : i32
    %mul3A_375 = arith.constant 5000 : i32
    %mul3A_376 = arith.muli %add3A_374, %mul3A_375 : i32
    %dma_start3A_377 = tpu.memref_slice %arg3[%mul3A_376] : memref<3200000xi32, #tpu.memory_space<hbm>> -> memref<5000xi32, #tpu.memory_space<hbm>>
    %dma_start3A_378 = tpu.memref_slice %arg3[%mul3A_376] : memref<3200000xi32, #tpu.memory_space<hbm>> -> memref<5000xi32, #tpu.memory_space<hbm>>
    tpu.enqueue_dma source(%dma_start3A_378 : memref<5000xi32, #tpu.memory_space<hbm>>) target(%arg16 : memref<5000xi32, #tpu.memory_space<vmem>>) target_semaphore(%arg28 : memref<!tpu.dma_semaphore, #tpu.memory_space<semaphore_mem>>)
    %dma_start3A_379 = tpu.memref_slice %arg4[%mul3A_376] : memref<3200000xi32, #tpu.memory_space<hbm>> -> memref<5000xi32, #tpu.memory_space<hbm>>
    %dma_start3A_380 = tpu.memref_slice %arg4[%mul3A_376] : memref<3200000xi32, #tpu.memory_space<hbm>> -> memref<5000xi32, #tpu.memory_space<hbm>>
    tpu.enqueue_dma source(%dma_start3A_380 : memref<5000xi32, #tpu.memory_space<hbm>>) target(%arg17 : memref<5000xi32, #tpu.memory_space<vmem>>) target_semaphore(%arg28 : memref<!tpu.dma_semaphore, #tpu.memory_space<semaphore_mem>>)
    %dma_start3A_381 = arith.constant 0 : i32
    %dma_start3A_382 = tpu.memref_slice %arg14[%dma_start3A_381] : memref<102400xf32, #tpu.memory_space<vmem_shared>> -> memref<102400xf32, #tpu.memory_space<vmem_shared>>
    tpu.enqueue_indirect_dma source(%dma_start3A_382 : memref<102400xf32, #tpu.memory_space<vmem_shared>>) target(%arg27 : memref<5000xf32, #tpu.memory_space<vmem>>) offsets(%arg25 : memref<5000xi32, #tpu.memory_space<vmem>>) semaphore(%arg35 : memref<!tpu.dma_semaphore, #tpu.memory_space<semaphore_mem>>)
    %dma_wait3A_383 = arith.constant 0 : i32
    %dma_wait3A_384 = tpu.memref_slice %arg14[%dma_wait3A_383] : memref<102400xf32, #tpu.memory_space<vmem_shared>> -> memref<102400xf32, #tpu.memory_space<vmem_shared>>
    tpu.wait_indirect_dma semaphore(%arg33 : memref<!tpu.dma_semaphore, #tpu.memory_space<semaphore_mem>>) src(%dma_wait3A_384 : memref<102400xf32, #tpu.memory_space<vmem_shared>>) dst(%arg21 : memref<5000xf32, #tpu.memory_space<vmem>>)
    %dma_start3A_385 = arith.constant 0 : i32
    %dma_start3A_386 = tpu.memref_slice %arg13[%dma_start3A_385] : memref<102400xf32, #tpu.memory_space<vmem_shared>> -> memref<102400xf32, #tpu.memory_space<vmem_shared>>
    tpu.enqueue_indirect_dma source(%arg21 : memref<5000xf32, #tpu.memory_space<vmem>>) target(%dma_start3A_386 : memref<102400xf32, #tpu.memory_space<vmem_shared>>) offsets(%arg20 : memref<5000xi32, #tpu.memory_space<vmem>>) semaphore(%arg37 : memref<!tpu.dma_semaphore, #tpu.memory_space<semaphore_mem>>) {add = true}
    %dma_wait3A_387 = arith.constant 0 : i32
    %dma_wait3A_388 = tpu.memref_slice %arg3[%dma_wait3A_387] : memref<3200000xi32, #tpu.memory_space<hbm>> -> memref<5000xi32, #tpu.memory_space<hbm>>
    %dma_wait3A_389 = arith.constant 0 : i32
    %dma_wait3A_390 = tpu.memref_slice %arg3[%dma_wait3A_389] : memref<3200000xi32, #tpu.memory_space<hbm>> -> memref<5000xi32, #tpu.memory_space<hbm>>
    tpu.wait_dma2 semaphore(%arg28 : memref<!tpu.dma_semaphore, #tpu.memory_space<semaphore_mem>>) src(%dma_wait3A_390 : memref<5000xi32, #tpu.memory_space<hbm>>) dst(%arg16 : memref<5000xi32, #tpu.memory_space<vmem>>)
    %dma_wait3A_391 = arith.constant 0 : i32
    %dma_wait3A_392 = tpu.memref_slice %arg4[%dma_wait3A_391] : memref<3200000xi32, #tpu.memory_space<hbm>> -> memref<5000xi32, #tpu.memory_space<hbm>>
    %dma_wait3A_393 = arith.constant 0 : i32
    %dma_wait3A_394 = tpu.memref_slice %arg4[%dma_wait3A_393] : memref<3200000xi32, #tpu.memory_space<hbm>> -> memref<5000xi32, #tpu.memory_space<hbm>>
    tpu.wait_dma2 semaphore(%arg28 : memref<!tpu.dma_semaphore, #tpu.memory_space<semaphore_mem>>) src(%dma_wait3A_394 : memref<5000xi32, #tpu.memory_space<hbm>>) dst(%arg17 : memref<5000xi32, #tpu.memory_space<vmem>>)
    %dma_wait3A_395 = arith.constant 0 : i32
    %dma_wait3A_396 = tpu.memref_slice %arg13[%dma_wait3A_395] : memref<102400xf32, #tpu.memory_space<vmem_shared>> -> memref<102400xf32, #tpu.memory_space<vmem_shared>>
    tpu.wait_indirect_dma semaphore(%arg37 : memref<!tpu.dma_semaphore, #tpu.memory_space<semaphore_mem>>) src(%arg21 : memref<5000xf32, #tpu.memory_space<vmem>>) dst(%dma_wait3A_396 : memref<102400xf32, #tpu.memory_space<vmem_shared>>)
    %add3A_397 = arith.constant 17 : i32
    %add3A_398 = arith.addi %mul3A_4, %add3A_397 : i32
    %mul3A_399 = arith.constant 5000 : i32
    %mul3A_400 = arith.muli %add3A_398, %mul3A_399 : i32
    %dma_start3A_401 = tpu.memref_slice %arg3[%mul3A_400] : memref<3200000xi32, #tpu.memory_space<hbm>> -> memref<5000xi32, #tpu.memory_space<hbm>>
    %dma_start3A_402 = tpu.memref_slice %arg3[%mul3A_400] : memref<3200000xi32, #tpu.memory_space<hbm>> -> memref<5000xi32, #tpu.memory_space<hbm>>
    tpu.enqueue_dma source(%dma_start3A_402 : memref<5000xi32, #tpu.memory_space<hbm>>) target(%arg19 : memref<5000xi32, #tpu.memory_space<vmem>>) target_semaphore(%arg29 : memref<!tpu.dma_semaphore, #tpu.memory_space<semaphore_mem>>)
    %dma_start3A_403 = tpu.memref_slice %arg4[%mul3A_400] : memref<3200000xi32, #tpu.memory_space<hbm>> -> memref<5000xi32, #tpu.memory_space<hbm>>
    %dma_start3A_404 = tpu.memref_slice %arg4[%mul3A_400] : memref<3200000xi32, #tpu.memory_space<hbm>> -> memref<5000xi32, #tpu.memory_space<hbm>>
    tpu.enqueue_dma source(%dma_start3A_404 : memref<5000xi32, #tpu.memory_space<hbm>>) target(%arg20 : memref<5000xi32, #tpu.memory_space<vmem>>) target_semaphore(%arg29 : memref<!tpu.dma_semaphore, #tpu.memory_space<semaphore_mem>>)
    %dma_start3A_405 = arith.constant 0 : i32
    %dma_start3A_406 = tpu.memref_slice %arg14[%dma_start3A_405] : memref<102400xf32, #tpu.memory_space<vmem_shared>> -> memref<102400xf32, #tpu.memory_space<vmem_shared>>
    tpu.enqueue_indirect_dma source(%dma_start3A_406 : memref<102400xf32, #tpu.memory_space<vmem_shared>>) target(%arg18 : memref<5000xf32, #tpu.memory_space<vmem>>) offsets(%arg16 : memref<5000xi32, #tpu.memory_space<vmem>>) semaphore(%arg32 : memref<!tpu.dma_semaphore, #tpu.memory_space<semaphore_mem>>)
    %dma_wait3A_407 = arith.constant 0 : i32
    %dma_wait3A_408 = tpu.memref_slice %arg14[%dma_wait3A_407] : memref<102400xf32, #tpu.memory_space<vmem_shared>> -> memref<102400xf32, #tpu.memory_space<vmem_shared>>
    tpu.wait_indirect_dma semaphore(%arg34 : memref<!tpu.dma_semaphore, #tpu.memory_space<semaphore_mem>>) src(%dma_wait3A_408 : memref<102400xf32, #tpu.memory_space<vmem_shared>>) dst(%arg24 : memref<5000xf32, #tpu.memory_space<vmem>>)
    %dma_start3A_409 = arith.constant 0 : i32
    %dma_start3A_410 = tpu.memref_slice %arg13[%dma_start3A_409] : memref<102400xf32, #tpu.memory_space<vmem_shared>> -> memref<102400xf32, #tpu.memory_space<vmem_shared>>
    tpu.enqueue_indirect_dma source(%arg24 : memref<5000xf32, #tpu.memory_space<vmem>>) target(%dma_start3A_410 : memref<102400xf32, #tpu.memory_space<vmem_shared>>) offsets(%arg23 : memref<5000xi32, #tpu.memory_space<vmem>>) semaphore(%arg38 : memref<!tpu.dma_semaphore, #tpu.memory_space<semaphore_mem>>) {add = true}
    %dma_wait3A_411 = arith.constant 0 : i32
    %dma_wait3A_412 = tpu.memref_slice %arg3[%dma_wait3A_411] : memref<3200000xi32, #tpu.memory_space<hbm>> -> memref<5000xi32, #tpu.memory_space<hbm>>
    %dma_wait3A_413 = arith.constant 0 : i32
    %dma_wait3A_414 = tpu.memref_slice %arg3[%dma_wait3A_413] : memref<3200000xi32, #tpu.memory_space<hbm>> -> memref<5000xi32, #tpu.memory_space<hbm>>
    tpu.wait_dma2 semaphore(%arg29 : memref<!tpu.dma_semaphore, #tpu.memory_space<semaphore_mem>>) src(%dma_wait3A_414 : memref<5000xi32, #tpu.memory_space<hbm>>) dst(%arg19 : memref<5000xi32, #tpu.memory_space<vmem>>)
    %dma_wait3A_415 = arith.constant 0 : i32
    %dma_wait3A_416 = tpu.memref_slice %arg4[%dma_wait3A_415] : memref<3200000xi32, #tpu.memory_space<hbm>> -> memref<5000xi32, #tpu.memory_space<hbm>>
    %dma_wait3A_417 = arith.constant 0 : i32
    %dma_wait3A_418 = tpu.memref_slice %arg4[%dma_wait3A_417] : memref<3200000xi32, #tpu.memory_space<hbm>> -> memref<5000xi32, #tpu.memory_space<hbm>>
    tpu.wait_dma2 semaphore(%arg29 : memref<!tpu.dma_semaphore, #tpu.memory_space<semaphore_mem>>) src(%dma_wait3A_418 : memref<5000xi32, #tpu.memory_space<hbm>>) dst(%arg20 : memref<5000xi32, #tpu.memory_space<vmem>>)
    %dma_wait3A_419 = arith.constant 0 : i32
    %dma_wait3A_420 = tpu.memref_slice %arg13[%dma_wait3A_419] : memref<102400xf32, #tpu.memory_space<vmem_shared>> -> memref<102400xf32, #tpu.memory_space<vmem_shared>>
    tpu.wait_indirect_dma semaphore(%arg38 : memref<!tpu.dma_semaphore, #tpu.memory_space<semaphore_mem>>) src(%arg24 : memref<5000xf32, #tpu.memory_space<vmem>>) dst(%dma_wait3A_420 : memref<102400xf32, #tpu.memory_space<vmem_shared>>)
    %add3A_421 = arith.constant 18 : i32
    %add3A_422 = arith.addi %mul3A_4, %add3A_421 : i32
    %mul3A_423 = arith.constant 5000 : i32
    %mul3A_424 = arith.muli %add3A_422, %mul3A_423 : i32
    %dma_start3A_425 = tpu.memref_slice %arg3[%mul3A_424] : memref<3200000xi32, #tpu.memory_space<hbm>> -> memref<5000xi32, #tpu.memory_space<hbm>>
    %dma_start3A_426 = tpu.memref_slice %arg3[%mul3A_424] : memref<3200000xi32, #tpu.memory_space<hbm>> -> memref<5000xi32, #tpu.memory_space<hbm>>
    tpu.enqueue_dma source(%dma_start3A_426 : memref<5000xi32, #tpu.memory_space<hbm>>) target(%arg22 : memref<5000xi32, #tpu.memory_space<vmem>>) target_semaphore(%arg30 : memref<!tpu.dma_semaphore, #tpu.memory_space<semaphore_mem>>)
    %dma_start3A_427 = tpu.memref_slice %arg4[%mul3A_424] : memref<3200000xi32, #tpu.memory_space<hbm>> -> memref<5000xi32, #tpu.memory_space<hbm>>
    %dma_start3A_428 = tpu.memref_slice %arg4[%mul3A_424] : memref<3200000xi32, #tpu.memory_space<hbm>> -> memref<5000xi32, #tpu.memory_space<hbm>>
    tpu.enqueue_dma source(%dma_start3A_428 : memref<5000xi32, #tpu.memory_space<hbm>>) target(%arg23 : memref<5000xi32, #tpu.memory_space<vmem>>) target_semaphore(%arg30 : memref<!tpu.dma_semaphore, #tpu.memory_space<semaphore_mem>>)
    %dma_start3A_429 = arith.constant 0 : i32
    %dma_start3A_430 = tpu.memref_slice %arg14[%dma_start3A_429] : memref<102400xf32, #tpu.memory_space<vmem_shared>> -> memref<102400xf32, #tpu.memory_space<vmem_shared>>
    tpu.enqueue_indirect_dma source(%dma_start3A_430 : memref<102400xf32, #tpu.memory_space<vmem_shared>>) target(%arg21 : memref<5000xf32, #tpu.memory_space<vmem>>) offsets(%arg19 : memref<5000xi32, #tpu.memory_space<vmem>>) semaphore(%arg33 : memref<!tpu.dma_semaphore, #tpu.memory_space<semaphore_mem>>)
    %dma_wait3A_431 = arith.constant 0 : i32
    %dma_wait3A_432 = tpu.memref_slice %arg14[%dma_wait3A_431] : memref<102400xf32, #tpu.memory_space<vmem_shared>> -> memref<102400xf32, #tpu.memory_space<vmem_shared>>
    tpu.wait_indirect_dma semaphore(%arg35 : memref<!tpu.dma_semaphore, #tpu.memory_space<semaphore_mem>>) src(%dma_wait3A_432 : memref<102400xf32, #tpu.memory_space<vmem_shared>>) dst(%arg27 : memref<5000xf32, #tpu.memory_space<vmem>>)
    %dma_start3A_433 = arith.constant 0 : i32
    %dma_start3A_434 = tpu.memref_slice %arg13[%dma_start3A_433] : memref<102400xf32, #tpu.memory_space<vmem_shared>> -> memref<102400xf32, #tpu.memory_space<vmem_shared>>
    tpu.enqueue_indirect_dma source(%arg27 : memref<5000xf32, #tpu.memory_space<vmem>>) target(%dma_start3A_434 : memref<102400xf32, #tpu.memory_space<vmem_shared>>) offsets(%arg26 : memref<5000xi32, #tpu.memory_space<vmem>>) semaphore(%arg39 : memref<!tpu.dma_semaphore, #tpu.memory_space<semaphore_mem>>) {add = true}
    %dma_wait3A_435 = arith.constant 0 : i32
    %dma_wait3A_436 = tpu.memref_slice %arg3[%dma_wait3A_435] : memref<3200000xi32, #tpu.memory_space<hbm>> -> memref<5000xi32, #tpu.memory_space<hbm>>
    %dma_wait3A_437 = arith.constant 0 : i32
    %dma_wait3A_438 = tpu.memref_slice %arg3[%dma_wait3A_437] : memref<3200000xi32, #tpu.memory_space<hbm>> -> memref<5000xi32, #tpu.memory_space<hbm>>
    tpu.wait_dma2 semaphore(%arg30 : memref<!tpu.dma_semaphore, #tpu.memory_space<semaphore_mem>>) src(%dma_wait3A_438 : memref<5000xi32, #tpu.memory_space<hbm>>) dst(%arg22 : memref<5000xi32, #tpu.memory_space<vmem>>)
    %dma_wait3A_439 = arith.constant 0 : i32
    %dma_wait3A_440 = tpu.memref_slice %arg4[%dma_wait3A_439] : memref<3200000xi32, #tpu.memory_space<hbm>> -> memref<5000xi32, #tpu.memory_space<hbm>>
    %dma_wait3A_441 = arith.constant 0 : i32
    %dma_wait3A_442 = tpu.memref_slice %arg4[%dma_wait3A_441] : memref<3200000xi32, #tpu.memory_space<hbm>> -> memref<5000xi32, #tpu.memory_space<hbm>>
    tpu.wait_dma2 semaphore(%arg30 : memref<!tpu.dma_semaphore, #tpu.memory_space<semaphore_mem>>) src(%dma_wait3A_442 : memref<5000xi32, #tpu.memory_space<hbm>>) dst(%arg23 : memref<5000xi32, #tpu.memory_space<vmem>>)
    %dma_wait3A_443 = arith.constant 0 : i32
    %dma_wait3A_444 = tpu.memref_slice %arg13[%dma_wait3A_443] : memref<102400xf32, #tpu.memory_space<vmem_shared>> -> memref<102400xf32, #tpu.memory_space<vmem_shared>>
    tpu.wait_indirect_dma semaphore(%arg39 : memref<!tpu.dma_semaphore, #tpu.memory_space<semaphore_mem>>) src(%arg27 : memref<5000xf32, #tpu.memory_space<vmem>>) dst(%dma_wait3A_444 : memref<102400xf32, #tpu.memory_space<vmem_shared>>)
    %add3A_445 = arith.constant 19 : i32
    %add3A_446 = arith.addi %mul3A_4, %add3A_445 : i32
    %mul3A_447 = arith.constant 5000 : i32
    %mul3A_448 = arith.muli %add3A_446, %mul3A_447 : i32
    %dma_start3A_449 = tpu.memref_slice %arg3[%mul3A_448] : memref<3200000xi32, #tpu.memory_space<hbm>> -> memref<5000xi32, #tpu.memory_space<hbm>>
    %dma_start3A_450 = tpu.memref_slice %arg3[%mul3A_448] : memref<3200000xi32, #tpu.memory_space<hbm>> -> memref<5000xi32, #tpu.memory_space<hbm>>
    tpu.enqueue_dma source(%dma_start3A_450 : memref<5000xi32, #tpu.memory_space<hbm>>) target(%arg25 : memref<5000xi32, #tpu.memory_space<vmem>>) target_semaphore(%arg31 : memref<!tpu.dma_semaphore, #tpu.memory_space<semaphore_mem>>)
    %dma_start3A_451 = tpu.memref_slice %arg4[%mul3A_448] : memref<3200000xi32, #tpu.memory_space<hbm>> -> memref<5000xi32, #tpu.memory_space<hbm>>
    %dma_start3A_452 = tpu.memref_slice %arg4[%mul3A_448] : memref<3200000xi32, #tpu.memory_space<hbm>> -> memref<5000xi32, #tpu.memory_space<hbm>>
    tpu.enqueue_dma source(%dma_start3A_452 : memref<5000xi32, #tpu.memory_space<hbm>>) target(%arg26 : memref<5000xi32, #tpu.memory_space<vmem>>) target_semaphore(%arg31 : memref<!tpu.dma_semaphore, #tpu.memory_space<semaphore_mem>>)
    %dma_start3A_453 = arith.constant 0 : i32
    %dma_start3A_454 = tpu.memref_slice %arg14[%dma_start3A_453] : memref<102400xf32, #tpu.memory_space<vmem_shared>> -> memref<102400xf32, #tpu.memory_space<vmem_shared>>
    tpu.enqueue_indirect_dma source(%dma_start3A_454 : memref<102400xf32, #tpu.memory_space<vmem_shared>>) target(%arg24 : memref<5000xf32, #tpu.memory_space<vmem>>) offsets(%arg22 : memref<5000xi32, #tpu.memory_space<vmem>>) semaphore(%arg34 : memref<!tpu.dma_semaphore, #tpu.memory_space<semaphore_mem>>)
    %dma_wait3A_455 = arith.constant 0 : i32
    %dma_wait3A_456 = tpu.memref_slice %arg14[%dma_wait3A_455] : memref<102400xf32, #tpu.memory_space<vmem_shared>> -> memref<102400xf32, #tpu.memory_space<vmem_shared>>
    tpu.wait_indirect_dma semaphore(%arg32 : memref<!tpu.dma_semaphore, #tpu.memory_space<semaphore_mem>>) src(%dma_wait3A_456 : memref<102400xf32, #tpu.memory_space<vmem_shared>>) dst(%arg18 : memref<5000xf32, #tpu.memory_space<vmem>>)
    %dma_start3A_457 = arith.constant 0 : i32
    %dma_start3A_458 = tpu.memref_slice %arg13[%dma_start3A_457] : memref<102400xf32, #tpu.memory_space<vmem_shared>> -> memref<102400xf32, #tpu.memory_space<vmem_shared>>
    tpu.enqueue_indirect_dma source(%arg18 : memref<5000xf32, #tpu.memory_space<vmem>>) target(%dma_start3A_458 : memref<102400xf32, #tpu.memory_space<vmem_shared>>) offsets(%arg17 : memref<5000xi32, #tpu.memory_space<vmem>>) semaphore(%arg36 : memref<!tpu.dma_semaphore, #tpu.memory_space<semaphore_mem>>) {add = true}
    %dma_wait3A_459 = arith.constant 0 : i32
    %dma_wait3A_460 = tpu.memref_slice %arg3[%dma_wait3A_459] : memref<3200000xi32, #tpu.memory_space<hbm>> -> memref<5000xi32, #tpu.memory_space<hbm>>
    %dma_wait3A_461 = arith.constant 0 : i32
    %dma_wait3A_462 = tpu.memref_slice %arg3[%dma_wait3A_461] : memref<3200000xi32, #tpu.memory_space<hbm>> -> memref<5000xi32, #tpu.memory_space<hbm>>
    tpu.wait_dma2 semaphore(%arg31 : memref<!tpu.dma_semaphore, #tpu.memory_space<semaphore_mem>>) src(%dma_wait3A_462 : memref<5000xi32, #tpu.memory_space<hbm>>) dst(%arg25 : memref<5000xi32, #tpu.memory_space<vmem>>)
    %dma_wait3A_463 = arith.constant 0 : i32
    %dma_wait3A_464 = tpu.memref_slice %arg4[%dma_wait3A_463] : memref<3200000xi32, #tpu.memory_space<hbm>> -> memref<5000xi32, #tpu.memory_space<hbm>>
    %dma_wait3A_465 = arith.constant 0 : i32
    %dma_wait3A_466 = tpu.memref_slice %arg4[%dma_wait3A_465] : memref<3200000xi32, #tpu.memory_space<hbm>> -> memref<5000xi32, #tpu.memory_space<hbm>>
    tpu.wait_dma2 semaphore(%arg31 : memref<!tpu.dma_semaphore, #tpu.memory_space<semaphore_mem>>) src(%dma_wait3A_466 : memref<5000xi32, #tpu.memory_space<hbm>>) dst(%arg26 : memref<5000xi32, #tpu.memory_space<vmem>>)
    %dma_wait3A_467 = arith.constant 0 : i32
    %dma_wait3A_468 = tpu.memref_slice %arg13[%dma_wait3A_467] : memref<102400xf32, #tpu.memory_space<vmem_shared>> -> memref<102400xf32, #tpu.memory_space<vmem_shared>>
    tpu.wait_indirect_dma semaphore(%arg36 : memref<!tpu.dma_semaphore, #tpu.memory_space<semaphore_mem>>) src(%arg18 : memref<5000xf32, #tpu.memory_space<vmem>>) dst(%dma_wait3A_468 : memref<102400xf32, #tpu.memory_space<vmem_shared>>)
    %dma_start3A_469 = arith.constant 0 : i32
    %dma_start3A_470 = tpu.memref_slice %arg14[%dma_start3A_469] : memref<102400xf32, #tpu.memory_space<vmem_shared>> -> memref<102400xf32, #tpu.memory_space<vmem_shared>>
    tpu.enqueue_indirect_dma source(%dma_start3A_470 : memref<102400xf32, #tpu.memory_space<vmem_shared>>) target(%arg27 : memref<5000xf32, #tpu.memory_space<vmem>>) offsets(%arg25 : memref<5000xi32, #tpu.memory_space<vmem>>) semaphore(%arg35 : memref<!tpu.dma_semaphore, #tpu.memory_space<semaphore_mem>>)
    %dma_wait3A_471 = arith.constant 0 : i32
    %dma_wait3A_472 = tpu.memref_slice %arg14[%dma_wait3A_471] : memref<102400xf32, #tpu.memory_space<vmem_shared>> -> memref<102400xf32, #tpu.memory_space<vmem_shared>>
    tpu.wait_indirect_dma semaphore(%arg33 : memref<!tpu.dma_semaphore, #tpu.memory_space<semaphore_mem>>) src(%dma_wait3A_472 : memref<102400xf32, #tpu.memory_space<vmem_shared>>) dst(%arg21 : memref<5000xf32, #tpu.memory_space<vmem>>)
    %dma_start3A_473 = arith.constant 0 : i32
    %dma_start3A_474 = tpu.memref_slice %arg13[%dma_start3A_473] : memref<102400xf32, #tpu.memory_space<vmem_shared>> -> memref<102400xf32, #tpu.memory_space<vmem_shared>>
    tpu.enqueue_indirect_dma source(%arg21 : memref<5000xf32, #tpu.memory_space<vmem>>) target(%dma_start3A_474 : memref<102400xf32, #tpu.memory_space<vmem_shared>>) offsets(%arg20 : memref<5000xi32, #tpu.memory_space<vmem>>) semaphore(%arg37 : memref<!tpu.dma_semaphore, #tpu.memory_space<semaphore_mem>>) {add = true}
    %dma_wait3A_475 = arith.constant 0 : i32
    %dma_wait3A_476 = tpu.memref_slice %arg14[%dma_wait3A_475] : memref<102400xf32, #tpu.memory_space<vmem_shared>> -> memref<102400xf32, #tpu.memory_space<vmem_shared>>
    tpu.wait_indirect_dma semaphore(%arg34 : memref<!tpu.dma_semaphore, #tpu.memory_space<semaphore_mem>>) src(%dma_wait3A_476 : memref<102400xf32, #tpu.memory_space<vmem_shared>>) dst(%arg24 : memref<5000xf32, #tpu.memory_space<vmem>>)
    %dma_start3A_477 = arith.constant 0 : i32
    %dma_start3A_478 = tpu.memref_slice %arg13[%dma_start3A_477] : memref<102400xf32, #tpu.memory_space<vmem_shared>> -> memref<102400xf32, #tpu.memory_space<vmem_shared>>
    tpu.enqueue_indirect_dma source(%arg24 : memref<5000xf32, #tpu.memory_space<vmem>>) target(%dma_start3A_478 : memref<102400xf32, #tpu.memory_space<vmem_shared>>) offsets(%arg23 : memref<5000xi32, #tpu.memory_space<vmem>>) semaphore(%arg38 : memref<!tpu.dma_semaphore, #tpu.memory_space<semaphore_mem>>) {add = true}
    %dma_wait3A_479 = arith.constant 0 : i32
    %dma_wait3A_480 = tpu.memref_slice %arg14[%dma_wait3A_479] : memref<102400xf32, #tpu.memory_space<vmem_shared>> -> memref<102400xf32, #tpu.memory_space<vmem_shared>>
    tpu.wait_indirect_dma semaphore(%arg35 : memref<!tpu.dma_semaphore, #tpu.memory_space<semaphore_mem>>) src(%dma_wait3A_480 : memref<102400xf32, #tpu.memory_space<vmem_shared>>) dst(%arg27 : memref<5000xf32, #tpu.memory_space<vmem>>)
    %dma_start3A_481 = arith.constant 0 : i32
    %dma_start3A_482 = tpu.memref_slice %arg13[%dma_start3A_481] : memref<102400xf32, #tpu.memory_space<vmem_shared>> -> memref<102400xf32, #tpu.memory_space<vmem_shared>>
    tpu.enqueue_indirect_dma source(%arg27 : memref<5000xf32, #tpu.memory_space<vmem>>) target(%dma_start3A_482 : memref<102400xf32, #tpu.memory_space<vmem_shared>>) offsets(%arg26 : memref<5000xi32, #tpu.memory_space<vmem>>) semaphore(%arg39 : memref<!tpu.dma_semaphore, #tpu.memory_space<semaphore_mem>>) {add = true}
    %dma_wait3A_483 = arith.constant 0 : i32
    %dma_wait3A_484 = tpu.memref_slice %arg13[%dma_wait3A_483] : memref<102400xf32, #tpu.memory_space<vmem_shared>> -> memref<102400xf32, #tpu.memory_space<vmem_shared>>
    tpu.wait_indirect_dma semaphore(%arg37 : memref<!tpu.dma_semaphore, #tpu.memory_space<semaphore_mem>>) src(%arg21 : memref<5000xf32, #tpu.memory_space<vmem>>) dst(%dma_wait3A_484 : memref<102400xf32, #tpu.memory_space<vmem_shared>>)
    %dma_wait3A_485 = arith.constant 0 : i32
    %dma_wait3A_486 = tpu.memref_slice %arg13[%dma_wait3A_485] : memref<102400xf32, #tpu.memory_space<vmem_shared>> -> memref<102400xf32, #tpu.memory_space<vmem_shared>>
    tpu.wait_indirect_dma semaphore(%arg38 : memref<!tpu.dma_semaphore, #tpu.memory_space<semaphore_mem>>) src(%arg24 : memref<5000xf32, #tpu.memory_space<vmem>>) dst(%dma_wait3A_486 : memref<102400xf32, #tpu.memory_space<vmem_shared>>)
    %dma_wait3A_487 = arith.constant 0 : i32
    %dma_wait3A_488 = tpu.memref_slice %arg13[%dma_wait3A_487] : memref<102400xf32, #tpu.memory_space<vmem_shared>> -> memref<102400xf32, #tpu.memory_space<vmem_shared>>
    tpu.wait_indirect_dma semaphore(%arg39 : memref<!tpu.dma_semaphore, #tpu.memory_space<semaphore_mem>>) src(%arg27 : memref<5000xf32, #tpu.memory_space<vmem>>) dst(%dma_wait3A_488 : memref<102400xf32, #tpu.memory_space<vmem_shared>>)
    %barrier3A_489 = arith.constant 0 : index
    tpu.barrier barrier_id(%barrier3A_489)
    %add3A_490 = arith.constant 0 : i32
    %add3A_491 = arith.addi %add3A_490, %arg0 : i32
    %mul3A_492 = arith.constant 102400 : i32
    %mul3A_493 = arith.muli %add3A_491, %mul3A_492 : i32
    %add3A_494 = arith.addi %mul3A_493, %mul3A_2 : i32
    "tpu.region"() ({
      %run_scoped3A = tpu.sem_alloc : memref<!tpu.dma_semaphore, #tpu.memory_space<semaphore_mem>>
      %dma_start3A_1492 = tpu.memref_slice %arg12[%add3A_494] : memref<614400xf32, #tpu.memory_space<hbm>> -> memref<6400xf32, #tpu.memory_space<hbm>>
      %dma_start3A_1493 = tpu.memref_slice %arg13[%mul3A_2] : memref<102400xf32, #tpu.memory_space<vmem_shared>> -> memref<6400xf32, #tpu.memory_space<vmem_shared>>
      tpu.enqueue_dma source(%dma_start3A_1493 : memref<6400xf32, #tpu.memory_space<vmem_shared>>) target(%dma_start3A_1492 : memref<6400xf32, #tpu.memory_space<hbm>>) target_semaphore(%run_scoped3A : memref<!tpu.dma_semaphore, #tpu.memory_space<semaphore_mem>>)
      %dma_wait3A_1494 = tpu.memref_slice %arg12[%add3A_494] : memref<614400xf32, #tpu.memory_space<hbm>> -> memref<6400xf32, #tpu.memory_space<hbm>>
      %dma_wait3A_1495 = tpu.memref_slice %arg13[%mul3A_2] : memref<102400xf32, #tpu.memory_space<vmem_shared>> -> memref<6400xf32, #tpu.memory_space<vmem_shared>>
      tpu.wait_dma2 semaphore(%run_scoped3A : memref<!tpu.dma_semaphore, #tpu.memory_space<semaphore_mem>>) src(%dma_wait3A_1495 : memref<6400xf32, #tpu.memory_space<vmem_shared>>) dst(%dma_wait3A_1494 : memref<6400xf32, #tpu.memory_space<hbm>>)
      tpu.yield
    }) : () -> ()
    %barrier3A_495 = arith.constant 0 : index
    tpu.barrier barrier_id(%barrier3A_495)
    "tpu.region"() ({
      %run_scoped3A = tpu.sem_alloc : memref<!tpu.dma_semaphore, #tpu.memory_space<semaphore_mem>>
      %dma_start3A_1492 = tpu.memref_slice %arg13[%mul3A_2] : memref<102400xf32, #tpu.memory_space<vmem_shared>> -> memref<6400xf32, #tpu.memory_space<vmem_shared>>
      %dma_start3A_1493 = tpu.memref_slice %arg11[%mul3A_2] : memref<102400xf32, #tpu.memory_space<hbm>> -> memref<6400xf32, #tpu.memory_space<hbm>>
      tpu.enqueue_dma source(%dma_start3A_1493 : memref<6400xf32, #tpu.memory_space<hbm>>) target(%dma_start3A_1492 : memref<6400xf32, #tpu.memory_space<vmem_shared>>) target_semaphore(%run_scoped3A : memref<!tpu.dma_semaphore, #tpu.memory_space<semaphore_mem>>)
      %dma_wait3A_1494 = tpu.memref_slice %arg13[%mul3A_2] : memref<102400xf32, #tpu.memory_space<vmem_shared>> -> memref<6400xf32, #tpu.memory_space<vmem_shared>>
      %dma_wait3A_1495 = tpu.memref_slice %arg11[%mul3A_2] : memref<102400xf32, #tpu.memory_space<hbm>> -> memref<6400xf32, #tpu.memory_space<hbm>>
      tpu.wait_dma2 semaphore(%run_scoped3A : memref<!tpu.dma_semaphore, #tpu.memory_space<semaphore_mem>>) src(%dma_wait3A_1495 : memref<6400xf32, #tpu.memory_space<hbm>>) dst(%dma_wait3A_1494 : memref<6400xf32, #tpu.memory_space<vmem_shared>>)
      tpu.yield
    }) : () -> ()
    %lt3A_496 = arith.constant 15 : i32
    %lt3A_497 = arith.cmpi slt, %arg1, %lt3A_496 : i32
    %convert_element_type3A_498 = arith.extui %lt3A_497 : i1 to i32
    %cond3A_499 = arith.constant 0 : i32
    %cond3A_500 = arith.cmpi ne, %convert_element_type3A_498, %cond3A_499 : i32
    scf.if %cond3A_500 {
      "tpu.region"() ({
        %run_scoped3A = tpu.sem_alloc : memref<!tpu.dma_semaphore, #tpu.memory_space<semaphore_mem>>
        %dma_start3A_1492 = tpu.memref_slice %arg14[%mul3A_2] : memref<102400xf32, #tpu.memory_space<vmem_shared>> -> memref<6400xf32, #tpu.memory_space<vmem_shared>>
        %dma_start3A_1493 = tpu.memref_slice %arg5[%mul3A_2] : memref<100000xf32, #tpu.memory_space<hbm>> -> memref<6400xf32, #tpu.memory_space<hbm>>
        tpu.enqueue_dma source(%dma_start3A_1493 : memref<6400xf32, #tpu.memory_space<hbm>>) target(%dma_start3A_1492 : memref<6400xf32, #tpu.memory_space<vmem_shared>>) target_semaphore(%run_scoped3A : memref<!tpu.dma_semaphore, #tpu.memory_space<semaphore_mem>>)
        %dma_wait3A_1494 = tpu.memref_slice %arg14[%mul3A_2] : memref<102400xf32, #tpu.memory_space<vmem_shared>> -> memref<6400xf32, #tpu.memory_space<vmem_shared>>
        %dma_wait3A_1495 = tpu.memref_slice %arg5[%mul3A_2] : memref<100000xf32, #tpu.memory_space<hbm>> -> memref<6400xf32, #tpu.memory_space<hbm>>
        tpu.wait_dma2 semaphore(%run_scoped3A : memref<!tpu.dma_semaphore, #tpu.memory_space<semaphore_mem>>) src(%dma_wait3A_1495 : memref<6400xf32, #tpu.memory_space<hbm>>) dst(%dma_wait3A_1494 : memref<6400xf32, #tpu.memory_space<vmem_shared>>)
        tpu.yield
      }) : () -> ()
    } else {
    }
    %eq3A_501 = arith.constant 15 : i32
    %eq3A_502 = arith.cmpi eq, %arg1, %eq3A_501 : i32
    %convert_element_type3A_503 = arith.extui %eq3A_502 : i1 to i32
    %cond3A_504 = arith.constant 0 : i32
    %cond3A_505 = arith.cmpi ne, %convert_element_type3A_503, %cond3A_504 : i32
    scf.if %cond3A_505 {
      "tpu.region"() ({
        %run_scoped3A = tpu.sem_alloc : memref<!tpu.dma_semaphore, #tpu.memory_space<semaphore_mem>>
        %dma_start3A_1492 = arith.constant 96000 : i32
        %dma_start3A_1493 = tpu.memref_slice %arg5[%dma_start3A_1492] : memref<100000xf32, #tpu.memory_space<hbm>> -> memref<4000xf32, #tpu.memory_space<hbm>>
        %dma_start3A_1494 = arith.constant 96000 : i32
        %dma_start3A_1495 = tpu.memref_slice %arg5[%dma_start3A_1494] : memref<100000xf32, #tpu.memory_space<hbm>> -> memref<4000xf32, #tpu.memory_space<hbm>>
        tpu.enqueue_dma source(%dma_start3A_1495 : memref<4000xf32, #tpu.memory_space<hbm>>) target(%arg15 : memref<4000xf32, #tpu.memory_space<vmem>>) target_semaphore(%run_scoped3A : memref<!tpu.dma_semaphore, #tpu.memory_space<semaphore_mem>>)
        %dma_wait3A_1496 = arith.constant 96000 : i32
        %dma_wait3A_1497 = tpu.memref_slice %arg5[%dma_wait3A_1496] : memref<100000xf32, #tpu.memory_space<hbm>> -> memref<4000xf32, #tpu.memory_space<hbm>>
        %dma_wait3A_1498 = arith.constant 96000 : i32
        %dma_wait3A_1499 = tpu.memref_slice %arg5[%dma_wait3A_1498] : memref<100000xf32, #tpu.memory_space<hbm>> -> memref<4000xf32, #tpu.memory_space<hbm>>
        tpu.wait_dma2 semaphore(%run_scoped3A : memref<!tpu.dma_semaphore, #tpu.memory_space<semaphore_mem>>) src(%dma_wait3A_1499 : memref<4000xf32, #tpu.memory_space<hbm>>) dst(%arg15 : memref<4000xf32, #tpu.memory_space<vmem>>)
        tpu.yield
      }) : () -> ()
      "tpu.region"() ({
        %run_scoped3A = tpu.sem_alloc : memref<!tpu.dma_semaphore, #tpu.memory_space<semaphore_mem>>
        %dma_start3A_1492 = arith.constant 96000 : i32
        %dma_start3A_1493 = tpu.memref_slice %arg14[%dma_start3A_1492] : memref<102400xf32, #tpu.memory_space<vmem_shared>> -> memref<4000xf32, #tpu.memory_space<vmem_shared>>
        %dma_start3A_1494 = arith.constant 96000 : i32
        %dma_start3A_1495 = tpu.memref_slice %arg14[%dma_start3A_1494] : memref<102400xf32, #tpu.memory_space<vmem_shared>> -> memref<4000xf32, #tpu.memory_space<vmem_shared>>
        tpu.enqueue_dma source(%arg15 : memref<4000xf32, #tpu.memory_space<vmem>>) target(%dma_start3A_1495 : memref<4000xf32, #tpu.memory_space<vmem_shared>>) target_semaphore(%run_scoped3A : memref<!tpu.dma_semaphore, #tpu.memory_space<semaphore_mem>>)
        %dma_wait3A_1496 = arith.constant 96000 : i32
        %dma_wait3A_1497 = tpu.memref_slice %arg14[%dma_wait3A_1496] : memref<102400xf32, #tpu.memory_space<vmem_shared>> -> memref<4000xf32, #tpu.memory_space<vmem_shared>>
        %dma_wait3A_1498 = arith.constant 96000 : i32
        %dma_wait3A_1499 = tpu.memref_slice %arg14[%dma_wait3A_1498] : memref<102400xf32, #tpu.memory_space<vmem_shared>> -> memref<4000xf32, #tpu.memory_space<vmem_shared>>
        tpu.wait_dma2 semaphore(%run_scoped3A : memref<!tpu.dma_semaphore, #tpu.memory_space<semaphore_mem>>) src(%arg15 : memref<4000xf32, #tpu.memory_space<vmem>>) dst(%dma_wait3A_1499 : memref<4000xf32, #tpu.memory_space<vmem_shared>>)
        tpu.yield
      }) : () -> ()
    } else {
    }
    %barrier3A_506 = arith.constant 0 : index
    tpu.barrier barrier_id(%barrier3A_506)
    %add3A_507 = arith.constant 0 : i32
    %add3A_508 = arith.addi %mul3A_4, %add3A_507 : i32
    %mul3A_509 = arith.constant 5000 : i32
    %mul3A_510 = arith.muli %add3A_508, %mul3A_509 : i32
    %dma_start3A_511 = tpu.memref_slice %arg6[%mul3A_510] : memref<3200000xi32, #tpu.memory_space<hbm>> -> memref<5000xi32, #tpu.memory_space<hbm>>
    %dma_start3A_512 = tpu.memref_slice %arg6[%mul3A_510] : memref<3200000xi32, #tpu.memory_space<hbm>> -> memref<5000xi32, #tpu.memory_space<hbm>>
    tpu.enqueue_dma source(%dma_start3A_512 : memref<5000xi32, #tpu.memory_space<hbm>>) target(%arg16 : memref<5000xi32, #tpu.memory_space<vmem>>) target_semaphore(%arg28 : memref<!tpu.dma_semaphore, #tpu.memory_space<semaphore_mem>>)
    %dma_start3A_513 = tpu.memref_slice %arg7[%mul3A_510] : memref<3200000xi32, #tpu.memory_space<hbm>> -> memref<5000xi32, #tpu.memory_space<hbm>>
    %dma_start3A_514 = tpu.memref_slice %arg7[%mul3A_510] : memref<3200000xi32, #tpu.memory_space<hbm>> -> memref<5000xi32, #tpu.memory_space<hbm>>
    tpu.enqueue_dma source(%dma_start3A_514 : memref<5000xi32, #tpu.memory_space<hbm>>) target(%arg17 : memref<5000xi32, #tpu.memory_space<vmem>>) target_semaphore(%arg28 : memref<!tpu.dma_semaphore, #tpu.memory_space<semaphore_mem>>)
    %dma_wait3A_515 = arith.constant 0 : i32
    %dma_wait3A_516 = tpu.memref_slice %arg6[%dma_wait3A_515] : memref<3200000xi32, #tpu.memory_space<hbm>> -> memref<5000xi32, #tpu.memory_space<hbm>>
    %dma_wait3A_517 = arith.constant 0 : i32
    %dma_wait3A_518 = tpu.memref_slice %arg6[%dma_wait3A_517] : memref<3200000xi32, #tpu.memory_space<hbm>> -> memref<5000xi32, #tpu.memory_space<hbm>>
    tpu.wait_dma2 semaphore(%arg28 : memref<!tpu.dma_semaphore, #tpu.memory_space<semaphore_mem>>) src(%dma_wait3A_518 : memref<5000xi32, #tpu.memory_space<hbm>>) dst(%arg16 : memref<5000xi32, #tpu.memory_space<vmem>>)
    %dma_wait3A_519 = arith.constant 0 : i32
    %dma_wait3A_520 = tpu.memref_slice %arg7[%dma_wait3A_519] : memref<3200000xi32, #tpu.memory_space<hbm>> -> memref<5000xi32, #tpu.memory_space<hbm>>
    %dma_wait3A_521 = arith.constant 0 : i32
    %dma_wait3A_522 = tpu.memref_slice %arg7[%dma_wait3A_521] : memref<3200000xi32, #tpu.memory_space<hbm>> -> memref<5000xi32, #tpu.memory_space<hbm>>
    tpu.wait_dma2 semaphore(%arg28 : memref<!tpu.dma_semaphore, #tpu.memory_space<semaphore_mem>>) src(%dma_wait3A_522 : memref<5000xi32, #tpu.memory_space<hbm>>) dst(%arg17 : memref<5000xi32, #tpu.memory_space<vmem>>)
    %add3A_523 = arith.constant 1 : i32
    %add3A_524 = arith.addi %mul3A_4, %add3A_523 : i32
    %mul3A_525 = arith.constant 5000 : i32
    %mul3A_526 = arith.muli %add3A_524, %mul3A_525 : i32
    %dma_start3A_527 = tpu.memref_slice %arg6[%mul3A_526] : memref<3200000xi32, #tpu.memory_space<hbm>> -> memref<5000xi32, #tpu.memory_space<hbm>>
    %dma_start3A_528 = tpu.memref_slice %arg6[%mul3A_526] : memref<3200000xi32, #tpu.memory_space<hbm>> -> memref<5000xi32, #tpu.memory_space<hbm>>
    tpu.enqueue_dma source(%dma_start3A_528 : memref<5000xi32, #tpu.memory_space<hbm>>) target(%arg19 : memref<5000xi32, #tpu.memory_space<vmem>>) target_semaphore(%arg29 : memref<!tpu.dma_semaphore, #tpu.memory_space<semaphore_mem>>)
    %dma_start3A_529 = tpu.memref_slice %arg7[%mul3A_526] : memref<3200000xi32, #tpu.memory_space<hbm>> -> memref<5000xi32, #tpu.memory_space<hbm>>
    %dma_start3A_530 = tpu.memref_slice %arg7[%mul3A_526] : memref<3200000xi32, #tpu.memory_space<hbm>> -> memref<5000xi32, #tpu.memory_space<hbm>>
    tpu.enqueue_dma source(%dma_start3A_530 : memref<5000xi32, #tpu.memory_space<hbm>>) target(%arg20 : memref<5000xi32, #tpu.memory_space<vmem>>) target_semaphore(%arg29 : memref<!tpu.dma_semaphore, #tpu.memory_space<semaphore_mem>>)
    %dma_start3A_531 = arith.constant 0 : i32
    %dma_start3A_532 = tpu.memref_slice %arg14[%dma_start3A_531] : memref<102400xf32, #tpu.memory_space<vmem_shared>> -> memref<102400xf32, #tpu.memory_space<vmem_shared>>
    tpu.enqueue_indirect_dma source(%dma_start3A_532 : memref<102400xf32, #tpu.memory_space<vmem_shared>>) target(%arg18 : memref<5000xf32, #tpu.memory_space<vmem>>) offsets(%arg16 : memref<5000xi32, #tpu.memory_space<vmem>>) semaphore(%arg32 : memref<!tpu.dma_semaphore, #tpu.memory_space<semaphore_mem>>)
    %dma_wait3A_533 = arith.constant 0 : i32
    %dma_wait3A_534 = tpu.memref_slice %arg6[%dma_wait3A_533] : memref<3200000xi32, #tpu.memory_space<hbm>> -> memref<5000xi32, #tpu.memory_space<hbm>>
    %dma_wait3A_535 = arith.constant 0 : i32
    %dma_wait3A_536 = tpu.memref_slice %arg6[%dma_wait3A_535] : memref<3200000xi32, #tpu.memory_space<hbm>> -> memref<5000xi32, #tpu.memory_space<hbm>>
    tpu.wait_dma2 semaphore(%arg29 : memref<!tpu.dma_semaphore, #tpu.memory_space<semaphore_mem>>) src(%dma_wait3A_536 : memref<5000xi32, #tpu.memory_space<hbm>>) dst(%arg19 : memref<5000xi32, #tpu.memory_space<vmem>>)
    %dma_wait3A_537 = arith.constant 0 : i32
    %dma_wait3A_538 = tpu.memref_slice %arg7[%dma_wait3A_537] : memref<3200000xi32, #tpu.memory_space<hbm>> -> memref<5000xi32, #tpu.memory_space<hbm>>
    %dma_wait3A_539 = arith.constant 0 : i32
    %dma_wait3A_540 = tpu.memref_slice %arg7[%dma_wait3A_539] : memref<3200000xi32, #tpu.memory_space<hbm>> -> memref<5000xi32, #tpu.memory_space<hbm>>
    tpu.wait_dma2 semaphore(%arg29 : memref<!tpu.dma_semaphore, #tpu.memory_space<semaphore_mem>>) src(%dma_wait3A_540 : memref<5000xi32, #tpu.memory_space<hbm>>) dst(%arg20 : memref<5000xi32, #tpu.memory_space<vmem>>)
    %add3A_541 = arith.constant 2 : i32
    %add3A_542 = arith.addi %mul3A_4, %add3A_541 : i32
    %mul3A_543 = arith.constant 5000 : i32
    %mul3A_544 = arith.muli %add3A_542, %mul3A_543 : i32
    %dma_start3A_545 = tpu.memref_slice %arg6[%mul3A_544] : memref<3200000xi32, #tpu.memory_space<hbm>> -> memref<5000xi32, #tpu.memory_space<hbm>>
    %dma_start3A_546 = tpu.memref_slice %arg6[%mul3A_544] : memref<3200000xi32, #tpu.memory_space<hbm>> -> memref<5000xi32, #tpu.memory_space<hbm>>
    tpu.enqueue_dma source(%dma_start3A_546 : memref<5000xi32, #tpu.memory_space<hbm>>) target(%arg22 : memref<5000xi32, #tpu.memory_space<vmem>>) target_semaphore(%arg30 : memref<!tpu.dma_semaphore, #tpu.memory_space<semaphore_mem>>)
    %dma_start3A_547 = tpu.memref_slice %arg7[%mul3A_544] : memref<3200000xi32, #tpu.memory_space<hbm>> -> memref<5000xi32, #tpu.memory_space<hbm>>
    %dma_start3A_548 = tpu.memref_slice %arg7[%mul3A_544] : memref<3200000xi32, #tpu.memory_space<hbm>> -> memref<5000xi32, #tpu.memory_space<hbm>>
    tpu.enqueue_dma source(%dma_start3A_548 : memref<5000xi32, #tpu.memory_space<hbm>>) target(%arg23 : memref<5000xi32, #tpu.memory_space<vmem>>) target_semaphore(%arg30 : memref<!tpu.dma_semaphore, #tpu.memory_space<semaphore_mem>>)
    %dma_start3A_549 = arith.constant 0 : i32
    %dma_start3A_550 = tpu.memref_slice %arg14[%dma_start3A_549] : memref<102400xf32, #tpu.memory_space<vmem_shared>> -> memref<102400xf32, #tpu.memory_space<vmem_shared>>
    tpu.enqueue_indirect_dma source(%dma_start3A_550 : memref<102400xf32, #tpu.memory_space<vmem_shared>>) target(%arg21 : memref<5000xf32, #tpu.memory_space<vmem>>) offsets(%arg19 : memref<5000xi32, #tpu.memory_space<vmem>>) semaphore(%arg33 : memref<!tpu.dma_semaphore, #tpu.memory_space<semaphore_mem>>)
    %dma_wait3A_551 = arith.constant 0 : i32
    %dma_wait3A_552 = tpu.memref_slice %arg6[%dma_wait3A_551] : memref<3200000xi32, #tpu.memory_space<hbm>> -> memref<5000xi32, #tpu.memory_space<hbm>>
    %dma_wait3A_553 = arith.constant 0 : i32
    %dma_wait3A_554 = tpu.memref_slice %arg6[%dma_wait3A_553] : memref<3200000xi32, #tpu.memory_space<hbm>> -> memref<5000xi32, #tpu.memory_space<hbm>>
    tpu.wait_dma2 semaphore(%arg30 : memref<!tpu.dma_semaphore, #tpu.memory_space<semaphore_mem>>) src(%dma_wait3A_554 : memref<5000xi32, #tpu.memory_space<hbm>>) dst(%arg22 : memref<5000xi32, #tpu.memory_space<vmem>>)
    %dma_wait3A_555 = arith.constant 0 : i32
    %dma_wait3A_556 = tpu.memref_slice %arg7[%dma_wait3A_555] : memref<3200000xi32, #tpu.memory_space<hbm>> -> memref<5000xi32, #tpu.memory_space<hbm>>
    %dma_wait3A_557 = arith.constant 0 : i32
    %dma_wait3A_558 = tpu.memref_slice %arg7[%dma_wait3A_557] : memref<3200000xi32, #tpu.memory_space<hbm>> -> memref<5000xi32, #tpu.memory_space<hbm>>
    tpu.wait_dma2 semaphore(%arg30 : memref<!tpu.dma_semaphore, #tpu.memory_space<semaphore_mem>>) src(%dma_wait3A_558 : memref<5000xi32, #tpu.memory_space<hbm>>) dst(%arg23 : memref<5000xi32, #tpu.memory_space<vmem>>)
    %add3A_559 = arith.constant 3 : i32
    %add3A_560 = arith.addi %mul3A_4, %add3A_559 : i32
    %mul3A_561 = arith.constant 5000 : i32
    %mul3A_562 = arith.muli %add3A_560, %mul3A_561 : i32
    %dma_start3A_563 = tpu.memref_slice %arg6[%mul3A_562] : memref<3200000xi32, #tpu.memory_space<hbm>> -> memref<5000xi32, #tpu.memory_space<hbm>>
    %dma_start3A_564 = tpu.memref_slice %arg6[%mul3A_562] : memref<3200000xi32, #tpu.memory_space<hbm>> -> memref<5000xi32, #tpu.memory_space<hbm>>
    tpu.enqueue_dma source(%dma_start3A_564 : memref<5000xi32, #tpu.memory_space<hbm>>) target(%arg25 : memref<5000xi32, #tpu.memory_space<vmem>>) target_semaphore(%arg31 : memref<!tpu.dma_semaphore, #tpu.memory_space<semaphore_mem>>)
    %dma_start3A_565 = tpu.memref_slice %arg7[%mul3A_562] : memref<3200000xi32, #tpu.memory_space<hbm>> -> memref<5000xi32, #tpu.memory_space<hbm>>
    %dma_start3A_566 = tpu.memref_slice %arg7[%mul3A_562] : memref<3200000xi32, #tpu.memory_space<hbm>> -> memref<5000xi32, #tpu.memory_space<hbm>>
    tpu.enqueue_dma source(%dma_start3A_566 : memref<5000xi32, #tpu.memory_space<hbm>>) target(%arg26 : memref<5000xi32, #tpu.memory_space<vmem>>) target_semaphore(%arg31 : memref<!tpu.dma_semaphore, #tpu.memory_space<semaphore_mem>>)
    %dma_start3A_567 = arith.constant 0 : i32
    %dma_start3A_568 = tpu.memref_slice %arg14[%dma_start3A_567] : memref<102400xf32, #tpu.memory_space<vmem_shared>> -> memref<102400xf32, #tpu.memory_space<vmem_shared>>
    tpu.enqueue_indirect_dma source(%dma_start3A_568 : memref<102400xf32, #tpu.memory_space<vmem_shared>>) target(%arg24 : memref<5000xf32, #tpu.memory_space<vmem>>) offsets(%arg22 : memref<5000xi32, #tpu.memory_space<vmem>>) semaphore(%arg34 : memref<!tpu.dma_semaphore, #tpu.memory_space<semaphore_mem>>)
    %dma_wait3A_569 = arith.constant 0 : i32
    %dma_wait3A_570 = tpu.memref_slice %arg14[%dma_wait3A_569] : memref<102400xf32, #tpu.memory_space<vmem_shared>> -> memref<102400xf32, #tpu.memory_space<vmem_shared>>
    tpu.wait_indirect_dma semaphore(%arg32 : memref<!tpu.dma_semaphore, #tpu.memory_space<semaphore_mem>>) src(%dma_wait3A_570 : memref<102400xf32, #tpu.memory_space<vmem_shared>>) dst(%arg18 : memref<5000xf32, #tpu.memory_space<vmem>>)
    %dma_start3A_571 = arith.constant 0 : i32
    %dma_start3A_572 = tpu.memref_slice %arg13[%dma_start3A_571] : memref<102400xf32, #tpu.memory_space<vmem_shared>> -> memref<102400xf32, #tpu.memory_space<vmem_shared>>
    tpu.enqueue_indirect_dma source(%arg18 : memref<5000xf32, #tpu.memory_space<vmem>>) target(%dma_start3A_572 : memref<102400xf32, #tpu.memory_space<vmem_shared>>) offsets(%arg17 : memref<5000xi32, #tpu.memory_space<vmem>>) semaphore(%arg36 : memref<!tpu.dma_semaphore, #tpu.memory_space<semaphore_mem>>) {add = true}
    %dma_wait3A_573 = arith.constant 0 : i32
    %dma_wait3A_574 = tpu.memref_slice %arg6[%dma_wait3A_573] : memref<3200000xi32, #tpu.memory_space<hbm>> -> memref<5000xi32, #tpu.memory_space<hbm>>
    %dma_wait3A_575 = arith.constant 0 : i32
    %dma_wait3A_576 = tpu.memref_slice %arg6[%dma_wait3A_575] : memref<3200000xi32, #tpu.memory_space<hbm>> -> memref<5000xi32, #tpu.memory_space<hbm>>
    tpu.wait_dma2 semaphore(%arg31 : memref<!tpu.dma_semaphore, #tpu.memory_space<semaphore_mem>>) src(%dma_wait3A_576 : memref<5000xi32, #tpu.memory_space<hbm>>) dst(%arg25 : memref<5000xi32, #tpu.memory_space<vmem>>)
    %dma_wait3A_577 = arith.constant 0 : i32
    %dma_wait3A_578 = tpu.memref_slice %arg7[%dma_wait3A_577] : memref<3200000xi32, #tpu.memory_space<hbm>> -> memref<5000xi32, #tpu.memory_space<hbm>>
    %dma_wait3A_579 = arith.constant 0 : i32
    %dma_wait3A_580 = tpu.memref_slice %arg7[%dma_wait3A_579] : memref<3200000xi32, #tpu.memory_space<hbm>> -> memref<5000xi32, #tpu.memory_space<hbm>>
    tpu.wait_dma2 semaphore(%arg31 : memref<!tpu.dma_semaphore, #tpu.memory_space<semaphore_mem>>) src(%dma_wait3A_580 : memref<5000xi32, #tpu.memory_space<hbm>>) dst(%arg26 : memref<5000xi32, #tpu.memory_space<vmem>>)
    %dma_wait3A_581 = arith.constant 0 : i32
    %dma_wait3A_582 = tpu.memref_slice %arg13[%dma_wait3A_581] : memref<102400xf32, #tpu.memory_space<vmem_shared>> -> memref<102400xf32, #tpu.memory_space<vmem_shared>>
    tpu.wait_indirect_dma semaphore(%arg36 : memref<!tpu.dma_semaphore, #tpu.memory_space<semaphore_mem>>) src(%arg18 : memref<5000xf32, #tpu.memory_space<vmem>>) dst(%dma_wait3A_582 : memref<102400xf32, #tpu.memory_space<vmem_shared>>)
    %add3A_583 = arith.constant 4 : i32
    %add3A_584 = arith.addi %mul3A_4, %add3A_583 : i32
    %mul3A_585 = arith.constant 5000 : i32
    %mul3A_586 = arith.muli %add3A_584, %mul3A_585 : i32
    %dma_start3A_587 = tpu.memref_slice %arg6[%mul3A_586] : memref<3200000xi32, #tpu.memory_space<hbm>> -> memref<5000xi32, #tpu.memory_space<hbm>>
    %dma_start3A_588 = tpu.memref_slice %arg6[%mul3A_586] : memref<3200000xi32, #tpu.memory_space<hbm>> -> memref<5000xi32, #tpu.memory_space<hbm>>
    tpu.enqueue_dma source(%dma_start3A_588 : memref<5000xi32, #tpu.memory_space<hbm>>) target(%arg16 : memref<5000xi32, #tpu.memory_space<vmem>>) target_semaphore(%arg28 : memref<!tpu.dma_semaphore, #tpu.memory_space<semaphore_mem>>)
    %dma_start3A_589 = tpu.memref_slice %arg7[%mul3A_586] : memref<3200000xi32, #tpu.memory_space<hbm>> -> memref<5000xi32, #tpu.memory_space<hbm>>
    %dma_start3A_590 = tpu.memref_slice %arg7[%mul3A_586] : memref<3200000xi32, #tpu.memory_space<hbm>> -> memref<5000xi32, #tpu.memory_space<hbm>>
    tpu.enqueue_dma source(%dma_start3A_590 : memref<5000xi32, #tpu.memory_space<hbm>>) target(%arg17 : memref<5000xi32, #tpu.memory_space<vmem>>) target_semaphore(%arg28 : memref<!tpu.dma_semaphore, #tpu.memory_space<semaphore_mem>>)
    %dma_start3A_591 = arith.constant 0 : i32
    %dma_start3A_592 = tpu.memref_slice %arg14[%dma_start3A_591] : memref<102400xf32, #tpu.memory_space<vmem_shared>> -> memref<102400xf32, #tpu.memory_space<vmem_shared>>
    tpu.enqueue_indirect_dma source(%dma_start3A_592 : memref<102400xf32, #tpu.memory_space<vmem_shared>>) target(%arg27 : memref<5000xf32, #tpu.memory_space<vmem>>) offsets(%arg25 : memref<5000xi32, #tpu.memory_space<vmem>>) semaphore(%arg35 : memref<!tpu.dma_semaphore, #tpu.memory_space<semaphore_mem>>)
    %dma_wait3A_593 = arith.constant 0 : i32
    %dma_wait3A_594 = tpu.memref_slice %arg14[%dma_wait3A_593] : memref<102400xf32, #tpu.memory_space<vmem_shared>> -> memref<102400xf32, #tpu.memory_space<vmem_shared>>
    tpu.wait_indirect_dma semaphore(%arg33 : memref<!tpu.dma_semaphore, #tpu.memory_space<semaphore_mem>>) src(%dma_wait3A_594 : memref<102400xf32, #tpu.memory_space<vmem_shared>>) dst(%arg21 : memref<5000xf32, #tpu.memory_space<vmem>>)
    %dma_start3A_595 = arith.constant 0 : i32
    %dma_start3A_596 = tpu.memref_slice %arg13[%dma_start3A_595] : memref<102400xf32, #tpu.memory_space<vmem_shared>> -> memref<102400xf32, #tpu.memory_space<vmem_shared>>
    tpu.enqueue_indirect_dma source(%arg21 : memref<5000xf32, #tpu.memory_space<vmem>>) target(%dma_start3A_596 : memref<102400xf32, #tpu.memory_space<vmem_shared>>) offsets(%arg20 : memref<5000xi32, #tpu.memory_space<vmem>>) semaphore(%arg37 : memref<!tpu.dma_semaphore, #tpu.memory_space<semaphore_mem>>) {add = true}
    %dma_wait3A_597 = arith.constant 0 : i32
    %dma_wait3A_598 = tpu.memref_slice %arg6[%dma_wait3A_597] : memref<3200000xi32, #tpu.memory_space<hbm>> -> memref<5000xi32, #tpu.memory_space<hbm>>
    %dma_wait3A_599 = arith.constant 0 : i32
    %dma_wait3A_600 = tpu.memref_slice %arg6[%dma_wait3A_599] : memref<3200000xi32, #tpu.memory_space<hbm>> -> memref<5000xi32, #tpu.memory_space<hbm>>
    tpu.wait_dma2 semaphore(%arg28 : memref<!tpu.dma_semaphore, #tpu.memory_space<semaphore_mem>>) src(%dma_wait3A_600 : memref<5000xi32, #tpu.memory_space<hbm>>) dst(%arg16 : memref<5000xi32, #tpu.memory_space<vmem>>)
    %dma_wait3A_601 = arith.constant 0 : i32
    %dma_wait3A_602 = tpu.memref_slice %arg7[%dma_wait3A_601] : memref<3200000xi32, #tpu.memory_space<hbm>> -> memref<5000xi32, #tpu.memory_space<hbm>>
    %dma_wait3A_603 = arith.constant 0 : i32
    %dma_wait3A_604 = tpu.memref_slice %arg7[%dma_wait3A_603] : memref<3200000xi32, #tpu.memory_space<hbm>> -> memref<5000xi32, #tpu.memory_space<hbm>>
    tpu.wait_dma2 semaphore(%arg28 : memref<!tpu.dma_semaphore, #tpu.memory_space<semaphore_mem>>) src(%dma_wait3A_604 : memref<5000xi32, #tpu.memory_space<hbm>>) dst(%arg17 : memref<5000xi32, #tpu.memory_space<vmem>>)
    %dma_wait3A_605 = arith.constant 0 : i32
    %dma_wait3A_606 = tpu.memref_slice %arg13[%dma_wait3A_605] : memref<102400xf32, #tpu.memory_space<vmem_shared>> -> memref<102400xf32, #tpu.memory_space<vmem_shared>>
    tpu.wait_indirect_dma semaphore(%arg37 : memref<!tpu.dma_semaphore, #tpu.memory_space<semaphore_mem>>) src(%arg21 : memref<5000xf32, #tpu.memory_space<vmem>>) dst(%dma_wait3A_606 : memref<102400xf32, #tpu.memory_space<vmem_shared>>)
    %add3A_607 = arith.constant 5 : i32
    %add3A_608 = arith.addi %mul3A_4, %add3A_607 : i32
    %mul3A_609 = arith.constant 5000 : i32
    %mul3A_610 = arith.muli %add3A_608, %mul3A_609 : i32
    %dma_start3A_611 = tpu.memref_slice %arg6[%mul3A_610] : memref<3200000xi32, #tpu.memory_space<hbm>> -> memref<5000xi32, #tpu.memory_space<hbm>>
    %dma_start3A_612 = tpu.memref_slice %arg6[%mul3A_610] : memref<3200000xi32, #tpu.memory_space<hbm>> -> memref<5000xi32, #tpu.memory_space<hbm>>
    tpu.enqueue_dma source(%dma_start3A_612 : memref<5000xi32, #tpu.memory_space<hbm>>) target(%arg19 : memref<5000xi32, #tpu.memory_space<vmem>>) target_semaphore(%arg29 : memref<!tpu.dma_semaphore, #tpu.memory_space<semaphore_mem>>)
    %dma_start3A_613 = tpu.memref_slice %arg7[%mul3A_610] : memref<3200000xi32, #tpu.memory_space<hbm>> -> memref<5000xi32, #tpu.memory_space<hbm>>
    %dma_start3A_614 = tpu.memref_slice %arg7[%mul3A_610] : memref<3200000xi32, #tpu.memory_space<hbm>> -> memref<5000xi32, #tpu.memory_space<hbm>>
    tpu.enqueue_dma source(%dma_start3A_614 : memref<5000xi32, #tpu.memory_space<hbm>>) target(%arg20 : memref<5000xi32, #tpu.memory_space<vmem>>) target_semaphore(%arg29 : memref<!tpu.dma_semaphore, #tpu.memory_space<semaphore_mem>>)
    %dma_start3A_615 = arith.constant 0 : i32
    %dma_start3A_616 = tpu.memref_slice %arg14[%dma_start3A_615] : memref<102400xf32, #tpu.memory_space<vmem_shared>> -> memref<102400xf32, #tpu.memory_space<vmem_shared>>
    tpu.enqueue_indirect_dma source(%dma_start3A_616 : memref<102400xf32, #tpu.memory_space<vmem_shared>>) target(%arg18 : memref<5000xf32, #tpu.memory_space<vmem>>) offsets(%arg16 : memref<5000xi32, #tpu.memory_space<vmem>>) semaphore(%arg32 : memref<!tpu.dma_semaphore, #tpu.memory_space<semaphore_mem>>)
    %dma_wait3A_617 = arith.constant 0 : i32
    %dma_wait3A_618 = tpu.memref_slice %arg14[%dma_wait3A_617] : memref<102400xf32, #tpu.memory_space<vmem_shared>> -> memref<102400xf32, #tpu.memory_space<vmem_shared>>
    tpu.wait_indirect_dma semaphore(%arg34 : memref<!tpu.dma_semaphore, #tpu.memory_space<semaphore_mem>>) src(%dma_wait3A_618 : memref<102400xf32, #tpu.memory_space<vmem_shared>>) dst(%arg24 : memref<5000xf32, #tpu.memory_space<vmem>>)
    %dma_start3A_619 = arith.constant 0 : i32
    %dma_start3A_620 = tpu.memref_slice %arg13[%dma_start3A_619] : memref<102400xf32, #tpu.memory_space<vmem_shared>> -> memref<102400xf32, #tpu.memory_space<vmem_shared>>
    tpu.enqueue_indirect_dma source(%arg24 : memref<5000xf32, #tpu.memory_space<vmem>>) target(%dma_start3A_620 : memref<102400xf32, #tpu.memory_space<vmem_shared>>) offsets(%arg23 : memref<5000xi32, #tpu.memory_space<vmem>>) semaphore(%arg38 : memref<!tpu.dma_semaphore, #tpu.memory_space<semaphore_mem>>) {add = true}
    %dma_wait3A_621 = arith.constant 0 : i32
    %dma_wait3A_622 = tpu.memref_slice %arg6[%dma_wait3A_621] : memref<3200000xi32, #tpu.memory_space<hbm>> -> memref<5000xi32, #tpu.memory_space<hbm>>
    %dma_wait3A_623 = arith.constant 0 : i32
    %dma_wait3A_624 = tpu.memref_slice %arg6[%dma_wait3A_623] : memref<3200000xi32, #tpu.memory_space<hbm>> -> memref<5000xi32, #tpu.memory_space<hbm>>
    tpu.wait_dma2 semaphore(%arg29 : memref<!tpu.dma_semaphore, #tpu.memory_space<semaphore_mem>>) src(%dma_wait3A_624 : memref<5000xi32, #tpu.memory_space<hbm>>) dst(%arg19 : memref<5000xi32, #tpu.memory_space<vmem>>)
    %dma_wait3A_625 = arith.constant 0 : i32
    %dma_wait3A_626 = tpu.memref_slice %arg7[%dma_wait3A_625] : memref<3200000xi32, #tpu.memory_space<hbm>> -> memref<5000xi32, #tpu.memory_space<hbm>>
    %dma_wait3A_627 = arith.constant 0 : i32
    %dma_wait3A_628 = tpu.memref_slice %arg7[%dma_wait3A_627] : memref<3200000xi32, #tpu.memory_space<hbm>> -> memref<5000xi32, #tpu.memory_space<hbm>>
    tpu.wait_dma2 semaphore(%arg29 : memref<!tpu.dma_semaphore, #tpu.memory_space<semaphore_mem>>) src(%dma_wait3A_628 : memref<5000xi32, #tpu.memory_space<hbm>>) dst(%arg20 : memref<5000xi32, #tpu.memory_space<vmem>>)
    %dma_wait3A_629 = arith.constant 0 : i32
    %dma_wait3A_630 = tpu.memref_slice %arg13[%dma_wait3A_629] : memref<102400xf32, #tpu.memory_space<vmem_shared>> -> memref<102400xf32, #tpu.memory_space<vmem_shared>>
    tpu.wait_indirect_dma semaphore(%arg38 : memref<!tpu.dma_semaphore, #tpu.memory_space<semaphore_mem>>) src(%arg24 : memref<5000xf32, #tpu.memory_space<vmem>>) dst(%dma_wait3A_630 : memref<102400xf32, #tpu.memory_space<vmem_shared>>)
    %add3A_631 = arith.constant 6 : i32
    %add3A_632 = arith.addi %mul3A_4, %add3A_631 : i32
    %mul3A_633 = arith.constant 5000 : i32
    %mul3A_634 = arith.muli %add3A_632, %mul3A_633 : i32
    %dma_start3A_635 = tpu.memref_slice %arg6[%mul3A_634] : memref<3200000xi32, #tpu.memory_space<hbm>> -> memref<5000xi32, #tpu.memory_space<hbm>>
    %dma_start3A_636 = tpu.memref_slice %arg6[%mul3A_634] : memref<3200000xi32, #tpu.memory_space<hbm>> -> memref<5000xi32, #tpu.memory_space<hbm>>
    tpu.enqueue_dma source(%dma_start3A_636 : memref<5000xi32, #tpu.memory_space<hbm>>) target(%arg22 : memref<5000xi32, #tpu.memory_space<vmem>>) target_semaphore(%arg30 : memref<!tpu.dma_semaphore, #tpu.memory_space<semaphore_mem>>)
    %dma_start3A_637 = tpu.memref_slice %arg7[%mul3A_634] : memref<3200000xi32, #tpu.memory_space<hbm>> -> memref<5000xi32, #tpu.memory_space<hbm>>
    %dma_start3A_638 = tpu.memref_slice %arg7[%mul3A_634] : memref<3200000xi32, #tpu.memory_space<hbm>> -> memref<5000xi32, #tpu.memory_space<hbm>>
    tpu.enqueue_dma source(%dma_start3A_638 : memref<5000xi32, #tpu.memory_space<hbm>>) target(%arg23 : memref<5000xi32, #tpu.memory_space<vmem>>) target_semaphore(%arg30 : memref<!tpu.dma_semaphore, #tpu.memory_space<semaphore_mem>>)
    %dma_start3A_639 = arith.constant 0 : i32
    %dma_start3A_640 = tpu.memref_slice %arg14[%dma_start3A_639] : memref<102400xf32, #tpu.memory_space<vmem_shared>> -> memref<102400xf32, #tpu.memory_space<vmem_shared>>
    tpu.enqueue_indirect_dma source(%dma_start3A_640 : memref<102400xf32, #tpu.memory_space<vmem_shared>>) target(%arg21 : memref<5000xf32, #tpu.memory_space<vmem>>) offsets(%arg19 : memref<5000xi32, #tpu.memory_space<vmem>>) semaphore(%arg33 : memref<!tpu.dma_semaphore, #tpu.memory_space<semaphore_mem>>)
    %dma_wait3A_641 = arith.constant 0 : i32
    %dma_wait3A_642 = tpu.memref_slice %arg14[%dma_wait3A_641] : memref<102400xf32, #tpu.memory_space<vmem_shared>> -> memref<102400xf32, #tpu.memory_space<vmem_shared>>
    tpu.wait_indirect_dma semaphore(%arg35 : memref<!tpu.dma_semaphore, #tpu.memory_space<semaphore_mem>>) src(%dma_wait3A_642 : memref<102400xf32, #tpu.memory_space<vmem_shared>>) dst(%arg27 : memref<5000xf32, #tpu.memory_space<vmem>>)
    %dma_start3A_643 = arith.constant 0 : i32
    %dma_start3A_644 = tpu.memref_slice %arg13[%dma_start3A_643] : memref<102400xf32, #tpu.memory_space<vmem_shared>> -> memref<102400xf32, #tpu.memory_space<vmem_shared>>
    tpu.enqueue_indirect_dma source(%arg27 : memref<5000xf32, #tpu.memory_space<vmem>>) target(%dma_start3A_644 : memref<102400xf32, #tpu.memory_space<vmem_shared>>) offsets(%arg26 : memref<5000xi32, #tpu.memory_space<vmem>>) semaphore(%arg39 : memref<!tpu.dma_semaphore, #tpu.memory_space<semaphore_mem>>) {add = true}
    %dma_wait3A_645 = arith.constant 0 : i32
    %dma_wait3A_646 = tpu.memref_slice %arg6[%dma_wait3A_645] : memref<3200000xi32, #tpu.memory_space<hbm>> -> memref<5000xi32, #tpu.memory_space<hbm>>
    %dma_wait3A_647 = arith.constant 0 : i32
    %dma_wait3A_648 = tpu.memref_slice %arg6[%dma_wait3A_647] : memref<3200000xi32, #tpu.memory_space<hbm>> -> memref<5000xi32, #tpu.memory_space<hbm>>
    tpu.wait_dma2 semaphore(%arg30 : memref<!tpu.dma_semaphore, #tpu.memory_space<semaphore_mem>>) src(%dma_wait3A_648 : memref<5000xi32, #tpu.memory_space<hbm>>) dst(%arg22 : memref<5000xi32, #tpu.memory_space<vmem>>)
    %dma_wait3A_649 = arith.constant 0 : i32
    %dma_wait3A_650 = tpu.memref_slice %arg7[%dma_wait3A_649] : memref<3200000xi32, #tpu.memory_space<hbm>> -> memref<5000xi32, #tpu.memory_space<hbm>>
    %dma_wait3A_651 = arith.constant 0 : i32
    %dma_wait3A_652 = tpu.memref_slice %arg7[%dma_wait3A_651] : memref<3200000xi32, #tpu.memory_space<hbm>> -> memref<5000xi32, #tpu.memory_space<hbm>>
    tpu.wait_dma2 semaphore(%arg30 : memref<!tpu.dma_semaphore, #tpu.memory_space<semaphore_mem>>) src(%dma_wait3A_652 : memref<5000xi32, #tpu.memory_space<hbm>>) dst(%arg23 : memref<5000xi32, #tpu.memory_space<vmem>>)
    %dma_wait3A_653 = arith.constant 0 : i32
    %dma_wait3A_654 = tpu.memref_slice %arg13[%dma_wait3A_653] : memref<102400xf32, #tpu.memory_space<vmem_shared>> -> memref<102400xf32, #tpu.memory_space<vmem_shared>>
    tpu.wait_indirect_dma semaphore(%arg39 : memref<!tpu.dma_semaphore, #tpu.memory_space<semaphore_mem>>) src(%arg27 : memref<5000xf32, #tpu.memory_space<vmem>>) dst(%dma_wait3A_654 : memref<102400xf32, #tpu.memory_space<vmem_shared>>)
    %add3A_655 = arith.constant 7 : i32
    %add3A_656 = arith.addi %mul3A_4, %add3A_655 : i32
    %mul3A_657 = arith.constant 5000 : i32
    %mul3A_658 = arith.muli %add3A_656, %mul3A_657 : i32
    %dma_start3A_659 = tpu.memref_slice %arg6[%mul3A_658] : memref<3200000xi32, #tpu.memory_space<hbm>> -> memref<5000xi32, #tpu.memory_space<hbm>>
    %dma_start3A_660 = tpu.memref_slice %arg6[%mul3A_658] : memref<3200000xi32, #tpu.memory_space<hbm>> -> memref<5000xi32, #tpu.memory_space<hbm>>
    tpu.enqueue_dma source(%dma_start3A_660 : memref<5000xi32, #tpu.memory_space<hbm>>) target(%arg25 : memref<5000xi32, #tpu.memory_space<vmem>>) target_semaphore(%arg31 : memref<!tpu.dma_semaphore, #tpu.memory_space<semaphore_mem>>)
    %dma_start3A_661 = tpu.memref_slice %arg7[%mul3A_658] : memref<3200000xi32, #tpu.memory_space<hbm>> -> memref<5000xi32, #tpu.memory_space<hbm>>
    %dma_start3A_662 = tpu.memref_slice %arg7[%mul3A_658] : memref<3200000xi32, #tpu.memory_space<hbm>> -> memref<5000xi32, #tpu.memory_space<hbm>>
    tpu.enqueue_dma source(%dma_start3A_662 : memref<5000xi32, #tpu.memory_space<hbm>>) target(%arg26 : memref<5000xi32, #tpu.memory_space<vmem>>) target_semaphore(%arg31 : memref<!tpu.dma_semaphore, #tpu.memory_space<semaphore_mem>>)
    %dma_start3A_663 = arith.constant 0 : i32
    %dma_start3A_664 = tpu.memref_slice %arg14[%dma_start3A_663] : memref<102400xf32, #tpu.memory_space<vmem_shared>> -> memref<102400xf32, #tpu.memory_space<vmem_shared>>
    tpu.enqueue_indirect_dma source(%dma_start3A_664 : memref<102400xf32, #tpu.memory_space<vmem_shared>>) target(%arg24 : memref<5000xf32, #tpu.memory_space<vmem>>) offsets(%arg22 : memref<5000xi32, #tpu.memory_space<vmem>>) semaphore(%arg34 : memref<!tpu.dma_semaphore, #tpu.memory_space<semaphore_mem>>)
    %dma_wait3A_665 = arith.constant 0 : i32
    %dma_wait3A_666 = tpu.memref_slice %arg14[%dma_wait3A_665] : memref<102400xf32, #tpu.memory_space<vmem_shared>> -> memref<102400xf32, #tpu.memory_space<vmem_shared>>
    tpu.wait_indirect_dma semaphore(%arg32 : memref<!tpu.dma_semaphore, #tpu.memory_space<semaphore_mem>>) src(%dma_wait3A_666 : memref<102400xf32, #tpu.memory_space<vmem_shared>>) dst(%arg18 : memref<5000xf32, #tpu.memory_space<vmem>>)
    %dma_start3A_667 = arith.constant 0 : i32
    %dma_start3A_668 = tpu.memref_slice %arg13[%dma_start3A_667] : memref<102400xf32, #tpu.memory_space<vmem_shared>> -> memref<102400xf32, #tpu.memory_space<vmem_shared>>
    tpu.enqueue_indirect_dma source(%arg18 : memref<5000xf32, #tpu.memory_space<vmem>>) target(%dma_start3A_668 : memref<102400xf32, #tpu.memory_space<vmem_shared>>) offsets(%arg17 : memref<5000xi32, #tpu.memory_space<vmem>>) semaphore(%arg36 : memref<!tpu.dma_semaphore, #tpu.memory_space<semaphore_mem>>) {add = true}
    %dma_wait3A_669 = arith.constant 0 : i32
    %dma_wait3A_670 = tpu.memref_slice %arg6[%dma_wait3A_669] : memref<3200000xi32, #tpu.memory_space<hbm>> -> memref<5000xi32, #tpu.memory_space<hbm>>
    %dma_wait3A_671 = arith.constant 0 : i32
    %dma_wait3A_672 = tpu.memref_slice %arg6[%dma_wait3A_671] : memref<3200000xi32, #tpu.memory_space<hbm>> -> memref<5000xi32, #tpu.memory_space<hbm>>
    tpu.wait_dma2 semaphore(%arg31 : memref<!tpu.dma_semaphore, #tpu.memory_space<semaphore_mem>>) src(%dma_wait3A_672 : memref<5000xi32, #tpu.memory_space<hbm>>) dst(%arg25 : memref<5000xi32, #tpu.memory_space<vmem>>)
    %dma_wait3A_673 = arith.constant 0 : i32
    %dma_wait3A_674 = tpu.memref_slice %arg7[%dma_wait3A_673] : memref<3200000xi32, #tpu.memory_space<hbm>> -> memref<5000xi32, #tpu.memory_space<hbm>>
    %dma_wait3A_675 = arith.constant 0 : i32
    %dma_wait3A_676 = tpu.memref_slice %arg7[%dma_wait3A_675] : memref<3200000xi32, #tpu.memory_space<hbm>> -> memref<5000xi32, #tpu.memory_space<hbm>>
    tpu.wait_dma2 semaphore(%arg31 : memref<!tpu.dma_semaphore, #tpu.memory_space<semaphore_mem>>) src(%dma_wait3A_676 : memref<5000xi32, #tpu.memory_space<hbm>>) dst(%arg26 : memref<5000xi32, #tpu.memory_space<vmem>>)
    %dma_wait3A_677 = arith.constant 0 : i32
    %dma_wait3A_678 = tpu.memref_slice %arg13[%dma_wait3A_677] : memref<102400xf32, #tpu.memory_space<vmem_shared>> -> memref<102400xf32, #tpu.memory_space<vmem_shared>>
    tpu.wait_indirect_dma semaphore(%arg36 : memref<!tpu.dma_semaphore, #tpu.memory_space<semaphore_mem>>) src(%arg18 : memref<5000xf32, #tpu.memory_space<vmem>>) dst(%dma_wait3A_678 : memref<102400xf32, #tpu.memory_space<vmem_shared>>)
    %add3A_679 = arith.constant 8 : i32
    %add3A_680 = arith.addi %mul3A_4, %add3A_679 : i32
    %mul3A_681 = arith.constant 5000 : i32
    %mul3A_682 = arith.muli %add3A_680, %mul3A_681 : i32
    %dma_start3A_683 = tpu.memref_slice %arg6[%mul3A_682] : memref<3200000xi32, #tpu.memory_space<hbm>> -> memref<5000xi32, #tpu.memory_space<hbm>>
    %dma_start3A_684 = tpu.memref_slice %arg6[%mul3A_682] : memref<3200000xi32, #tpu.memory_space<hbm>> -> memref<5000xi32, #tpu.memory_space<hbm>>
    tpu.enqueue_dma source(%dma_start3A_684 : memref<5000xi32, #tpu.memory_space<hbm>>) target(%arg16 : memref<5000xi32, #tpu.memory_space<vmem>>) target_semaphore(%arg28 : memref<!tpu.dma_semaphore, #tpu.memory_space<semaphore_mem>>)
    %dma_start3A_685 = tpu.memref_slice %arg7[%mul3A_682] : memref<3200000xi32, #tpu.memory_space<hbm>> -> memref<5000xi32, #tpu.memory_space<hbm>>
    %dma_start3A_686 = tpu.memref_slice %arg7[%mul3A_682] : memref<3200000xi32, #tpu.memory_space<hbm>> -> memref<5000xi32, #tpu.memory_space<hbm>>
    tpu.enqueue_dma source(%dma_start3A_686 : memref<5000xi32, #tpu.memory_space<hbm>>) target(%arg17 : memref<5000xi32, #tpu.memory_space<vmem>>) target_semaphore(%arg28 : memref<!tpu.dma_semaphore, #tpu.memory_space<semaphore_mem>>)
    %dma_start3A_687 = arith.constant 0 : i32
    %dma_start3A_688 = tpu.memref_slice %arg14[%dma_start3A_687] : memref<102400xf32, #tpu.memory_space<vmem_shared>> -> memref<102400xf32, #tpu.memory_space<vmem_shared>>
    tpu.enqueue_indirect_dma source(%dma_start3A_688 : memref<102400xf32, #tpu.memory_space<vmem_shared>>) target(%arg27 : memref<5000xf32, #tpu.memory_space<vmem>>) offsets(%arg25 : memref<5000xi32, #tpu.memory_space<vmem>>) semaphore(%arg35 : memref<!tpu.dma_semaphore, #tpu.memory_space<semaphore_mem>>)
    %dma_wait3A_689 = arith.constant 0 : i32
    %dma_wait3A_690 = tpu.memref_slice %arg14[%dma_wait3A_689] : memref<102400xf32, #tpu.memory_space<vmem_shared>> -> memref<102400xf32, #tpu.memory_space<vmem_shared>>
    tpu.wait_indirect_dma semaphore(%arg33 : memref<!tpu.dma_semaphore, #tpu.memory_space<semaphore_mem>>) src(%dma_wait3A_690 : memref<102400xf32, #tpu.memory_space<vmem_shared>>) dst(%arg21 : memref<5000xf32, #tpu.memory_space<vmem>>)
    %dma_start3A_691 = arith.constant 0 : i32
    %dma_start3A_692 = tpu.memref_slice %arg13[%dma_start3A_691] : memref<102400xf32, #tpu.memory_space<vmem_shared>> -> memref<102400xf32, #tpu.memory_space<vmem_shared>>
    tpu.enqueue_indirect_dma source(%arg21 : memref<5000xf32, #tpu.memory_space<vmem>>) target(%dma_start3A_692 : memref<102400xf32, #tpu.memory_space<vmem_shared>>) offsets(%arg20 : memref<5000xi32, #tpu.memory_space<vmem>>) semaphore(%arg37 : memref<!tpu.dma_semaphore, #tpu.memory_space<semaphore_mem>>) {add = true}
    %dma_wait3A_693 = arith.constant 0 : i32
    %dma_wait3A_694 = tpu.memref_slice %arg6[%dma_wait3A_693] : memref<3200000xi32, #tpu.memory_space<hbm>> -> memref<5000xi32, #tpu.memory_space<hbm>>
    %dma_wait3A_695 = arith.constant 0 : i32
    %dma_wait3A_696 = tpu.memref_slice %arg6[%dma_wait3A_695] : memref<3200000xi32, #tpu.memory_space<hbm>> -> memref<5000xi32, #tpu.memory_space<hbm>>
    tpu.wait_dma2 semaphore(%arg28 : memref<!tpu.dma_semaphore, #tpu.memory_space<semaphore_mem>>) src(%dma_wait3A_696 : memref<5000xi32, #tpu.memory_space<hbm>>) dst(%arg16 : memref<5000xi32, #tpu.memory_space<vmem>>)
    %dma_wait3A_697 = arith.constant 0 : i32
    %dma_wait3A_698 = tpu.memref_slice %arg7[%dma_wait3A_697] : memref<3200000xi32, #tpu.memory_space<hbm>> -> memref<5000xi32, #tpu.memory_space<hbm>>
    %dma_wait3A_699 = arith.constant 0 : i32
    %dma_wait3A_700 = tpu.memref_slice %arg7[%dma_wait3A_699] : memref<3200000xi32, #tpu.memory_space<hbm>> -> memref<5000xi32, #tpu.memory_space<hbm>>
    tpu.wait_dma2 semaphore(%arg28 : memref<!tpu.dma_semaphore, #tpu.memory_space<semaphore_mem>>) src(%dma_wait3A_700 : memref<5000xi32, #tpu.memory_space<hbm>>) dst(%arg17 : memref<5000xi32, #tpu.memory_space<vmem>>)
    %dma_wait3A_701 = arith.constant 0 : i32
    %dma_wait3A_702 = tpu.memref_slice %arg13[%dma_wait3A_701] : memref<102400xf32, #tpu.memory_space<vmem_shared>> -> memref<102400xf32, #tpu.memory_space<vmem_shared>>
    tpu.wait_indirect_dma semaphore(%arg37 : memref<!tpu.dma_semaphore, #tpu.memory_space<semaphore_mem>>) src(%arg21 : memref<5000xf32, #tpu.memory_space<vmem>>) dst(%dma_wait3A_702 : memref<102400xf32, #tpu.memory_space<vmem_shared>>)
    %add3A_703 = arith.constant 9 : i32
    %add3A_704 = arith.addi %mul3A_4, %add3A_703 : i32
    %mul3A_705 = arith.constant 5000 : i32
    %mul3A_706 = arith.muli %add3A_704, %mul3A_705 : i32
    %dma_start3A_707 = tpu.memref_slice %arg6[%mul3A_706] : memref<3200000xi32, #tpu.memory_space<hbm>> -> memref<5000xi32, #tpu.memory_space<hbm>>
    %dma_start3A_708 = tpu.memref_slice %arg6[%mul3A_706] : memref<3200000xi32, #tpu.memory_space<hbm>> -> memref<5000xi32, #tpu.memory_space<hbm>>
    tpu.enqueue_dma source(%dma_start3A_708 : memref<5000xi32, #tpu.memory_space<hbm>>) target(%arg19 : memref<5000xi32, #tpu.memory_space<vmem>>) target_semaphore(%arg29 : memref<!tpu.dma_semaphore, #tpu.memory_space<semaphore_mem>>)
    %dma_start3A_709 = tpu.memref_slice %arg7[%mul3A_706] : memref<3200000xi32, #tpu.memory_space<hbm>> -> memref<5000xi32, #tpu.memory_space<hbm>>
    %dma_start3A_710 = tpu.memref_slice %arg7[%mul3A_706] : memref<3200000xi32, #tpu.memory_space<hbm>> -> memref<5000xi32, #tpu.memory_space<hbm>>
    tpu.enqueue_dma source(%dma_start3A_710 : memref<5000xi32, #tpu.memory_space<hbm>>) target(%arg20 : memref<5000xi32, #tpu.memory_space<vmem>>) target_semaphore(%arg29 : memref<!tpu.dma_semaphore, #tpu.memory_space<semaphore_mem>>)
    %dma_start3A_711 = arith.constant 0 : i32
    %dma_start3A_712 = tpu.memref_slice %arg14[%dma_start3A_711] : memref<102400xf32, #tpu.memory_space<vmem_shared>> -> memref<102400xf32, #tpu.memory_space<vmem_shared>>
    tpu.enqueue_indirect_dma source(%dma_start3A_712 : memref<102400xf32, #tpu.memory_space<vmem_shared>>) target(%arg18 : memref<5000xf32, #tpu.memory_space<vmem>>) offsets(%arg16 : memref<5000xi32, #tpu.memory_space<vmem>>) semaphore(%arg32 : memref<!tpu.dma_semaphore, #tpu.memory_space<semaphore_mem>>)
    %dma_wait3A_713 = arith.constant 0 : i32
    %dma_wait3A_714 = tpu.memref_slice %arg14[%dma_wait3A_713] : memref<102400xf32, #tpu.memory_space<vmem_shared>> -> memref<102400xf32, #tpu.memory_space<vmem_shared>>
    tpu.wait_indirect_dma semaphore(%arg34 : memref<!tpu.dma_semaphore, #tpu.memory_space<semaphore_mem>>) src(%dma_wait3A_714 : memref<102400xf32, #tpu.memory_space<vmem_shared>>) dst(%arg24 : memref<5000xf32, #tpu.memory_space<vmem>>)
    %dma_start3A_715 = arith.constant 0 : i32
    %dma_start3A_716 = tpu.memref_slice %arg13[%dma_start3A_715] : memref<102400xf32, #tpu.memory_space<vmem_shared>> -> memref<102400xf32, #tpu.memory_space<vmem_shared>>
    tpu.enqueue_indirect_dma source(%arg24 : memref<5000xf32, #tpu.memory_space<vmem>>) target(%dma_start3A_716 : memref<102400xf32, #tpu.memory_space<vmem_shared>>) offsets(%arg23 : memref<5000xi32, #tpu.memory_space<vmem>>) semaphore(%arg38 : memref<!tpu.dma_semaphore, #tpu.memory_space<semaphore_mem>>) {add = true}
    %dma_wait3A_717 = arith.constant 0 : i32
    %dma_wait3A_718 = tpu.memref_slice %arg6[%dma_wait3A_717] : memref<3200000xi32, #tpu.memory_space<hbm>> -> memref<5000xi32, #tpu.memory_space<hbm>>
    %dma_wait3A_719 = arith.constant 0 : i32
    %dma_wait3A_720 = tpu.memref_slice %arg6[%dma_wait3A_719] : memref<3200000xi32, #tpu.memory_space<hbm>> -> memref<5000xi32, #tpu.memory_space<hbm>>
    tpu.wait_dma2 semaphore(%arg29 : memref<!tpu.dma_semaphore, #tpu.memory_space<semaphore_mem>>) src(%dma_wait3A_720 : memref<5000xi32, #tpu.memory_space<hbm>>) dst(%arg19 : memref<5000xi32, #tpu.memory_space<vmem>>)
    %dma_wait3A_721 = arith.constant 0 : i32
    %dma_wait3A_722 = tpu.memref_slice %arg7[%dma_wait3A_721] : memref<3200000xi32, #tpu.memory_space<hbm>> -> memref<5000xi32, #tpu.memory_space<hbm>>
    %dma_wait3A_723 = arith.constant 0 : i32
    %dma_wait3A_724 = tpu.memref_slice %arg7[%dma_wait3A_723] : memref<3200000xi32, #tpu.memory_space<hbm>> -> memref<5000xi32, #tpu.memory_space<hbm>>
    tpu.wait_dma2 semaphore(%arg29 : memref<!tpu.dma_semaphore, #tpu.memory_space<semaphore_mem>>) src(%dma_wait3A_724 : memref<5000xi32, #tpu.memory_space<hbm>>) dst(%arg20 : memref<5000xi32, #tpu.memory_space<vmem>>)
    %dma_wait3A_725 = arith.constant 0 : i32
    %dma_wait3A_726 = tpu.memref_slice %arg13[%dma_wait3A_725] : memref<102400xf32, #tpu.memory_space<vmem_shared>> -> memref<102400xf32, #tpu.memory_space<vmem_shared>>
    tpu.wait_indirect_dma semaphore(%arg38 : memref<!tpu.dma_semaphore, #tpu.memory_space<semaphore_mem>>) src(%arg24 : memref<5000xf32, #tpu.memory_space<vmem>>) dst(%dma_wait3A_726 : memref<102400xf32, #tpu.memory_space<vmem_shared>>)
    %add3A_727 = arith.constant 10 : i32
    %add3A_728 = arith.addi %mul3A_4, %add3A_727 : i32
    %mul3A_729 = arith.constant 5000 : i32
    %mul3A_730 = arith.muli %add3A_728, %mul3A_729 : i32
    %dma_start3A_731 = tpu.memref_slice %arg6[%mul3A_730] : memref<3200000xi32, #tpu.memory_space<hbm>> -> memref<5000xi32, #tpu.memory_space<hbm>>
    %dma_start3A_732 = tpu.memref_slice %arg6[%mul3A_730] : memref<3200000xi32, #tpu.memory_space<hbm>> -> memref<5000xi32, #tpu.memory_space<hbm>>
    tpu.enqueue_dma source(%dma_start3A_732 : memref<5000xi32, #tpu.memory_space<hbm>>) target(%arg22 : memref<5000xi32, #tpu.memory_space<vmem>>) target_semaphore(%arg30 : memref<!tpu.dma_semaphore, #tpu.memory_space<semaphore_mem>>)
    %dma_start3A_733 = tpu.memref_slice %arg7[%mul3A_730] : memref<3200000xi32, #tpu.memory_space<hbm>> -> memref<5000xi32, #tpu.memory_space<hbm>>
    %dma_start3A_734 = tpu.memref_slice %arg7[%mul3A_730] : memref<3200000xi32, #tpu.memory_space<hbm>> -> memref<5000xi32, #tpu.memory_space<hbm>>
    tpu.enqueue_dma source(%dma_start3A_734 : memref<5000xi32, #tpu.memory_space<hbm>>) target(%arg23 : memref<5000xi32, #tpu.memory_space<vmem>>) target_semaphore(%arg30 : memref<!tpu.dma_semaphore, #tpu.memory_space<semaphore_mem>>)
    %dma_start3A_735 = arith.constant 0 : i32
    %dma_start3A_736 = tpu.memref_slice %arg14[%dma_start3A_735] : memref<102400xf32, #tpu.memory_space<vmem_shared>> -> memref<102400xf32, #tpu.memory_space<vmem_shared>>
    tpu.enqueue_indirect_dma source(%dma_start3A_736 : memref<102400xf32, #tpu.memory_space<vmem_shared>>) target(%arg21 : memref<5000xf32, #tpu.memory_space<vmem>>) offsets(%arg19 : memref<5000xi32, #tpu.memory_space<vmem>>) semaphore(%arg33 : memref<!tpu.dma_semaphore, #tpu.memory_space<semaphore_mem>>)
    %dma_wait3A_737 = arith.constant 0 : i32
    %dma_wait3A_738 = tpu.memref_slice %arg14[%dma_wait3A_737] : memref<102400xf32, #tpu.memory_space<vmem_shared>> -> memref<102400xf32, #tpu.memory_space<vmem_shared>>
    tpu.wait_indirect_dma semaphore(%arg35 : memref<!tpu.dma_semaphore, #tpu.memory_space<semaphore_mem>>) src(%dma_wait3A_738 : memref<102400xf32, #tpu.memory_space<vmem_shared>>) dst(%arg27 : memref<5000xf32, #tpu.memory_space<vmem>>)
    %dma_start3A_739 = arith.constant 0 : i32
    %dma_start3A_740 = tpu.memref_slice %arg13[%dma_start3A_739] : memref<102400xf32, #tpu.memory_space<vmem_shared>> -> memref<102400xf32, #tpu.memory_space<vmem_shared>>
    tpu.enqueue_indirect_dma source(%arg27 : memref<5000xf32, #tpu.memory_space<vmem>>) target(%dma_start3A_740 : memref<102400xf32, #tpu.memory_space<vmem_shared>>) offsets(%arg26 : memref<5000xi32, #tpu.memory_space<vmem>>) semaphore(%arg39 : memref<!tpu.dma_semaphore, #tpu.memory_space<semaphore_mem>>) {add = true}
    %dma_wait3A_741 = arith.constant 0 : i32
    %dma_wait3A_742 = tpu.memref_slice %arg6[%dma_wait3A_741] : memref<3200000xi32, #tpu.memory_space<hbm>> -> memref<5000xi32, #tpu.memory_space<hbm>>
    %dma_wait3A_743 = arith.constant 0 : i32
    %dma_wait3A_744 = tpu.memref_slice %arg6[%dma_wait3A_743] : memref<3200000xi32, #tpu.memory_space<hbm>> -> memref<5000xi32, #tpu.memory_space<hbm>>
    tpu.wait_dma2 semaphore(%arg30 : memref<!tpu.dma_semaphore, #tpu.memory_space<semaphore_mem>>) src(%dma_wait3A_744 : memref<5000xi32, #tpu.memory_space<hbm>>) dst(%arg22 : memref<5000xi32, #tpu.memory_space<vmem>>)
    %dma_wait3A_745 = arith.constant 0 : i32
    %dma_wait3A_746 = tpu.memref_slice %arg7[%dma_wait3A_745] : memref<3200000xi32, #tpu.memory_space<hbm>> -> memref<5000xi32, #tpu.memory_space<hbm>>
    %dma_wait3A_747 = arith.constant 0 : i32
    %dma_wait3A_748 = tpu.memref_slice %arg7[%dma_wait3A_747] : memref<3200000xi32, #tpu.memory_space<hbm>> -> memref<5000xi32, #tpu.memory_space<hbm>>
    tpu.wait_dma2 semaphore(%arg30 : memref<!tpu.dma_semaphore, #tpu.memory_space<semaphore_mem>>) src(%dma_wait3A_748 : memref<5000xi32, #tpu.memory_space<hbm>>) dst(%arg23 : memref<5000xi32, #tpu.memory_space<vmem>>)
    %dma_wait3A_749 = arith.constant 0 : i32
    %dma_wait3A_750 = tpu.memref_slice %arg13[%dma_wait3A_749] : memref<102400xf32, #tpu.memory_space<vmem_shared>> -> memref<102400xf32, #tpu.memory_space<vmem_shared>>
    tpu.wait_indirect_dma semaphore(%arg39 : memref<!tpu.dma_semaphore, #tpu.memory_space<semaphore_mem>>) src(%arg27 : memref<5000xf32, #tpu.memory_space<vmem>>) dst(%dma_wait3A_750 : memref<102400xf32, #tpu.memory_space<vmem_shared>>)
    %add3A_751 = arith.constant 11 : i32
    %add3A_752 = arith.addi %mul3A_4, %add3A_751 : i32
    %mul3A_753 = arith.constant 5000 : i32
    %mul3A_754 = arith.muli %add3A_752, %mul3A_753 : i32
    %dma_start3A_755 = tpu.memref_slice %arg6[%mul3A_754] : memref<3200000xi32, #tpu.memory_space<hbm>> -> memref<5000xi32, #tpu.memory_space<hbm>>
    %dma_start3A_756 = tpu.memref_slice %arg6[%mul3A_754] : memref<3200000xi32, #tpu.memory_space<hbm>> -> memref<5000xi32, #tpu.memory_space<hbm>>
    tpu.enqueue_dma source(%dma_start3A_756 : memref<5000xi32, #tpu.memory_space<hbm>>) target(%arg25 : memref<5000xi32, #tpu.memory_space<vmem>>) target_semaphore(%arg31 : memref<!tpu.dma_semaphore, #tpu.memory_space<semaphore_mem>>)
    %dma_start3A_757 = tpu.memref_slice %arg7[%mul3A_754] : memref<3200000xi32, #tpu.memory_space<hbm>> -> memref<5000xi32, #tpu.memory_space<hbm>>
    %dma_start3A_758 = tpu.memref_slice %arg7[%mul3A_754] : memref<3200000xi32, #tpu.memory_space<hbm>> -> memref<5000xi32, #tpu.memory_space<hbm>>
    tpu.enqueue_dma source(%dma_start3A_758 : memref<5000xi32, #tpu.memory_space<hbm>>) target(%arg26 : memref<5000xi32, #tpu.memory_space<vmem>>) target_semaphore(%arg31 : memref<!tpu.dma_semaphore, #tpu.memory_space<semaphore_mem>>)
    %dma_start3A_759 = arith.constant 0 : i32
    %dma_start3A_760 = tpu.memref_slice %arg14[%dma_start3A_759] : memref<102400xf32, #tpu.memory_space<vmem_shared>> -> memref<102400xf32, #tpu.memory_space<vmem_shared>>
    tpu.enqueue_indirect_dma source(%dma_start3A_760 : memref<102400xf32, #tpu.memory_space<vmem_shared>>) target(%arg24 : memref<5000xf32, #tpu.memory_space<vmem>>) offsets(%arg22 : memref<5000xi32, #tpu.memory_space<vmem>>) semaphore(%arg34 : memref<!tpu.dma_semaphore, #tpu.memory_space<semaphore_mem>>)
    %dma_wait3A_761 = arith.constant 0 : i32
    %dma_wait3A_762 = tpu.memref_slice %arg14[%dma_wait3A_761] : memref<102400xf32, #tpu.memory_space<vmem_shared>> -> memref<102400xf32, #tpu.memory_space<vmem_shared>>
    tpu.wait_indirect_dma semaphore(%arg32 : memref<!tpu.dma_semaphore, #tpu.memory_space<semaphore_mem>>) src(%dma_wait3A_762 : memref<102400xf32, #tpu.memory_space<vmem_shared>>) dst(%arg18 : memref<5000xf32, #tpu.memory_space<vmem>>)
    %dma_start3A_763 = arith.constant 0 : i32
    %dma_start3A_764 = tpu.memref_slice %arg13[%dma_start3A_763] : memref<102400xf32, #tpu.memory_space<vmem_shared>> -> memref<102400xf32, #tpu.memory_space<vmem_shared>>
    tpu.enqueue_indirect_dma source(%arg18 : memref<5000xf32, #tpu.memory_space<vmem>>) target(%dma_start3A_764 : memref<102400xf32, #tpu.memory_space<vmem_shared>>) offsets(%arg17 : memref<5000xi32, #tpu.memory_space<vmem>>) semaphore(%arg36 : memref<!tpu.dma_semaphore, #tpu.memory_space<semaphore_mem>>) {add = true}
    %dma_wait3A_765 = arith.constant 0 : i32
    %dma_wait3A_766 = tpu.memref_slice %arg6[%dma_wait3A_765] : memref<3200000xi32, #tpu.memory_space<hbm>> -> memref<5000xi32, #tpu.memory_space<hbm>>
    %dma_wait3A_767 = arith.constant 0 : i32
    %dma_wait3A_768 = tpu.memref_slice %arg6[%dma_wait3A_767] : memref<3200000xi32, #tpu.memory_space<hbm>> -> memref<5000xi32, #tpu.memory_space<hbm>>
    tpu.wait_dma2 semaphore(%arg31 : memref<!tpu.dma_semaphore, #tpu.memory_space<semaphore_mem>>) src(%dma_wait3A_768 : memref<5000xi32, #tpu.memory_space<hbm>>) dst(%arg25 : memref<5000xi32, #tpu.memory_space<vmem>>)
    %dma_wait3A_769 = arith.constant 0 : i32
    %dma_wait3A_770 = tpu.memref_slice %arg7[%dma_wait3A_769] : memref<3200000xi32, #tpu.memory_space<hbm>> -> memref<5000xi32, #tpu.memory_space<hbm>>
    %dma_wait3A_771 = arith.constant 0 : i32
    %dma_wait3A_772 = tpu.memref_slice %arg7[%dma_wait3A_771] : memref<3200000xi32, #tpu.memory_space<hbm>> -> memref<5000xi32, #tpu.memory_space<hbm>>
    tpu.wait_dma2 semaphore(%arg31 : memref<!tpu.dma_semaphore, #tpu.memory_space<semaphore_mem>>) src(%dma_wait3A_772 : memref<5000xi32, #tpu.memory_space<hbm>>) dst(%arg26 : memref<5000xi32, #tpu.memory_space<vmem>>)
    %dma_wait3A_773 = arith.constant 0 : i32
    %dma_wait3A_774 = tpu.memref_slice %arg13[%dma_wait3A_773] : memref<102400xf32, #tpu.memory_space<vmem_shared>> -> memref<102400xf32, #tpu.memory_space<vmem_shared>>
    tpu.wait_indirect_dma semaphore(%arg36 : memref<!tpu.dma_semaphore, #tpu.memory_space<semaphore_mem>>) src(%arg18 : memref<5000xf32, #tpu.memory_space<vmem>>) dst(%dma_wait3A_774 : memref<102400xf32, #tpu.memory_space<vmem_shared>>)
    %add3A_775 = arith.constant 12 : i32
    %add3A_776 = arith.addi %mul3A_4, %add3A_775 : i32
    %mul3A_777 = arith.constant 5000 : i32
    %mul3A_778 = arith.muli %add3A_776, %mul3A_777 : i32
    %dma_start3A_779 = tpu.memref_slice %arg6[%mul3A_778] : memref<3200000xi32, #tpu.memory_space<hbm>> -> memref<5000xi32, #tpu.memory_space<hbm>>
    %dma_start3A_780 = tpu.memref_slice %arg6[%mul3A_778] : memref<3200000xi32, #tpu.memory_space<hbm>> -> memref<5000xi32, #tpu.memory_space<hbm>>
    tpu.enqueue_dma source(%dma_start3A_780 : memref<5000xi32, #tpu.memory_space<hbm>>) target(%arg16 : memref<5000xi32, #tpu.memory_space<vmem>>) target_semaphore(%arg28 : memref<!tpu.dma_semaphore, #tpu.memory_space<semaphore_mem>>)
    %dma_start3A_781 = tpu.memref_slice %arg7[%mul3A_778] : memref<3200000xi32, #tpu.memory_space<hbm>> -> memref<5000xi32, #tpu.memory_space<hbm>>
    %dma_start3A_782 = tpu.memref_slice %arg7[%mul3A_778] : memref<3200000xi32, #tpu.memory_space<hbm>> -> memref<5000xi32, #tpu.memory_space<hbm>>
    tpu.enqueue_dma source(%dma_start3A_782 : memref<5000xi32, #tpu.memory_space<hbm>>) target(%arg17 : memref<5000xi32, #tpu.memory_space<vmem>>) target_semaphore(%arg28 : memref<!tpu.dma_semaphore, #tpu.memory_space<semaphore_mem>>)
    %dma_start3A_783 = arith.constant 0 : i32
    %dma_start3A_784 = tpu.memref_slice %arg14[%dma_start3A_783] : memref<102400xf32, #tpu.memory_space<vmem_shared>> -> memref<102400xf32, #tpu.memory_space<vmem_shared>>
    tpu.enqueue_indirect_dma source(%dma_start3A_784 : memref<102400xf32, #tpu.memory_space<vmem_shared>>) target(%arg27 : memref<5000xf32, #tpu.memory_space<vmem>>) offsets(%arg25 : memref<5000xi32, #tpu.memory_space<vmem>>) semaphore(%arg35 : memref<!tpu.dma_semaphore, #tpu.memory_space<semaphore_mem>>)
    %dma_wait3A_785 = arith.constant 0 : i32
    %dma_wait3A_786 = tpu.memref_slice %arg14[%dma_wait3A_785] : memref<102400xf32, #tpu.memory_space<vmem_shared>> -> memref<102400xf32, #tpu.memory_space<vmem_shared>>
    tpu.wait_indirect_dma semaphore(%arg33 : memref<!tpu.dma_semaphore, #tpu.memory_space<semaphore_mem>>) src(%dma_wait3A_786 : memref<102400xf32, #tpu.memory_space<vmem_shared>>) dst(%arg21 : memref<5000xf32, #tpu.memory_space<vmem>>)
    %dma_start3A_787 = arith.constant 0 : i32
    %dma_start3A_788 = tpu.memref_slice %arg13[%dma_start3A_787] : memref<102400xf32, #tpu.memory_space<vmem_shared>> -> memref<102400xf32, #tpu.memory_space<vmem_shared>>
    tpu.enqueue_indirect_dma source(%arg21 : memref<5000xf32, #tpu.memory_space<vmem>>) target(%dma_start3A_788 : memref<102400xf32, #tpu.memory_space<vmem_shared>>) offsets(%arg20 : memref<5000xi32, #tpu.memory_space<vmem>>) semaphore(%arg37 : memref<!tpu.dma_semaphore, #tpu.memory_space<semaphore_mem>>) {add = true}
    %dma_wait3A_789 = arith.constant 0 : i32
    %dma_wait3A_790 = tpu.memref_slice %arg6[%dma_wait3A_789] : memref<3200000xi32, #tpu.memory_space<hbm>> -> memref<5000xi32, #tpu.memory_space<hbm>>
    %dma_wait3A_791 = arith.constant 0 : i32
    %dma_wait3A_792 = tpu.memref_slice %arg6[%dma_wait3A_791] : memref<3200000xi32, #tpu.memory_space<hbm>> -> memref<5000xi32, #tpu.memory_space<hbm>>
    tpu.wait_dma2 semaphore(%arg28 : memref<!tpu.dma_semaphore, #tpu.memory_space<semaphore_mem>>) src(%dma_wait3A_792 : memref<5000xi32, #tpu.memory_space<hbm>>) dst(%arg16 : memref<5000xi32, #tpu.memory_space<vmem>>)
    %dma_wait3A_793 = arith.constant 0 : i32
    %dma_wait3A_794 = tpu.memref_slice %arg7[%dma_wait3A_793] : memref<3200000xi32, #tpu.memory_space<hbm>> -> memref<5000xi32, #tpu.memory_space<hbm>>
    %dma_wait3A_795 = arith.constant 0 : i32
    %dma_wait3A_796 = tpu.memref_slice %arg7[%dma_wait3A_795] : memref<3200000xi32, #tpu.memory_space<hbm>> -> memref<5000xi32, #tpu.memory_space<hbm>>
    tpu.wait_dma2 semaphore(%arg28 : memref<!tpu.dma_semaphore, #tpu.memory_space<semaphore_mem>>) src(%dma_wait3A_796 : memref<5000xi32, #tpu.memory_space<hbm>>) dst(%arg17 : memref<5000xi32, #tpu.memory_space<vmem>>)
    %dma_wait3A_797 = arith.constant 0 : i32
    %dma_wait3A_798 = tpu.memref_slice %arg13[%dma_wait3A_797] : memref<102400xf32, #tpu.memory_space<vmem_shared>> -> memref<102400xf32, #tpu.memory_space<vmem_shared>>
    tpu.wait_indirect_dma semaphore(%arg37 : memref<!tpu.dma_semaphore, #tpu.memory_space<semaphore_mem>>) src(%arg21 : memref<5000xf32, #tpu.memory_space<vmem>>) dst(%dma_wait3A_798 : memref<102400xf32, #tpu.memory_space<vmem_shared>>)
    %add3A_799 = arith.constant 13 : i32
    %add3A_800 = arith.addi %mul3A_4, %add3A_799 : i32
    %mul3A_801 = arith.constant 5000 : i32
    %mul3A_802 = arith.muli %add3A_800, %mul3A_801 : i32
    %dma_start3A_803 = tpu.memref_slice %arg6[%mul3A_802] : memref<3200000xi32, #tpu.memory_space<hbm>> -> memref<5000xi32, #tpu.memory_space<hbm>>
    %dma_start3A_804 = tpu.memref_slice %arg6[%mul3A_802] : memref<3200000xi32, #tpu.memory_space<hbm>> -> memref<5000xi32, #tpu.memory_space<hbm>>
    tpu.enqueue_dma source(%dma_start3A_804 : memref<5000xi32, #tpu.memory_space<hbm>>) target(%arg19 : memref<5000xi32, #tpu.memory_space<vmem>>) target_semaphore(%arg29 : memref<!tpu.dma_semaphore, #tpu.memory_space<semaphore_mem>>)
    %dma_start3A_805 = tpu.memref_slice %arg7[%mul3A_802] : memref<3200000xi32, #tpu.memory_space<hbm>> -> memref<5000xi32, #tpu.memory_space<hbm>>
    %dma_start3A_806 = tpu.memref_slice %arg7[%mul3A_802] : memref<3200000xi32, #tpu.memory_space<hbm>> -> memref<5000xi32, #tpu.memory_space<hbm>>
    tpu.enqueue_dma source(%dma_start3A_806 : memref<5000xi32, #tpu.memory_space<hbm>>) target(%arg20 : memref<5000xi32, #tpu.memory_space<vmem>>) target_semaphore(%arg29 : memref<!tpu.dma_semaphore, #tpu.memory_space<semaphore_mem>>)
    %dma_start3A_807 = arith.constant 0 : i32
    %dma_start3A_808 = tpu.memref_slice %arg14[%dma_start3A_807] : memref<102400xf32, #tpu.memory_space<vmem_shared>> -> memref<102400xf32, #tpu.memory_space<vmem_shared>>
    tpu.enqueue_indirect_dma source(%dma_start3A_808 : memref<102400xf32, #tpu.memory_space<vmem_shared>>) target(%arg18 : memref<5000xf32, #tpu.memory_space<vmem>>) offsets(%arg16 : memref<5000xi32, #tpu.memory_space<vmem>>) semaphore(%arg32 : memref<!tpu.dma_semaphore, #tpu.memory_space<semaphore_mem>>)
    %dma_wait3A_809 = arith.constant 0 : i32
    %dma_wait3A_810 = tpu.memref_slice %arg14[%dma_wait3A_809] : memref<102400xf32, #tpu.memory_space<vmem_shared>> -> memref<102400xf32, #tpu.memory_space<vmem_shared>>
    tpu.wait_indirect_dma semaphore(%arg34 : memref<!tpu.dma_semaphore, #tpu.memory_space<semaphore_mem>>) src(%dma_wait3A_810 : memref<102400xf32, #tpu.memory_space<vmem_shared>>) dst(%arg24 : memref<5000xf32, #tpu.memory_space<vmem>>)
    %dma_start3A_811 = arith.constant 0 : i32
    %dma_start3A_812 = tpu.memref_slice %arg13[%dma_start3A_811] : memref<102400xf32, #tpu.memory_space<vmem_shared>> -> memref<102400xf32, #tpu.memory_space<vmem_shared>>
    tpu.enqueue_indirect_dma source(%arg24 : memref<5000xf32, #tpu.memory_space<vmem>>) target(%dma_start3A_812 : memref<102400xf32, #tpu.memory_space<vmem_shared>>) offsets(%arg23 : memref<5000xi32, #tpu.memory_space<vmem>>) semaphore(%arg38 : memref<!tpu.dma_semaphore, #tpu.memory_space<semaphore_mem>>) {add = true}
    %dma_wait3A_813 = arith.constant 0 : i32
    %dma_wait3A_814 = tpu.memref_slice %arg6[%dma_wait3A_813] : memref<3200000xi32, #tpu.memory_space<hbm>> -> memref<5000xi32, #tpu.memory_space<hbm>>
    %dma_wait3A_815 = arith.constant 0 : i32
    %dma_wait3A_816 = tpu.memref_slice %arg6[%dma_wait3A_815] : memref<3200000xi32, #tpu.memory_space<hbm>> -> memref<5000xi32, #tpu.memory_space<hbm>>
    tpu.wait_dma2 semaphore(%arg29 : memref<!tpu.dma_semaphore, #tpu.memory_space<semaphore_mem>>) src(%dma_wait3A_816 : memref<5000xi32, #tpu.memory_space<hbm>>) dst(%arg19 : memref<5000xi32, #tpu.memory_space<vmem>>)
    %dma_wait3A_817 = arith.constant 0 : i32
    %dma_wait3A_818 = tpu.memref_slice %arg7[%dma_wait3A_817] : memref<3200000xi32, #tpu.memory_space<hbm>> -> memref<5000xi32, #tpu.memory_space<hbm>>
    %dma_wait3A_819 = arith.constant 0 : i32
    %dma_wait3A_820 = tpu.memref_slice %arg7[%dma_wait3A_819] : memref<3200000xi32, #tpu.memory_space<hbm>> -> memref<5000xi32, #tpu.memory_space<hbm>>
    tpu.wait_dma2 semaphore(%arg29 : memref<!tpu.dma_semaphore, #tpu.memory_space<semaphore_mem>>) src(%dma_wait3A_820 : memref<5000xi32, #tpu.memory_space<hbm>>) dst(%arg20 : memref<5000xi32, #tpu.memory_space<vmem>>)
    %dma_wait3A_821 = arith.constant 0 : i32
    %dma_wait3A_822 = tpu.memref_slice %arg13[%dma_wait3A_821] : memref<102400xf32, #tpu.memory_space<vmem_shared>> -> memref<102400xf32, #tpu.memory_space<vmem_shared>>
    tpu.wait_indirect_dma semaphore(%arg38 : memref<!tpu.dma_semaphore, #tpu.memory_space<semaphore_mem>>) src(%arg24 : memref<5000xf32, #tpu.memory_space<vmem>>) dst(%dma_wait3A_822 : memref<102400xf32, #tpu.memory_space<vmem_shared>>)
    %add3A_823 = arith.constant 14 : i32
    %add3A_824 = arith.addi %mul3A_4, %add3A_823 : i32
    %mul3A_825 = arith.constant 5000 : i32
    %mul3A_826 = arith.muli %add3A_824, %mul3A_825 : i32
    %dma_start3A_827 = tpu.memref_slice %arg6[%mul3A_826] : memref<3200000xi32, #tpu.memory_space<hbm>> -> memref<5000xi32, #tpu.memory_space<hbm>>
    %dma_start3A_828 = tpu.memref_slice %arg6[%mul3A_826] : memref<3200000xi32, #tpu.memory_space<hbm>> -> memref<5000xi32, #tpu.memory_space<hbm>>
    tpu.enqueue_dma source(%dma_start3A_828 : memref<5000xi32, #tpu.memory_space<hbm>>) target(%arg22 : memref<5000xi32, #tpu.memory_space<vmem>>) target_semaphore(%arg30 : memref<!tpu.dma_semaphore, #tpu.memory_space<semaphore_mem>>)
    %dma_start3A_829 = tpu.memref_slice %arg7[%mul3A_826] : memref<3200000xi32, #tpu.memory_space<hbm>> -> memref<5000xi32, #tpu.memory_space<hbm>>
    %dma_start3A_830 = tpu.memref_slice %arg7[%mul3A_826] : memref<3200000xi32, #tpu.memory_space<hbm>> -> memref<5000xi32, #tpu.memory_space<hbm>>
    tpu.enqueue_dma source(%dma_start3A_830 : memref<5000xi32, #tpu.memory_space<hbm>>) target(%arg23 : memref<5000xi32, #tpu.memory_space<vmem>>) target_semaphore(%arg30 : memref<!tpu.dma_semaphore, #tpu.memory_space<semaphore_mem>>)
    %dma_start3A_831 = arith.constant 0 : i32
    %dma_start3A_832 = tpu.memref_slice %arg14[%dma_start3A_831] : memref<102400xf32, #tpu.memory_space<vmem_shared>> -> memref<102400xf32, #tpu.memory_space<vmem_shared>>
    tpu.enqueue_indirect_dma source(%dma_start3A_832 : memref<102400xf32, #tpu.memory_space<vmem_shared>>) target(%arg21 : memref<5000xf32, #tpu.memory_space<vmem>>) offsets(%arg19 : memref<5000xi32, #tpu.memory_space<vmem>>) semaphore(%arg33 : memref<!tpu.dma_semaphore, #tpu.memory_space<semaphore_mem>>)
    %dma_wait3A_833 = arith.constant 0 : i32
    %dma_wait3A_834 = tpu.memref_slice %arg14[%dma_wait3A_833] : memref<102400xf32, #tpu.memory_space<vmem_shared>> -> memref<102400xf32, #tpu.memory_space<vmem_shared>>
    tpu.wait_indirect_dma semaphore(%arg35 : memref<!tpu.dma_semaphore, #tpu.memory_space<semaphore_mem>>) src(%dma_wait3A_834 : memref<102400xf32, #tpu.memory_space<vmem_shared>>) dst(%arg27 : memref<5000xf32, #tpu.memory_space<vmem>>)
    %dma_start3A_835 = arith.constant 0 : i32
    %dma_start3A_836 = tpu.memref_slice %arg13[%dma_start3A_835] : memref<102400xf32, #tpu.memory_space<vmem_shared>> -> memref<102400xf32, #tpu.memory_space<vmem_shared>>
    tpu.enqueue_indirect_dma source(%arg27 : memref<5000xf32, #tpu.memory_space<vmem>>) target(%dma_start3A_836 : memref<102400xf32, #tpu.memory_space<vmem_shared>>) offsets(%arg26 : memref<5000xi32, #tpu.memory_space<vmem>>) semaphore(%arg39 : memref<!tpu.dma_semaphore, #tpu.memory_space<semaphore_mem>>) {add = true}
    %dma_wait3A_837 = arith.constant 0 : i32
    %dma_wait3A_838 = tpu.memref_slice %arg6[%dma_wait3A_837] : memref<3200000xi32, #tpu.memory_space<hbm>> -> memref<5000xi32, #tpu.memory_space<hbm>>
    %dma_wait3A_839 = arith.constant 0 : i32
    %dma_wait3A_840 = tpu.memref_slice %arg6[%dma_wait3A_839] : memref<3200000xi32, #tpu.memory_space<hbm>> -> memref<5000xi32, #tpu.memory_space<hbm>>
    tpu.wait_dma2 semaphore(%arg30 : memref<!tpu.dma_semaphore, #tpu.memory_space<semaphore_mem>>) src(%dma_wait3A_840 : memref<5000xi32, #tpu.memory_space<hbm>>) dst(%arg22 : memref<5000xi32, #tpu.memory_space<vmem>>)
    %dma_wait3A_841 = arith.constant 0 : i32
    %dma_wait3A_842 = tpu.memref_slice %arg7[%dma_wait3A_841] : memref<3200000xi32, #tpu.memory_space<hbm>> -> memref<5000xi32, #tpu.memory_space<hbm>>
    %dma_wait3A_843 = arith.constant 0 : i32
    %dma_wait3A_844 = tpu.memref_slice %arg7[%dma_wait3A_843] : memref<3200000xi32, #tpu.memory_space<hbm>> -> memref<5000xi32, #tpu.memory_space<hbm>>
    tpu.wait_dma2 semaphore(%arg30 : memref<!tpu.dma_semaphore, #tpu.memory_space<semaphore_mem>>) src(%dma_wait3A_844 : memref<5000xi32, #tpu.memory_space<hbm>>) dst(%arg23 : memref<5000xi32, #tpu.memory_space<vmem>>)
    %dma_wait3A_845 = arith.constant 0 : i32
    %dma_wait3A_846 = tpu.memref_slice %arg13[%dma_wait3A_845] : memref<102400xf32, #tpu.memory_space<vmem_shared>> -> memref<102400xf32, #tpu.memory_space<vmem_shared>>
    tpu.wait_indirect_dma semaphore(%arg39 : memref<!tpu.dma_semaphore, #tpu.memory_space<semaphore_mem>>) src(%arg27 : memref<5000xf32, #tpu.memory_space<vmem>>) dst(%dma_wait3A_846 : memref<102400xf32, #tpu.memory_space<vmem_shared>>)
    %add3A_847 = arith.constant 15 : i32
    %add3A_848 = arith.addi %mul3A_4, %add3A_847 : i32
    %mul3A_849 = arith.constant 5000 : i32
    %mul3A_850 = arith.muli %add3A_848, %mul3A_849 : i32
    %dma_start3A_851 = tpu.memref_slice %arg6[%mul3A_850] : memref<3200000xi32, #tpu.memory_space<hbm>> -> memref<5000xi32, #tpu.memory_space<hbm>>
    %dma_start3A_852 = tpu.memref_slice %arg6[%mul3A_850] : memref<3200000xi32, #tpu.memory_space<hbm>> -> memref<5000xi32, #tpu.memory_space<hbm>>
    tpu.enqueue_dma source(%dma_start3A_852 : memref<5000xi32, #tpu.memory_space<hbm>>) target(%arg25 : memref<5000xi32, #tpu.memory_space<vmem>>) target_semaphore(%arg31 : memref<!tpu.dma_semaphore, #tpu.memory_space<semaphore_mem>>)
    %dma_start3A_853 = tpu.memref_slice %arg7[%mul3A_850] : memref<3200000xi32, #tpu.memory_space<hbm>> -> memref<5000xi32, #tpu.memory_space<hbm>>
    %dma_start3A_854 = tpu.memref_slice %arg7[%mul3A_850] : memref<3200000xi32, #tpu.memory_space<hbm>> -> memref<5000xi32, #tpu.memory_space<hbm>>
    tpu.enqueue_dma source(%dma_start3A_854 : memref<5000xi32, #tpu.memory_space<hbm>>) target(%arg26 : memref<5000xi32, #tpu.memory_space<vmem>>) target_semaphore(%arg31 : memref<!tpu.dma_semaphore, #tpu.memory_space<semaphore_mem>>)
    %dma_start3A_855 = arith.constant 0 : i32
    %dma_start3A_856 = tpu.memref_slice %arg14[%dma_start3A_855] : memref<102400xf32, #tpu.memory_space<vmem_shared>> -> memref<102400xf32, #tpu.memory_space<vmem_shared>>
    tpu.enqueue_indirect_dma source(%dma_start3A_856 : memref<102400xf32, #tpu.memory_space<vmem_shared>>) target(%arg24 : memref<5000xf32, #tpu.memory_space<vmem>>) offsets(%arg22 : memref<5000xi32, #tpu.memory_space<vmem>>) semaphore(%arg34 : memref<!tpu.dma_semaphore, #tpu.memory_space<semaphore_mem>>)
    %dma_wait3A_857 = arith.constant 0 : i32
    %dma_wait3A_858 = tpu.memref_slice %arg14[%dma_wait3A_857] : memref<102400xf32, #tpu.memory_space<vmem_shared>> -> memref<102400xf32, #tpu.memory_space<vmem_shared>>
    tpu.wait_indirect_dma semaphore(%arg32 : memref<!tpu.dma_semaphore, #tpu.memory_space<semaphore_mem>>) src(%dma_wait3A_858 : memref<102400xf32, #tpu.memory_space<vmem_shared>>) dst(%arg18 : memref<5000xf32, #tpu.memory_space<vmem>>)
    %dma_start3A_859 = arith.constant 0 : i32
    %dma_start3A_860 = tpu.memref_slice %arg13[%dma_start3A_859] : memref<102400xf32, #tpu.memory_space<vmem_shared>> -> memref<102400xf32, #tpu.memory_space<vmem_shared>>
    tpu.enqueue_indirect_dma source(%arg18 : memref<5000xf32, #tpu.memory_space<vmem>>) target(%dma_start3A_860 : memref<102400xf32, #tpu.memory_space<vmem_shared>>) offsets(%arg17 : memref<5000xi32, #tpu.memory_space<vmem>>) semaphore(%arg36 : memref<!tpu.dma_semaphore, #tpu.memory_space<semaphore_mem>>) {add = true}
    %dma_wait3A_861 = arith.constant 0 : i32
    %dma_wait3A_862 = tpu.memref_slice %arg6[%dma_wait3A_861] : memref<3200000xi32, #tpu.memory_space<hbm>> -> memref<5000xi32, #tpu.memory_space<hbm>>
    %dma_wait3A_863 = arith.constant 0 : i32
    %dma_wait3A_864 = tpu.memref_slice %arg6[%dma_wait3A_863] : memref<3200000xi32, #tpu.memory_space<hbm>> -> memref<5000xi32, #tpu.memory_space<hbm>>
    tpu.wait_dma2 semaphore(%arg31 : memref<!tpu.dma_semaphore, #tpu.memory_space<semaphore_mem>>) src(%dma_wait3A_864 : memref<5000xi32, #tpu.memory_space<hbm>>) dst(%arg25 : memref<5000xi32, #tpu.memory_space<vmem>>)
    %dma_wait3A_865 = arith.constant 0 : i32
    %dma_wait3A_866 = tpu.memref_slice %arg7[%dma_wait3A_865] : memref<3200000xi32, #tpu.memory_space<hbm>> -> memref<5000xi32, #tpu.memory_space<hbm>>
    %dma_wait3A_867 = arith.constant 0 : i32
    %dma_wait3A_868 = tpu.memref_slice %arg7[%dma_wait3A_867] : memref<3200000xi32, #tpu.memory_space<hbm>> -> memref<5000xi32, #tpu.memory_space<hbm>>
    tpu.wait_dma2 semaphore(%arg31 : memref<!tpu.dma_semaphore, #tpu.memory_space<semaphore_mem>>) src(%dma_wait3A_868 : memref<5000xi32, #tpu.memory_space<hbm>>) dst(%arg26 : memref<5000xi32, #tpu.memory_space<vmem>>)
    %dma_wait3A_869 = arith.constant 0 : i32
    %dma_wait3A_870 = tpu.memref_slice %arg13[%dma_wait3A_869] : memref<102400xf32, #tpu.memory_space<vmem_shared>> -> memref<102400xf32, #tpu.memory_space<vmem_shared>>
    tpu.wait_indirect_dma semaphore(%arg36 : memref<!tpu.dma_semaphore, #tpu.memory_space<semaphore_mem>>) src(%arg18 : memref<5000xf32, #tpu.memory_space<vmem>>) dst(%dma_wait3A_870 : memref<102400xf32, #tpu.memory_space<vmem_shared>>)
    %add3A_871 = arith.constant 16 : i32
    %add3A_872 = arith.addi %mul3A_4, %add3A_871 : i32
    %mul3A_873 = arith.constant 5000 : i32
    %mul3A_874 = arith.muli %add3A_872, %mul3A_873 : i32
    %dma_start3A_875 = tpu.memref_slice %arg6[%mul3A_874] : memref<3200000xi32, #tpu.memory_space<hbm>> -> memref<5000xi32, #tpu.memory_space<hbm>>
    %dma_start3A_876 = tpu.memref_slice %arg6[%mul3A_874] : memref<3200000xi32, #tpu.memory_space<hbm>> -> memref<5000xi32, #tpu.memory_space<hbm>>
    tpu.enqueue_dma source(%dma_start3A_876 : memref<5000xi32, #tpu.memory_space<hbm>>) target(%arg16 : memref<5000xi32, #tpu.memory_space<vmem>>) target_semaphore(%arg28 : memref<!tpu.dma_semaphore, #tpu.memory_space<semaphore_mem>>)
    %dma_start3A_877 = tpu.memref_slice %arg7[%mul3A_874] : memref<3200000xi32, #tpu.memory_space<hbm>> -> memref<5000xi32, #tpu.memory_space<hbm>>
    %dma_start3A_878 = tpu.memref_slice %arg7[%mul3A_874] : memref<3200000xi32, #tpu.memory_space<hbm>> -> memref<5000xi32, #tpu.memory_space<hbm>>
    tpu.enqueue_dma source(%dma_start3A_878 : memref<5000xi32, #tpu.memory_space<hbm>>) target(%arg17 : memref<5000xi32, #tpu.memory_space<vmem>>) target_semaphore(%arg28 : memref<!tpu.dma_semaphore, #tpu.memory_space<semaphore_mem>>)
    %dma_start3A_879 = arith.constant 0 : i32
    %dma_start3A_880 = tpu.memref_slice %arg14[%dma_start3A_879] : memref<102400xf32, #tpu.memory_space<vmem_shared>> -> memref<102400xf32, #tpu.memory_space<vmem_shared>>
    tpu.enqueue_indirect_dma source(%dma_start3A_880 : memref<102400xf32, #tpu.memory_space<vmem_shared>>) target(%arg27 : memref<5000xf32, #tpu.memory_space<vmem>>) offsets(%arg25 : memref<5000xi32, #tpu.memory_space<vmem>>) semaphore(%arg35 : memref<!tpu.dma_semaphore, #tpu.memory_space<semaphore_mem>>)
    %dma_wait3A_881 = arith.constant 0 : i32
    %dma_wait3A_882 = tpu.memref_slice %arg14[%dma_wait3A_881] : memref<102400xf32, #tpu.memory_space<vmem_shared>> -> memref<102400xf32, #tpu.memory_space<vmem_shared>>
    tpu.wait_indirect_dma semaphore(%arg33 : memref<!tpu.dma_semaphore, #tpu.memory_space<semaphore_mem>>) src(%dma_wait3A_882 : memref<102400xf32, #tpu.memory_space<vmem_shared>>) dst(%arg21 : memref<5000xf32, #tpu.memory_space<vmem>>)
    %dma_start3A_883 = arith.constant 0 : i32
    %dma_start3A_884 = tpu.memref_slice %arg13[%dma_start3A_883] : memref<102400xf32, #tpu.memory_space<vmem_shared>> -> memref<102400xf32, #tpu.memory_space<vmem_shared>>
    tpu.enqueue_indirect_dma source(%arg21 : memref<5000xf32, #tpu.memory_space<vmem>>) target(%dma_start3A_884 : memref<102400xf32, #tpu.memory_space<vmem_shared>>) offsets(%arg20 : memref<5000xi32, #tpu.memory_space<vmem>>) semaphore(%arg37 : memref<!tpu.dma_semaphore, #tpu.memory_space<semaphore_mem>>) {add = true}
    %dma_wait3A_885 = arith.constant 0 : i32
    %dma_wait3A_886 = tpu.memref_slice %arg6[%dma_wait3A_885] : memref<3200000xi32, #tpu.memory_space<hbm>> -> memref<5000xi32, #tpu.memory_space<hbm>>
    %dma_wait3A_887 = arith.constant 0 : i32
    %dma_wait3A_888 = tpu.memref_slice %arg6[%dma_wait3A_887] : memref<3200000xi32, #tpu.memory_space<hbm>> -> memref<5000xi32, #tpu.memory_space<hbm>>
    tpu.wait_dma2 semaphore(%arg28 : memref<!tpu.dma_semaphore, #tpu.memory_space<semaphore_mem>>) src(%dma_wait3A_888 : memref<5000xi32, #tpu.memory_space<hbm>>) dst(%arg16 : memref<5000xi32, #tpu.memory_space<vmem>>)
    %dma_wait3A_889 = arith.constant 0 : i32
    %dma_wait3A_890 = tpu.memref_slice %arg7[%dma_wait3A_889] : memref<3200000xi32, #tpu.memory_space<hbm>> -> memref<5000xi32, #tpu.memory_space<hbm>>
    %dma_wait3A_891 = arith.constant 0 : i32
    %dma_wait3A_892 = tpu.memref_slice %arg7[%dma_wait3A_891] : memref<3200000xi32, #tpu.memory_space<hbm>> -> memref<5000xi32, #tpu.memory_space<hbm>>
    tpu.wait_dma2 semaphore(%arg28 : memref<!tpu.dma_semaphore, #tpu.memory_space<semaphore_mem>>) src(%dma_wait3A_892 : memref<5000xi32, #tpu.memory_space<hbm>>) dst(%arg17 : memref<5000xi32, #tpu.memory_space<vmem>>)
    %dma_wait3A_893 = arith.constant 0 : i32
    %dma_wait3A_894 = tpu.memref_slice %arg13[%dma_wait3A_893] : memref<102400xf32, #tpu.memory_space<vmem_shared>> -> memref<102400xf32, #tpu.memory_space<vmem_shared>>
    tpu.wait_indirect_dma semaphore(%arg37 : memref<!tpu.dma_semaphore, #tpu.memory_space<semaphore_mem>>) src(%arg21 : memref<5000xf32, #tpu.memory_space<vmem>>) dst(%dma_wait3A_894 : memref<102400xf32, #tpu.memory_space<vmem_shared>>)
    %add3A_895 = arith.constant 17 : i32
    %add3A_896 = arith.addi %mul3A_4, %add3A_895 : i32
    %mul3A_897 = arith.constant 5000 : i32
    %mul3A_898 = arith.muli %add3A_896, %mul3A_897 : i32
    %dma_start3A_899 = tpu.memref_slice %arg6[%mul3A_898] : memref<3200000xi32, #tpu.memory_space<hbm>> -> memref<5000xi32, #tpu.memory_space<hbm>>
    %dma_start3A_900 = tpu.memref_slice %arg6[%mul3A_898] : memref<3200000xi32, #tpu.memory_space<hbm>> -> memref<5000xi32, #tpu.memory_space<hbm>>
    tpu.enqueue_dma source(%dma_start3A_900 : memref<5000xi32, #tpu.memory_space<hbm>>) target(%arg19 : memref<5000xi32, #tpu.memory_space<vmem>>) target_semaphore(%arg29 : memref<!tpu.dma_semaphore, #tpu.memory_space<semaphore_mem>>)
    %dma_start3A_901 = tpu.memref_slice %arg7[%mul3A_898] : memref<3200000xi32, #tpu.memory_space<hbm>> -> memref<5000xi32, #tpu.memory_space<hbm>>
    %dma_start3A_902 = tpu.memref_slice %arg7[%mul3A_898] : memref<3200000xi32, #tpu.memory_space<hbm>> -> memref<5000xi32, #tpu.memory_space<hbm>>
    tpu.enqueue_dma source(%dma_start3A_902 : memref<5000xi32, #tpu.memory_space<hbm>>) target(%arg20 : memref<5000xi32, #tpu.memory_space<vmem>>) target_semaphore(%arg29 : memref<!tpu.dma_semaphore, #tpu.memory_space<semaphore_mem>>)
    %dma_start3A_903 = arith.constant 0 : i32
    %dma_start3A_904 = tpu.memref_slice %arg14[%dma_start3A_903] : memref<102400xf32, #tpu.memory_space<vmem_shared>> -> memref<102400xf32, #tpu.memory_space<vmem_shared>>
    tpu.enqueue_indirect_dma source(%dma_start3A_904 : memref<102400xf32, #tpu.memory_space<vmem_shared>>) target(%arg18 : memref<5000xf32, #tpu.memory_space<vmem>>) offsets(%arg16 : memref<5000xi32, #tpu.memory_space<vmem>>) semaphore(%arg32 : memref<!tpu.dma_semaphore, #tpu.memory_space<semaphore_mem>>)
    %dma_wait3A_905 = arith.constant 0 : i32
    %dma_wait3A_906 = tpu.memref_slice %arg14[%dma_wait3A_905] : memref<102400xf32, #tpu.memory_space<vmem_shared>> -> memref<102400xf32, #tpu.memory_space<vmem_shared>>
    tpu.wait_indirect_dma semaphore(%arg34 : memref<!tpu.dma_semaphore, #tpu.memory_space<semaphore_mem>>) src(%dma_wait3A_906 : memref<102400xf32, #tpu.memory_space<vmem_shared>>) dst(%arg24 : memref<5000xf32, #tpu.memory_space<vmem>>)
    %dma_start3A_907 = arith.constant 0 : i32
    %dma_start3A_908 = tpu.memref_slice %arg13[%dma_start3A_907] : memref<102400xf32, #tpu.memory_space<vmem_shared>> -> memref<102400xf32, #tpu.memory_space<vmem_shared>>
    tpu.enqueue_indirect_dma source(%arg24 : memref<5000xf32, #tpu.memory_space<vmem>>) target(%dma_start3A_908 : memref<102400xf32, #tpu.memory_space<vmem_shared>>) offsets(%arg23 : memref<5000xi32, #tpu.memory_space<vmem>>) semaphore(%arg38 : memref<!tpu.dma_semaphore, #tpu.memory_space<semaphore_mem>>) {add = true}
    %dma_wait3A_909 = arith.constant 0 : i32
    %dma_wait3A_910 = tpu.memref_slice %arg6[%dma_wait3A_909] : memref<3200000xi32, #tpu.memory_space<hbm>> -> memref<5000xi32, #tpu.memory_space<hbm>>
    %dma_wait3A_911 = arith.constant 0 : i32
    %dma_wait3A_912 = tpu.memref_slice %arg6[%dma_wait3A_911] : memref<3200000xi32, #tpu.memory_space<hbm>> -> memref<5000xi32, #tpu.memory_space<hbm>>
    tpu.wait_dma2 semaphore(%arg29 : memref<!tpu.dma_semaphore, #tpu.memory_space<semaphore_mem>>) src(%dma_wait3A_912 : memref<5000xi32, #tpu.memory_space<hbm>>) dst(%arg19 : memref<5000xi32, #tpu.memory_space<vmem>>)
    %dma_wait3A_913 = arith.constant 0 : i32
    %dma_wait3A_914 = tpu.memref_slice %arg7[%dma_wait3A_913] : memref<3200000xi32, #tpu.memory_space<hbm>> -> memref<5000xi32, #tpu.memory_space<hbm>>
    %dma_wait3A_915 = arith.constant 0 : i32
    %dma_wait3A_916 = tpu.memref_slice %arg7[%dma_wait3A_915] : memref<3200000xi32, #tpu.memory_space<hbm>> -> memref<5000xi32, #tpu.memory_space<hbm>>
    tpu.wait_dma2 semaphore(%arg29 : memref<!tpu.dma_semaphore, #tpu.memory_space<semaphore_mem>>) src(%dma_wait3A_916 : memref<5000xi32, #tpu.memory_space<hbm>>) dst(%arg20 : memref<5000xi32, #tpu.memory_space<vmem>>)
    %dma_wait3A_917 = arith.constant 0 : i32
    %dma_wait3A_918 = tpu.memref_slice %arg13[%dma_wait3A_917] : memref<102400xf32, #tpu.memory_space<vmem_shared>> -> memref<102400xf32, #tpu.memory_space<vmem_shared>>
    tpu.wait_indirect_dma semaphore(%arg38 : memref<!tpu.dma_semaphore, #tpu.memory_space<semaphore_mem>>) src(%arg24 : memref<5000xf32, #tpu.memory_space<vmem>>) dst(%dma_wait3A_918 : memref<102400xf32, #tpu.memory_space<vmem_shared>>)
    %add3A_919 = arith.constant 18 : i32
    %add3A_920 = arith.addi %mul3A_4, %add3A_919 : i32
    %mul3A_921 = arith.constant 5000 : i32
    %mul3A_922 = arith.muli %add3A_920, %mul3A_921 : i32
    %dma_start3A_923 = tpu.memref_slice %arg6[%mul3A_922] : memref<3200000xi32, #tpu.memory_space<hbm>> -> memref<5000xi32, #tpu.memory_space<hbm>>
    %dma_start3A_924 = tpu.memref_slice %arg6[%mul3A_922] : memref<3200000xi32, #tpu.memory_space<hbm>> -> memref<5000xi32, #tpu.memory_space<hbm>>
    tpu.enqueue_dma source(%dma_start3A_924 : memref<5000xi32, #tpu.memory_space<hbm>>) target(%arg22 : memref<5000xi32, #tpu.memory_space<vmem>>) target_semaphore(%arg30 : memref<!tpu.dma_semaphore, #tpu.memory_space<semaphore_mem>>)
    %dma_start3A_925 = tpu.memref_slice %arg7[%mul3A_922] : memref<3200000xi32, #tpu.memory_space<hbm>> -> memref<5000xi32, #tpu.memory_space<hbm>>
    %dma_start3A_926 = tpu.memref_slice %arg7[%mul3A_922] : memref<3200000xi32, #tpu.memory_space<hbm>> -> memref<5000xi32, #tpu.memory_space<hbm>>
    tpu.enqueue_dma source(%dma_start3A_926 : memref<5000xi32, #tpu.memory_space<hbm>>) target(%arg23 : memref<5000xi32, #tpu.memory_space<vmem>>) target_semaphore(%arg30 : memref<!tpu.dma_semaphore, #tpu.memory_space<semaphore_mem>>)
    %dma_start3A_927 = arith.constant 0 : i32
    %dma_start3A_928 = tpu.memref_slice %arg14[%dma_start3A_927] : memref<102400xf32, #tpu.memory_space<vmem_shared>> -> memref<102400xf32, #tpu.memory_space<vmem_shared>>
    tpu.enqueue_indirect_dma source(%dma_start3A_928 : memref<102400xf32, #tpu.memory_space<vmem_shared>>) target(%arg21 : memref<5000xf32, #tpu.memory_space<vmem>>) offsets(%arg19 : memref<5000xi32, #tpu.memory_space<vmem>>) semaphore(%arg33 : memref<!tpu.dma_semaphore, #tpu.memory_space<semaphore_mem>>)
    %dma_wait3A_929 = arith.constant 0 : i32
    %dma_wait3A_930 = tpu.memref_slice %arg14[%dma_wait3A_929] : memref<102400xf32, #tpu.memory_space<vmem_shared>> -> memref<102400xf32, #tpu.memory_space<vmem_shared>>
    tpu.wait_indirect_dma semaphore(%arg35 : memref<!tpu.dma_semaphore, #tpu.memory_space<semaphore_mem>>) src(%dma_wait3A_930 : memref<102400xf32, #tpu.memory_space<vmem_shared>>) dst(%arg27 : memref<5000xf32, #tpu.memory_space<vmem>>)
    %dma_start3A_931 = arith.constant 0 : i32
    %dma_start3A_932 = tpu.memref_slice %arg13[%dma_start3A_931] : memref<102400xf32, #tpu.memory_space<vmem_shared>> -> memref<102400xf32, #tpu.memory_space<vmem_shared>>
    tpu.enqueue_indirect_dma source(%arg27 : memref<5000xf32, #tpu.memory_space<vmem>>) target(%dma_start3A_932 : memref<102400xf32, #tpu.memory_space<vmem_shared>>) offsets(%arg26 : memref<5000xi32, #tpu.memory_space<vmem>>) semaphore(%arg39 : memref<!tpu.dma_semaphore, #tpu.memory_space<semaphore_mem>>) {add = true}
    %dma_wait3A_933 = arith.constant 0 : i32
    %dma_wait3A_934 = tpu.memref_slice %arg6[%dma_wait3A_933] : memref<3200000xi32, #tpu.memory_space<hbm>> -> memref<5000xi32, #tpu.memory_space<hbm>>
    %dma_wait3A_935 = arith.constant 0 : i32
    %dma_wait3A_936 = tpu.memref_slice %arg6[%dma_wait3A_935] : memref<3200000xi32, #tpu.memory_space<hbm>> -> memref<5000xi32, #tpu.memory_space<hbm>>
    tpu.wait_dma2 semaphore(%arg30 : memref<!tpu.dma_semaphore, #tpu.memory_space<semaphore_mem>>) src(%dma_wait3A_936 : memref<5000xi32, #tpu.memory_space<hbm>>) dst(%arg22 : memref<5000xi32, #tpu.memory_space<vmem>>)
    %dma_wait3A_937 = arith.constant 0 : i32
    %dma_wait3A_938 = tpu.memref_slice %arg7[%dma_wait3A_937] : memref<3200000xi32, #tpu.memory_space<hbm>> -> memref<5000xi32, #tpu.memory_space<hbm>>
    %dma_wait3A_939 = arith.constant 0 : i32
    %dma_wait3A_940 = tpu.memref_slice %arg7[%dma_wait3A_939] : memref<3200000xi32, #tpu.memory_space<hbm>> -> memref<5000xi32, #tpu.memory_space<hbm>>
    tpu.wait_dma2 semaphore(%arg30 : memref<!tpu.dma_semaphore, #tpu.memory_space<semaphore_mem>>) src(%dma_wait3A_940 : memref<5000xi32, #tpu.memory_space<hbm>>) dst(%arg23 : memref<5000xi32, #tpu.memory_space<vmem>>)
    %dma_wait3A_941 = arith.constant 0 : i32
    %dma_wait3A_942 = tpu.memref_slice %arg13[%dma_wait3A_941] : memref<102400xf32, #tpu.memory_space<vmem_shared>> -> memref<102400xf32, #tpu.memory_space<vmem_shared>>
    tpu.wait_indirect_dma semaphore(%arg39 : memref<!tpu.dma_semaphore, #tpu.memory_space<semaphore_mem>>) src(%arg27 : memref<5000xf32, #tpu.memory_space<vmem>>) dst(%dma_wait3A_942 : memref<102400xf32, #tpu.memory_space<vmem_shared>>)
    %add3A_943 = arith.constant 19 : i32
    %add3A_944 = arith.addi %mul3A_4, %add3A_943 : i32
    %mul3A_945 = arith.constant 5000 : i32
    %mul3A_946 = arith.muli %add3A_944, %mul3A_945 : i32
    %dma_start3A_947 = tpu.memref_slice %arg6[%mul3A_946] : memref<3200000xi32, #tpu.memory_space<hbm>> -> memref<5000xi32, #tpu.memory_space<hbm>>
    %dma_start3A_948 = tpu.memref_slice %arg6[%mul3A_946] : memref<3200000xi32, #tpu.memory_space<hbm>> -> memref<5000xi32, #tpu.memory_space<hbm>>
    tpu.enqueue_dma source(%dma_start3A_948 : memref<5000xi32, #tpu.memory_space<hbm>>) target(%arg25 : memref<5000xi32, #tpu.memory_space<vmem>>) target_semaphore(%arg31 : memref<!tpu.dma_semaphore, #tpu.memory_space<semaphore_mem>>)
    %dma_start3A_949 = tpu.memref_slice %arg7[%mul3A_946] : memref<3200000xi32, #tpu.memory_space<hbm>> -> memref<5000xi32, #tpu.memory_space<hbm>>
    %dma_start3A_950 = tpu.memref_slice %arg7[%mul3A_946] : memref<3200000xi32, #tpu.memory_space<hbm>> -> memref<5000xi32, #tpu.memory_space<hbm>>
    tpu.enqueue_dma source(%dma_start3A_950 : memref<5000xi32, #tpu.memory_space<hbm>>) target(%arg26 : memref<5000xi32, #tpu.memory_space<vmem>>) target_semaphore(%arg31 : memref<!tpu.dma_semaphore, #tpu.memory_space<semaphore_mem>>)
    %dma_start3A_951 = arith.constant 0 : i32
    %dma_start3A_952 = tpu.memref_slice %arg14[%dma_start3A_951] : memref<102400xf32, #tpu.memory_space<vmem_shared>> -> memref<102400xf32, #tpu.memory_space<vmem_shared>>
    tpu.enqueue_indirect_dma source(%dma_start3A_952 : memref<102400xf32, #tpu.memory_space<vmem_shared>>) target(%arg24 : memref<5000xf32, #tpu.memory_space<vmem>>) offsets(%arg22 : memref<5000xi32, #tpu.memory_space<vmem>>) semaphore(%arg34 : memref<!tpu.dma_semaphore, #tpu.memory_space<semaphore_mem>>)
    %dma_wait3A_953 = arith.constant 0 : i32
    %dma_wait3A_954 = tpu.memref_slice %arg14[%dma_wait3A_953] : memref<102400xf32, #tpu.memory_space<vmem_shared>> -> memref<102400xf32, #tpu.memory_space<vmem_shared>>
    tpu.wait_indirect_dma semaphore(%arg32 : memref<!tpu.dma_semaphore, #tpu.memory_space<semaphore_mem>>) src(%dma_wait3A_954 : memref<102400xf32, #tpu.memory_space<vmem_shared>>) dst(%arg18 : memref<5000xf32, #tpu.memory_space<vmem>>)
    %dma_start3A_955 = arith.constant 0 : i32
    %dma_start3A_956 = tpu.memref_slice %arg13[%dma_start3A_955] : memref<102400xf32, #tpu.memory_space<vmem_shared>> -> memref<102400xf32, #tpu.memory_space<vmem_shared>>
    tpu.enqueue_indirect_dma source(%arg18 : memref<5000xf32, #tpu.memory_space<vmem>>) target(%dma_start3A_956 : memref<102400xf32, #tpu.memory_space<vmem_shared>>) offsets(%arg17 : memref<5000xi32, #tpu.memory_space<vmem>>) semaphore(%arg36 : memref<!tpu.dma_semaphore, #tpu.memory_space<semaphore_mem>>) {add = true}
    %dma_wait3A_957 = arith.constant 0 : i32
    %dma_wait3A_958 = tpu.memref_slice %arg6[%dma_wait3A_957] : memref<3200000xi32, #tpu.memory_space<hbm>> -> memref<5000xi32, #tpu.memory_space<hbm>>
    %dma_wait3A_959 = arith.constant 0 : i32
    %dma_wait3A_960 = tpu.memref_slice %arg6[%dma_wait3A_959] : memref<3200000xi32, #tpu.memory_space<hbm>> -> memref<5000xi32, #tpu.memory_space<hbm>>
    tpu.wait_dma2 semaphore(%arg31 : memref<!tpu.dma_semaphore, #tpu.memory_space<semaphore_mem>>) src(%dma_wait3A_960 : memref<5000xi32, #tpu.memory_space<hbm>>) dst(%arg25 : memref<5000xi32, #tpu.memory_space<vmem>>)
    %dma_wait3A_961 = arith.constant 0 : i32
    %dma_wait3A_962 = tpu.memref_slice %arg7[%dma_wait3A_961] : memref<3200000xi32, #tpu.memory_space<hbm>> -> memref<5000xi32, #tpu.memory_space<hbm>>
    %dma_wait3A_963 = arith.constant 0 : i32
    %dma_wait3A_964 = tpu.memref_slice %arg7[%dma_wait3A_963] : memref<3200000xi32, #tpu.memory_space<hbm>> -> memref<5000xi32, #tpu.memory_space<hbm>>
    tpu.wait_dma2 semaphore(%arg31 : memref<!tpu.dma_semaphore, #tpu.memory_space<semaphore_mem>>) src(%dma_wait3A_964 : memref<5000xi32, #tpu.memory_space<hbm>>) dst(%arg26 : memref<5000xi32, #tpu.memory_space<vmem>>)
    %dma_wait3A_965 = arith.constant 0 : i32
    %dma_wait3A_966 = tpu.memref_slice %arg13[%dma_wait3A_965] : memref<102400xf32, #tpu.memory_space<vmem_shared>> -> memref<102400xf32, #tpu.memory_space<vmem_shared>>
    tpu.wait_indirect_dma semaphore(%arg36 : memref<!tpu.dma_semaphore, #tpu.memory_space<semaphore_mem>>) src(%arg18 : memref<5000xf32, #tpu.memory_space<vmem>>) dst(%dma_wait3A_966 : memref<102400xf32, #tpu.memory_space<vmem_shared>>)
    %dma_start3A_967 = arith.constant 0 : i32
    %dma_start3A_968 = tpu.memref_slice %arg14[%dma_start3A_967] : memref<102400xf32, #tpu.memory_space<vmem_shared>> -> memref<102400xf32, #tpu.memory_space<vmem_shared>>
    tpu.enqueue_indirect_dma source(%dma_start3A_968 : memref<102400xf32, #tpu.memory_space<vmem_shared>>) target(%arg27 : memref<5000xf32, #tpu.memory_space<vmem>>) offsets(%arg25 : memref<5000xi32, #tpu.memory_space<vmem>>) semaphore(%arg35 : memref<!tpu.dma_semaphore, #tpu.memory_space<semaphore_mem>>)
    %dma_wait3A_969 = arith.constant 0 : i32
    %dma_wait3A_970 = tpu.memref_slice %arg14[%dma_wait3A_969] : memref<102400xf32, #tpu.memory_space<vmem_shared>> -> memref<102400xf32, #tpu.memory_space<vmem_shared>>
    tpu.wait_indirect_dma semaphore(%arg33 : memref<!tpu.dma_semaphore, #tpu.memory_space<semaphore_mem>>) src(%dma_wait3A_970 : memref<102400xf32, #tpu.memory_space<vmem_shared>>) dst(%arg21 : memref<5000xf32, #tpu.memory_space<vmem>>)
    %dma_start3A_971 = arith.constant 0 : i32
    %dma_start3A_972 = tpu.memref_slice %arg13[%dma_start3A_971] : memref<102400xf32, #tpu.memory_space<vmem_shared>> -> memref<102400xf32, #tpu.memory_space<vmem_shared>>
    tpu.enqueue_indirect_dma source(%arg21 : memref<5000xf32, #tpu.memory_space<vmem>>) target(%dma_start3A_972 : memref<102400xf32, #tpu.memory_space<vmem_shared>>) offsets(%arg20 : memref<5000xi32, #tpu.memory_space<vmem>>) semaphore(%arg37 : memref<!tpu.dma_semaphore, #tpu.memory_space<semaphore_mem>>) {add = true}
    %dma_wait3A_973 = arith.constant 0 : i32
    %dma_wait3A_974 = tpu.memref_slice %arg14[%dma_wait3A_973] : memref<102400xf32, #tpu.memory_space<vmem_shared>> -> memref<102400xf32, #tpu.memory_space<vmem_shared>>
    tpu.wait_indirect_dma semaphore(%arg34 : memref<!tpu.dma_semaphore, #tpu.memory_space<semaphore_mem>>) src(%dma_wait3A_974 : memref<102400xf32, #tpu.memory_space<vmem_shared>>) dst(%arg24 : memref<5000xf32, #tpu.memory_space<vmem>>)
    %dma_start3A_975 = arith.constant 0 : i32
    %dma_start3A_976 = tpu.memref_slice %arg13[%dma_start3A_975] : memref<102400xf32, #tpu.memory_space<vmem_shared>> -> memref<102400xf32, #tpu.memory_space<vmem_shared>>
    tpu.enqueue_indirect_dma source(%arg24 : memref<5000xf32, #tpu.memory_space<vmem>>) target(%dma_start3A_976 : memref<102400xf32, #tpu.memory_space<vmem_shared>>) offsets(%arg23 : memref<5000xi32, #tpu.memory_space<vmem>>) semaphore(%arg38 : memref<!tpu.dma_semaphore, #tpu.memory_space<semaphore_mem>>) {add = true}
    %dma_wait3A_977 = arith.constant 0 : i32
    %dma_wait3A_978 = tpu.memref_slice %arg14[%dma_wait3A_977] : memref<102400xf32, #tpu.memory_space<vmem_shared>> -> memref<102400xf32, #tpu.memory_space<vmem_shared>>
    tpu.wait_indirect_dma semaphore(%arg35 : memref<!tpu.dma_semaphore, #tpu.memory_space<semaphore_mem>>) src(%dma_wait3A_978 : memref<102400xf32, #tpu.memory_space<vmem_shared>>) dst(%arg27 : memref<5000xf32, #tpu.memory_space<vmem>>)
    %dma_start3A_979 = arith.constant 0 : i32
    %dma_start3A_980 = tpu.memref_slice %arg13[%dma_start3A_979] : memref<102400xf32, #tpu.memory_space<vmem_shared>> -> memref<102400xf32, #tpu.memory_space<vmem_shared>>
    tpu.enqueue_indirect_dma source(%arg27 : memref<5000xf32, #tpu.memory_space<vmem>>) target(%dma_start3A_980 : memref<102400xf32, #tpu.memory_space<vmem_shared>>) offsets(%arg26 : memref<5000xi32, #tpu.memory_space<vmem>>) semaphore(%arg39 : memref<!tpu.dma_semaphore, #tpu.memory_space<semaphore_mem>>) {add = true}
    %dma_wait3A_981 = arith.constant 0 : i32
    %dma_wait3A_982 = tpu.memref_slice %arg13[%dma_wait3A_981] : memref<102400xf32, #tpu.memory_space<vmem_shared>> -> memref<102400xf32, #tpu.memory_space<vmem_shared>>
    tpu.wait_indirect_dma semaphore(%arg37 : memref<!tpu.dma_semaphore, #tpu.memory_space<semaphore_mem>>) src(%arg21 : memref<5000xf32, #tpu.memory_space<vmem>>) dst(%dma_wait3A_982 : memref<102400xf32, #tpu.memory_space<vmem_shared>>)
    %dma_wait3A_983 = arith.constant 0 : i32
    %dma_wait3A_984 = tpu.memref_slice %arg13[%dma_wait3A_983] : memref<102400xf32, #tpu.memory_space<vmem_shared>> -> memref<102400xf32, #tpu.memory_space<vmem_shared>>
    tpu.wait_indirect_dma semaphore(%arg38 : memref<!tpu.dma_semaphore, #tpu.memory_space<semaphore_mem>>) src(%arg24 : memref<5000xf32, #tpu.memory_space<vmem>>) dst(%dma_wait3A_984 : memref<102400xf32, #tpu.memory_space<vmem_shared>>)
    %dma_wait3A_985 = arith.constant 0 : i32
    %dma_wait3A_986 = tpu.memref_slice %arg13[%dma_wait3A_985] : memref<102400xf32, #tpu.memory_space<vmem_shared>> -> memref<102400xf32, #tpu.memory_space<vmem_shared>>
    tpu.wait_indirect_dma semaphore(%arg39 : memref<!tpu.dma_semaphore, #tpu.memory_space<semaphore_mem>>) src(%arg27 : memref<5000xf32, #tpu.memory_space<vmem>>) dst(%dma_wait3A_986 : memref<102400xf32, #tpu.memory_space<vmem_shared>>)
    %barrier3A_987 = arith.constant 0 : index
    tpu.barrier barrier_id(%barrier3A_987)
    %add3A_988 = arith.constant 2 : i32
    %add3A_989 = arith.addi %add3A_988, %arg0 : i32
    %mul3A_990 = arith.constant 102400 : i32
    %mul3A_991 = arith.muli %add3A_989, %mul3A_990 : i32
    %add3A_992 = arith.addi %mul3A_991, %mul3A_2 : i32
    "tpu.region"() ({
      %run_scoped3A = tpu.sem_alloc : memref<!tpu.dma_semaphore, #tpu.memory_space<semaphore_mem>>
      %dma_start3A_1492 = tpu.memref_slice %arg12[%add3A_992] : memref<614400xf32, #tpu.memory_space<hbm>> -> memref<6400xf32, #tpu.memory_space<hbm>>
      %dma_start3A_1493 = tpu.memref_slice %arg13[%mul3A_2] : memref<102400xf32, #tpu.memory_space<vmem_shared>> -> memref<6400xf32, #tpu.memory_space<vmem_shared>>
      tpu.enqueue_dma source(%dma_start3A_1493 : memref<6400xf32, #tpu.memory_space<vmem_shared>>) target(%dma_start3A_1492 : memref<6400xf32, #tpu.memory_space<hbm>>) target_semaphore(%run_scoped3A : memref<!tpu.dma_semaphore, #tpu.memory_space<semaphore_mem>>)
      %dma_wait3A_1494 = tpu.memref_slice %arg12[%add3A_992] : memref<614400xf32, #tpu.memory_space<hbm>> -> memref<6400xf32, #tpu.memory_space<hbm>>
      %dma_wait3A_1495 = tpu.memref_slice %arg13[%mul3A_2] : memref<102400xf32, #tpu.memory_space<vmem_shared>> -> memref<6400xf32, #tpu.memory_space<vmem_shared>>
      tpu.wait_dma2 semaphore(%run_scoped3A : memref<!tpu.dma_semaphore, #tpu.memory_space<semaphore_mem>>) src(%dma_wait3A_1495 : memref<6400xf32, #tpu.memory_space<vmem_shared>>) dst(%dma_wait3A_1494 : memref<6400xf32, #tpu.memory_space<hbm>>)
      tpu.yield
    }) : () -> ()
    %barrier3A_993 = arith.constant 0 : index
    tpu.barrier barrier_id(%barrier3A_993)
    "tpu.region"() ({
      %run_scoped3A = tpu.sem_alloc : memref<!tpu.dma_semaphore, #tpu.memory_space<semaphore_mem>>
      %dma_start3A_1492 = tpu.memref_slice %arg13[%mul3A_2] : memref<102400xf32, #tpu.memory_space<vmem_shared>> -> memref<6400xf32, #tpu.memory_space<vmem_shared>>
      %dma_start3A_1493 = tpu.memref_slice %arg11[%mul3A_2] : memref<102400xf32, #tpu.memory_space<hbm>> -> memref<6400xf32, #tpu.memory_space<hbm>>
      tpu.enqueue_dma source(%dma_start3A_1493 : memref<6400xf32, #tpu.memory_space<hbm>>) target(%dma_start3A_1492 : memref<6400xf32, #tpu.memory_space<vmem_shared>>) target_semaphore(%run_scoped3A : memref<!tpu.dma_semaphore, #tpu.memory_space<semaphore_mem>>)
      %dma_wait3A_1494 = tpu.memref_slice %arg13[%mul3A_2] : memref<102400xf32, #tpu.memory_space<vmem_shared>> -> memref<6400xf32, #tpu.memory_space<vmem_shared>>
      %dma_wait3A_1495 = tpu.memref_slice %arg11[%mul3A_2] : memref<102400xf32, #tpu.memory_space<hbm>> -> memref<6400xf32, #tpu.memory_space<hbm>>
      tpu.wait_dma2 semaphore(%run_scoped3A : memref<!tpu.dma_semaphore, #tpu.memory_space<semaphore_mem>>) src(%dma_wait3A_1495 : memref<6400xf32, #tpu.memory_space<hbm>>) dst(%dma_wait3A_1494 : memref<6400xf32, #tpu.memory_space<vmem_shared>>)
      tpu.yield
    }) : () -> ()
    %lt3A_994 = arith.constant 15 : i32
    %lt3A_995 = arith.cmpi slt, %arg1, %lt3A_994 : i32
    %convert_element_type3A_996 = arith.extui %lt3A_995 : i1 to i32
    %cond3A_997 = arith.constant 0 : i32
    %cond3A_998 = arith.cmpi ne, %convert_element_type3A_996, %cond3A_997 : i32
    scf.if %cond3A_998 {
      "tpu.region"() ({
        %run_scoped3A = tpu.sem_alloc : memref<!tpu.dma_semaphore, #tpu.memory_space<semaphore_mem>>
        %dma_start3A_1492 = tpu.memref_slice %arg14[%mul3A_2] : memref<102400xf32, #tpu.memory_space<vmem_shared>> -> memref<6400xf32, #tpu.memory_space<vmem_shared>>
        %dma_start3A_1493 = tpu.memref_slice %arg8[%mul3A_2] : memref<100000xf32, #tpu.memory_space<hbm>> -> memref<6400xf32, #tpu.memory_space<hbm>>
        tpu.enqueue_dma source(%dma_start3A_1493 : memref<6400xf32, #tpu.memory_space<hbm>>) target(%dma_start3A_1492 : memref<6400xf32, #tpu.memory_space<vmem_shared>>) target_semaphore(%run_scoped3A : memref<!tpu.dma_semaphore, #tpu.memory_space<semaphore_mem>>)
        %dma_wait3A_1494 = tpu.memref_slice %arg14[%mul3A_2] : memref<102400xf32, #tpu.memory_space<vmem_shared>> -> memref<6400xf32, #tpu.memory_space<vmem_shared>>
        %dma_wait3A_1495 = tpu.memref_slice %arg8[%mul3A_2] : memref<100000xf32, #tpu.memory_space<hbm>> -> memref<6400xf32, #tpu.memory_space<hbm>>
        tpu.wait_dma2 semaphore(%run_scoped3A : memref<!tpu.dma_semaphore, #tpu.memory_space<semaphore_mem>>) src(%dma_wait3A_1495 : memref<6400xf32, #tpu.memory_space<hbm>>) dst(%dma_wait3A_1494 : memref<6400xf32, #tpu.memory_space<vmem_shared>>)
        tpu.yield
      }) : () -> ()
    } else {
    }
    %eq3A_999 = arith.constant 15 : i32
    %eq3A_1000 = arith.cmpi eq, %arg1, %eq3A_999 : i32
    %convert_element_type3A_1001 = arith.extui %eq3A_1000 : i1 to i32
    %cond3A_1002 = arith.constant 0 : i32
    %cond3A_1003 = arith.cmpi ne, %convert_element_type3A_1001, %cond3A_1002 : i32
    scf.if %cond3A_1003 {
      "tpu.region"() ({
        %run_scoped3A = tpu.sem_alloc : memref<!tpu.dma_semaphore, #tpu.memory_space<semaphore_mem>>
        %dma_start3A_1492 = arith.constant 96000 : i32
        %dma_start3A_1493 = tpu.memref_slice %arg8[%dma_start3A_1492] : memref<100000xf32, #tpu.memory_space<hbm>> -> memref<4000xf32, #tpu.memory_space<hbm>>
        %dma_start3A_1494 = arith.constant 96000 : i32
        %dma_start3A_1495 = tpu.memref_slice %arg8[%dma_start3A_1494] : memref<100000xf32, #tpu.memory_space<hbm>> -> memref<4000xf32, #tpu.memory_space<hbm>>
        tpu.enqueue_dma source(%dma_start3A_1495 : memref<4000xf32, #tpu.memory_space<hbm>>) target(%arg15 : memref<4000xf32, #tpu.memory_space<vmem>>) target_semaphore(%run_scoped3A : memref<!tpu.dma_semaphore, #tpu.memory_space<semaphore_mem>>)
        %dma_wait3A_1496 = arith.constant 96000 : i32
        %dma_wait3A_1497 = tpu.memref_slice %arg8[%dma_wait3A_1496] : memref<100000xf32, #tpu.memory_space<hbm>> -> memref<4000xf32, #tpu.memory_space<hbm>>
        %dma_wait3A_1498 = arith.constant 96000 : i32
        %dma_wait3A_1499 = tpu.memref_slice %arg8[%dma_wait3A_1498] : memref<100000xf32, #tpu.memory_space<hbm>> -> memref<4000xf32, #tpu.memory_space<hbm>>
        tpu.wait_dma2 semaphore(%run_scoped3A : memref<!tpu.dma_semaphore, #tpu.memory_space<semaphore_mem>>) src(%dma_wait3A_1499 : memref<4000xf32, #tpu.memory_space<hbm>>) dst(%arg15 : memref<4000xf32, #tpu.memory_space<vmem>>)
        tpu.yield
      }) : () -> ()
      "tpu.region"() ({
        %run_scoped3A = tpu.sem_alloc : memref<!tpu.dma_semaphore, #tpu.memory_space<semaphore_mem>>
        %dma_start3A_1492 = arith.constant 96000 : i32
        %dma_start3A_1493 = tpu.memref_slice %arg14[%dma_start3A_1492] : memref<102400xf32, #tpu.memory_space<vmem_shared>> -> memref<4000xf32, #tpu.memory_space<vmem_shared>>
        %dma_start3A_1494 = arith.constant 96000 : i32
        %dma_start3A_1495 = tpu.memref_slice %arg14[%dma_start3A_1494] : memref<102400xf32, #tpu.memory_space<vmem_shared>> -> memref<4000xf32, #tpu.memory_space<vmem_shared>>
        tpu.enqueue_dma source(%arg15 : memref<4000xf32, #tpu.memory_space<vmem>>) target(%dma_start3A_1495 : memref<4000xf32, #tpu.memory_space<vmem_shared>>) target_semaphore(%run_scoped3A : memref<!tpu.dma_semaphore, #tpu.memory_space<semaphore_mem>>)
        %dma_wait3A_1496 = arith.constant 96000 : i32
        %dma_wait3A_1497 = tpu.memref_slice %arg14[%dma_wait3A_1496] : memref<102400xf32, #tpu.memory_space<vmem_shared>> -> memref<4000xf32, #tpu.memory_space<vmem_shared>>
        %dma_wait3A_1498 = arith.constant 96000 : i32
        %dma_wait3A_1499 = tpu.memref_slice %arg14[%dma_wait3A_1498] : memref<102400xf32, #tpu.memory_space<vmem_shared>> -> memref<4000xf32, #tpu.memory_space<vmem_shared>>
        tpu.wait_dma2 semaphore(%run_scoped3A : memref<!tpu.dma_semaphore, #tpu.memory_space<semaphore_mem>>) src(%arg15 : memref<4000xf32, #tpu.memory_space<vmem>>) dst(%dma_wait3A_1499 : memref<4000xf32, #tpu.memory_space<vmem_shared>>)
        tpu.yield
      }) : () -> ()
    } else {
    }
    %barrier3A_1004 = arith.constant 0 : index
    tpu.barrier barrier_id(%barrier3A_1004)
    %add3A_1005 = arith.constant 0 : i32
    %add3A_1006 = arith.addi %mul3A_4, %add3A_1005 : i32
    %mul3A_1007 = arith.constant 5000 : i32
    %mul3A_1008 = arith.muli %add3A_1006, %mul3A_1007 : i32
    %dma_start3A_1009 = tpu.memref_slice %arg9[%mul3A_1008] : memref<3200000xi32, #tpu.memory_space<hbm>> -> memref<5000xi32, #tpu.memory_space<hbm>>
    %dma_start3A_1010 = tpu.memref_slice %arg9[%mul3A_1008] : memref<3200000xi32, #tpu.memory_space<hbm>> -> memref<5000xi32, #tpu.memory_space<hbm>>
    tpu.enqueue_dma source(%dma_start3A_1010 : memref<5000xi32, #tpu.memory_space<hbm>>) target(%arg16 : memref<5000xi32, #tpu.memory_space<vmem>>) target_semaphore(%arg28 : memref<!tpu.dma_semaphore, #tpu.memory_space<semaphore_mem>>)
    %dma_start3A_1011 = tpu.memref_slice %arg10[%mul3A_1008] : memref<3200000xi32, #tpu.memory_space<hbm>> -> memref<5000xi32, #tpu.memory_space<hbm>>
    %dma_start3A_1012 = tpu.memref_slice %arg10[%mul3A_1008] : memref<3200000xi32, #tpu.memory_space<hbm>> -> memref<5000xi32, #tpu.memory_space<hbm>>
    tpu.enqueue_dma source(%dma_start3A_1012 : memref<5000xi32, #tpu.memory_space<hbm>>) target(%arg17 : memref<5000xi32, #tpu.memory_space<vmem>>) target_semaphore(%arg28 : memref<!tpu.dma_semaphore, #tpu.memory_space<semaphore_mem>>)
    %dma_wait3A_1013 = arith.constant 0 : i32
    %dma_wait3A_1014 = tpu.memref_slice %arg9[%dma_wait3A_1013] : memref<3200000xi32, #tpu.memory_space<hbm>> -> memref<5000xi32, #tpu.memory_space<hbm>>
    %dma_wait3A_1015 = arith.constant 0 : i32
    %dma_wait3A_1016 = tpu.memref_slice %arg9[%dma_wait3A_1015] : memref<3200000xi32, #tpu.memory_space<hbm>> -> memref<5000xi32, #tpu.memory_space<hbm>>
    tpu.wait_dma2 semaphore(%arg28 : memref<!tpu.dma_semaphore, #tpu.memory_space<semaphore_mem>>) src(%dma_wait3A_1016 : memref<5000xi32, #tpu.memory_space<hbm>>) dst(%arg16 : memref<5000xi32, #tpu.memory_space<vmem>>)
    %dma_wait3A_1017 = arith.constant 0 : i32
    %dma_wait3A_1018 = tpu.memref_slice %arg10[%dma_wait3A_1017] : memref<3200000xi32, #tpu.memory_space<hbm>> -> memref<5000xi32, #tpu.memory_space<hbm>>
    %dma_wait3A_1019 = arith.constant 0 : i32
    %dma_wait3A_1020 = tpu.memref_slice %arg10[%dma_wait3A_1019] : memref<3200000xi32, #tpu.memory_space<hbm>> -> memref<5000xi32, #tpu.memory_space<hbm>>
    tpu.wait_dma2 semaphore(%arg28 : memref<!tpu.dma_semaphore, #tpu.memory_space<semaphore_mem>>) src(%dma_wait3A_1020 : memref<5000xi32, #tpu.memory_space<hbm>>) dst(%arg17 : memref<5000xi32, #tpu.memory_space<vmem>>)
    %add3A_1021 = arith.constant 1 : i32
    %add3A_1022 = arith.addi %mul3A_4, %add3A_1021 : i32
    %mul3A_1023 = arith.constant 5000 : i32
    %mul3A_1024 = arith.muli %add3A_1022, %mul3A_1023 : i32
    %dma_start3A_1025 = tpu.memref_slice %arg9[%mul3A_1024] : memref<3200000xi32, #tpu.memory_space<hbm>> -> memref<5000xi32, #tpu.memory_space<hbm>>
    %dma_start3A_1026 = tpu.memref_slice %arg9[%mul3A_1024] : memref<3200000xi32, #tpu.memory_space<hbm>> -> memref<5000xi32, #tpu.memory_space<hbm>>
    tpu.enqueue_dma source(%dma_start3A_1026 : memref<5000xi32, #tpu.memory_space<hbm>>) target(%arg19 : memref<5000xi32, #tpu.memory_space<vmem>>) target_semaphore(%arg29 : memref<!tpu.dma_semaphore, #tpu.memory_space<semaphore_mem>>)
    %dma_start3A_1027 = tpu.memref_slice %arg10[%mul3A_1024] : memref<3200000xi32, #tpu.memory_space<hbm>> -> memref<5000xi32, #tpu.memory_space<hbm>>
    %dma_start3A_1028 = tpu.memref_slice %arg10[%mul3A_1024] : memref<3200000xi32, #tpu.memory_space<hbm>> -> memref<5000xi32, #tpu.memory_space<hbm>>
    tpu.enqueue_dma source(%dma_start3A_1028 : memref<5000xi32, #tpu.memory_space<hbm>>) target(%arg20 : memref<5000xi32, #tpu.memory_space<vmem>>) target_semaphore(%arg29 : memref<!tpu.dma_semaphore, #tpu.memory_space<semaphore_mem>>)
    %dma_start3A_1029 = arith.constant 0 : i32
    %dma_start3A_1030 = tpu.memref_slice %arg14[%dma_start3A_1029] : memref<102400xf32, #tpu.memory_space<vmem_shared>> -> memref<102400xf32, #tpu.memory_space<vmem_shared>>
    tpu.enqueue_indirect_dma source(%dma_start3A_1030 : memref<102400xf32, #tpu.memory_space<vmem_shared>>) target(%arg18 : memref<5000xf32, #tpu.memory_space<vmem>>) offsets(%arg16 : memref<5000xi32, #tpu.memory_space<vmem>>) semaphore(%arg32 : memref<!tpu.dma_semaphore, #tpu.memory_space<semaphore_mem>>)
    %dma_wait3A_1031 = arith.constant 0 : i32
    %dma_wait3A_1032 = tpu.memref_slice %arg9[%dma_wait3A_1031] : memref<3200000xi32, #tpu.memory_space<hbm>> -> memref<5000xi32, #tpu.memory_space<hbm>>
    %dma_wait3A_1033 = arith.constant 0 : i32
    %dma_wait3A_1034 = tpu.memref_slice %arg9[%dma_wait3A_1033] : memref<3200000xi32, #tpu.memory_space<hbm>> -> memref<5000xi32, #tpu.memory_space<hbm>>
    tpu.wait_dma2 semaphore(%arg29 : memref<!tpu.dma_semaphore, #tpu.memory_space<semaphore_mem>>) src(%dma_wait3A_1034 : memref<5000xi32, #tpu.memory_space<hbm>>) dst(%arg19 : memref<5000xi32, #tpu.memory_space<vmem>>)
    %dma_wait3A_1035 = arith.constant 0 : i32
    %dma_wait3A_1036 = tpu.memref_slice %arg10[%dma_wait3A_1035] : memref<3200000xi32, #tpu.memory_space<hbm>> -> memref<5000xi32, #tpu.memory_space<hbm>>
    %dma_wait3A_1037 = arith.constant 0 : i32
    %dma_wait3A_1038 = tpu.memref_slice %arg10[%dma_wait3A_1037] : memref<3200000xi32, #tpu.memory_space<hbm>> -> memref<5000xi32, #tpu.memory_space<hbm>>
    tpu.wait_dma2 semaphore(%arg29 : memref<!tpu.dma_semaphore, #tpu.memory_space<semaphore_mem>>) src(%dma_wait3A_1038 : memref<5000xi32, #tpu.memory_space<hbm>>) dst(%arg20 : memref<5000xi32, #tpu.memory_space<vmem>>)
    %add3A_1039 = arith.constant 2 : i32
    %add3A_1040 = arith.addi %mul3A_4, %add3A_1039 : i32
    %mul3A_1041 = arith.constant 5000 : i32
    %mul3A_1042 = arith.muli %add3A_1040, %mul3A_1041 : i32
    %dma_start3A_1043 = tpu.memref_slice %arg9[%mul3A_1042] : memref<3200000xi32, #tpu.memory_space<hbm>> -> memref<5000xi32, #tpu.memory_space<hbm>>
    %dma_start3A_1044 = tpu.memref_slice %arg9[%mul3A_1042] : memref<3200000xi32, #tpu.memory_space<hbm>> -> memref<5000xi32, #tpu.memory_space<hbm>>
    tpu.enqueue_dma source(%dma_start3A_1044 : memref<5000xi32, #tpu.memory_space<hbm>>) target(%arg22 : memref<5000xi32, #tpu.memory_space<vmem>>) target_semaphore(%arg30 : memref<!tpu.dma_semaphore, #tpu.memory_space<semaphore_mem>>)
    %dma_start3A_1045 = tpu.memref_slice %arg10[%mul3A_1042] : memref<3200000xi32, #tpu.memory_space<hbm>> -> memref<5000xi32, #tpu.memory_space<hbm>>
    %dma_start3A_1046 = tpu.memref_slice %arg10[%mul3A_1042] : memref<3200000xi32, #tpu.memory_space<hbm>> -> memref<5000xi32, #tpu.memory_space<hbm>>
    tpu.enqueue_dma source(%dma_start3A_1046 : memref<5000xi32, #tpu.memory_space<hbm>>) target(%arg23 : memref<5000xi32, #tpu.memory_space<vmem>>) target_semaphore(%arg30 : memref<!tpu.dma_semaphore, #tpu.memory_space<semaphore_mem>>)
    %dma_start3A_1047 = arith.constant 0 : i32
    %dma_start3A_1048 = tpu.memref_slice %arg14[%dma_start3A_1047] : memref<102400xf32, #tpu.memory_space<vmem_shared>> -> memref<102400xf32, #tpu.memory_space<vmem_shared>>
    tpu.enqueue_indirect_dma source(%dma_start3A_1048 : memref<102400xf32, #tpu.memory_space<vmem_shared>>) target(%arg21 : memref<5000xf32, #tpu.memory_space<vmem>>) offsets(%arg19 : memref<5000xi32, #tpu.memory_space<vmem>>) semaphore(%arg33 : memref<!tpu.dma_semaphore, #tpu.memory_space<semaphore_mem>>)
    %dma_wait3A_1049 = arith.constant 0 : i32
    %dma_wait3A_1050 = tpu.memref_slice %arg9[%dma_wait3A_1049] : memref<3200000xi32, #tpu.memory_space<hbm>> -> memref<5000xi32, #tpu.memory_space<hbm>>
    %dma_wait3A_1051 = arith.constant 0 : i32
    %dma_wait3A_1052 = tpu.memref_slice %arg9[%dma_wait3A_1051] : memref<3200000xi32, #tpu.memory_space<hbm>> -> memref<5000xi32, #tpu.memory_space<hbm>>
    tpu.wait_dma2 semaphore(%arg30 : memref<!tpu.dma_semaphore, #tpu.memory_space<semaphore_mem>>) src(%dma_wait3A_1052 : memref<5000xi32, #tpu.memory_space<hbm>>) dst(%arg22 : memref<5000xi32, #tpu.memory_space<vmem>>)
    %dma_wait3A_1053 = arith.constant 0 : i32
    %dma_wait3A_1054 = tpu.memref_slice %arg10[%dma_wait3A_1053] : memref<3200000xi32, #tpu.memory_space<hbm>> -> memref<5000xi32, #tpu.memory_space<hbm>>
    %dma_wait3A_1055 = arith.constant 0 : i32
    %dma_wait3A_1056 = tpu.memref_slice %arg10[%dma_wait3A_1055] : memref<3200000xi32, #tpu.memory_space<hbm>> -> memref<5000xi32, #tpu.memory_space<hbm>>
    tpu.wait_dma2 semaphore(%arg30 : memref<!tpu.dma_semaphore, #tpu.memory_space<semaphore_mem>>) src(%dma_wait3A_1056 : memref<5000xi32, #tpu.memory_space<hbm>>) dst(%arg23 : memref<5000xi32, #tpu.memory_space<vmem>>)
    %add3A_1057 = arith.constant 3 : i32
    %add3A_1058 = arith.addi %mul3A_4, %add3A_1057 : i32
    %mul3A_1059 = arith.constant 5000 : i32
    %mul3A_1060 = arith.muli %add3A_1058, %mul3A_1059 : i32
    %dma_start3A_1061 = tpu.memref_slice %arg9[%mul3A_1060] : memref<3200000xi32, #tpu.memory_space<hbm>> -> memref<5000xi32, #tpu.memory_space<hbm>>
    %dma_start3A_1062 = tpu.memref_slice %arg9[%mul3A_1060] : memref<3200000xi32, #tpu.memory_space<hbm>> -> memref<5000xi32, #tpu.memory_space<hbm>>
    tpu.enqueue_dma source(%dma_start3A_1062 : memref<5000xi32, #tpu.memory_space<hbm>>) target(%arg25 : memref<5000xi32, #tpu.memory_space<vmem>>) target_semaphore(%arg31 : memref<!tpu.dma_semaphore, #tpu.memory_space<semaphore_mem>>)
    %dma_start3A_1063 = tpu.memref_slice %arg10[%mul3A_1060] : memref<3200000xi32, #tpu.memory_space<hbm>> -> memref<5000xi32, #tpu.memory_space<hbm>>
    %dma_start3A_1064 = tpu.memref_slice %arg10[%mul3A_1060] : memref<3200000xi32, #tpu.memory_space<hbm>> -> memref<5000xi32, #tpu.memory_space<hbm>>
    tpu.enqueue_dma source(%dma_start3A_1064 : memref<5000xi32, #tpu.memory_space<hbm>>) target(%arg26 : memref<5000xi32, #tpu.memory_space<vmem>>) target_semaphore(%arg31 : memref<!tpu.dma_semaphore, #tpu.memory_space<semaphore_mem>>)
    %dma_start3A_1065 = arith.constant 0 : i32
    %dma_start3A_1066 = tpu.memref_slice %arg14[%dma_start3A_1065] : memref<102400xf32, #tpu.memory_space<vmem_shared>> -> memref<102400xf32, #tpu.memory_space<vmem_shared>>
    tpu.enqueue_indirect_dma source(%dma_start3A_1066 : memref<102400xf32, #tpu.memory_space<vmem_shared>>) target(%arg24 : memref<5000xf32, #tpu.memory_space<vmem>>) offsets(%arg22 : memref<5000xi32, #tpu.memory_space<vmem>>) semaphore(%arg34 : memref<!tpu.dma_semaphore, #tpu.memory_space<semaphore_mem>>)
    %dma_wait3A_1067 = arith.constant 0 : i32
    %dma_wait3A_1068 = tpu.memref_slice %arg14[%dma_wait3A_1067] : memref<102400xf32, #tpu.memory_space<vmem_shared>> -> memref<102400xf32, #tpu.memory_space<vmem_shared>>
    tpu.wait_indirect_dma semaphore(%arg32 : memref<!tpu.dma_semaphore, #tpu.memory_space<semaphore_mem>>) src(%dma_wait3A_1068 : memref<102400xf32, #tpu.memory_space<vmem_shared>>) dst(%arg18 : memref<5000xf32, #tpu.memory_space<vmem>>)
    %dma_start3A_1069 = arith.constant 0 : i32
    %dma_start3A_1070 = tpu.memref_slice %arg13[%dma_start3A_1069] : memref<102400xf32, #tpu.memory_space<vmem_shared>> -> memref<102400xf32, #tpu.memory_space<vmem_shared>>
    tpu.enqueue_indirect_dma source(%arg18 : memref<5000xf32, #tpu.memory_space<vmem>>) target(%dma_start3A_1070 : memref<102400xf32, #tpu.memory_space<vmem_shared>>) offsets(%arg17 : memref<5000xi32, #tpu.memory_space<vmem>>) semaphore(%arg36 : memref<!tpu.dma_semaphore, #tpu.memory_space<semaphore_mem>>) {add = true}
    %dma_wait3A_1071 = arith.constant 0 : i32
    %dma_wait3A_1072 = tpu.memref_slice %arg9[%dma_wait3A_1071] : memref<3200000xi32, #tpu.memory_space<hbm>> -> memref<5000xi32, #tpu.memory_space<hbm>>
    %dma_wait3A_1073 = arith.constant 0 : i32
    %dma_wait3A_1074 = tpu.memref_slice %arg9[%dma_wait3A_1073] : memref<3200000xi32, #tpu.memory_space<hbm>> -> memref<5000xi32, #tpu.memory_space<hbm>>
    tpu.wait_dma2 semaphore(%arg31 : memref<!tpu.dma_semaphore, #tpu.memory_space<semaphore_mem>>) src(%dma_wait3A_1074 : memref<5000xi32, #tpu.memory_space<hbm>>) dst(%arg25 : memref<5000xi32, #tpu.memory_space<vmem>>)
    %dma_wait3A_1075 = arith.constant 0 : i32
    %dma_wait3A_1076 = tpu.memref_slice %arg10[%dma_wait3A_1075] : memref<3200000xi32, #tpu.memory_space<hbm>> -> memref<5000xi32, #tpu.memory_space<hbm>>
    %dma_wait3A_1077 = arith.constant 0 : i32
    %dma_wait3A_1078 = tpu.memref_slice %arg10[%dma_wait3A_1077] : memref<3200000xi32, #tpu.memory_space<hbm>> -> memref<5000xi32, #tpu.memory_space<hbm>>
    tpu.wait_dma2 semaphore(%arg31 : memref<!tpu.dma_semaphore, #tpu.memory_space<semaphore_mem>>) src(%dma_wait3A_1078 : memref<5000xi32, #tpu.memory_space<hbm>>) dst(%arg26 : memref<5000xi32, #tpu.memory_space<vmem>>)
    %dma_wait3A_1079 = arith.constant 0 : i32
    %dma_wait3A_1080 = tpu.memref_slice %arg13[%dma_wait3A_1079] : memref<102400xf32, #tpu.memory_space<vmem_shared>> -> memref<102400xf32, #tpu.memory_space<vmem_shared>>
    tpu.wait_indirect_dma semaphore(%arg36 : memref<!tpu.dma_semaphore, #tpu.memory_space<semaphore_mem>>) src(%arg18 : memref<5000xf32, #tpu.memory_space<vmem>>) dst(%dma_wait3A_1080 : memref<102400xf32, #tpu.memory_space<vmem_shared>>)
    %add3A_1081 = arith.constant 4 : i32
    %add3A_1082 = arith.addi %mul3A_4, %add3A_1081 : i32
    %mul3A_1083 = arith.constant 5000 : i32
    %mul3A_1084 = arith.muli %add3A_1082, %mul3A_1083 : i32
    %dma_start3A_1085 = tpu.memref_slice %arg9[%mul3A_1084] : memref<3200000xi32, #tpu.memory_space<hbm>> -> memref<5000xi32, #tpu.memory_space<hbm>>
    %dma_start3A_1086 = tpu.memref_slice %arg9[%mul3A_1084] : memref<3200000xi32, #tpu.memory_space<hbm>> -> memref<5000xi32, #tpu.memory_space<hbm>>
    tpu.enqueue_dma source(%dma_start3A_1086 : memref<5000xi32, #tpu.memory_space<hbm>>) target(%arg16 : memref<5000xi32, #tpu.memory_space<vmem>>) target_semaphore(%arg28 : memref<!tpu.dma_semaphore, #tpu.memory_space<semaphore_mem>>)
    %dma_start3A_1087 = tpu.memref_slice %arg10[%mul3A_1084] : memref<3200000xi32, #tpu.memory_space<hbm>> -> memref<5000xi32, #tpu.memory_space<hbm>>
    %dma_start3A_1088 = tpu.memref_slice %arg10[%mul3A_1084] : memref<3200000xi32, #tpu.memory_space<hbm>> -> memref<5000xi32, #tpu.memory_space<hbm>>
    tpu.enqueue_dma source(%dma_start3A_1088 : memref<5000xi32, #tpu.memory_space<hbm>>) target(%arg17 : memref<5000xi32, #tpu.memory_space<vmem>>) target_semaphore(%arg28 : memref<!tpu.dma_semaphore, #tpu.memory_space<semaphore_mem>>)
    %dma_start3A_1089 = arith.constant 0 : i32
    %dma_start3A_1090 = tpu.memref_slice %arg14[%dma_start3A_1089] : memref<102400xf32, #tpu.memory_space<vmem_shared>> -> memref<102400xf32, #tpu.memory_space<vmem_shared>>
    tpu.enqueue_indirect_dma source(%dma_start3A_1090 : memref<102400xf32, #tpu.memory_space<vmem_shared>>) target(%arg27 : memref<5000xf32, #tpu.memory_space<vmem>>) offsets(%arg25 : memref<5000xi32, #tpu.memory_space<vmem>>) semaphore(%arg35 : memref<!tpu.dma_semaphore, #tpu.memory_space<semaphore_mem>>)
    %dma_wait3A_1091 = arith.constant 0 : i32
    %dma_wait3A_1092 = tpu.memref_slice %arg14[%dma_wait3A_1091] : memref<102400xf32, #tpu.memory_space<vmem_shared>> -> memref<102400xf32, #tpu.memory_space<vmem_shared>>
    tpu.wait_indirect_dma semaphore(%arg33 : memref<!tpu.dma_semaphore, #tpu.memory_space<semaphore_mem>>) src(%dma_wait3A_1092 : memref<102400xf32, #tpu.memory_space<vmem_shared>>) dst(%arg21 : memref<5000xf32, #tpu.memory_space<vmem>>)
    %dma_start3A_1093 = arith.constant 0 : i32
    %dma_start3A_1094 = tpu.memref_slice %arg13[%dma_start3A_1093] : memref<102400xf32, #tpu.memory_space<vmem_shared>> -> memref<102400xf32, #tpu.memory_space<vmem_shared>>
    tpu.enqueue_indirect_dma source(%arg21 : memref<5000xf32, #tpu.memory_space<vmem>>) target(%dma_start3A_1094 : memref<102400xf32, #tpu.memory_space<vmem_shared>>) offsets(%arg20 : memref<5000xi32, #tpu.memory_space<vmem>>) semaphore(%arg37 : memref<!tpu.dma_semaphore, #tpu.memory_space<semaphore_mem>>) {add = true}
    %dma_wait3A_1095 = arith.constant 0 : i32
    %dma_wait3A_1096 = tpu.memref_slice %arg9[%dma_wait3A_1095] : memref<3200000xi32, #tpu.memory_space<hbm>> -> memref<5000xi32, #tpu.memory_space<hbm>>
    %dma_wait3A_1097 = arith.constant 0 : i32
    %dma_wait3A_1098 = tpu.memref_slice %arg9[%dma_wait3A_1097] : memref<3200000xi32, #tpu.memory_space<hbm>> -> memref<5000xi32, #tpu.memory_space<hbm>>
    tpu.wait_dma2 semaphore(%arg28 : memref<!tpu.dma_semaphore, #tpu.memory_space<semaphore_mem>>) src(%dma_wait3A_1098 : memref<5000xi32, #tpu.memory_space<hbm>>) dst(%arg16 : memref<5000xi32, #tpu.memory_space<vmem>>)
    %dma_wait3A_1099 = arith.constant 0 : i32
    %dma_wait3A_1100 = tpu.memref_slice %arg10[%dma_wait3A_1099] : memref<3200000xi32, #tpu.memory_space<hbm>> -> memref<5000xi32, #tpu.memory_space<hbm>>
    %dma_wait3A_1101 = arith.constant 0 : i32
    %dma_wait3A_1102 = tpu.memref_slice %arg10[%dma_wait3A_1101] : memref<3200000xi32, #tpu.memory_space<hbm>> -> memref<5000xi32, #tpu.memory_space<hbm>>
    tpu.wait_dma2 semaphore(%arg28 : memref<!tpu.dma_semaphore, #tpu.memory_space<semaphore_mem>>) src(%dma_wait3A_1102 : memref<5000xi32, #tpu.memory_space<hbm>>) dst(%arg17 : memref<5000xi32, #tpu.memory_space<vmem>>)
    %dma_wait3A_1103 = arith.constant 0 : i32
    %dma_wait3A_1104 = tpu.memref_slice %arg13[%dma_wait3A_1103] : memref<102400xf32, #tpu.memory_space<vmem_shared>> -> memref<102400xf32, #tpu.memory_space<vmem_shared>>
    tpu.wait_indirect_dma semaphore(%arg37 : memref<!tpu.dma_semaphore, #tpu.memory_space<semaphore_mem>>) src(%arg21 : memref<5000xf32, #tpu.memory_space<vmem>>) dst(%dma_wait3A_1104 : memref<102400xf32, #tpu.memory_space<vmem_shared>>)
    %add3A_1105 = arith.constant 5 : i32
    %add3A_1106 = arith.addi %mul3A_4, %add3A_1105 : i32
    %mul3A_1107 = arith.constant 5000 : i32
    %mul3A_1108 = arith.muli %add3A_1106, %mul3A_1107 : i32
    %dma_start3A_1109 = tpu.memref_slice %arg9[%mul3A_1108] : memref<3200000xi32, #tpu.memory_space<hbm>> -> memref<5000xi32, #tpu.memory_space<hbm>>
    %dma_start3A_1110 = tpu.memref_slice %arg9[%mul3A_1108] : memref<3200000xi32, #tpu.memory_space<hbm>> -> memref<5000xi32, #tpu.memory_space<hbm>>
    tpu.enqueue_dma source(%dma_start3A_1110 : memref<5000xi32, #tpu.memory_space<hbm>>) target(%arg19 : memref<5000xi32, #tpu.memory_space<vmem>>) target_semaphore(%arg29 : memref<!tpu.dma_semaphore, #tpu.memory_space<semaphore_mem>>)
    %dma_start3A_1111 = tpu.memref_slice %arg10[%mul3A_1108] : memref<3200000xi32, #tpu.memory_space<hbm>> -> memref<5000xi32, #tpu.memory_space<hbm>>
    %dma_start3A_1112 = tpu.memref_slice %arg10[%mul3A_1108] : memref<3200000xi32, #tpu.memory_space<hbm>> -> memref<5000xi32, #tpu.memory_space<hbm>>
    tpu.enqueue_dma source(%dma_start3A_1112 : memref<5000xi32, #tpu.memory_space<hbm>>) target(%arg20 : memref<5000xi32, #tpu.memory_space<vmem>>) target_semaphore(%arg29 : memref<!tpu.dma_semaphore, #tpu.memory_space<semaphore_mem>>)
    %dma_start3A_1113 = arith.constant 0 : i32
    %dma_start3A_1114 = tpu.memref_slice %arg14[%dma_start3A_1113] : memref<102400xf32, #tpu.memory_space<vmem_shared>> -> memref<102400xf32, #tpu.memory_space<vmem_shared>>
    tpu.enqueue_indirect_dma source(%dma_start3A_1114 : memref<102400xf32, #tpu.memory_space<vmem_shared>>) target(%arg18 : memref<5000xf32, #tpu.memory_space<vmem>>) offsets(%arg16 : memref<5000xi32, #tpu.memory_space<vmem>>) semaphore(%arg32 : memref<!tpu.dma_semaphore, #tpu.memory_space<semaphore_mem>>)
    %dma_wait3A_1115 = arith.constant 0 : i32
    %dma_wait3A_1116 = tpu.memref_slice %arg14[%dma_wait3A_1115] : memref<102400xf32, #tpu.memory_space<vmem_shared>> -> memref<102400xf32, #tpu.memory_space<vmem_shared>>
    tpu.wait_indirect_dma semaphore(%arg34 : memref<!tpu.dma_semaphore, #tpu.memory_space<semaphore_mem>>) src(%dma_wait3A_1116 : memref<102400xf32, #tpu.memory_space<vmem_shared>>) dst(%arg24 : memref<5000xf32, #tpu.memory_space<vmem>>)
    %dma_start3A_1117 = arith.constant 0 : i32
    %dma_start3A_1118 = tpu.memref_slice %arg13[%dma_start3A_1117] : memref<102400xf32, #tpu.memory_space<vmem_shared>> -> memref<102400xf32, #tpu.memory_space<vmem_shared>>
    tpu.enqueue_indirect_dma source(%arg24 : memref<5000xf32, #tpu.memory_space<vmem>>) target(%dma_start3A_1118 : memref<102400xf32, #tpu.memory_space<vmem_shared>>) offsets(%arg23 : memref<5000xi32, #tpu.memory_space<vmem>>) semaphore(%arg38 : memref<!tpu.dma_semaphore, #tpu.memory_space<semaphore_mem>>) {add = true}
    %dma_wait3A_1119 = arith.constant 0 : i32
    %dma_wait3A_1120 = tpu.memref_slice %arg9[%dma_wait3A_1119] : memref<3200000xi32, #tpu.memory_space<hbm>> -> memref<5000xi32, #tpu.memory_space<hbm>>
    %dma_wait3A_1121 = arith.constant 0 : i32
    %dma_wait3A_1122 = tpu.memref_slice %arg9[%dma_wait3A_1121] : memref<3200000xi32, #tpu.memory_space<hbm>> -> memref<5000xi32, #tpu.memory_space<hbm>>
    tpu.wait_dma2 semaphore(%arg29 : memref<!tpu.dma_semaphore, #tpu.memory_space<semaphore_mem>>) src(%dma_wait3A_1122 : memref<5000xi32, #tpu.memory_space<hbm>>) dst(%arg19 : memref<5000xi32, #tpu.memory_space<vmem>>)
    %dma_wait3A_1123 = arith.constant 0 : i32
    %dma_wait3A_1124 = tpu.memref_slice %arg10[%dma_wait3A_1123] : memref<3200000xi32, #tpu.memory_space<hbm>> -> memref<5000xi32, #tpu.memory_space<hbm>>
    %dma_wait3A_1125 = arith.constant 0 : i32
    %dma_wait3A_1126 = tpu.memref_slice %arg10[%dma_wait3A_1125] : memref<3200000xi32, #tpu.memory_space<hbm>> -> memref<5000xi32, #tpu.memory_space<hbm>>
    tpu.wait_dma2 semaphore(%arg29 : memref<!tpu.dma_semaphore, #tpu.memory_space<semaphore_mem>>) src(%dma_wait3A_1126 : memref<5000xi32, #tpu.memory_space<hbm>>) dst(%arg20 : memref<5000xi32, #tpu.memory_space<vmem>>)
    %dma_wait3A_1127 = arith.constant 0 : i32
    %dma_wait3A_1128 = tpu.memref_slice %arg13[%dma_wait3A_1127] : memref<102400xf32, #tpu.memory_space<vmem_shared>> -> memref<102400xf32, #tpu.memory_space<vmem_shared>>
    tpu.wait_indirect_dma semaphore(%arg38 : memref<!tpu.dma_semaphore, #tpu.memory_space<semaphore_mem>>) src(%arg24 : memref<5000xf32, #tpu.memory_space<vmem>>) dst(%dma_wait3A_1128 : memref<102400xf32, #tpu.memory_space<vmem_shared>>)
    %add3A_1129 = arith.constant 6 : i32
    %add3A_1130 = arith.addi %mul3A_4, %add3A_1129 : i32
    %mul3A_1131 = arith.constant 5000 : i32
    %mul3A_1132 = arith.muli %add3A_1130, %mul3A_1131 : i32
    %dma_start3A_1133 = tpu.memref_slice %arg9[%mul3A_1132] : memref<3200000xi32, #tpu.memory_space<hbm>> -> memref<5000xi32, #tpu.memory_space<hbm>>
    %dma_start3A_1134 = tpu.memref_slice %arg9[%mul3A_1132] : memref<3200000xi32, #tpu.memory_space<hbm>> -> memref<5000xi32, #tpu.memory_space<hbm>>
    tpu.enqueue_dma source(%dma_start3A_1134 : memref<5000xi32, #tpu.memory_space<hbm>>) target(%arg22 : memref<5000xi32, #tpu.memory_space<vmem>>) target_semaphore(%arg30 : memref<!tpu.dma_semaphore, #tpu.memory_space<semaphore_mem>>)
    %dma_start3A_1135 = tpu.memref_slice %arg10[%mul3A_1132] : memref<3200000xi32, #tpu.memory_space<hbm>> -> memref<5000xi32, #tpu.memory_space<hbm>>
    %dma_start3A_1136 = tpu.memref_slice %arg10[%mul3A_1132] : memref<3200000xi32, #tpu.memory_space<hbm>> -> memref<5000xi32, #tpu.memory_space<hbm>>
    tpu.enqueue_dma source(%dma_start3A_1136 : memref<5000xi32, #tpu.memory_space<hbm>>) target(%arg23 : memref<5000xi32, #tpu.memory_space<vmem>>) target_semaphore(%arg30 : memref<!tpu.dma_semaphore, #tpu.memory_space<semaphore_mem>>)
    %dma_start3A_1137 = arith.constant 0 : i32
    %dma_start3A_1138 = tpu.memref_slice %arg14[%dma_start3A_1137] : memref<102400xf32, #tpu.memory_space<vmem_shared>> -> memref<102400xf32, #tpu.memory_space<vmem_shared>>
    tpu.enqueue_indirect_dma source(%dma_start3A_1138 : memref<102400xf32, #tpu.memory_space<vmem_shared>>) target(%arg21 : memref<5000xf32, #tpu.memory_space<vmem>>) offsets(%arg19 : memref<5000xi32, #tpu.memory_space<vmem>>) semaphore(%arg33 : memref<!tpu.dma_semaphore, #tpu.memory_space<semaphore_mem>>)
    %dma_wait3A_1139 = arith.constant 0 : i32
    %dma_wait3A_1140 = tpu.memref_slice %arg14[%dma_wait3A_1139] : memref<102400xf32, #tpu.memory_space<vmem_shared>> -> memref<102400xf32, #tpu.memory_space<vmem_shared>>
    tpu.wait_indirect_dma semaphore(%arg35 : memref<!tpu.dma_semaphore, #tpu.memory_space<semaphore_mem>>) src(%dma_wait3A_1140 : memref<102400xf32, #tpu.memory_space<vmem_shared>>) dst(%arg27 : memref<5000xf32, #tpu.memory_space<vmem>>)
    %dma_start3A_1141 = arith.constant 0 : i32
    %dma_start3A_1142 = tpu.memref_slice %arg13[%dma_start3A_1141] : memref<102400xf32, #tpu.memory_space<vmem_shared>> -> memref<102400xf32, #tpu.memory_space<vmem_shared>>
    tpu.enqueue_indirect_dma source(%arg27 : memref<5000xf32, #tpu.memory_space<vmem>>) target(%dma_start3A_1142 : memref<102400xf32, #tpu.memory_space<vmem_shared>>) offsets(%arg26 : memref<5000xi32, #tpu.memory_space<vmem>>) semaphore(%arg39 : memref<!tpu.dma_semaphore, #tpu.memory_space<semaphore_mem>>) {add = true}
    %dma_wait3A_1143 = arith.constant 0 : i32
    %dma_wait3A_1144 = tpu.memref_slice %arg9[%dma_wait3A_1143] : memref<3200000xi32, #tpu.memory_space<hbm>> -> memref<5000xi32, #tpu.memory_space<hbm>>
    %dma_wait3A_1145 = arith.constant 0 : i32
    %dma_wait3A_1146 = tpu.memref_slice %arg9[%dma_wait3A_1145] : memref<3200000xi32, #tpu.memory_space<hbm>> -> memref<5000xi32, #tpu.memory_space<hbm>>
    tpu.wait_dma2 semaphore(%arg30 : memref<!tpu.dma_semaphore, #tpu.memory_space<semaphore_mem>>) src(%dma_wait3A_1146 : memref<5000xi32, #tpu.memory_space<hbm>>) dst(%arg22 : memref<5000xi32, #tpu.memory_space<vmem>>)
    %dma_wait3A_1147 = arith.constant 0 : i32
    %dma_wait3A_1148 = tpu.memref_slice %arg10[%dma_wait3A_1147] : memref<3200000xi32, #tpu.memory_space<hbm>> -> memref<5000xi32, #tpu.memory_space<hbm>>
    %dma_wait3A_1149 = arith.constant 0 : i32
    %dma_wait3A_1150 = tpu.memref_slice %arg10[%dma_wait3A_1149] : memref<3200000xi32, #tpu.memory_space<hbm>> -> memref<5000xi32, #tpu.memory_space<hbm>>
    tpu.wait_dma2 semaphore(%arg30 : memref<!tpu.dma_semaphore, #tpu.memory_space<semaphore_mem>>) src(%dma_wait3A_1150 : memref<5000xi32, #tpu.memory_space<hbm>>) dst(%arg23 : memref<5000xi32, #tpu.memory_space<vmem>>)
    %dma_wait3A_1151 = arith.constant 0 : i32
    %dma_wait3A_1152 = tpu.memref_slice %arg13[%dma_wait3A_1151] : memref<102400xf32, #tpu.memory_space<vmem_shared>> -> memref<102400xf32, #tpu.memory_space<vmem_shared>>
    tpu.wait_indirect_dma semaphore(%arg39 : memref<!tpu.dma_semaphore, #tpu.memory_space<semaphore_mem>>) src(%arg27 : memref<5000xf32, #tpu.memory_space<vmem>>) dst(%dma_wait3A_1152 : memref<102400xf32, #tpu.memory_space<vmem_shared>>)
    %add3A_1153 = arith.constant 7 : i32
    %add3A_1154 = arith.addi %mul3A_4, %add3A_1153 : i32
    %mul3A_1155 = arith.constant 5000 : i32
    %mul3A_1156 = arith.muli %add3A_1154, %mul3A_1155 : i32
    %dma_start3A_1157 = tpu.memref_slice %arg9[%mul3A_1156] : memref<3200000xi32, #tpu.memory_space<hbm>> -> memref<5000xi32, #tpu.memory_space<hbm>>
    %dma_start3A_1158 = tpu.memref_slice %arg9[%mul3A_1156] : memref<3200000xi32, #tpu.memory_space<hbm>> -> memref<5000xi32, #tpu.memory_space<hbm>>
    tpu.enqueue_dma source(%dma_start3A_1158 : memref<5000xi32, #tpu.memory_space<hbm>>) target(%arg25 : memref<5000xi32, #tpu.memory_space<vmem>>) target_semaphore(%arg31 : memref<!tpu.dma_semaphore, #tpu.memory_space<semaphore_mem>>)
    %dma_start3A_1159 = tpu.memref_slice %arg10[%mul3A_1156] : memref<3200000xi32, #tpu.memory_space<hbm>> -> memref<5000xi32, #tpu.memory_space<hbm>>
    %dma_start3A_1160 = tpu.memref_slice %arg10[%mul3A_1156] : memref<3200000xi32, #tpu.memory_space<hbm>> -> memref<5000xi32, #tpu.memory_space<hbm>>
    tpu.enqueue_dma source(%dma_start3A_1160 : memref<5000xi32, #tpu.memory_space<hbm>>) target(%arg26 : memref<5000xi32, #tpu.memory_space<vmem>>) target_semaphore(%arg31 : memref<!tpu.dma_semaphore, #tpu.memory_space<semaphore_mem>>)
    %dma_start3A_1161 = arith.constant 0 : i32
    %dma_start3A_1162 = tpu.memref_slice %arg14[%dma_start3A_1161] : memref<102400xf32, #tpu.memory_space<vmem_shared>> -> memref<102400xf32, #tpu.memory_space<vmem_shared>>
    tpu.enqueue_indirect_dma source(%dma_start3A_1162 : memref<102400xf32, #tpu.memory_space<vmem_shared>>) target(%arg24 : memref<5000xf32, #tpu.memory_space<vmem>>) offsets(%arg22 : memref<5000xi32, #tpu.memory_space<vmem>>) semaphore(%arg34 : memref<!tpu.dma_semaphore, #tpu.memory_space<semaphore_mem>>)
    %dma_wait3A_1163 = arith.constant 0 : i32
    %dma_wait3A_1164 = tpu.memref_slice %arg14[%dma_wait3A_1163] : memref<102400xf32, #tpu.memory_space<vmem_shared>> -> memref<102400xf32, #tpu.memory_space<vmem_shared>>
    tpu.wait_indirect_dma semaphore(%arg32 : memref<!tpu.dma_semaphore, #tpu.memory_space<semaphore_mem>>) src(%dma_wait3A_1164 : memref<102400xf32, #tpu.memory_space<vmem_shared>>) dst(%arg18 : memref<5000xf32, #tpu.memory_space<vmem>>)
    %dma_start3A_1165 = arith.constant 0 : i32
    %dma_start3A_1166 = tpu.memref_slice %arg13[%dma_start3A_1165] : memref<102400xf32, #tpu.memory_space<vmem_shared>> -> memref<102400xf32, #tpu.memory_space<vmem_shared>>
    tpu.enqueue_indirect_dma source(%arg18 : memref<5000xf32, #tpu.memory_space<vmem>>) target(%dma_start3A_1166 : memref<102400xf32, #tpu.memory_space<vmem_shared>>) offsets(%arg17 : memref<5000xi32, #tpu.memory_space<vmem>>) semaphore(%arg36 : memref<!tpu.dma_semaphore, #tpu.memory_space<semaphore_mem>>) {add = true}
    %dma_wait3A_1167 = arith.constant 0 : i32
    %dma_wait3A_1168 = tpu.memref_slice %arg9[%dma_wait3A_1167] : memref<3200000xi32, #tpu.memory_space<hbm>> -> memref<5000xi32, #tpu.memory_space<hbm>>
    %dma_wait3A_1169 = arith.constant 0 : i32
    %dma_wait3A_1170 = tpu.memref_slice %arg9[%dma_wait3A_1169] : memref<3200000xi32, #tpu.memory_space<hbm>> -> memref<5000xi32, #tpu.memory_space<hbm>>
    tpu.wait_dma2 semaphore(%arg31 : memref<!tpu.dma_semaphore, #tpu.memory_space<semaphore_mem>>) src(%dma_wait3A_1170 : memref<5000xi32, #tpu.memory_space<hbm>>) dst(%arg25 : memref<5000xi32, #tpu.memory_space<vmem>>)
    %dma_wait3A_1171 = arith.constant 0 : i32
    %dma_wait3A_1172 = tpu.memref_slice %arg10[%dma_wait3A_1171] : memref<3200000xi32, #tpu.memory_space<hbm>> -> memref<5000xi32, #tpu.memory_space<hbm>>
    %dma_wait3A_1173 = arith.constant 0 : i32
    %dma_wait3A_1174 = tpu.memref_slice %arg10[%dma_wait3A_1173] : memref<3200000xi32, #tpu.memory_space<hbm>> -> memref<5000xi32, #tpu.memory_space<hbm>>
    tpu.wait_dma2 semaphore(%arg31 : memref<!tpu.dma_semaphore, #tpu.memory_space<semaphore_mem>>) src(%dma_wait3A_1174 : memref<5000xi32, #tpu.memory_space<hbm>>) dst(%arg26 : memref<5000xi32, #tpu.memory_space<vmem>>)
    %dma_wait3A_1175 = arith.constant 0 : i32
    %dma_wait3A_1176 = tpu.memref_slice %arg13[%dma_wait3A_1175] : memref<102400xf32, #tpu.memory_space<vmem_shared>> -> memref<102400xf32, #tpu.memory_space<vmem_shared>>
    tpu.wait_indirect_dma semaphore(%arg36 : memref<!tpu.dma_semaphore, #tpu.memory_space<semaphore_mem>>) src(%arg18 : memref<5000xf32, #tpu.memory_space<vmem>>) dst(%dma_wait3A_1176 : memref<102400xf32, #tpu.memory_space<vmem_shared>>)
    %add3A_1177 = arith.constant 8 : i32
    %add3A_1178 = arith.addi %mul3A_4, %add3A_1177 : i32
    %mul3A_1179 = arith.constant 5000 : i32
    %mul3A_1180 = arith.muli %add3A_1178, %mul3A_1179 : i32
    %dma_start3A_1181 = tpu.memref_slice %arg9[%mul3A_1180] : memref<3200000xi32, #tpu.memory_space<hbm>> -> memref<5000xi32, #tpu.memory_space<hbm>>
    %dma_start3A_1182 = tpu.memref_slice %arg9[%mul3A_1180] : memref<3200000xi32, #tpu.memory_space<hbm>> -> memref<5000xi32, #tpu.memory_space<hbm>>
    tpu.enqueue_dma source(%dma_start3A_1182 : memref<5000xi32, #tpu.memory_space<hbm>>) target(%arg16 : memref<5000xi32, #tpu.memory_space<vmem>>) target_semaphore(%arg28 : memref<!tpu.dma_semaphore, #tpu.memory_space<semaphore_mem>>)
    %dma_start3A_1183 = tpu.memref_slice %arg10[%mul3A_1180] : memref<3200000xi32, #tpu.memory_space<hbm>> -> memref<5000xi32, #tpu.memory_space<hbm>>
    %dma_start3A_1184 = tpu.memref_slice %arg10[%mul3A_1180] : memref<3200000xi32, #tpu.memory_space<hbm>> -> memref<5000xi32, #tpu.memory_space<hbm>>
    tpu.enqueue_dma source(%dma_start3A_1184 : memref<5000xi32, #tpu.memory_space<hbm>>) target(%arg17 : memref<5000xi32, #tpu.memory_space<vmem>>) target_semaphore(%arg28 : memref<!tpu.dma_semaphore, #tpu.memory_space<semaphore_mem>>)
    %dma_start3A_1185 = arith.constant 0 : i32
    %dma_start3A_1186 = tpu.memref_slice %arg14[%dma_start3A_1185] : memref<102400xf32, #tpu.memory_space<vmem_shared>> -> memref<102400xf32, #tpu.memory_space<vmem_shared>>
    tpu.enqueue_indirect_dma source(%dma_start3A_1186 : memref<102400xf32, #tpu.memory_space<vmem_shared>>) target(%arg27 : memref<5000xf32, #tpu.memory_space<vmem>>) offsets(%arg25 : memref<5000xi32, #tpu.memory_space<vmem>>) semaphore(%arg35 : memref<!tpu.dma_semaphore, #tpu.memory_space<semaphore_mem>>)
    %dma_wait3A_1187 = arith.constant 0 : i32
    %dma_wait3A_1188 = tpu.memref_slice %arg14[%dma_wait3A_1187] : memref<102400xf32, #tpu.memory_space<vmem_shared>> -> memref<102400xf32, #tpu.memory_space<vmem_shared>>
    tpu.wait_indirect_dma semaphore(%arg33 : memref<!tpu.dma_semaphore, #tpu.memory_space<semaphore_mem>>) src(%dma_wait3A_1188 : memref<102400xf32, #tpu.memory_space<vmem_shared>>) dst(%arg21 : memref<5000xf32, #tpu.memory_space<vmem>>)
    %dma_start3A_1189 = arith.constant 0 : i32
    %dma_start3A_1190 = tpu.memref_slice %arg13[%dma_start3A_1189] : memref<102400xf32, #tpu.memory_space<vmem_shared>> -> memref<102400xf32, #tpu.memory_space<vmem_shared>>
    tpu.enqueue_indirect_dma source(%arg21 : memref<5000xf32, #tpu.memory_space<vmem>>) target(%dma_start3A_1190 : memref<102400xf32, #tpu.memory_space<vmem_shared>>) offsets(%arg20 : memref<5000xi32, #tpu.memory_space<vmem>>) semaphore(%arg37 : memref<!tpu.dma_semaphore, #tpu.memory_space<semaphore_mem>>) {add = true}
    %dma_wait3A_1191 = arith.constant 0 : i32
    %dma_wait3A_1192 = tpu.memref_slice %arg9[%dma_wait3A_1191] : memref<3200000xi32, #tpu.memory_space<hbm>> -> memref<5000xi32, #tpu.memory_space<hbm>>
    %dma_wait3A_1193 = arith.constant 0 : i32
    %dma_wait3A_1194 = tpu.memref_slice %arg9[%dma_wait3A_1193] : memref<3200000xi32, #tpu.memory_space<hbm>> -> memref<5000xi32, #tpu.memory_space<hbm>>
    tpu.wait_dma2 semaphore(%arg28 : memref<!tpu.dma_semaphore, #tpu.memory_space<semaphore_mem>>) src(%dma_wait3A_1194 : memref<5000xi32, #tpu.memory_space<hbm>>) dst(%arg16 : memref<5000xi32, #tpu.memory_space<vmem>>)
    %dma_wait3A_1195 = arith.constant 0 : i32
    %dma_wait3A_1196 = tpu.memref_slice %arg10[%dma_wait3A_1195] : memref<3200000xi32, #tpu.memory_space<hbm>> -> memref<5000xi32, #tpu.memory_space<hbm>>
    %dma_wait3A_1197 = arith.constant 0 : i32
    %dma_wait3A_1198 = tpu.memref_slice %arg10[%dma_wait3A_1197] : memref<3200000xi32, #tpu.memory_space<hbm>> -> memref<5000xi32, #tpu.memory_space<hbm>>
    tpu.wait_dma2 semaphore(%arg28 : memref<!tpu.dma_semaphore, #tpu.memory_space<semaphore_mem>>) src(%dma_wait3A_1198 : memref<5000xi32, #tpu.memory_space<hbm>>) dst(%arg17 : memref<5000xi32, #tpu.memory_space<vmem>>)
    %dma_wait3A_1199 = arith.constant 0 : i32
    %dma_wait3A_1200 = tpu.memref_slice %arg13[%dma_wait3A_1199] : memref<102400xf32, #tpu.memory_space<vmem_shared>> -> memref<102400xf32, #tpu.memory_space<vmem_shared>>
    tpu.wait_indirect_dma semaphore(%arg37 : memref<!tpu.dma_semaphore, #tpu.memory_space<semaphore_mem>>) src(%arg21 : memref<5000xf32, #tpu.memory_space<vmem>>) dst(%dma_wait3A_1200 : memref<102400xf32, #tpu.memory_space<vmem_shared>>)
    %add3A_1201 = arith.constant 9 : i32
    %add3A_1202 = arith.addi %mul3A_4, %add3A_1201 : i32
    %mul3A_1203 = arith.constant 5000 : i32
    %mul3A_1204 = arith.muli %add3A_1202, %mul3A_1203 : i32
    %dma_start3A_1205 = tpu.memref_slice %arg9[%mul3A_1204] : memref<3200000xi32, #tpu.memory_space<hbm>> -> memref<5000xi32, #tpu.memory_space<hbm>>
    %dma_start3A_1206 = tpu.memref_slice %arg9[%mul3A_1204] : memref<3200000xi32, #tpu.memory_space<hbm>> -> memref<5000xi32, #tpu.memory_space<hbm>>
    tpu.enqueue_dma source(%dma_start3A_1206 : memref<5000xi32, #tpu.memory_space<hbm>>) target(%arg19 : memref<5000xi32, #tpu.memory_space<vmem>>) target_semaphore(%arg29 : memref<!tpu.dma_semaphore, #tpu.memory_space<semaphore_mem>>)
    %dma_start3A_1207 = tpu.memref_slice %arg10[%mul3A_1204] : memref<3200000xi32, #tpu.memory_space<hbm>> -> memref<5000xi32, #tpu.memory_space<hbm>>
    %dma_start3A_1208 = tpu.memref_slice %arg10[%mul3A_1204] : memref<3200000xi32, #tpu.memory_space<hbm>> -> memref<5000xi32, #tpu.memory_space<hbm>>
    tpu.enqueue_dma source(%dma_start3A_1208 : memref<5000xi32, #tpu.memory_space<hbm>>) target(%arg20 : memref<5000xi32, #tpu.memory_space<vmem>>) target_semaphore(%arg29 : memref<!tpu.dma_semaphore, #tpu.memory_space<semaphore_mem>>)
    %dma_start3A_1209 = arith.constant 0 : i32
    %dma_start3A_1210 = tpu.memref_slice %arg14[%dma_start3A_1209] : memref<102400xf32, #tpu.memory_space<vmem_shared>> -> memref<102400xf32, #tpu.memory_space<vmem_shared>>
    tpu.enqueue_indirect_dma source(%dma_start3A_1210 : memref<102400xf32, #tpu.memory_space<vmem_shared>>) target(%arg18 : memref<5000xf32, #tpu.memory_space<vmem>>) offsets(%arg16 : memref<5000xi32, #tpu.memory_space<vmem>>) semaphore(%arg32 : memref<!tpu.dma_semaphore, #tpu.memory_space<semaphore_mem>>)
    %dma_wait3A_1211 = arith.constant 0 : i32
    %dma_wait3A_1212 = tpu.memref_slice %arg14[%dma_wait3A_1211] : memref<102400xf32, #tpu.memory_space<vmem_shared>> -> memref<102400xf32, #tpu.memory_space<vmem_shared>>
    tpu.wait_indirect_dma semaphore(%arg34 : memref<!tpu.dma_semaphore, #tpu.memory_space<semaphore_mem>>) src(%dma_wait3A_1212 : memref<102400xf32, #tpu.memory_space<vmem_shared>>) dst(%arg24 : memref<5000xf32, #tpu.memory_space<vmem>>)
    %dma_start3A_1213 = arith.constant 0 : i32
    %dma_start3A_1214 = tpu.memref_slice %arg13[%dma_start3A_1213] : memref<102400xf32, #tpu.memory_space<vmem_shared>> -> memref<102400xf32, #tpu.memory_space<vmem_shared>>
    tpu.enqueue_indirect_dma source(%arg24 : memref<5000xf32, #tpu.memory_space<vmem>>) target(%dma_start3A_1214 : memref<102400xf32, #tpu.memory_space<vmem_shared>>) offsets(%arg23 : memref<5000xi32, #tpu.memory_space<vmem>>) semaphore(%arg38 : memref<!tpu.dma_semaphore, #tpu.memory_space<semaphore_mem>>) {add = true}
    %dma_wait3A_1215 = arith.constant 0 : i32
    %dma_wait3A_1216 = tpu.memref_slice %arg9[%dma_wait3A_1215] : memref<3200000xi32, #tpu.memory_space<hbm>> -> memref<5000xi32, #tpu.memory_space<hbm>>
    %dma_wait3A_1217 = arith.constant 0 : i32
    %dma_wait3A_1218 = tpu.memref_slice %arg9[%dma_wait3A_1217] : memref<3200000xi32, #tpu.memory_space<hbm>> -> memref<5000xi32, #tpu.memory_space<hbm>>
    tpu.wait_dma2 semaphore(%arg29 : memref<!tpu.dma_semaphore, #tpu.memory_space<semaphore_mem>>) src(%dma_wait3A_1218 : memref<5000xi32, #tpu.memory_space<hbm>>) dst(%arg19 : memref<5000xi32, #tpu.memory_space<vmem>>)
    %dma_wait3A_1219 = arith.constant 0 : i32
    %dma_wait3A_1220 = tpu.memref_slice %arg10[%dma_wait3A_1219] : memref<3200000xi32, #tpu.memory_space<hbm>> -> memref<5000xi32, #tpu.memory_space<hbm>>
    %dma_wait3A_1221 = arith.constant 0 : i32
    %dma_wait3A_1222 = tpu.memref_slice %arg10[%dma_wait3A_1221] : memref<3200000xi32, #tpu.memory_space<hbm>> -> memref<5000xi32, #tpu.memory_space<hbm>>
    tpu.wait_dma2 semaphore(%arg29 : memref<!tpu.dma_semaphore, #tpu.memory_space<semaphore_mem>>) src(%dma_wait3A_1222 : memref<5000xi32, #tpu.memory_space<hbm>>) dst(%arg20 : memref<5000xi32, #tpu.memory_space<vmem>>)
    %dma_wait3A_1223 = arith.constant 0 : i32
    %dma_wait3A_1224 = tpu.memref_slice %arg13[%dma_wait3A_1223] : memref<102400xf32, #tpu.memory_space<vmem_shared>> -> memref<102400xf32, #tpu.memory_space<vmem_shared>>
    tpu.wait_indirect_dma semaphore(%arg38 : memref<!tpu.dma_semaphore, #tpu.memory_space<semaphore_mem>>) src(%arg24 : memref<5000xf32, #tpu.memory_space<vmem>>) dst(%dma_wait3A_1224 : memref<102400xf32, #tpu.memory_space<vmem_shared>>)
    %add3A_1225 = arith.constant 10 : i32
    %add3A_1226 = arith.addi %mul3A_4, %add3A_1225 : i32
    %mul3A_1227 = arith.constant 5000 : i32
    %mul3A_1228 = arith.muli %add3A_1226, %mul3A_1227 : i32
    %dma_start3A_1229 = tpu.memref_slice %arg9[%mul3A_1228] : memref<3200000xi32, #tpu.memory_space<hbm>> -> memref<5000xi32, #tpu.memory_space<hbm>>
    %dma_start3A_1230 = tpu.memref_slice %arg9[%mul3A_1228] : memref<3200000xi32, #tpu.memory_space<hbm>> -> memref<5000xi32, #tpu.memory_space<hbm>>
    tpu.enqueue_dma source(%dma_start3A_1230 : memref<5000xi32, #tpu.memory_space<hbm>>) target(%arg22 : memref<5000xi32, #tpu.memory_space<vmem>>) target_semaphore(%arg30 : memref<!tpu.dma_semaphore, #tpu.memory_space<semaphore_mem>>)
    %dma_start3A_1231 = tpu.memref_slice %arg10[%mul3A_1228] : memref<3200000xi32, #tpu.memory_space<hbm>> -> memref<5000xi32, #tpu.memory_space<hbm>>
    %dma_start3A_1232 = tpu.memref_slice %arg10[%mul3A_1228] : memref<3200000xi32, #tpu.memory_space<hbm>> -> memref<5000xi32, #tpu.memory_space<hbm>>
    tpu.enqueue_dma source(%dma_start3A_1232 : memref<5000xi32, #tpu.memory_space<hbm>>) target(%arg23 : memref<5000xi32, #tpu.memory_space<vmem>>) target_semaphore(%arg30 : memref<!tpu.dma_semaphore, #tpu.memory_space<semaphore_mem>>)
    %dma_start3A_1233 = arith.constant 0 : i32
    %dma_start3A_1234 = tpu.memref_slice %arg14[%dma_start3A_1233] : memref<102400xf32, #tpu.memory_space<vmem_shared>> -> memref<102400xf32, #tpu.memory_space<vmem_shared>>
    tpu.enqueue_indirect_dma source(%dma_start3A_1234 : memref<102400xf32, #tpu.memory_space<vmem_shared>>) target(%arg21 : memref<5000xf32, #tpu.memory_space<vmem>>) offsets(%arg19 : memref<5000xi32, #tpu.memory_space<vmem>>) semaphore(%arg33 : memref<!tpu.dma_semaphore, #tpu.memory_space<semaphore_mem>>)
    %dma_wait3A_1235 = arith.constant 0 : i32
    %dma_wait3A_1236 = tpu.memref_slice %arg14[%dma_wait3A_1235] : memref<102400xf32, #tpu.memory_space<vmem_shared>> -> memref<102400xf32, #tpu.memory_space<vmem_shared>>
    tpu.wait_indirect_dma semaphore(%arg35 : memref<!tpu.dma_semaphore, #tpu.memory_space<semaphore_mem>>) src(%dma_wait3A_1236 : memref<102400xf32, #tpu.memory_space<vmem_shared>>) dst(%arg27 : memref<5000xf32, #tpu.memory_space<vmem>>)
    %dma_start3A_1237 = arith.constant 0 : i32
    %dma_start3A_1238 = tpu.memref_slice %arg13[%dma_start3A_1237] : memref<102400xf32, #tpu.memory_space<vmem_shared>> -> memref<102400xf32, #tpu.memory_space<vmem_shared>>
    tpu.enqueue_indirect_dma source(%arg27 : memref<5000xf32, #tpu.memory_space<vmem>>) target(%dma_start3A_1238 : memref<102400xf32, #tpu.memory_space<vmem_shared>>) offsets(%arg26 : memref<5000xi32, #tpu.memory_space<vmem>>) semaphore(%arg39 : memref<!tpu.dma_semaphore, #tpu.memory_space<semaphore_mem>>) {add = true}
    %dma_wait3A_1239 = arith.constant 0 : i32
    %dma_wait3A_1240 = tpu.memref_slice %arg9[%dma_wait3A_1239] : memref<3200000xi32, #tpu.memory_space<hbm>> -> memref<5000xi32, #tpu.memory_space<hbm>>
    %dma_wait3A_1241 = arith.constant 0 : i32
    %dma_wait3A_1242 = tpu.memref_slice %arg9[%dma_wait3A_1241] : memref<3200000xi32, #tpu.memory_space<hbm>> -> memref<5000xi32, #tpu.memory_space<hbm>>
    tpu.wait_dma2 semaphore(%arg30 : memref<!tpu.dma_semaphore, #tpu.memory_space<semaphore_mem>>) src(%dma_wait3A_1242 : memref<5000xi32, #tpu.memory_space<hbm>>) dst(%arg22 : memref<5000xi32, #tpu.memory_space<vmem>>)
    %dma_wait3A_1243 = arith.constant 0 : i32
    %dma_wait3A_1244 = tpu.memref_slice %arg10[%dma_wait3A_1243] : memref<3200000xi32, #tpu.memory_space<hbm>> -> memref<5000xi32, #tpu.memory_space<hbm>>
    %dma_wait3A_1245 = arith.constant 0 : i32
    %dma_wait3A_1246 = tpu.memref_slice %arg10[%dma_wait3A_1245] : memref<3200000xi32, #tpu.memory_space<hbm>> -> memref<5000xi32, #tpu.memory_space<hbm>>
    tpu.wait_dma2 semaphore(%arg30 : memref<!tpu.dma_semaphore, #tpu.memory_space<semaphore_mem>>) src(%dma_wait3A_1246 : memref<5000xi32, #tpu.memory_space<hbm>>) dst(%arg23 : memref<5000xi32, #tpu.memory_space<vmem>>)
    %dma_wait3A_1247 = arith.constant 0 : i32
    %dma_wait3A_1248 = tpu.memref_slice %arg13[%dma_wait3A_1247] : memref<102400xf32, #tpu.memory_space<vmem_shared>> -> memref<102400xf32, #tpu.memory_space<vmem_shared>>
    tpu.wait_indirect_dma semaphore(%arg39 : memref<!tpu.dma_semaphore, #tpu.memory_space<semaphore_mem>>) src(%arg27 : memref<5000xf32, #tpu.memory_space<vmem>>) dst(%dma_wait3A_1248 : memref<102400xf32, #tpu.memory_space<vmem_shared>>)
    %add3A_1249 = arith.constant 11 : i32
    %add3A_1250 = arith.addi %mul3A_4, %add3A_1249 : i32
    %mul3A_1251 = arith.constant 5000 : i32
    %mul3A_1252 = arith.muli %add3A_1250, %mul3A_1251 : i32
    %dma_start3A_1253 = tpu.memref_slice %arg9[%mul3A_1252] : memref<3200000xi32, #tpu.memory_space<hbm>> -> memref<5000xi32, #tpu.memory_space<hbm>>
    %dma_start3A_1254 = tpu.memref_slice %arg9[%mul3A_1252] : memref<3200000xi32, #tpu.memory_space<hbm>> -> memref<5000xi32, #tpu.memory_space<hbm>>
    tpu.enqueue_dma source(%dma_start3A_1254 : memref<5000xi32, #tpu.memory_space<hbm>>) target(%arg25 : memref<5000xi32, #tpu.memory_space<vmem>>) target_semaphore(%arg31 : memref<!tpu.dma_semaphore, #tpu.memory_space<semaphore_mem>>)
    %dma_start3A_1255 = tpu.memref_slice %arg10[%mul3A_1252] : memref<3200000xi32, #tpu.memory_space<hbm>> -> memref<5000xi32, #tpu.memory_space<hbm>>
    %dma_start3A_1256 = tpu.memref_slice %arg10[%mul3A_1252] : memref<3200000xi32, #tpu.memory_space<hbm>> -> memref<5000xi32, #tpu.memory_space<hbm>>
    tpu.enqueue_dma source(%dma_start3A_1256 : memref<5000xi32, #tpu.memory_space<hbm>>) target(%arg26 : memref<5000xi32, #tpu.memory_space<vmem>>) target_semaphore(%arg31 : memref<!tpu.dma_semaphore, #tpu.memory_space<semaphore_mem>>)
    %dma_start3A_1257 = arith.constant 0 : i32
    %dma_start3A_1258 = tpu.memref_slice %arg14[%dma_start3A_1257] : memref<102400xf32, #tpu.memory_space<vmem_shared>> -> memref<102400xf32, #tpu.memory_space<vmem_shared>>
    tpu.enqueue_indirect_dma source(%dma_start3A_1258 : memref<102400xf32, #tpu.memory_space<vmem_shared>>) target(%arg24 : memref<5000xf32, #tpu.memory_space<vmem>>) offsets(%arg22 : memref<5000xi32, #tpu.memory_space<vmem>>) semaphore(%arg34 : memref<!tpu.dma_semaphore, #tpu.memory_space<semaphore_mem>>)
    %dma_wait3A_1259 = arith.constant 0 : i32
    %dma_wait3A_1260 = tpu.memref_slice %arg14[%dma_wait3A_1259] : memref<102400xf32, #tpu.memory_space<vmem_shared>> -> memref<102400xf32, #tpu.memory_space<vmem_shared>>
    tpu.wait_indirect_dma semaphore(%arg32 : memref<!tpu.dma_semaphore, #tpu.memory_space<semaphore_mem>>) src(%dma_wait3A_1260 : memref<102400xf32, #tpu.memory_space<vmem_shared>>) dst(%arg18 : memref<5000xf32, #tpu.memory_space<vmem>>)
    %dma_start3A_1261 = arith.constant 0 : i32
    %dma_start3A_1262 = tpu.memref_slice %arg13[%dma_start3A_1261] : memref<102400xf32, #tpu.memory_space<vmem_shared>> -> memref<102400xf32, #tpu.memory_space<vmem_shared>>
    tpu.enqueue_indirect_dma source(%arg18 : memref<5000xf32, #tpu.memory_space<vmem>>) target(%dma_start3A_1262 : memref<102400xf32, #tpu.memory_space<vmem_shared>>) offsets(%arg17 : memref<5000xi32, #tpu.memory_space<vmem>>) semaphore(%arg36 : memref<!tpu.dma_semaphore, #tpu.memory_space<semaphore_mem>>) {add = true}
    %dma_wait3A_1263 = arith.constant 0 : i32
    %dma_wait3A_1264 = tpu.memref_slice %arg9[%dma_wait3A_1263] : memref<3200000xi32, #tpu.memory_space<hbm>> -> memref<5000xi32, #tpu.memory_space<hbm>>
    %dma_wait3A_1265 = arith.constant 0 : i32
    %dma_wait3A_1266 = tpu.memref_slice %arg9[%dma_wait3A_1265] : memref<3200000xi32, #tpu.memory_space<hbm>> -> memref<5000xi32, #tpu.memory_space<hbm>>
    tpu.wait_dma2 semaphore(%arg31 : memref<!tpu.dma_semaphore, #tpu.memory_space<semaphore_mem>>) src(%dma_wait3A_1266 : memref<5000xi32, #tpu.memory_space<hbm>>) dst(%arg25 : memref<5000xi32, #tpu.memory_space<vmem>>)
    %dma_wait3A_1267 = arith.constant 0 : i32
    %dma_wait3A_1268 = tpu.memref_slice %arg10[%dma_wait3A_1267] : memref<3200000xi32, #tpu.memory_space<hbm>> -> memref<5000xi32, #tpu.memory_space<hbm>>
    %dma_wait3A_1269 = arith.constant 0 : i32
    %dma_wait3A_1270 = tpu.memref_slice %arg10[%dma_wait3A_1269] : memref<3200000xi32, #tpu.memory_space<hbm>> -> memref<5000xi32, #tpu.memory_space<hbm>>
    tpu.wait_dma2 semaphore(%arg31 : memref<!tpu.dma_semaphore, #tpu.memory_space<semaphore_mem>>) src(%dma_wait3A_1270 : memref<5000xi32, #tpu.memory_space<hbm>>) dst(%arg26 : memref<5000xi32, #tpu.memory_space<vmem>>)
    %dma_wait3A_1271 = arith.constant 0 : i32
    %dma_wait3A_1272 = tpu.memref_slice %arg13[%dma_wait3A_1271] : memref<102400xf32, #tpu.memory_space<vmem_shared>> -> memref<102400xf32, #tpu.memory_space<vmem_shared>>
    tpu.wait_indirect_dma semaphore(%arg36 : memref<!tpu.dma_semaphore, #tpu.memory_space<semaphore_mem>>) src(%arg18 : memref<5000xf32, #tpu.memory_space<vmem>>) dst(%dma_wait3A_1272 : memref<102400xf32, #tpu.memory_space<vmem_shared>>)
    %add3A_1273 = arith.constant 12 : i32
    %add3A_1274 = arith.addi %mul3A_4, %add3A_1273 : i32
    %mul3A_1275 = arith.constant 5000 : i32
    %mul3A_1276 = arith.muli %add3A_1274, %mul3A_1275 : i32
    %dma_start3A_1277 = tpu.memref_slice %arg9[%mul3A_1276] : memref<3200000xi32, #tpu.memory_space<hbm>> -> memref<5000xi32, #tpu.memory_space<hbm>>
    %dma_start3A_1278 = tpu.memref_slice %arg9[%mul3A_1276] : memref<3200000xi32, #tpu.memory_space<hbm>> -> memref<5000xi32, #tpu.memory_space<hbm>>
    tpu.enqueue_dma source(%dma_start3A_1278 : memref<5000xi32, #tpu.memory_space<hbm>>) target(%arg16 : memref<5000xi32, #tpu.memory_space<vmem>>) target_semaphore(%arg28 : memref<!tpu.dma_semaphore, #tpu.memory_space<semaphore_mem>>)
    %dma_start3A_1279 = tpu.memref_slice %arg10[%mul3A_1276] : memref<3200000xi32, #tpu.memory_space<hbm>> -> memref<5000xi32, #tpu.memory_space<hbm>>
    %dma_start3A_1280 = tpu.memref_slice %arg10[%mul3A_1276] : memref<3200000xi32, #tpu.memory_space<hbm>> -> memref<5000xi32, #tpu.memory_space<hbm>>
    tpu.enqueue_dma source(%dma_start3A_1280 : memref<5000xi32, #tpu.memory_space<hbm>>) target(%arg17 : memref<5000xi32, #tpu.memory_space<vmem>>) target_semaphore(%arg28 : memref<!tpu.dma_semaphore, #tpu.memory_space<semaphore_mem>>)
    %dma_start3A_1281 = arith.constant 0 : i32
    %dma_start3A_1282 = tpu.memref_slice %arg14[%dma_start3A_1281] : memref<102400xf32, #tpu.memory_space<vmem_shared>> -> memref<102400xf32, #tpu.memory_space<vmem_shared>>
    tpu.enqueue_indirect_dma source(%dma_start3A_1282 : memref<102400xf32, #tpu.memory_space<vmem_shared>>) target(%arg27 : memref<5000xf32, #tpu.memory_space<vmem>>) offsets(%arg25 : memref<5000xi32, #tpu.memory_space<vmem>>) semaphore(%arg35 : memref<!tpu.dma_semaphore, #tpu.memory_space<semaphore_mem>>)
    %dma_wait3A_1283 = arith.constant 0 : i32
    %dma_wait3A_1284 = tpu.memref_slice %arg14[%dma_wait3A_1283] : memref<102400xf32, #tpu.memory_space<vmem_shared>> -> memref<102400xf32, #tpu.memory_space<vmem_shared>>
    tpu.wait_indirect_dma semaphore(%arg33 : memref<!tpu.dma_semaphore, #tpu.memory_space<semaphore_mem>>) src(%dma_wait3A_1284 : memref<102400xf32, #tpu.memory_space<vmem_shared>>) dst(%arg21 : memref<5000xf32, #tpu.memory_space<vmem>>)
    %dma_start3A_1285 = arith.constant 0 : i32
    %dma_start3A_1286 = tpu.memref_slice %arg13[%dma_start3A_1285] : memref<102400xf32, #tpu.memory_space<vmem_shared>> -> memref<102400xf32, #tpu.memory_space<vmem_shared>>
    tpu.enqueue_indirect_dma source(%arg21 : memref<5000xf32, #tpu.memory_space<vmem>>) target(%dma_start3A_1286 : memref<102400xf32, #tpu.memory_space<vmem_shared>>) offsets(%arg20 : memref<5000xi32, #tpu.memory_space<vmem>>) semaphore(%arg37 : memref<!tpu.dma_semaphore, #tpu.memory_space<semaphore_mem>>) {add = true}
    %dma_wait3A_1287 = arith.constant 0 : i32
    %dma_wait3A_1288 = tpu.memref_slice %arg9[%dma_wait3A_1287] : memref<3200000xi32, #tpu.memory_space<hbm>> -> memref<5000xi32, #tpu.memory_space<hbm>>
    %dma_wait3A_1289 = arith.constant 0 : i32
    %dma_wait3A_1290 = tpu.memref_slice %arg9[%dma_wait3A_1289] : memref<3200000xi32, #tpu.memory_space<hbm>> -> memref<5000xi32, #tpu.memory_space<hbm>>
    tpu.wait_dma2 semaphore(%arg28 : memref<!tpu.dma_semaphore, #tpu.memory_space<semaphore_mem>>) src(%dma_wait3A_1290 : memref<5000xi32, #tpu.memory_space<hbm>>) dst(%arg16 : memref<5000xi32, #tpu.memory_space<vmem>>)
    %dma_wait3A_1291 = arith.constant 0 : i32
    %dma_wait3A_1292 = tpu.memref_slice %arg10[%dma_wait3A_1291] : memref<3200000xi32, #tpu.memory_space<hbm>> -> memref<5000xi32, #tpu.memory_space<hbm>>
    %dma_wait3A_1293 = arith.constant 0 : i32
    %dma_wait3A_1294 = tpu.memref_slice %arg10[%dma_wait3A_1293] : memref<3200000xi32, #tpu.memory_space<hbm>> -> memref<5000xi32, #tpu.memory_space<hbm>>
    tpu.wait_dma2 semaphore(%arg28 : memref<!tpu.dma_semaphore, #tpu.memory_space<semaphore_mem>>) src(%dma_wait3A_1294 : memref<5000xi32, #tpu.memory_space<hbm>>) dst(%arg17 : memref<5000xi32, #tpu.memory_space<vmem>>)
    %dma_wait3A_1295 = arith.constant 0 : i32
    %dma_wait3A_1296 = tpu.memref_slice %arg13[%dma_wait3A_1295] : memref<102400xf32, #tpu.memory_space<vmem_shared>> -> memref<102400xf32, #tpu.memory_space<vmem_shared>>
    tpu.wait_indirect_dma semaphore(%arg37 : memref<!tpu.dma_semaphore, #tpu.memory_space<semaphore_mem>>) src(%arg21 : memref<5000xf32, #tpu.memory_space<vmem>>) dst(%dma_wait3A_1296 : memref<102400xf32, #tpu.memory_space<vmem_shared>>)
    %add3A_1297 = arith.constant 13 : i32
    %add3A_1298 = arith.addi %mul3A_4, %add3A_1297 : i32
    %mul3A_1299 = arith.constant 5000 : i32
    %mul3A_1300 = arith.muli %add3A_1298, %mul3A_1299 : i32
    %dma_start3A_1301 = tpu.memref_slice %arg9[%mul3A_1300] : memref<3200000xi32, #tpu.memory_space<hbm>> -> memref<5000xi32, #tpu.memory_space<hbm>>
    %dma_start3A_1302 = tpu.memref_slice %arg9[%mul3A_1300] : memref<3200000xi32, #tpu.memory_space<hbm>> -> memref<5000xi32, #tpu.memory_space<hbm>>
    tpu.enqueue_dma source(%dma_start3A_1302 : memref<5000xi32, #tpu.memory_space<hbm>>) target(%arg19 : memref<5000xi32, #tpu.memory_space<vmem>>) target_semaphore(%arg29 : memref<!tpu.dma_semaphore, #tpu.memory_space<semaphore_mem>>)
    %dma_start3A_1303 = tpu.memref_slice %arg10[%mul3A_1300] : memref<3200000xi32, #tpu.memory_space<hbm>> -> memref<5000xi32, #tpu.memory_space<hbm>>
    %dma_start3A_1304 = tpu.memref_slice %arg10[%mul3A_1300] : memref<3200000xi32, #tpu.memory_space<hbm>> -> memref<5000xi32, #tpu.memory_space<hbm>>
    tpu.enqueue_dma source(%dma_start3A_1304 : memref<5000xi32, #tpu.memory_space<hbm>>) target(%arg20 : memref<5000xi32, #tpu.memory_space<vmem>>) target_semaphore(%arg29 : memref<!tpu.dma_semaphore, #tpu.memory_space<semaphore_mem>>)
    %dma_start3A_1305 = arith.constant 0 : i32
    %dma_start3A_1306 = tpu.memref_slice %arg14[%dma_start3A_1305] : memref<102400xf32, #tpu.memory_space<vmem_shared>> -> memref<102400xf32, #tpu.memory_space<vmem_shared>>
    tpu.enqueue_indirect_dma source(%dma_start3A_1306 : memref<102400xf32, #tpu.memory_space<vmem_shared>>) target(%arg18 : memref<5000xf32, #tpu.memory_space<vmem>>) offsets(%arg16 : memref<5000xi32, #tpu.memory_space<vmem>>) semaphore(%arg32 : memref<!tpu.dma_semaphore, #tpu.memory_space<semaphore_mem>>)
    %dma_wait3A_1307 = arith.constant 0 : i32
    %dma_wait3A_1308 = tpu.memref_slice %arg14[%dma_wait3A_1307] : memref<102400xf32, #tpu.memory_space<vmem_shared>> -> memref<102400xf32, #tpu.memory_space<vmem_shared>>
    tpu.wait_indirect_dma semaphore(%arg34 : memref<!tpu.dma_semaphore, #tpu.memory_space<semaphore_mem>>) src(%dma_wait3A_1308 : memref<102400xf32, #tpu.memory_space<vmem_shared>>) dst(%arg24 : memref<5000xf32, #tpu.memory_space<vmem>>)
    %dma_start3A_1309 = arith.constant 0 : i32
    %dma_start3A_1310 = tpu.memref_slice %arg13[%dma_start3A_1309] : memref<102400xf32, #tpu.memory_space<vmem_shared>> -> memref<102400xf32, #tpu.memory_space<vmem_shared>>
    tpu.enqueue_indirect_dma source(%arg24 : memref<5000xf32, #tpu.memory_space<vmem>>) target(%dma_start3A_1310 : memref<102400xf32, #tpu.memory_space<vmem_shared>>) offsets(%arg23 : memref<5000xi32, #tpu.memory_space<vmem>>) semaphore(%arg38 : memref<!tpu.dma_semaphore, #tpu.memory_space<semaphore_mem>>) {add = true}
    %dma_wait3A_1311 = arith.constant 0 : i32
    %dma_wait3A_1312 = tpu.memref_slice %arg9[%dma_wait3A_1311] : memref<3200000xi32, #tpu.memory_space<hbm>> -> memref<5000xi32, #tpu.memory_space<hbm>>
    %dma_wait3A_1313 = arith.constant 0 : i32
    %dma_wait3A_1314 = tpu.memref_slice %arg9[%dma_wait3A_1313] : memref<3200000xi32, #tpu.memory_space<hbm>> -> memref<5000xi32, #tpu.memory_space<hbm>>
    tpu.wait_dma2 semaphore(%arg29 : memref<!tpu.dma_semaphore, #tpu.memory_space<semaphore_mem>>) src(%dma_wait3A_1314 : memref<5000xi32, #tpu.memory_space<hbm>>) dst(%arg19 : memref<5000xi32, #tpu.memory_space<vmem>>)
    %dma_wait3A_1315 = arith.constant 0 : i32
    %dma_wait3A_1316 = tpu.memref_slice %arg10[%dma_wait3A_1315] : memref<3200000xi32, #tpu.memory_space<hbm>> -> memref<5000xi32, #tpu.memory_space<hbm>>
    %dma_wait3A_1317 = arith.constant 0 : i32
    %dma_wait3A_1318 = tpu.memref_slice %arg10[%dma_wait3A_1317] : memref<3200000xi32, #tpu.memory_space<hbm>> -> memref<5000xi32, #tpu.memory_space<hbm>>
    tpu.wait_dma2 semaphore(%arg29 : memref<!tpu.dma_semaphore, #tpu.memory_space<semaphore_mem>>) src(%dma_wait3A_1318 : memref<5000xi32, #tpu.memory_space<hbm>>) dst(%arg20 : memref<5000xi32, #tpu.memory_space<vmem>>)
    %dma_wait3A_1319 = arith.constant 0 : i32
    %dma_wait3A_1320 = tpu.memref_slice %arg13[%dma_wait3A_1319] : memref<102400xf32, #tpu.memory_space<vmem_shared>> -> memref<102400xf32, #tpu.memory_space<vmem_shared>>
    tpu.wait_indirect_dma semaphore(%arg38 : memref<!tpu.dma_semaphore, #tpu.memory_space<semaphore_mem>>) src(%arg24 : memref<5000xf32, #tpu.memory_space<vmem>>) dst(%dma_wait3A_1320 : memref<102400xf32, #tpu.memory_space<vmem_shared>>)
    %add3A_1321 = arith.constant 14 : i32
    %add3A_1322 = arith.addi %mul3A_4, %add3A_1321 : i32
    %mul3A_1323 = arith.constant 5000 : i32
    %mul3A_1324 = arith.muli %add3A_1322, %mul3A_1323 : i32
    %dma_start3A_1325 = tpu.memref_slice %arg9[%mul3A_1324] : memref<3200000xi32, #tpu.memory_space<hbm>> -> memref<5000xi32, #tpu.memory_space<hbm>>
    %dma_start3A_1326 = tpu.memref_slice %arg9[%mul3A_1324] : memref<3200000xi32, #tpu.memory_space<hbm>> -> memref<5000xi32, #tpu.memory_space<hbm>>
    tpu.enqueue_dma source(%dma_start3A_1326 : memref<5000xi32, #tpu.memory_space<hbm>>) target(%arg22 : memref<5000xi32, #tpu.memory_space<vmem>>) target_semaphore(%arg30 : memref<!tpu.dma_semaphore, #tpu.memory_space<semaphore_mem>>)
    %dma_start3A_1327 = tpu.memref_slice %arg10[%mul3A_1324] : memref<3200000xi32, #tpu.memory_space<hbm>> -> memref<5000xi32, #tpu.memory_space<hbm>>
    %dma_start3A_1328 = tpu.memref_slice %arg10[%mul3A_1324] : memref<3200000xi32, #tpu.memory_space<hbm>> -> memref<5000xi32, #tpu.memory_space<hbm>>
    tpu.enqueue_dma source(%dma_start3A_1328 : memref<5000xi32, #tpu.memory_space<hbm>>) target(%arg23 : memref<5000xi32, #tpu.memory_space<vmem>>) target_semaphore(%arg30 : memref<!tpu.dma_semaphore, #tpu.memory_space<semaphore_mem>>)
    %dma_start3A_1329 = arith.constant 0 : i32
    %dma_start3A_1330 = tpu.memref_slice %arg14[%dma_start3A_1329] : memref<102400xf32, #tpu.memory_space<vmem_shared>> -> memref<102400xf32, #tpu.memory_space<vmem_shared>>
    tpu.enqueue_indirect_dma source(%dma_start3A_1330 : memref<102400xf32, #tpu.memory_space<vmem_shared>>) target(%arg21 : memref<5000xf32, #tpu.memory_space<vmem>>) offsets(%arg19 : memref<5000xi32, #tpu.memory_space<vmem>>) semaphore(%arg33 : memref<!tpu.dma_semaphore, #tpu.memory_space<semaphore_mem>>)
    %dma_wait3A_1331 = arith.constant 0 : i32
    %dma_wait3A_1332 = tpu.memref_slice %arg14[%dma_wait3A_1331] : memref<102400xf32, #tpu.memory_space<vmem_shared>> -> memref<102400xf32, #tpu.memory_space<vmem_shared>>
    tpu.wait_indirect_dma semaphore(%arg35 : memref<!tpu.dma_semaphore, #tpu.memory_space<semaphore_mem>>) src(%dma_wait3A_1332 : memref<102400xf32, #tpu.memory_space<vmem_shared>>) dst(%arg27 : memref<5000xf32, #tpu.memory_space<vmem>>)
    %dma_start3A_1333 = arith.constant 0 : i32
    %dma_start3A_1334 = tpu.memref_slice %arg13[%dma_start3A_1333] : memref<102400xf32, #tpu.memory_space<vmem_shared>> -> memref<102400xf32, #tpu.memory_space<vmem_shared>>
    tpu.enqueue_indirect_dma source(%arg27 : memref<5000xf32, #tpu.memory_space<vmem>>) target(%dma_start3A_1334 : memref<102400xf32, #tpu.memory_space<vmem_shared>>) offsets(%arg26 : memref<5000xi32, #tpu.memory_space<vmem>>) semaphore(%arg39 : memref<!tpu.dma_semaphore, #tpu.memory_space<semaphore_mem>>) {add = true}
    %dma_wait3A_1335 = arith.constant 0 : i32
    %dma_wait3A_1336 = tpu.memref_slice %arg9[%dma_wait3A_1335] : memref<3200000xi32, #tpu.memory_space<hbm>> -> memref<5000xi32, #tpu.memory_space<hbm>>
    %dma_wait3A_1337 = arith.constant 0 : i32
    %dma_wait3A_1338 = tpu.memref_slice %arg9[%dma_wait3A_1337] : memref<3200000xi32, #tpu.memory_space<hbm>> -> memref<5000xi32, #tpu.memory_space<hbm>>
    tpu.wait_dma2 semaphore(%arg30 : memref<!tpu.dma_semaphore, #tpu.memory_space<semaphore_mem>>) src(%dma_wait3A_1338 : memref<5000xi32, #tpu.memory_space<hbm>>) dst(%arg22 : memref<5000xi32, #tpu.memory_space<vmem>>)
    %dma_wait3A_1339 = arith.constant 0 : i32
    %dma_wait3A_1340 = tpu.memref_slice %arg10[%dma_wait3A_1339] : memref<3200000xi32, #tpu.memory_space<hbm>> -> memref<5000xi32, #tpu.memory_space<hbm>>
    %dma_wait3A_1341 = arith.constant 0 : i32
    %dma_wait3A_1342 = tpu.memref_slice %arg10[%dma_wait3A_1341] : memref<3200000xi32, #tpu.memory_space<hbm>> -> memref<5000xi32, #tpu.memory_space<hbm>>
    tpu.wait_dma2 semaphore(%arg30 : memref<!tpu.dma_semaphore, #tpu.memory_space<semaphore_mem>>) src(%dma_wait3A_1342 : memref<5000xi32, #tpu.memory_space<hbm>>) dst(%arg23 : memref<5000xi32, #tpu.memory_space<vmem>>)
    %dma_wait3A_1343 = arith.constant 0 : i32
    %dma_wait3A_1344 = tpu.memref_slice %arg13[%dma_wait3A_1343] : memref<102400xf32, #tpu.memory_space<vmem_shared>> -> memref<102400xf32, #tpu.memory_space<vmem_shared>>
    tpu.wait_indirect_dma semaphore(%arg39 : memref<!tpu.dma_semaphore, #tpu.memory_space<semaphore_mem>>) src(%arg27 : memref<5000xf32, #tpu.memory_space<vmem>>) dst(%dma_wait3A_1344 : memref<102400xf32, #tpu.memory_space<vmem_shared>>)
    %add3A_1345 = arith.constant 15 : i32
    %add3A_1346 = arith.addi %mul3A_4, %add3A_1345 : i32
    %mul3A_1347 = arith.constant 5000 : i32
    %mul3A_1348 = arith.muli %add3A_1346, %mul3A_1347 : i32
    %dma_start3A_1349 = tpu.memref_slice %arg9[%mul3A_1348] : memref<3200000xi32, #tpu.memory_space<hbm>> -> memref<5000xi32, #tpu.memory_space<hbm>>
    %dma_start3A_1350 = tpu.memref_slice %arg9[%mul3A_1348] : memref<3200000xi32, #tpu.memory_space<hbm>> -> memref<5000xi32, #tpu.memory_space<hbm>>
    tpu.enqueue_dma source(%dma_start3A_1350 : memref<5000xi32, #tpu.memory_space<hbm>>) target(%arg25 : memref<5000xi32, #tpu.memory_space<vmem>>) target_semaphore(%arg31 : memref<!tpu.dma_semaphore, #tpu.memory_space<semaphore_mem>>)
    %dma_start3A_1351 = tpu.memref_slice %arg10[%mul3A_1348] : memref<3200000xi32, #tpu.memory_space<hbm>> -> memref<5000xi32, #tpu.memory_space<hbm>>
    %dma_start3A_1352 = tpu.memref_slice %arg10[%mul3A_1348] : memref<3200000xi32, #tpu.memory_space<hbm>> -> memref<5000xi32, #tpu.memory_space<hbm>>
    tpu.enqueue_dma source(%dma_start3A_1352 : memref<5000xi32, #tpu.memory_space<hbm>>) target(%arg26 : memref<5000xi32, #tpu.memory_space<vmem>>) target_semaphore(%arg31 : memref<!tpu.dma_semaphore, #tpu.memory_space<semaphore_mem>>)
    %dma_start3A_1353 = arith.constant 0 : i32
    %dma_start3A_1354 = tpu.memref_slice %arg14[%dma_start3A_1353] : memref<102400xf32, #tpu.memory_space<vmem_shared>> -> memref<102400xf32, #tpu.memory_space<vmem_shared>>
    tpu.enqueue_indirect_dma source(%dma_start3A_1354 : memref<102400xf32, #tpu.memory_space<vmem_shared>>) target(%arg24 : memref<5000xf32, #tpu.memory_space<vmem>>) offsets(%arg22 : memref<5000xi32, #tpu.memory_space<vmem>>) semaphore(%arg34 : memref<!tpu.dma_semaphore, #tpu.memory_space<semaphore_mem>>)
    %dma_wait3A_1355 = arith.constant 0 : i32
    %dma_wait3A_1356 = tpu.memref_slice %arg14[%dma_wait3A_1355] : memref<102400xf32, #tpu.memory_space<vmem_shared>> -> memref<102400xf32, #tpu.memory_space<vmem_shared>>
    tpu.wait_indirect_dma semaphore(%arg32 : memref<!tpu.dma_semaphore, #tpu.memory_space<semaphore_mem>>) src(%dma_wait3A_1356 : memref<102400xf32, #tpu.memory_space<vmem_shared>>) dst(%arg18 : memref<5000xf32, #tpu.memory_space<vmem>>)
    %dma_start3A_1357 = arith.constant 0 : i32
    %dma_start3A_1358 = tpu.memref_slice %arg13[%dma_start3A_1357] : memref<102400xf32, #tpu.memory_space<vmem_shared>> -> memref<102400xf32, #tpu.memory_space<vmem_shared>>
    tpu.enqueue_indirect_dma source(%arg18 : memref<5000xf32, #tpu.memory_space<vmem>>) target(%dma_start3A_1358 : memref<102400xf32, #tpu.memory_space<vmem_shared>>) offsets(%arg17 : memref<5000xi32, #tpu.memory_space<vmem>>) semaphore(%arg36 : memref<!tpu.dma_semaphore, #tpu.memory_space<semaphore_mem>>) {add = true}
    %dma_wait3A_1359 = arith.constant 0 : i32
    %dma_wait3A_1360 = tpu.memref_slice %arg9[%dma_wait3A_1359] : memref<3200000xi32, #tpu.memory_space<hbm>> -> memref<5000xi32, #tpu.memory_space<hbm>>
    %dma_wait3A_1361 = arith.constant 0 : i32
    %dma_wait3A_1362 = tpu.memref_slice %arg9[%dma_wait3A_1361] : memref<3200000xi32, #tpu.memory_space<hbm>> -> memref<5000xi32, #tpu.memory_space<hbm>>
    tpu.wait_dma2 semaphore(%arg31 : memref<!tpu.dma_semaphore, #tpu.memory_space<semaphore_mem>>) src(%dma_wait3A_1362 : memref<5000xi32, #tpu.memory_space<hbm>>) dst(%arg25 : memref<5000xi32, #tpu.memory_space<vmem>>)
    %dma_wait3A_1363 = arith.constant 0 : i32
    %dma_wait3A_1364 = tpu.memref_slice %arg10[%dma_wait3A_1363] : memref<3200000xi32, #tpu.memory_space<hbm>> -> memref<5000xi32, #tpu.memory_space<hbm>>
    %dma_wait3A_1365 = arith.constant 0 : i32
    %dma_wait3A_1366 = tpu.memref_slice %arg10[%dma_wait3A_1365] : memref<3200000xi32, #tpu.memory_space<hbm>> -> memref<5000xi32, #tpu.memory_space<hbm>>
    tpu.wait_dma2 semaphore(%arg31 : memref<!tpu.dma_semaphore, #tpu.memory_space<semaphore_mem>>) src(%dma_wait3A_1366 : memref<5000xi32, #tpu.memory_space<hbm>>) dst(%arg26 : memref<5000xi32, #tpu.memory_space<vmem>>)
    %dma_wait3A_1367 = arith.constant 0 : i32
    %dma_wait3A_1368 = tpu.memref_slice %arg13[%dma_wait3A_1367] : memref<102400xf32, #tpu.memory_space<vmem_shared>> -> memref<102400xf32, #tpu.memory_space<vmem_shared>>
    tpu.wait_indirect_dma semaphore(%arg36 : memref<!tpu.dma_semaphore, #tpu.memory_space<semaphore_mem>>) src(%arg18 : memref<5000xf32, #tpu.memory_space<vmem>>) dst(%dma_wait3A_1368 : memref<102400xf32, #tpu.memory_space<vmem_shared>>)
    %add3A_1369 = arith.constant 16 : i32
    %add3A_1370 = arith.addi %mul3A_4, %add3A_1369 : i32
    %mul3A_1371 = arith.constant 5000 : i32
    %mul3A_1372 = arith.muli %add3A_1370, %mul3A_1371 : i32
    %dma_start3A_1373 = tpu.memref_slice %arg9[%mul3A_1372] : memref<3200000xi32, #tpu.memory_space<hbm>> -> memref<5000xi32, #tpu.memory_space<hbm>>
    %dma_start3A_1374 = tpu.memref_slice %arg9[%mul3A_1372] : memref<3200000xi32, #tpu.memory_space<hbm>> -> memref<5000xi32, #tpu.memory_space<hbm>>
    tpu.enqueue_dma source(%dma_start3A_1374 : memref<5000xi32, #tpu.memory_space<hbm>>) target(%arg16 : memref<5000xi32, #tpu.memory_space<vmem>>) target_semaphore(%arg28 : memref<!tpu.dma_semaphore, #tpu.memory_space<semaphore_mem>>)
    %dma_start3A_1375 = tpu.memref_slice %arg10[%mul3A_1372] : memref<3200000xi32, #tpu.memory_space<hbm>> -> memref<5000xi32, #tpu.memory_space<hbm>>
    %dma_start3A_1376 = tpu.memref_slice %arg10[%mul3A_1372] : memref<3200000xi32, #tpu.memory_space<hbm>> -> memref<5000xi32, #tpu.memory_space<hbm>>
    tpu.enqueue_dma source(%dma_start3A_1376 : memref<5000xi32, #tpu.memory_space<hbm>>) target(%arg17 : memref<5000xi32, #tpu.memory_space<vmem>>) target_semaphore(%arg28 : memref<!tpu.dma_semaphore, #tpu.memory_space<semaphore_mem>>)
    %dma_start3A_1377 = arith.constant 0 : i32
    %dma_start3A_1378 = tpu.memref_slice %arg14[%dma_start3A_1377] : memref<102400xf32, #tpu.memory_space<vmem_shared>> -> memref<102400xf32, #tpu.memory_space<vmem_shared>>
    tpu.enqueue_indirect_dma source(%dma_start3A_1378 : memref<102400xf32, #tpu.memory_space<vmem_shared>>) target(%arg27 : memref<5000xf32, #tpu.memory_space<vmem>>) offsets(%arg25 : memref<5000xi32, #tpu.memory_space<vmem>>) semaphore(%arg35 : memref<!tpu.dma_semaphore, #tpu.memory_space<semaphore_mem>>)
    %dma_wait3A_1379 = arith.constant 0 : i32
    %dma_wait3A_1380 = tpu.memref_slice %arg14[%dma_wait3A_1379] : memref<102400xf32, #tpu.memory_space<vmem_shared>> -> memref<102400xf32, #tpu.memory_space<vmem_shared>>
    tpu.wait_indirect_dma semaphore(%arg33 : memref<!tpu.dma_semaphore, #tpu.memory_space<semaphore_mem>>) src(%dma_wait3A_1380 : memref<102400xf32, #tpu.memory_space<vmem_shared>>) dst(%arg21 : memref<5000xf32, #tpu.memory_space<vmem>>)
    %dma_start3A_1381 = arith.constant 0 : i32
    %dma_start3A_1382 = tpu.memref_slice %arg13[%dma_start3A_1381] : memref<102400xf32, #tpu.memory_space<vmem_shared>> -> memref<102400xf32, #tpu.memory_space<vmem_shared>>
    tpu.enqueue_indirect_dma source(%arg21 : memref<5000xf32, #tpu.memory_space<vmem>>) target(%dma_start3A_1382 : memref<102400xf32, #tpu.memory_space<vmem_shared>>) offsets(%arg20 : memref<5000xi32, #tpu.memory_space<vmem>>) semaphore(%arg37 : memref<!tpu.dma_semaphore, #tpu.memory_space<semaphore_mem>>) {add = true}
    %dma_wait3A_1383 = arith.constant 0 : i32
    %dma_wait3A_1384 = tpu.memref_slice %arg9[%dma_wait3A_1383] : memref<3200000xi32, #tpu.memory_space<hbm>> -> memref<5000xi32, #tpu.memory_space<hbm>>
    %dma_wait3A_1385 = arith.constant 0 : i32
    %dma_wait3A_1386 = tpu.memref_slice %arg9[%dma_wait3A_1385] : memref<3200000xi32, #tpu.memory_space<hbm>> -> memref<5000xi32, #tpu.memory_space<hbm>>
    tpu.wait_dma2 semaphore(%arg28 : memref<!tpu.dma_semaphore, #tpu.memory_space<semaphore_mem>>) src(%dma_wait3A_1386 : memref<5000xi32, #tpu.memory_space<hbm>>) dst(%arg16 : memref<5000xi32, #tpu.memory_space<vmem>>)
    %dma_wait3A_1387 = arith.constant 0 : i32
    %dma_wait3A_1388 = tpu.memref_slice %arg10[%dma_wait3A_1387] : memref<3200000xi32, #tpu.memory_space<hbm>> -> memref<5000xi32, #tpu.memory_space<hbm>>
    %dma_wait3A_1389 = arith.constant 0 : i32
    %dma_wait3A_1390 = tpu.memref_slice %arg10[%dma_wait3A_1389] : memref<3200000xi32, #tpu.memory_space<hbm>> -> memref<5000xi32, #tpu.memory_space<hbm>>
    tpu.wait_dma2 semaphore(%arg28 : memref<!tpu.dma_semaphore, #tpu.memory_space<semaphore_mem>>) src(%dma_wait3A_1390 : memref<5000xi32, #tpu.memory_space<hbm>>) dst(%arg17 : memref<5000xi32, #tpu.memory_space<vmem>>)
    %dma_wait3A_1391 = arith.constant 0 : i32
    %dma_wait3A_1392 = tpu.memref_slice %arg13[%dma_wait3A_1391] : memref<102400xf32, #tpu.memory_space<vmem_shared>> -> memref<102400xf32, #tpu.memory_space<vmem_shared>>
    tpu.wait_indirect_dma semaphore(%arg37 : memref<!tpu.dma_semaphore, #tpu.memory_space<semaphore_mem>>) src(%arg21 : memref<5000xf32, #tpu.memory_space<vmem>>) dst(%dma_wait3A_1392 : memref<102400xf32, #tpu.memory_space<vmem_shared>>)
    %add3A_1393 = arith.constant 17 : i32
    %add3A_1394 = arith.addi %mul3A_4, %add3A_1393 : i32
    %mul3A_1395 = arith.constant 5000 : i32
    %mul3A_1396 = arith.muli %add3A_1394, %mul3A_1395 : i32
    %dma_start3A_1397 = tpu.memref_slice %arg9[%mul3A_1396] : memref<3200000xi32, #tpu.memory_space<hbm>> -> memref<5000xi32, #tpu.memory_space<hbm>>
    %dma_start3A_1398 = tpu.memref_slice %arg9[%mul3A_1396] : memref<3200000xi32, #tpu.memory_space<hbm>> -> memref<5000xi32, #tpu.memory_space<hbm>>
    tpu.enqueue_dma source(%dma_start3A_1398 : memref<5000xi32, #tpu.memory_space<hbm>>) target(%arg19 : memref<5000xi32, #tpu.memory_space<vmem>>) target_semaphore(%arg29 : memref<!tpu.dma_semaphore, #tpu.memory_space<semaphore_mem>>)
    %dma_start3A_1399 = tpu.memref_slice %arg10[%mul3A_1396] : memref<3200000xi32, #tpu.memory_space<hbm>> -> memref<5000xi32, #tpu.memory_space<hbm>>
    %dma_start3A_1400 = tpu.memref_slice %arg10[%mul3A_1396] : memref<3200000xi32, #tpu.memory_space<hbm>> -> memref<5000xi32, #tpu.memory_space<hbm>>
    tpu.enqueue_dma source(%dma_start3A_1400 : memref<5000xi32, #tpu.memory_space<hbm>>) target(%arg20 : memref<5000xi32, #tpu.memory_space<vmem>>) target_semaphore(%arg29 : memref<!tpu.dma_semaphore, #tpu.memory_space<semaphore_mem>>)
    %dma_start3A_1401 = arith.constant 0 : i32
    %dma_start3A_1402 = tpu.memref_slice %arg14[%dma_start3A_1401] : memref<102400xf32, #tpu.memory_space<vmem_shared>> -> memref<102400xf32, #tpu.memory_space<vmem_shared>>
    tpu.enqueue_indirect_dma source(%dma_start3A_1402 : memref<102400xf32, #tpu.memory_space<vmem_shared>>) target(%arg18 : memref<5000xf32, #tpu.memory_space<vmem>>) offsets(%arg16 : memref<5000xi32, #tpu.memory_space<vmem>>) semaphore(%arg32 : memref<!tpu.dma_semaphore, #tpu.memory_space<semaphore_mem>>)
    %dma_wait3A_1403 = arith.constant 0 : i32
    %dma_wait3A_1404 = tpu.memref_slice %arg14[%dma_wait3A_1403] : memref<102400xf32, #tpu.memory_space<vmem_shared>> -> memref<102400xf32, #tpu.memory_space<vmem_shared>>
    tpu.wait_indirect_dma semaphore(%arg34 : memref<!tpu.dma_semaphore, #tpu.memory_space<semaphore_mem>>) src(%dma_wait3A_1404 : memref<102400xf32, #tpu.memory_space<vmem_shared>>) dst(%arg24 : memref<5000xf32, #tpu.memory_space<vmem>>)
    %dma_start3A_1405 = arith.constant 0 : i32
    %dma_start3A_1406 = tpu.memref_slice %arg13[%dma_start3A_1405] : memref<102400xf32, #tpu.memory_space<vmem_shared>> -> memref<102400xf32, #tpu.memory_space<vmem_shared>>
    tpu.enqueue_indirect_dma source(%arg24 : memref<5000xf32, #tpu.memory_space<vmem>>) target(%dma_start3A_1406 : memref<102400xf32, #tpu.memory_space<vmem_shared>>) offsets(%arg23 : memref<5000xi32, #tpu.memory_space<vmem>>) semaphore(%arg38 : memref<!tpu.dma_semaphore, #tpu.memory_space<semaphore_mem>>) {add = true}
    %dma_wait3A_1407 = arith.constant 0 : i32
    %dma_wait3A_1408 = tpu.memref_slice %arg9[%dma_wait3A_1407] : memref<3200000xi32, #tpu.memory_space<hbm>> -> memref<5000xi32, #tpu.memory_space<hbm>>
    %dma_wait3A_1409 = arith.constant 0 : i32
    %dma_wait3A_1410 = tpu.memref_slice %arg9[%dma_wait3A_1409] : memref<3200000xi32, #tpu.memory_space<hbm>> -> memref<5000xi32, #tpu.memory_space<hbm>>
    tpu.wait_dma2 semaphore(%arg29 : memref<!tpu.dma_semaphore, #tpu.memory_space<semaphore_mem>>) src(%dma_wait3A_1410 : memref<5000xi32, #tpu.memory_space<hbm>>) dst(%arg19 : memref<5000xi32, #tpu.memory_space<vmem>>)
    %dma_wait3A_1411 = arith.constant 0 : i32
    %dma_wait3A_1412 = tpu.memref_slice %arg10[%dma_wait3A_1411] : memref<3200000xi32, #tpu.memory_space<hbm>> -> memref<5000xi32, #tpu.memory_space<hbm>>
    %dma_wait3A_1413 = arith.constant 0 : i32
    %dma_wait3A_1414 = tpu.memref_slice %arg10[%dma_wait3A_1413] : memref<3200000xi32, #tpu.memory_space<hbm>> -> memref<5000xi32, #tpu.memory_space<hbm>>
    tpu.wait_dma2 semaphore(%arg29 : memref<!tpu.dma_semaphore, #tpu.memory_space<semaphore_mem>>) src(%dma_wait3A_1414 : memref<5000xi32, #tpu.memory_space<hbm>>) dst(%arg20 : memref<5000xi32, #tpu.memory_space<vmem>>)
    %dma_wait3A_1415 = arith.constant 0 : i32
    %dma_wait3A_1416 = tpu.memref_slice %arg13[%dma_wait3A_1415] : memref<102400xf32, #tpu.memory_space<vmem_shared>> -> memref<102400xf32, #tpu.memory_space<vmem_shared>>
    tpu.wait_indirect_dma semaphore(%arg38 : memref<!tpu.dma_semaphore, #tpu.memory_space<semaphore_mem>>) src(%arg24 : memref<5000xf32, #tpu.memory_space<vmem>>) dst(%dma_wait3A_1416 : memref<102400xf32, #tpu.memory_space<vmem_shared>>)
    %add3A_1417 = arith.constant 18 : i32
    %add3A_1418 = arith.addi %mul3A_4, %add3A_1417 : i32
    %mul3A_1419 = arith.constant 5000 : i32
    %mul3A_1420 = arith.muli %add3A_1418, %mul3A_1419 : i32
    %dma_start3A_1421 = tpu.memref_slice %arg9[%mul3A_1420] : memref<3200000xi32, #tpu.memory_space<hbm>> -> memref<5000xi32, #tpu.memory_space<hbm>>
    %dma_start3A_1422 = tpu.memref_slice %arg9[%mul3A_1420] : memref<3200000xi32, #tpu.memory_space<hbm>> -> memref<5000xi32, #tpu.memory_space<hbm>>
    tpu.enqueue_dma source(%dma_start3A_1422 : memref<5000xi32, #tpu.memory_space<hbm>>) target(%arg22 : memref<5000xi32, #tpu.memory_space<vmem>>) target_semaphore(%arg30 : memref<!tpu.dma_semaphore, #tpu.memory_space<semaphore_mem>>)
    %dma_start3A_1423 = tpu.memref_slice %arg10[%mul3A_1420] : memref<3200000xi32, #tpu.memory_space<hbm>> -> memref<5000xi32, #tpu.memory_space<hbm>>
    %dma_start3A_1424 = tpu.memref_slice %arg10[%mul3A_1420] : memref<3200000xi32, #tpu.memory_space<hbm>> -> memref<5000xi32, #tpu.memory_space<hbm>>
    tpu.enqueue_dma source(%dma_start3A_1424 : memref<5000xi32, #tpu.memory_space<hbm>>) target(%arg23 : memref<5000xi32, #tpu.memory_space<vmem>>) target_semaphore(%arg30 : memref<!tpu.dma_semaphore, #tpu.memory_space<semaphore_mem>>)
    %dma_start3A_1425 = arith.constant 0 : i32
    %dma_start3A_1426 = tpu.memref_slice %arg14[%dma_start3A_1425] : memref<102400xf32, #tpu.memory_space<vmem_shared>> -> memref<102400xf32, #tpu.memory_space<vmem_shared>>
    tpu.enqueue_indirect_dma source(%dma_start3A_1426 : memref<102400xf32, #tpu.memory_space<vmem_shared>>) target(%arg21 : memref<5000xf32, #tpu.memory_space<vmem>>) offsets(%arg19 : memref<5000xi32, #tpu.memory_space<vmem>>) semaphore(%arg33 : memref<!tpu.dma_semaphore, #tpu.memory_space<semaphore_mem>>)
    %dma_wait3A_1427 = arith.constant 0 : i32
    %dma_wait3A_1428 = tpu.memref_slice %arg14[%dma_wait3A_1427] : memref<102400xf32, #tpu.memory_space<vmem_shared>> -> memref<102400xf32, #tpu.memory_space<vmem_shared>>
    tpu.wait_indirect_dma semaphore(%arg35 : memref<!tpu.dma_semaphore, #tpu.memory_space<semaphore_mem>>) src(%dma_wait3A_1428 : memref<102400xf32, #tpu.memory_space<vmem_shared>>) dst(%arg27 : memref<5000xf32, #tpu.memory_space<vmem>>)
    %dma_start3A_1429 = arith.constant 0 : i32
    %dma_start3A_1430 = tpu.memref_slice %arg13[%dma_start3A_1429] : memref<102400xf32, #tpu.memory_space<vmem_shared>> -> memref<102400xf32, #tpu.memory_space<vmem_shared>>
    tpu.enqueue_indirect_dma source(%arg27 : memref<5000xf32, #tpu.memory_space<vmem>>) target(%dma_start3A_1430 : memref<102400xf32, #tpu.memory_space<vmem_shared>>) offsets(%arg26 : memref<5000xi32, #tpu.memory_space<vmem>>) semaphore(%arg39 : memref<!tpu.dma_semaphore, #tpu.memory_space<semaphore_mem>>) {add = true}
    %dma_wait3A_1431 = arith.constant 0 : i32
    %dma_wait3A_1432 = tpu.memref_slice %arg9[%dma_wait3A_1431] : memref<3200000xi32, #tpu.memory_space<hbm>> -> memref<5000xi32, #tpu.memory_space<hbm>>
    %dma_wait3A_1433 = arith.constant 0 : i32
    %dma_wait3A_1434 = tpu.memref_slice %arg9[%dma_wait3A_1433] : memref<3200000xi32, #tpu.memory_space<hbm>> -> memref<5000xi32, #tpu.memory_space<hbm>>
    tpu.wait_dma2 semaphore(%arg30 : memref<!tpu.dma_semaphore, #tpu.memory_space<semaphore_mem>>) src(%dma_wait3A_1434 : memref<5000xi32, #tpu.memory_space<hbm>>) dst(%arg22 : memref<5000xi32, #tpu.memory_space<vmem>>)
    %dma_wait3A_1435 = arith.constant 0 : i32
    %dma_wait3A_1436 = tpu.memref_slice %arg10[%dma_wait3A_1435] : memref<3200000xi32, #tpu.memory_space<hbm>> -> memref<5000xi32, #tpu.memory_space<hbm>>
    %dma_wait3A_1437 = arith.constant 0 : i32
    %dma_wait3A_1438 = tpu.memref_slice %arg10[%dma_wait3A_1437] : memref<3200000xi32, #tpu.memory_space<hbm>> -> memref<5000xi32, #tpu.memory_space<hbm>>
    tpu.wait_dma2 semaphore(%arg30 : memref<!tpu.dma_semaphore, #tpu.memory_space<semaphore_mem>>) src(%dma_wait3A_1438 : memref<5000xi32, #tpu.memory_space<hbm>>) dst(%arg23 : memref<5000xi32, #tpu.memory_space<vmem>>)
    %dma_wait3A_1439 = arith.constant 0 : i32
    %dma_wait3A_1440 = tpu.memref_slice %arg13[%dma_wait3A_1439] : memref<102400xf32, #tpu.memory_space<vmem_shared>> -> memref<102400xf32, #tpu.memory_space<vmem_shared>>
    tpu.wait_indirect_dma semaphore(%arg39 : memref<!tpu.dma_semaphore, #tpu.memory_space<semaphore_mem>>) src(%arg27 : memref<5000xf32, #tpu.memory_space<vmem>>) dst(%dma_wait3A_1440 : memref<102400xf32, #tpu.memory_space<vmem_shared>>)
    %add3A_1441 = arith.constant 19 : i32
    %add3A_1442 = arith.addi %mul3A_4, %add3A_1441 : i32
    %mul3A_1443 = arith.constant 5000 : i32
    %mul3A_1444 = arith.muli %add3A_1442, %mul3A_1443 : i32
    %dma_start3A_1445 = tpu.memref_slice %arg9[%mul3A_1444] : memref<3200000xi32, #tpu.memory_space<hbm>> -> memref<5000xi32, #tpu.memory_space<hbm>>
    %dma_start3A_1446 = tpu.memref_slice %arg9[%mul3A_1444] : memref<3200000xi32, #tpu.memory_space<hbm>> -> memref<5000xi32, #tpu.memory_space<hbm>>
    tpu.enqueue_dma source(%dma_start3A_1446 : memref<5000xi32, #tpu.memory_space<hbm>>) target(%arg25 : memref<5000xi32, #tpu.memory_space<vmem>>) target_semaphore(%arg31 : memref<!tpu.dma_semaphore, #tpu.memory_space<semaphore_mem>>)
    %dma_start3A_1447 = tpu.memref_slice %arg10[%mul3A_1444] : memref<3200000xi32, #tpu.memory_space<hbm>> -> memref<5000xi32, #tpu.memory_space<hbm>>
    %dma_start3A_1448 = tpu.memref_slice %arg10[%mul3A_1444] : memref<3200000xi32, #tpu.memory_space<hbm>> -> memref<5000xi32, #tpu.memory_space<hbm>>
    tpu.enqueue_dma source(%dma_start3A_1448 : memref<5000xi32, #tpu.memory_space<hbm>>) target(%arg26 : memref<5000xi32, #tpu.memory_space<vmem>>) target_semaphore(%arg31 : memref<!tpu.dma_semaphore, #tpu.memory_space<semaphore_mem>>)
    %dma_start3A_1449 = arith.constant 0 : i32
    %dma_start3A_1450 = tpu.memref_slice %arg14[%dma_start3A_1449] : memref<102400xf32, #tpu.memory_space<vmem_shared>> -> memref<102400xf32, #tpu.memory_space<vmem_shared>>
    tpu.enqueue_indirect_dma source(%dma_start3A_1450 : memref<102400xf32, #tpu.memory_space<vmem_shared>>) target(%arg24 : memref<5000xf32, #tpu.memory_space<vmem>>) offsets(%arg22 : memref<5000xi32, #tpu.memory_space<vmem>>) semaphore(%arg34 : memref<!tpu.dma_semaphore, #tpu.memory_space<semaphore_mem>>)
    %dma_wait3A_1451 = arith.constant 0 : i32
    %dma_wait3A_1452 = tpu.memref_slice %arg14[%dma_wait3A_1451] : memref<102400xf32, #tpu.memory_space<vmem_shared>> -> memref<102400xf32, #tpu.memory_space<vmem_shared>>
    tpu.wait_indirect_dma semaphore(%arg32 : memref<!tpu.dma_semaphore, #tpu.memory_space<semaphore_mem>>) src(%dma_wait3A_1452 : memref<102400xf32, #tpu.memory_space<vmem_shared>>) dst(%arg18 : memref<5000xf32, #tpu.memory_space<vmem>>)
    %dma_start3A_1453 = arith.constant 0 : i32
    %dma_start3A_1454 = tpu.memref_slice %arg13[%dma_start3A_1453] : memref<102400xf32, #tpu.memory_space<vmem_shared>> -> memref<102400xf32, #tpu.memory_space<vmem_shared>>
    tpu.enqueue_indirect_dma source(%arg18 : memref<5000xf32, #tpu.memory_space<vmem>>) target(%dma_start3A_1454 : memref<102400xf32, #tpu.memory_space<vmem_shared>>) offsets(%arg17 : memref<5000xi32, #tpu.memory_space<vmem>>) semaphore(%arg36 : memref<!tpu.dma_semaphore, #tpu.memory_space<semaphore_mem>>) {add = true}
    %dma_wait3A_1455 = arith.constant 0 : i32
    %dma_wait3A_1456 = tpu.memref_slice %arg9[%dma_wait3A_1455] : memref<3200000xi32, #tpu.memory_space<hbm>> -> memref<5000xi32, #tpu.memory_space<hbm>>
    %dma_wait3A_1457 = arith.constant 0 : i32
    %dma_wait3A_1458 = tpu.memref_slice %arg9[%dma_wait3A_1457] : memref<3200000xi32, #tpu.memory_space<hbm>> -> memref<5000xi32, #tpu.memory_space<hbm>>
    tpu.wait_dma2 semaphore(%arg31 : memref<!tpu.dma_semaphore, #tpu.memory_space<semaphore_mem>>) src(%dma_wait3A_1458 : memref<5000xi32, #tpu.memory_space<hbm>>) dst(%arg25 : memref<5000xi32, #tpu.memory_space<vmem>>)
    %dma_wait3A_1459 = arith.constant 0 : i32
    %dma_wait3A_1460 = tpu.memref_slice %arg10[%dma_wait3A_1459] : memref<3200000xi32, #tpu.memory_space<hbm>> -> memref<5000xi32, #tpu.memory_space<hbm>>
    %dma_wait3A_1461 = arith.constant 0 : i32
    %dma_wait3A_1462 = tpu.memref_slice %arg10[%dma_wait3A_1461] : memref<3200000xi32, #tpu.memory_space<hbm>> -> memref<5000xi32, #tpu.memory_space<hbm>>
    tpu.wait_dma2 semaphore(%arg31 : memref<!tpu.dma_semaphore, #tpu.memory_space<semaphore_mem>>) src(%dma_wait3A_1462 : memref<5000xi32, #tpu.memory_space<hbm>>) dst(%arg26 : memref<5000xi32, #tpu.memory_space<vmem>>)
    %dma_wait3A_1463 = arith.constant 0 : i32
    %dma_wait3A_1464 = tpu.memref_slice %arg13[%dma_wait3A_1463] : memref<102400xf32, #tpu.memory_space<vmem_shared>> -> memref<102400xf32, #tpu.memory_space<vmem_shared>>
    tpu.wait_indirect_dma semaphore(%arg36 : memref<!tpu.dma_semaphore, #tpu.memory_space<semaphore_mem>>) src(%arg18 : memref<5000xf32, #tpu.memory_space<vmem>>) dst(%dma_wait3A_1464 : memref<102400xf32, #tpu.memory_space<vmem_shared>>)
    %dma_start3A_1465 = arith.constant 0 : i32
    %dma_start3A_1466 = tpu.memref_slice %arg14[%dma_start3A_1465] : memref<102400xf32, #tpu.memory_space<vmem_shared>> -> memref<102400xf32, #tpu.memory_space<vmem_shared>>
    tpu.enqueue_indirect_dma source(%dma_start3A_1466 : memref<102400xf32, #tpu.memory_space<vmem_shared>>) target(%arg27 : memref<5000xf32, #tpu.memory_space<vmem>>) offsets(%arg25 : memref<5000xi32, #tpu.memory_space<vmem>>) semaphore(%arg35 : memref<!tpu.dma_semaphore, #tpu.memory_space<semaphore_mem>>)
    %dma_wait3A_1467 = arith.constant 0 : i32
    %dma_wait3A_1468 = tpu.memref_slice %arg14[%dma_wait3A_1467] : memref<102400xf32, #tpu.memory_space<vmem_shared>> -> memref<102400xf32, #tpu.memory_space<vmem_shared>>
    tpu.wait_indirect_dma semaphore(%arg33 : memref<!tpu.dma_semaphore, #tpu.memory_space<semaphore_mem>>) src(%dma_wait3A_1468 : memref<102400xf32, #tpu.memory_space<vmem_shared>>) dst(%arg21 : memref<5000xf32, #tpu.memory_space<vmem>>)
    %dma_start3A_1469 = arith.constant 0 : i32
    %dma_start3A_1470 = tpu.memref_slice %arg13[%dma_start3A_1469] : memref<102400xf32, #tpu.memory_space<vmem_shared>> -> memref<102400xf32, #tpu.memory_space<vmem_shared>>
    tpu.enqueue_indirect_dma source(%arg21 : memref<5000xf32, #tpu.memory_space<vmem>>) target(%dma_start3A_1470 : memref<102400xf32, #tpu.memory_space<vmem_shared>>) offsets(%arg20 : memref<5000xi32, #tpu.memory_space<vmem>>) semaphore(%arg37 : memref<!tpu.dma_semaphore, #tpu.memory_space<semaphore_mem>>) {add = true}
    %dma_wait3A_1471 = arith.constant 0 : i32
    %dma_wait3A_1472 = tpu.memref_slice %arg14[%dma_wait3A_1471] : memref<102400xf32, #tpu.memory_space<vmem_shared>> -> memref<102400xf32, #tpu.memory_space<vmem_shared>>
    tpu.wait_indirect_dma semaphore(%arg34 : memref<!tpu.dma_semaphore, #tpu.memory_space<semaphore_mem>>) src(%dma_wait3A_1472 : memref<102400xf32, #tpu.memory_space<vmem_shared>>) dst(%arg24 : memref<5000xf32, #tpu.memory_space<vmem>>)
    %dma_start3A_1473 = arith.constant 0 : i32
    %dma_start3A_1474 = tpu.memref_slice %arg13[%dma_start3A_1473] : memref<102400xf32, #tpu.memory_space<vmem_shared>> -> memref<102400xf32, #tpu.memory_space<vmem_shared>>
    tpu.enqueue_indirect_dma source(%arg24 : memref<5000xf32, #tpu.memory_space<vmem>>) target(%dma_start3A_1474 : memref<102400xf32, #tpu.memory_space<vmem_shared>>) offsets(%arg23 : memref<5000xi32, #tpu.memory_space<vmem>>) semaphore(%arg38 : memref<!tpu.dma_semaphore, #tpu.memory_space<semaphore_mem>>) {add = true}
    %dma_wait3A_1475 = arith.constant 0 : i32
    %dma_wait3A_1476 = tpu.memref_slice %arg14[%dma_wait3A_1475] : memref<102400xf32, #tpu.memory_space<vmem_shared>> -> memref<102400xf32, #tpu.memory_space<vmem_shared>>
    tpu.wait_indirect_dma semaphore(%arg35 : memref<!tpu.dma_semaphore, #tpu.memory_space<semaphore_mem>>) src(%dma_wait3A_1476 : memref<102400xf32, #tpu.memory_space<vmem_shared>>) dst(%arg27 : memref<5000xf32, #tpu.memory_space<vmem>>)
    %dma_start3A_1477 = arith.constant 0 : i32
    %dma_start3A_1478 = tpu.memref_slice %arg13[%dma_start3A_1477] : memref<102400xf32, #tpu.memory_space<vmem_shared>> -> memref<102400xf32, #tpu.memory_space<vmem_shared>>
    tpu.enqueue_indirect_dma source(%arg27 : memref<5000xf32, #tpu.memory_space<vmem>>) target(%dma_start3A_1478 : memref<102400xf32, #tpu.memory_space<vmem_shared>>) offsets(%arg26 : memref<5000xi32, #tpu.memory_space<vmem>>) semaphore(%arg39 : memref<!tpu.dma_semaphore, #tpu.memory_space<semaphore_mem>>) {add = true}
    %dma_wait3A_1479 = arith.constant 0 : i32
    %dma_wait3A_1480 = tpu.memref_slice %arg13[%dma_wait3A_1479] : memref<102400xf32, #tpu.memory_space<vmem_shared>> -> memref<102400xf32, #tpu.memory_space<vmem_shared>>
    tpu.wait_indirect_dma semaphore(%arg37 : memref<!tpu.dma_semaphore, #tpu.memory_space<semaphore_mem>>) src(%arg21 : memref<5000xf32, #tpu.memory_space<vmem>>) dst(%dma_wait3A_1480 : memref<102400xf32, #tpu.memory_space<vmem_shared>>)
    %dma_wait3A_1481 = arith.constant 0 : i32
    %dma_wait3A_1482 = tpu.memref_slice %arg13[%dma_wait3A_1481] : memref<102400xf32, #tpu.memory_space<vmem_shared>> -> memref<102400xf32, #tpu.memory_space<vmem_shared>>
    tpu.wait_indirect_dma semaphore(%arg38 : memref<!tpu.dma_semaphore, #tpu.memory_space<semaphore_mem>>) src(%arg24 : memref<5000xf32, #tpu.memory_space<vmem>>) dst(%dma_wait3A_1482 : memref<102400xf32, #tpu.memory_space<vmem_shared>>)
    %dma_wait3A_1483 = arith.constant 0 : i32
    %dma_wait3A_1484 = tpu.memref_slice %arg13[%dma_wait3A_1483] : memref<102400xf32, #tpu.memory_space<vmem_shared>> -> memref<102400xf32, #tpu.memory_space<vmem_shared>>
    tpu.wait_indirect_dma semaphore(%arg39 : memref<!tpu.dma_semaphore, #tpu.memory_space<semaphore_mem>>) src(%arg27 : memref<5000xf32, #tpu.memory_space<vmem>>) dst(%dma_wait3A_1484 : memref<102400xf32, #tpu.memory_space<vmem_shared>>)
    %barrier3A_1485 = arith.constant 0 : index
    tpu.barrier barrier_id(%barrier3A_1485)
    %add3A_1486 = arith.constant 4 : i32
    %add3A_1487 = arith.addi %add3A_1486, %arg0 : i32
    %mul3A_1488 = arith.constant 102400 : i32
    %mul3A_1489 = arith.muli %add3A_1487, %mul3A_1488 : i32
    %add3A_1490 = arith.addi %mul3A_1489, %mul3A_2 : i32
    "tpu.region"() ({
      %run_scoped3A = tpu.sem_alloc : memref<!tpu.dma_semaphore, #tpu.memory_space<semaphore_mem>>
      %dma_start3A_1492 = tpu.memref_slice %arg12[%add3A_1490] : memref<614400xf32, #tpu.memory_space<hbm>> -> memref<6400xf32, #tpu.memory_space<hbm>>
      %dma_start3A_1493 = tpu.memref_slice %arg13[%mul3A_2] : memref<102400xf32, #tpu.memory_space<vmem_shared>> -> memref<6400xf32, #tpu.memory_space<vmem_shared>>
      tpu.enqueue_dma source(%dma_start3A_1493 : memref<6400xf32, #tpu.memory_space<vmem_shared>>) target(%dma_start3A_1492 : memref<6400xf32, #tpu.memory_space<hbm>>) target_semaphore(%run_scoped3A : memref<!tpu.dma_semaphore, #tpu.memory_space<semaphore_mem>>)
      %dma_wait3A_1494 = tpu.memref_slice %arg12[%add3A_1490] : memref<614400xf32, #tpu.memory_space<hbm>> -> memref<6400xf32, #tpu.memory_space<hbm>>
      %dma_wait3A_1495 = tpu.memref_slice %arg13[%mul3A_2] : memref<102400xf32, #tpu.memory_space<vmem_shared>> -> memref<6400xf32, #tpu.memory_space<vmem_shared>>
      tpu.wait_dma2 semaphore(%run_scoped3A : memref<!tpu.dma_semaphore, #tpu.memory_space<semaphore_mem>>) src(%dma_wait3A_1495 : memref<6400xf32, #tpu.memory_space<vmem_shared>>) dst(%dma_wait3A_1494 : memref<6400xf32, #tpu.memory_space<hbm>>)
      tpu.yield
    }) : () -> ()
    %barrier3A_1491 = arith.constant 0 : index
    tpu.barrier barrier_id(%barrier3A_1491)
    return
  }
}

module attributes {stable_mosaic.version = 14 : i64} {
  func.func @_tc_body(%arg0: i32, %arg1: memref<4096xf32, #tpu.memory_space<vmem>>, %arg2: memref<4096xf32, #tpu.memory_space<vmem>>, %arg3: memref<4096xf32, #tpu.memory_space<vmem>>, %arg4: memref<4096xi32, #tpu.memory_space<vmem>>, %arg5: memref<4096xi32, #tpu.memory_space<vmem>>, %arg6: memref<4096xi32, #tpu.memory_space<vmem>>, %arg7: memref<4096xf32, #tpu.memory_space<vmem>>, %arg8: memref<4096xf32, #tpu.memory_space<vmem>>, %arg9: memref<4096xf32, #tpu.memory_space<vmem>>, %arg10: memref<4096xf32, #tpu.memory_space<vmem>>, %arg11: memref<4096xf32, #tpu.memory_space<vmem>>, %arg12: memref<4096xf32, #tpu.memory_space<vmem>>, %arg13: memref<128x1xf32, #tpu.memory_space<vmem>>, %arg14: memref<128x1xf32, #tpu.memory_space<vmem>>, %arg15: memref<128x128xf32, #tpu.memory_space<vmem>>, %arg16: memref<128x1xf32, #tpu.memory_space<vmem>>, %arg17: memref<128x128xf32, #tpu.memory_space<vmem>>, %arg18: memref<128x1xf32, #tpu.memory_space<vmem>>, %arg19: memref<3x128x64xf32, #tpu.memory_space<vmem>>, %arg20: memref<128x192xf32, #tpu.memory_space<vmem>>, %arg21: memref<64x8xf32, #tpu.memory_space<vmem>>) attributes {dimension_semantics = [#tpu.dimension_semantics<arbitrary>], iteration_bounds = array<i64: 25>, scalar_prefetch = 0 : i64, scratch_operands = 2 : i64, tpu.core_type = #tpu.core_type<tc>, window_params = [{transform_indices = @transform_0, window_bounds = array<i64: 4096>}, {transform_indices = @transform_1, window_bounds = array<i64: 4096>}, {transform_indices = @transform_2, window_bounds = array<i64: 4096>}, {transform_indices = @transform_3, window_bounds = array<i64: 4096>}, {transform_indices = @transform_4, window_bounds = array<i64: 4096>}, {transform_indices = @transform_5, window_bounds = array<i64: 4096>}, {transform_indices = @transform_6, window_bounds = array<i64: 4096>}, {transform_indices = @transform_7, window_bounds = array<i64: 4096>}, {transform_indices = @transform_8, window_bounds = array<i64: 4096>}, {transform_indices = @transform_9, window_bounds = array<i64: 4096>}, {transform_indices = @transform_10, window_bounds = array<i64: 4096>}, {transform_indices = @transform_11, window_bounds = array<i64: 4096>}, {pipeline_mode = #tpu.pipeline_mode<synchronous>, transform_indices = @transform_12, window_bounds = array<i64: 128, 1>}, {pipeline_mode = #tpu.pipeline_mode<synchronous>, transform_indices = @transform_13, window_bounds = array<i64: 128, 1>}, {pipeline_mode = #tpu.pipeline_mode<synchronous>, transform_indices = @transform_14, window_bounds = array<i64: 128, 128>}, {pipeline_mode = #tpu.pipeline_mode<synchronous>, transform_indices = @transform_15, window_bounds = array<i64: 128, 1>}, {pipeline_mode = #tpu.pipeline_mode<synchronous>, transform_indices = @transform_16, window_bounds = array<i64: 128, 128>}, {pipeline_mode = #tpu.pipeline_mode<synchronous>, transform_indices = @transform_17, window_bounds = array<i64: 128, 1>}, {pipeline_mode = #tpu.pipeline_mode<synchronous>, transform_indices = @transform_18, window_bounds = array<i64: 3, 128, 64>}]} {
    %eq3A = arith.constant 0 : i32
    %eq3A_0 = arith.cmpi eq, %arg0, %eq3A : i32
    %convert_element_type3A = arith.extui %eq3A_0 : i1 to i32
    %cond3A = arith.constant 0 : i32
    %cond3A_1 = arith.cmpi ne, %convert_element_type3A, %cond3A : i32
    scf.if %cond3A_1 {
      %broadcast_in_dim3A_170 = arith.constant 0.000000e+00 : f32
      %broadcast_in_dim3A_171 = vector.broadcast %broadcast_in_dim3A_170 : f32 to vector<128x192xf32>
      %swap3A_172 = arith.constant 0 : index
      %swap3A_173 = arith.constant 0 : index
      %swap3A_174 = vector.load %arg20[%swap3A_172, %swap3A_173] : memref<128x192xf32, #tpu.memory_space<vmem>>, vector<128x192xf32>
      tpu.vector_store %arg20[%swap3A_172, %swap3A_173], %broadcast_in_dim3A_171 {strides = array<i32>} : memref<128x192xf32, #tpu.memory_space<vmem>>, vector<128x192xf32>,
      %broadcast_in_dim3A_175 = arith.constant 0.000000e+00 : f32
      %broadcast_in_dim3A_176 = vector.broadcast %broadcast_in_dim3A_175 : f32 to vector<64x8xf32>
      %swap3A_177 = arith.constant 0 : index
      %swap3A_178 = arith.constant 0 : index
      %swap3A_179 = vector.load %arg21[%swap3A_177, %swap3A_178] : memref<64x8xf32, #tpu.memory_space<vmem>>, vector<64x8xf32>
      tpu.vector_store %arg21[%swap3A_177, %swap3A_178], %broadcast_in_dim3A_176 {strides = array<i32>} : memref<64x8xf32, #tpu.memory_space<vmem>>, vector<64x8xf32>,
    } else {
    }
    %iota3A = tpu.iota {dimensions = array<i32: 1>} : vector<1x4096xi32>
    %mul3A = arith.constant 4096 : i32
    %mul3A_2 = arith.muli %arg0, %mul3A : i32
    %add3A = vector.broadcast %mul3A_2 : i32 to vector<1x4096xi32>
    %add3A_3 = arith.addi %add3A, %iota3A : vector<1x4096xi32>
    %lt3A = arith.constant 100000 : i32
    %lt3A_4 = vector.broadcast %lt3A : i32 to vector<1x4096xi32>
    %lt3A_5 = arith.cmpi slt, %add3A_3, %lt3A_4 : vector<1x4096xi32>
    %iota3A_6 = tpu.iota {dimensions = array<i32: 0>} : vector<64x4096xi32>
    %get3A = arith.constant 0 : index
    %get3A_7 = vector.load %arg1[%get3A] : memref<4096xf32, #tpu.memory_space<vmem>>, vector<4096xf32>
    %get3A_8 = arith.constant 0 : index
    %get3A_9 = vector.load %arg7[%get3A_8] : memref<4096xf32, #tpu.memory_space<vmem>>, vector<4096xf32>
    %add3A_10 = arith.addf %get3A_7, %get3A_9 : vector<4096xf32>
    %get3A_11 = arith.constant 0 : index
    %get3A_12 = vector.load %arg8[%get3A_11] : memref<4096xf32, #tpu.memory_space<vmem>>, vector<4096xf32>
    %add3A_13 = arith.addf %add3A_10, %get3A_12 : vector<4096xf32>
    %reshape3A = vector.shape_cast %add3A_13 : vector<4096xf32> to vector<1x4096xf32>
    %get3A_14 = arith.constant 0 : index
    %get3A_15 = arith.constant 0 : index
    %get3A_16 = vector.load %arg13[%get3A_14, %get3A_15] : memref<128x1xf32, #tpu.memory_space<vmem>>, vector<128x1xf32>
    %mul3A_17 = vector.broadcast %get3A_16 : vector<128x1xf32> to vector<128x4096xf32>
    %mul3A_18 = vector.broadcast %reshape3A : vector<1x4096xf32> to vector<128x4096xf32>
    %mul3A_19 = arith.mulf %mul3A_17, %mul3A_18 : vector<128x4096xf32>
    %get3A_20 = arith.constant 0 : index
    %get3A_21 = arith.constant 0 : index
    %get3A_22 = vector.load %arg14[%get3A_20, %get3A_21] : memref<128x1xf32, #tpu.memory_space<vmem>>, vector<128x1xf32>
    %add3A_23 = vector.broadcast %get3A_22 : vector<128x1xf32> to vector<128x4096xf32>
    %add3A_24 = arith.addf %mul3A_19, %add3A_23 : vector<128x4096xf32>
    %max3A = arith.constant 0.000000e+00 : f32
    %max3A_25 = vector.broadcast %max3A : f32 to vector<128x4096xf32>
    %max3A_26 = arith.maximumf %add3A_24, %max3A_25 : vector<128x4096xf32>
    %jit3A = arith.constant 0.000000e+00 : f32
    %broadcast_in_dim3A = vector.shape_cast %lt3A_5 : vector<1x4096xi1> to vector<1x4096xi1>
    %broadcast_in_dim3A_27 = vector.broadcast %broadcast_in_dim3A : vector<1x4096xi1> to vector<128x4096xi1>
    %broadcast_in_dim3A_28 = vector.broadcast %jit3A : f32 to vector<128x4096xf32>
    %select_n3A = arith.select %broadcast_in_dim3A_27, %max3A_26, %broadcast_in_dim3A_28 : vector<128x4096xi1>, vector<128x4096xf32>
    %get3A_29 = arith.constant 0 : index
    %get3A_30 = vector.load %arg4[%get3A_29] : memref<4096xi32, #tpu.memory_space<vmem>>, vector<4096xi32>
    %reshape3A_31 = vector.shape_cast %get3A_30 : vector<4096xi32> to vector<1x4096xi32>
    %eq3A_32 = vector.broadcast %reshape3A_31 : vector<1x4096xi32> to vector<64x4096xi32>
    %eq3A_33 = arith.cmpi eq, %iota3A_6, %eq3A_32 : vector<64x4096xi32>
    %and3A = vector.broadcast %lt3A_5 : vector<1x4096xi1> to vector<64x4096xi1>
    %and3A_34 = arith.andi %eq3A_33, %and3A : vector<64x4096xi1>
    %convert_element_type3A_35 = arith.extui %and3A_34 : vector<64x4096xi1> to vector<64x4096xi32>
    %convert_element_type3A_36 = arith.sitofp %convert_element_type3A_35 : vector<64x4096xi32> to vector<64x4096xf32>
    %get3A_37 = arith.constant 0 : index
    %get3A_38 = arith.constant 0 : index
    %get3A_39 = vector.load %arg20[%get3A_37, %get3A_38] : memref<128x192xf32, #tpu.memory_space<vmem>>, vector<128x64xf32>
    %dot_general3A = arith.constant dense<0.000000e+00> : vector<128x64xf32>
    %dot_general3A_40 = tpu.matmul %select_n3A, %convert_element_type3A_36, %dot_general3A {dimension_numbers = #tpu.dot_dimension_numbers<[1], [1], [0], [0], [0, 0, 1, 0], [], []>, transpose_lhs_hint = false} : vector<128x4096xf32>, vector<64x4096xf32>, vector<128x64xf32> -> vector<128x64xf32>
    %add3A_41 = arith.addf %get3A_39, %dot_general3A_40 : vector<128x64xf32>
    %swap3A = arith.constant 0 : index
    %swap3A_42 = arith.constant 0 : index
    %swap3A_43 = vector.load %arg20[%swap3A, %swap3A_42] : memref<128x192xf32, #tpu.memory_space<vmem>>, vector<128x64xf32>
    tpu.vector_store %arg20[%swap3A, %swap3A_42], %add3A_41 {strides = array<i32>} : memref<128x192xf32, #tpu.memory_space<vmem>>, vector<128x64xf32>,
    %get3A_44 = arith.constant 0 : index
    %get3A_45 = arith.constant 0 : index
    %get3A_46 = vector.load %arg21[%get3A_44, %get3A_45] : memref<64x8xf32, #tpu.memory_space<vmem>>, vector<64x1xf32>
    %reduce_sum3A = arith.constant dense<0.000000e+00> : vector<64xf32>
    %reduce_sum3A_47 = vector.multi_reduction <add>, %convert_element_type3A_36, %reduce_sum3A [1] : vector<64x4096xf32> to vector<64xf32>
    %broadcast_in_dim3A_48 = vector.shape_cast %reduce_sum3A_47 : vector<64xf32> to vector<64x1xf32>
    %add3A_49 = arith.addf %get3A_46, %broadcast_in_dim3A_48 : vector<64x1xf32>
    %swap3A_50 = arith.constant 0 : index
    %swap3A_51 = arith.constant 0 : index
    %swap3A_52 = vector.load %arg21[%swap3A_50, %swap3A_51] : memref<64x8xf32, #tpu.memory_space<vmem>>, vector<64x1xf32>
    tpu.vector_store %arg21[%swap3A_50, %swap3A_51], %add3A_49 {strides = array<i32>} : memref<64x8xf32, #tpu.memory_space<vmem>>, vector<64x1xf32>,
    %get3A_53 = arith.constant 0 : index
    %get3A_54 = vector.load %arg2[%get3A_53] : memref<4096xf32, #tpu.memory_space<vmem>>, vector<4096xf32>
    %get3A_55 = arith.constant 0 : index
    %get3A_56 = vector.load %arg9[%get3A_55] : memref<4096xf32, #tpu.memory_space<vmem>>, vector<4096xf32>
    %add3A_57 = arith.addf %get3A_54, %get3A_56 : vector<4096xf32>
    %get3A_58 = arith.constant 0 : index
    %get3A_59 = vector.load %arg10[%get3A_58] : memref<4096xf32, #tpu.memory_space<vmem>>, vector<4096xf32>
    %add3A_60 = arith.addf %add3A_57, %get3A_59 : vector<4096xf32>
    %reshape3A_61 = vector.shape_cast %add3A_60 : vector<4096xf32> to vector<1x4096xf32>
    %get3A_62 = arith.constant 0 : index
    %get3A_63 = arith.constant 0 : index
    %get3A_64 = vector.load %arg13[%get3A_62, %get3A_63] : memref<128x1xf32, #tpu.memory_space<vmem>>, vector<128x1xf32>
    %mul3A_65 = vector.broadcast %get3A_64 : vector<128x1xf32> to vector<128x4096xf32>
    %mul3A_66 = vector.broadcast %reshape3A_61 : vector<1x4096xf32> to vector<128x4096xf32>
    %mul3A_67 = arith.mulf %mul3A_65, %mul3A_66 : vector<128x4096xf32>
    %get3A_68 = arith.constant 0 : index
    %get3A_69 = arith.constant 0 : index
    %get3A_70 = vector.load %arg14[%get3A_68, %get3A_69] : memref<128x1xf32, #tpu.memory_space<vmem>>, vector<128x1xf32>
    %add3A_71 = vector.broadcast %get3A_70 : vector<128x1xf32> to vector<128x4096xf32>
    %add3A_72 = arith.addf %mul3A_67, %add3A_71 : vector<128x4096xf32>
    %max3A_73 = arith.constant 0.000000e+00 : f32
    %max3A_74 = vector.broadcast %max3A_73 : f32 to vector<128x4096xf32>
    %max3A_75 = arith.maximumf %add3A_72, %max3A_74 : vector<128x4096xf32>
    %jit3A_76 = arith.constant 0.000000e+00 : f32
    %broadcast_in_dim3A_77 = vector.shape_cast %lt3A_5 : vector<1x4096xi1> to vector<1x4096xi1>
    %broadcast_in_dim3A_78 = vector.broadcast %broadcast_in_dim3A_77 : vector<1x4096xi1> to vector<128x4096xi1>
    %broadcast_in_dim3A_79 = vector.broadcast %jit3A_76 : f32 to vector<128x4096xf32>
    %select_n3A_80 = arith.select %broadcast_in_dim3A_78, %max3A_75, %broadcast_in_dim3A_79 : vector<128x4096xi1>, vector<128x4096xf32>
    %get3A_81 = arith.constant 0 : index
    %get3A_82 = vector.load %arg5[%get3A_81] : memref<4096xi32, #tpu.memory_space<vmem>>, vector<4096xi32>
    %reshape3A_83 = vector.shape_cast %get3A_82 : vector<4096xi32> to vector<1x4096xi32>
    %eq3A_84 = vector.broadcast %reshape3A_83 : vector<1x4096xi32> to vector<64x4096xi32>
    %eq3A_85 = arith.cmpi eq, %iota3A_6, %eq3A_84 : vector<64x4096xi32>
    %and3A_86 = vector.broadcast %lt3A_5 : vector<1x4096xi1> to vector<64x4096xi1>
    %and3A_87 = arith.andi %eq3A_85, %and3A_86 : vector<64x4096xi1>
    %convert_element_type3A_88 = arith.extui %and3A_87 : vector<64x4096xi1> to vector<64x4096xi32>
    %convert_element_type3A_89 = arith.sitofp %convert_element_type3A_88 : vector<64x4096xi32> to vector<64x4096xf32>
    %get3A_90 = arith.constant 0 : index
    %get3A_91 = arith.constant 64 : index
    %get3A_92 = vector.load %arg20[%get3A_90, %get3A_91] : memref<128x192xf32, #tpu.memory_space<vmem>>, vector<128x64xf32>
    %dot_general3A_93 = arith.constant dense<0.000000e+00> : vector<128x64xf32>
    %dot_general3A_94 = tpu.matmul %select_n3A_80, %convert_element_type3A_89, %dot_general3A_93 {dimension_numbers = #tpu.dot_dimension_numbers<[1], [1], [0], [0], [0, 0, 1, 0], [], []>, transpose_lhs_hint = false} : vector<128x4096xf32>, vector<64x4096xf32>, vector<128x64xf32> -> vector<128x64xf32>
    %add3A_95 = arith.addf %get3A_92, %dot_general3A_94 : vector<128x64xf32>
    %swap3A_96 = arith.constant 0 : index
    %swap3A_97 = arith.constant 64 : index
    %swap3A_98 = vector.load %arg20[%swap3A_96, %swap3A_97] : memref<128x192xf32, #tpu.memory_space<vmem>>, vector<128x64xf32>
    tpu.vector_store %arg20[%swap3A_96, %swap3A_97], %add3A_95 {strides = array<i32>} : memref<128x192xf32, #tpu.memory_space<vmem>>, vector<128x64xf32>,
    %get3A_99 = arith.constant 0 : index
    %get3A_100 = arith.constant 1 : index
    %get3A_101 = vector.load %arg21[%get3A_99, %get3A_100] : memref<64x8xf32, #tpu.memory_space<vmem>>, vector<64x1xf32>
    %reduce_sum3A_102 = arith.constant dense<0.000000e+00> : vector<64xf32>
    %reduce_sum3A_103 = vector.multi_reduction <add>, %convert_element_type3A_89, %reduce_sum3A_102 [1] : vector<64x4096xf32> to vector<64xf32>
    %broadcast_in_dim3A_104 = vector.shape_cast %reduce_sum3A_103 : vector<64xf32> to vector<64x1xf32>
    %add3A_105 = arith.addf %get3A_101, %broadcast_in_dim3A_104 : vector<64x1xf32>
    %swap3A_106 = arith.constant 0 : index
    %swap3A_107 = arith.constant 1 : index
    %swap3A_108 = vector.load %arg21[%swap3A_106, %swap3A_107] : memref<64x8xf32, #tpu.memory_space<vmem>>, vector<64x1xf32>
    tpu.vector_store %arg21[%swap3A_106, %swap3A_107], %add3A_105 {strides = array<i32>} : memref<64x8xf32, #tpu.memory_space<vmem>>, vector<64x1xf32>,
    %get3A_109 = arith.constant 0 : index
    %get3A_110 = vector.load %arg3[%get3A_109] : memref<4096xf32, #tpu.memory_space<vmem>>, vector<4096xf32>
    %get3A_111 = arith.constant 0 : index
    %get3A_112 = vector.load %arg11[%get3A_111] : memref<4096xf32, #tpu.memory_space<vmem>>, vector<4096xf32>
    %add3A_113 = arith.addf %get3A_110, %get3A_112 : vector<4096xf32>
    %get3A_114 = arith.constant 0 : index
    %get3A_115 = vector.load %arg12[%get3A_114] : memref<4096xf32, #tpu.memory_space<vmem>>, vector<4096xf32>
    %add3A_116 = arith.addf %add3A_113, %get3A_115 : vector<4096xf32>
    %reshape3A_117 = vector.shape_cast %add3A_116 : vector<4096xf32> to vector<1x4096xf32>
    %get3A_118 = arith.constant 0 : index
    %get3A_119 = arith.constant 0 : index
    %get3A_120 = vector.load %arg13[%get3A_118, %get3A_119] : memref<128x1xf32, #tpu.memory_space<vmem>>, vector<128x1xf32>
    %mul3A_121 = vector.broadcast %get3A_120 : vector<128x1xf32> to vector<128x4096xf32>
    %mul3A_122 = vector.broadcast %reshape3A_117 : vector<1x4096xf32> to vector<128x4096xf32>
    %mul3A_123 = arith.mulf %mul3A_121, %mul3A_122 : vector<128x4096xf32>
    %get3A_124 = arith.constant 0 : index
    %get3A_125 = arith.constant 0 : index
    %get3A_126 = vector.load %arg14[%get3A_124, %get3A_125] : memref<128x1xf32, #tpu.memory_space<vmem>>, vector<128x1xf32>
    %add3A_127 = vector.broadcast %get3A_126 : vector<128x1xf32> to vector<128x4096xf32>
    %add3A_128 = arith.addf %mul3A_123, %add3A_127 : vector<128x4096xf32>
    %max3A_129 = arith.constant 0.000000e+00 : f32
    %max3A_130 = vector.broadcast %max3A_129 : f32 to vector<128x4096xf32>
    %max3A_131 = arith.maximumf %add3A_128, %max3A_130 : vector<128x4096xf32>
    %jit3A_132 = arith.constant 0.000000e+00 : f32
    %broadcast_in_dim3A_133 = vector.shape_cast %lt3A_5 : vector<1x4096xi1> to vector<1x4096xi1>
    %broadcast_in_dim3A_134 = vector.broadcast %broadcast_in_dim3A_133 : vector<1x4096xi1> to vector<128x4096xi1>
    %broadcast_in_dim3A_135 = vector.broadcast %jit3A_132 : f32 to vector<128x4096xf32>
    %select_n3A_136 = arith.select %broadcast_in_dim3A_134, %max3A_131, %broadcast_in_dim3A_135 : vector<128x4096xi1>, vector<128x4096xf32>
    %get3A_137 = arith.constant 0 : index
    %get3A_138 = vector.load %arg6[%get3A_137] : memref<4096xi32, #tpu.memory_space<vmem>>, vector<4096xi32>
    %reshape3A_139 = vector.shape_cast %get3A_138 : vector<4096xi32> to vector<1x4096xi32>
    %eq3A_140 = vector.broadcast %reshape3A_139 : vector<1x4096xi32> to vector<64x4096xi32>
    %eq3A_141 = arith.cmpi eq, %iota3A_6, %eq3A_140 : vector<64x4096xi32>
    %and3A_142 = vector.broadcast %lt3A_5 : vector<1x4096xi1> to vector<64x4096xi1>
    %and3A_143 = arith.andi %eq3A_141, %and3A_142 : vector<64x4096xi1>
    %convert_element_type3A_144 = arith.extui %and3A_143 : vector<64x4096xi1> to vector<64x4096xi32>
    %convert_element_type3A_145 = arith.sitofp %convert_element_type3A_144 : vector<64x4096xi32> to vector<64x4096xf32>
    %get3A_146 = arith.constant 0 : index
    %get3A_147 = arith.constant 128 : index
    %get3A_148 = vector.load %arg20[%get3A_146, %get3A_147] : memref<128x192xf32, #tpu.memory_space<vmem>>, vector<128x64xf32>
    %dot_general3A_149 = arith.constant dense<0.000000e+00> : vector<128x64xf32>
    %dot_general3A_150 = tpu.matmul %select_n3A_136, %convert_element_type3A_145, %dot_general3A_149 {dimension_numbers = #tpu.dot_dimension_numbers<[1], [1], [0], [0], [0, 0, 1, 0], [], []>, transpose_lhs_hint = false} : vector<128x4096xf32>, vector<64x4096xf32>, vector<128x64xf32> -> vector<128x64xf32>
    %add3A_151 = arith.addf %get3A_148, %dot_general3A_150 : vector<128x64xf32>
    %swap3A_152 = arith.constant 0 : index
    %swap3A_153 = arith.constant 128 : index
    %swap3A_154 = vector.load %arg20[%swap3A_152, %swap3A_153] : memref<128x192xf32, #tpu.memory_space<vmem>>, vector<128x64xf32>
    tpu.vector_store %arg20[%swap3A_152, %swap3A_153], %add3A_151 {strides = array<i32>} : memref<128x192xf32, #tpu.memory_space<vmem>>, vector<128x64xf32>,
    %get3A_155 = arith.constant 0 : index
    %get3A_156 = arith.constant 2 : index
    %get3A_157 = vector.load %arg21[%get3A_155, %get3A_156] : memref<64x8xf32, #tpu.memory_space<vmem>>, vector<64x1xf32>
    %reduce_sum3A_158 = arith.constant dense<0.000000e+00> : vector<64xf32>
    %reduce_sum3A_159 = vector.multi_reduction <add>, %convert_element_type3A_145, %reduce_sum3A_158 [1] : vector<64x4096xf32> to vector<64xf32>
    %broadcast_in_dim3A_160 = vector.shape_cast %reduce_sum3A_159 : vector<64xf32> to vector<64x1xf32>
    %add3A_161 = arith.addf %get3A_157, %broadcast_in_dim3A_160 : vector<64x1xf32>
    %swap3A_162 = arith.constant 0 : index
    %swap3A_163 = arith.constant 2 : index
    %swap3A_164 = vector.load %arg21[%swap3A_162, %swap3A_163] : memref<64x8xf32, #tpu.memory_space<vmem>>, vector<64x1xf32>
    tpu.vector_store %arg21[%swap3A_162, %swap3A_163], %add3A_161 {strides = array<i32>} : memref<64x8xf32, #tpu.memory_space<vmem>>, vector<64x1xf32>,
    %eq3A_165 = arith.constant 24 : i32
    %eq3A_166 = arith.cmpi eq, %arg0, %eq3A_165 : i32
    %convert_element_type3A_167 = arith.extui %eq3A_166 : i1 to i32
    %cond3A_168 = arith.constant 0 : i32
    %cond3A_169 = arith.cmpi ne, %convert_element_type3A_167, %cond3A_168 : i32
    scf.if %cond3A_169 {
      %get3A_170 = arith.constant 0 : index
      %get3A_171 = arith.constant 0 : index
      %get3A_172 = vector.load %arg15[%get3A_170, %get3A_171] : memref<128x128xf32, #tpu.memory_space<vmem>>, vector<128x128xf32>
      %get3A_173 = arith.constant 0 : index
      %get3A_174 = arith.constant 0 : index
      %get3A_175 = vector.load %arg20[%get3A_173, %get3A_174] : memref<128x192xf32, #tpu.memory_space<vmem>>, vector<128x64xf32>
      %dot_general3A_176 = arith.constant dense<0.000000e+00> : vector<128x64xf32>
      %dot_general3A_177 = tpu.matmul %get3A_172, %get3A_175, %dot_general3A_176 {dimension_numbers = #tpu.dot_dimension_numbers<[1], [0], [0], [1], [0, 0, 1, 1], [], []>, transpose_lhs_hint = false} : vector<128x128xf32>, vector<128x64xf32>, vector<128x64xf32> -> vector<128x64xf32>
      %get3A_178 = arith.constant 0 : index
      %get3A_179 = arith.constant 0 : index
      %get3A_180 = vector.load %arg16[%get3A_178, %get3A_179] : memref<128x1xf32, #tpu.memory_space<vmem>>, vector<128x1xf32>
      %get3A_181 = arith.constant 0 : index
      %get3A_182 = arith.constant 0 : index
      %get3A_183 = vector.load %arg21[%get3A_181, %get3A_182] : memref<64x8xf32, #tpu.memory_space<vmem>>, vector<64x1xf32>
      %dot_general3A_184 = arith.constant dense<0.000000e+00> : vector<128x64xf32>
      %dot_general3A_185 = tpu.matmul %get3A_180, %get3A_183, %dot_general3A_184 {dimension_numbers = #tpu.dot_dimension_numbers<[1], [1], [0], [0], [0, 0, 1, 0], [], []>, transpose_lhs_hint = false} : vector<128x1xf32>, vector<64x1xf32>, vector<128x64xf32> -> vector<128x64xf32>
      %add3A_186 = arith.addf %dot_general3A_177, %dot_general3A_185 : vector<128x64xf32>
      %get3A_187 = arith.constant 0 : index
      %get3A_188 = arith.constant 0 : index
      %get3A_189 = vector.load %arg17[%get3A_187, %get3A_188] : memref<128x128xf32, #tpu.memory_space<vmem>>, vector<128x128xf32>
      %dot_general3A_190 = arith.constant dense<0.000000e+00> : vector<128x64xf32>
      %dot_general3A_191 = tpu.matmul %get3A_189, %add3A_186, %dot_general3A_190 {dimension_numbers = #tpu.dot_dimension_numbers<[1], [0], [0], [1], [0, 0, 1, 1], [], []>, transpose_lhs_hint = false} : vector<128x128xf32>, vector<128x64xf32>, vector<128x64xf32> -> vector<128x64xf32>
      %get3A_192 = arith.constant 0 : index
      %get3A_193 = arith.constant 0 : index
      %get3A_194 = vector.load %arg18[%get3A_192, %get3A_193] : memref<128x1xf32, #tpu.memory_space<vmem>>, vector<128x1xf32>
      %add3A_195 = vector.broadcast %get3A_194 : vector<128x1xf32> to vector<128x64xf32>
      %add3A_196 = arith.addf %dot_general3A_191, %add3A_195 : vector<128x64xf32>
      %swap3A_197 = arith.constant 0 : index
      %swap3A_198 = arith.constant 0 : index
      %swap3A_199 = arith.constant 0 : index
      %swap3A_200 = vector.load %arg19[%swap3A_197, %swap3A_198, %swap3A_199] : memref<3x128x64xf32, #tpu.memory_space<vmem>>, vector<1x128x64xf32>
      %swap3A_201 = vector.shape_cast %swap3A_200 : vector<1x128x64xf32> to vector<128x64xf32>
      %swap3A_202 = vector.shape_cast %add3A_196 : vector<128x64xf32> to vector<1x128x64xf32>
      tpu.vector_store %arg19[%swap3A_197, %swap3A_198, %swap3A_199], %swap3A_202 {strides = array<i32>} : memref<3x128x64xf32, #tpu.memory_space<vmem>>, vector<1x128x64xf32>,
      %get3A_203 = arith.constant 0 : index
      %get3A_204 = arith.constant 0 : index
      %get3A_205 = vector.load %arg15[%get3A_203, %get3A_204] : memref<128x128xf32, #tpu.memory_space<vmem>>, vector<128x128xf32>
      %get3A_206 = arith.constant 0 : index
      %get3A_207 = arith.constant 64 : index
      %get3A_208 = vector.load %arg20[%get3A_206, %get3A_207] : memref<128x192xf32, #tpu.memory_space<vmem>>, vector<128x64xf32>
      %dot_general3A_209 = arith.constant dense<0.000000e+00> : vector<128x64xf32>
      %dot_general3A_210 = tpu.matmul %get3A_205, %get3A_208, %dot_general3A_209 {dimension_numbers = #tpu.dot_dimension_numbers<[1], [0], [0], [1], [0, 0, 1, 1], [], []>, transpose_lhs_hint = false} : vector<128x128xf32>, vector<128x64xf32>, vector<128x64xf32> -> vector<128x64xf32>
      %get3A_211 = arith.constant 0 : index
      %get3A_212 = arith.constant 0 : index
      %get3A_213 = vector.load %arg16[%get3A_211, %get3A_212] : memref<128x1xf32, #tpu.memory_space<vmem>>, vector<128x1xf32>
      %get3A_214 = arith.constant 0 : index
      %get3A_215 = arith.constant 1 : index
      %get3A_216 = vector.load %arg21[%get3A_214, %get3A_215] : memref<64x8xf32, #tpu.memory_space<vmem>>, vector<64x1xf32>
      %dot_general3A_217 = arith.constant dense<0.000000e+00> : vector<128x64xf32>
      %dot_general3A_218 = tpu.matmul %get3A_213, %get3A_216, %dot_general3A_217 {dimension_numbers = #tpu.dot_dimension_numbers<[1], [1], [0], [0], [0, 0, 1, 0], [], []>, transpose_lhs_hint = false} : vector<128x1xf32>, vector<64x1xf32>, vector<128x64xf32> -> vector<128x64xf32>
      %add3A_219 = arith.addf %dot_general3A_210, %dot_general3A_218 : vector<128x64xf32>
      %get3A_220 = arith.constant 0 : index
      %get3A_221 = arith.constant 0 : index
      %get3A_222 = vector.load %arg17[%get3A_220, %get3A_221] : memref<128x128xf32, #tpu.memory_space<vmem>>, vector<128x128xf32>
      %dot_general3A_223 = arith.constant dense<0.000000e+00> : vector<128x64xf32>
      %dot_general3A_224 = tpu.matmul %get3A_222, %add3A_219, %dot_general3A_223 {dimension_numbers = #tpu.dot_dimension_numbers<[1], [0], [0], [1], [0, 0, 1, 1], [], []>, transpose_lhs_hint = false} : vector<128x128xf32>, vector<128x64xf32>, vector<128x64xf32> -> vector<128x64xf32>
      %get3A_225 = arith.constant 0 : index
      %get3A_226 = arith.constant 0 : index
      %get3A_227 = vector.load %arg18[%get3A_225, %get3A_226] : memref<128x1xf32, #tpu.memory_space<vmem>>, vector<128x1xf32>
      %add3A_228 = vector.broadcast %get3A_227 : vector<128x1xf32> to vector<128x64xf32>
      %add3A_229 = arith.addf %dot_general3A_224, %add3A_228 : vector<128x64xf32>
      %swap3A_230 = arith.constant 1 : index
      %swap3A_231 = arith.constant 0 : index
      %swap3A_232 = arith.constant 0 : index
      %swap3A_233 = vector.load %arg19[%swap3A_230, %swap3A_231, %swap3A_232] : memref<3x128x64xf32, #tpu.memory_space<vmem>>, vector<1x128x64xf32>
      %swap3A_234 = vector.shape_cast %swap3A_233 : vector<1x128x64xf32> to vector<128x64xf32>
      %swap3A_235 = vector.shape_cast %add3A_229 : vector<128x64xf32> to vector<1x128x64xf32>
      tpu.vector_store %arg19[%swap3A_230, %swap3A_231, %swap3A_232], %swap3A_235 {strides = array<i32>} : memref<3x128x64xf32, #tpu.memory_space<vmem>>, vector<1x128x64xf32>,
      %get3A_236 = arith.constant 0 : index
      %get3A_237 = arith.constant 0 : index
      %get3A_238 = vector.load %arg15[%get3A_236, %get3A_237] : memref<128x128xf32, #tpu.memory_space<vmem>>, vector<128x128xf32>
      %get3A_239 = arith.constant 0 : index
      %get3A_240 = arith.constant 128 : index
      %get3A_241 = vector.load %arg20[%get3A_239, %get3A_240] : memref<128x192xf32, #tpu.memory_space<vmem>>, vector<128x64xf32>
      %dot_general3A_242 = arith.constant dense<0.000000e+00> : vector<128x64xf32>
      %dot_general3A_243 = tpu.matmul %get3A_238, %get3A_241, %dot_general3A_242 {dimension_numbers = #tpu.dot_dimension_numbers<[1], [0], [0], [1], [0, 0, 1, 1], [], []>, transpose_lhs_hint = false} : vector<128x128xf32>, vector<128x64xf32>, vector<128x64xf32> -> vector<128x64xf32>
      %get3A_244 = arith.constant 0 : index
      %get3A_245 = arith.constant 0 : index
      %get3A_246 = vector.load %arg16[%get3A_244, %get3A_245] : memref<128x1xf32, #tpu.memory_space<vmem>>, vector<128x1xf32>
      %get3A_247 = arith.constant 0 : index
      %get3A_248 = arith.constant 2 : index
      %get3A_249 = vector.load %arg21[%get3A_247, %get3A_248] : memref<64x8xf32, #tpu.memory_space<vmem>>, vector<64x1xf32>
      %dot_general3A_250 = arith.constant dense<0.000000e+00> : vector<128x64xf32>
      %dot_general3A_251 = tpu.matmul %get3A_246, %get3A_249, %dot_general3A_250 {dimension_numbers = #tpu.dot_dimension_numbers<[1], [1], [0], [0], [0, 0, 1, 0], [], []>, transpose_lhs_hint = false} : vector<128x1xf32>, vector<64x1xf32>, vector<128x64xf32> -> vector<128x64xf32>
      %add3A_252 = arith.addf %dot_general3A_243, %dot_general3A_251 : vector<128x64xf32>
      %get3A_253 = arith.constant 0 : index
      %get3A_254 = arith.constant 0 : index
      %get3A_255 = vector.load %arg17[%get3A_253, %get3A_254] : memref<128x128xf32, #tpu.memory_space<vmem>>, vector<128x128xf32>
      %dot_general3A_256 = arith.constant dense<0.000000e+00> : vector<128x64xf32>
      %dot_general3A_257 = tpu.matmul %get3A_255, %add3A_252, %dot_general3A_256 {dimension_numbers = #tpu.dot_dimension_numbers<[1], [0], [0], [1], [0, 0, 1, 1], [], []>, transpose_lhs_hint = false} : vector<128x128xf32>, vector<128x64xf32>, vector<128x64xf32> -> vector<128x64xf32>
      %get3A_258 = arith.constant 0 : index
      %get3A_259 = arith.constant 0 : index
      %get3A_260 = vector.load %arg18[%get3A_258, %get3A_259] : memref<128x1xf32, #tpu.memory_space<vmem>>, vector<128x1xf32>
      %add3A_261 = vector.broadcast %get3A_260 : vector<128x1xf32> to vector<128x64xf32>
      %add3A_262 = arith.addf %dot_general3A_257, %add3A_261 : vector<128x64xf32>
      %swap3A_263 = arith.constant 2 : index
      %swap3A_264 = arith.constant 0 : index
      %swap3A_265 = arith.constant 0 : index
      %swap3A_266 = vector.load %arg19[%swap3A_263, %swap3A_264, %swap3A_265] : memref<3x128x64xf32, #tpu.memory_space<vmem>>, vector<1x128x64xf32>
      %swap3A_267 = vector.shape_cast %swap3A_266 : vector<1x128x64xf32> to vector<128x64xf32>
      %swap3A_268 = vector.shape_cast %add3A_262 : vector<128x64xf32> to vector<1x128x64xf32>
      tpu.vector_store %arg19[%swap3A_263, %swap3A_264, %swap3A_265], %swap3A_268 {strides = array<i32>} : memref<3x128x64xf32, #tpu.memory_space<vmem>>, vector<1x128x64xf32>,
    } else {
    }
    return
  }
  func.func @transform_0(%arg0: i32) -> i32 {
    %c0_i32 = arith.constant 0 : i32
    return %arg0 : i32
  }
  func.func @transform_1(%arg0: i32) -> i32 {
    %c0_i32 = arith.constant 0 : i32
    return %arg0 : i32
  }
  func.func @transform_2(%arg0: i32) -> i32 {
    %c0_i32 = arith.constant 0 : i32
    return %arg0 : i32
  }
  func.func @transform_3(%arg0: i32) -> i32 {
    %c0_i32 = arith.constant 0 : i32
    return %arg0 : i32
  }
  func.func @transform_4(%arg0: i32) -> i32 {
    %c0_i32 = arith.constant 0 : i32
    return %arg0 : i32
  }
  func.func @transform_5(%arg0: i32) -> i32 {
    %c0_i32 = arith.constant 0 : i32
    return %arg0 : i32
  }
  func.func @transform_6(%arg0: i32) -> i32 {
    %add3A = arith.constant 0 : i32
    %add3A_0 = arith.addi %add3A, %arg0 : i32
    %c0_i32 = arith.constant 0 : i32
    return %add3A_0 : i32
  }
  func.func @transform_7(%arg0: i32) -> i32 {
    %add3A = arith.constant 25 : i32
    %add3A_0 = arith.addi %add3A, %arg0 : i32
    %c0_i32 = arith.constant 0 : i32
    return %add3A_0 : i32
  }
  func.func @transform_8(%arg0: i32) -> i32 {
    %add3A = arith.constant 50 : i32
    %add3A_0 = arith.addi %add3A, %arg0 : i32
    %c0_i32 = arith.constant 0 : i32
    return %add3A_0 : i32
  }
  func.func @transform_9(%arg0: i32) -> i32 {
    %add3A = arith.constant 75 : i32
    %add3A_0 = arith.addi %add3A, %arg0 : i32
    %c0_i32 = arith.constant 0 : i32
    return %add3A_0 : i32
  }
  func.func @transform_10(%arg0: i32) -> i32 {
    %add3A = arith.constant 100 : i32
    %add3A_0 = arith.addi %add3A, %arg0 : i32
    %c0_i32 = arith.constant 0 : i32
    return %add3A_0 : i32
  }
  func.func @transform_11(%arg0: i32) -> i32 {
    %add3A = arith.constant 125 : i32
    %add3A_0 = arith.addi %add3A, %arg0 : i32
    %c0_i32 = arith.constant 0 : i32
    return %add3A_0 : i32
  }
  func.func @transform_12(%arg0: i32) -> (i32, i32) {
    %c0_i32 = arith.constant 0 : i32
    %c0_i32_0 = arith.constant 0 : i32
    %c0_i32_1 = arith.constant 0 : i32
    return %c0_i32, %c0_i32_0 : i32, i32
  }
  func.func @transform_13(%arg0: i32) -> (i32, i32) {
    %c0_i32 = arith.constant 0 : i32
    %c0_i32_0 = arith.constant 0 : i32
    %c0_i32_1 = arith.constant 0 : i32
    return %c0_i32, %c0_i32_0 : i32, i32
  }
  func.func @transform_14(%arg0: i32) -> (i32, i32) {
    %c0_i32 = arith.constant 0 : i32
    %c0_i32_0 = arith.constant 0 : i32
    %c0_i32_1 = arith.constant 0 : i32
    return %c0_i32, %c0_i32_0 : i32, i32
  }
  func.func @transform_15(%arg0: i32) -> (i32, i32) {
    %c0_i32 = arith.constant 0 : i32
    %c0_i32_0 = arith.constant 0 : i32
    %c0_i32_1 = arith.constant 0 : i32
    return %c0_i32, %c0_i32_0 : i32, i32
  }
  func.func @transform_16(%arg0: i32) -> (i32, i32) {
    %c0_i32 = arith.constant 0 : i32
    %c0_i32_0 = arith.constant 0 : i32
    %c0_i32_1 = arith.constant 0 : i32
    return %c0_i32, %c0_i32_0 : i32, i32
  }
  func.func @transform_17(%arg0: i32) -> (i32, i32) {
    %c0_i32 = arith.constant 0 : i32
    %c0_i32_0 = arith.constant 0 : i32
    %c0_i32_1 = arith.constant 0 : i32
    return %c0_i32, %c0_i32_0 : i32, i32
  }
  func.func @transform_18(%arg0: i32) -> (i32, i32, i32) {
    %c0_i32 = arith.constant 0 : i32
    %c0_i32_0 = arith.constant 0 : i32
    %c0_i32_1 = arith.constant 0 : i32
    %c0_i32_2 = arith.constant 0 : i32
    return %c0_i32, %c0_i32_0, %c0_i32_1 : i32, i32, i32
  }
}

</mosaic_0001>

<sc_bundles>
// kernel: kernel.4.cloned.1.call-start
scs
__scs_entry_jumppad:
0x0: {  	(pc) =	sbr.rel $0x88, $3  }
0x1: {  	(tag) =	ssettag $0x0;
	lr =	simm.s32 $0x1  }
0x2: {  	[smem:$0x3F92] =	sst lr;
	_ =	strace $0xD0000000  }
0x3: {  	_ = 	snop  }
0x4: {  	_ = 	snop  }
0x5: {  	_ = 	snop  }
0x6: {  	_ = 	snop  }
0x7: {  	_ = 	snop  }
__scs_overlays_trampoline_lowered:
0x8: {  	[smem:$0x3FA1] =	sst s0  }
0x9: {  	[smem:$0x3FA2] =	sst s1  }
0xa: {  	[smem:$0x3FA3] =	sst s2  }
0xb: {  	[smem:$0x3FA4] =	sst s3  }
0xc: {  	[smem:$0x3FA5] =	sst s4  }
0xd: {  	[smem:$0x3FA6] =	sst s5  }
0xe: {  	[smem:$0x3FA7] =	sst s6  }
0xf: {  	[smem:$0x3FA8] =	sst s7  }
0x10: {  	[smem:$0x3FA9] =	sst s8  }
0x11: {  	[smem:$0x3FAA] =	sst s9;
	s0 =	simm.s32 @!p0 $0x0  }
0x12: {  	s1 =	sld [smem:$0x3F90];
	s0 =	simm.s32 @p0 $0x1  }
0x13: {  	[smem:$0x3FAB] =	sst s0;
	s0 =	simm.s32 @!p1 $0x0  }
0x14: {  	s2 =	sld [smem:$0x3F8F];
	s0 =	simm.s32 @p1 $0x1  }
0x15: {  	[smem:$0x3FAC] =	sst s0;
	s0 =	simm.s32 @!p2 $0x0  }
0x16: {  	s3 =	sld [smem:$0x3FDB];
	s0 =	simm.s32 @p2 $0x1  }
0x17: {  	s4 =	simm.s32 $0x1BF5;
	[smem:$0x3FAE] =	sst s0  }
0x18: {  	s0 =	sld [smem:$0x3F91];
	_ =	swait.ge [sflag:s4], $0x0  }
0x19: {  	s7 =	sld [smem:$0x3F92]  }
0x1a: {  	s8 =	sadd.s32 $0xFFFFE003, lr  }
0x1b: {  	s9 =	sadd.s32 $0xFFFFFEF7, lr;
	s5 =	simm.s32 $0xFFFFFFFF;
	p2 =	slt.u32 s8, $0xFFFFF086  }
0x1c: {  	p1 =	slt.u32 s9, $0xF7A;
	s5 =	simm.s32 @!p2 $0x0  }
0x1d: {  	s5 =	simm.s32 @p1 $0x1;
	p0 =	seq.s32 s7, s2  }
0x1e: {  	s7 =	smul.u32 @!p0 $0xF7A, s2;
	p2 =	seq.s32 @!p0 s5, $0x0  }
0x1f: {  	s9 =	smul.u32 $0xF7A, s1;
	s8 =	simm.s32 @!p0 $0x1BF5;
	p2 =	por !p2, p0  }
0x20: {  	[sflag:s8] =	ssyncset.s32 @!p0 $0xFFFFF086;
	s6 =	sadd.s32 @!p0 s3, s7;
	s7 =	simm.s32 @!p0 $0x108  }
0x21: {  	s3 =	sadd.s32 s3, s9;
	s6 =	sadd.s32 @!p0 $0x88, s6;
	s7 =	simm.s32 @p2 $0x1082  }
0x22: {  	[simem:s7], [sflag:s8] =	dma.local @!p0 [hbm:s6], $0xF7A  }
0x23: {  	s9 =	sor.u32 $0xD0000000, s2;
	s6 =	simm.s32 $0x108;
	_ =	swait.ge @!p0 [sflag:s8], $0x0  }
0x24: {  	s3 =	sadd.s32 $0x88, s3;
	s6 =	simm.s32 @!p1 $0x1082;
	[sflag:s4] =	ssyncset.s32 $0xFFFFF086  }
0x25: {  	[simem:s6], [sflag:s4] =	dma.local [hbm:s3], $0xF7A  }
0x26: {  	[smem:$0x3F92] =	sst s1;
	(tag) =	ssettag s2;
	_ =	strace s9  }
0x27: {  	s1 =	sld [smem:$0x3FA2]  }
0x28: {  	s2 =	sld [smem:$0x3FA3]  }
0x29: {  	s4 =	sld [smem:$0x3FA5]  }
0x2a: {  	p0 =	seq.s32 s5, $0x0;
	s5 =	sld [smem:$0x3FA6]  }
0x2b: {  	s6 =	sld [smem:$0x3FA7]  }
0x2c: {  	s7 =	sld [smem:$0x3FA8]  }
0x2d: {  	s3 =	simm.s32 $0x108;
	s8 =	sld [smem:$0x3FA9]  }
0x2e: {  	s3 =	simm.s32 @!p0 $0x1082;
	s9 =	sld [smem:$0x3FAA]  }
0x2f: {  	lr =	sadd.s32 s0, s3;
	s0 =	sld [smem:$0x3FA1]  }
0x30: {  	s3 =	sld [smem:$0x3FA4]  }
0x31: {  	[smem:$0x3FAD] =	sst s10  }
0x32: {  	s10 =	sld [smem:$0x3FAB];
	_ =	sdelay $0x3  }
0x33: {  	p0 =	seq.s32 s10, $0x1;
	s10 =	sld [smem:$0x3FAD];
	_ =	sdelay $0x3  }
0x34: {  	[smem:$0x3FAD] =	sst s10  }
0x35: {  	s10 =	sld [smem:$0x3FAC];
	_ =	sdelay $0x3  }
0x36: {  	p1 =	seq.s32 s10, $0x1;
	s10 =	sld [smem:$0x3FAD];
	_ =	sdelay $0x3  }
0x37: {  	[smem:$0x3FAD] =	sst s10  }
0x38: {  	s10 =	sld [smem:$0x3FAE]  }
0x39: {  	_ = 	snop;
	(pc) =	sbr.ind lr, $3  }
0x3a: {  	_ = 	snop  }
0x3b: {  	_ = 	snop  }
0x3c: {  	p2 =	seq.s32 s10, $0x1;
	s10 =	sld [smem:$0x3FAD]  }
0x3d: {  	_ =	shalt  }
0x3e: {  	_ =	shalt  }
0x3f: {  	_ =	shalt  }
0x40: {  	_ =	shalt  }
0x41: {  	_ =	shalt  }
0x42: {  	_ =	shalt  }
0x43: {  	_ =	shalt  }
0x44: {  	_ =	shalt  }
0x45: {  	_ =	shalt  }
0x46: {  	_ =	shalt  }
0x47: {  	_ =	shalt  }
0x48: {  	_ =	shalt  }
0x49: {  	_ =	shalt  }
0x4a: {  	_ =	shalt  }
0x4b: {  	_ =	shalt  }
0x4c: {  	_ =	shalt  }
0x4d: {  	_ =	shalt  }
0x4e: {  	_ =	shalt  }
0x4f: {  	_ =	shalt  }
0x50: {  	_ =	shalt  }
0x51: {  	_ =	shalt  }
0x52: {  	_ =	shalt  }
0x53: {  	_ =	shalt  }
0x54: {  	_ =	shalt  }
0x55: {  	_ =	shalt  }
0x56: {  	_ =	shalt  }
0x57: {  	_ =	shalt  }
0x58: {  	_ =	shalt  }
0x59: {  	_ =	shalt  }
0x5a: {  	_ =	shalt  }
0x5b: {  	_ =	shalt  }
0x5c: {  	_ =	shalt  }
0x5d: {  	_ =	shalt  }
0x5e: {  	_ =	shalt  }
0x5f: {  	_ =	shalt  }
0x60: {  	_ =	shalt  }
0x61: {  	_ =	shalt  }
0x62: {  	_ =	shalt  }
0x63: {  	_ =	shalt  }
0x64: {  	_ =	shalt  }
0x65: {  	_ =	shalt  }
0x66: {  	_ =	shalt  }
0x67: {  	_ =	shalt  }
0x68: {  	_ =	shalt  }
0x69: {  	_ =	shalt  }
0x6a: {  	_ =	shalt  }
0x6b: {  	_ =	shalt  }
0x6c: {  	_ =	shalt  }
0x6d: {  	_ =	shalt  }
0x6e: {  	_ =	shalt  }
0x6f: {  	_ =	shalt  }
0x70: {  	_ =	shalt  }
0x71: {  	_ =	shalt  }
0x72: {  	_ =	shalt  }
0x73: {  	_ =	shalt  }
0x74: {  	_ =	shalt  }
0x75: {  	_ =	shalt  }
0x76: {  	_ =	shalt  }
0x77: {  	_ =	shalt  }
0x78: {  	_ =	shalt  }
0x79: {  	_ =	shalt  }
0x7a: {  	_ =	shalt  }
0x7b: {  	_ =	shalt  }
0x7c: {  	_ =	shalt  }
0x7d: {  	_ =	shalt  }
0x7e: {  	_ =	shalt  }
0x7f: {  	_ =	shalt  }
0x80: {  	_ =	shalt  }
0x81: {  	_ =	shalt  }
0x82: {  	_ =	shalt  }
0x83: {  	_ =	shalt  }
0x84: {  	_ =	shalt  }
0x85: {  	_ =	shalt  }
0x86: {  	_ =	shalt  }
0x87: {  	_ =	shalt  }
.Lfunc_end0:
.L_simem_size_0:
called_computation_lowered:
.L_overlay_start_0:
0x88: {  	s2 =	sld [smem:$0x3FD9]  }
0x89: {  	s3 =	sld [smem:$0x3FFE];
	_ =	sdelay $0x1  }
0x8a: {  	s1 =	srdreg.scid  }
0x8b: {  	s0 =	sand.u32 $0x1, s1  }
0x8c: {  	s16 =	sshll.u32 s0, $0xA;
	s2 =	sadd.s32 s3, s2  }
0x8d: {  	s2 =	sadd.s32 s2, s16  }
0x8e: {  	[smem:$0x3FB9] =	sst s2  }
0x8f: {  	_ = 	snop  }
0x90: {  	(tm) =	ssettm $0x1  }
0x91: {  	s17 =	sld [smem:$0x3FFB];
	_ =	sdelay $0x3  }
0x92: {  	_ =	strace s17  }
0x93: {  	s2 =	sld [smem:$0x3FFC];
	_ =	sdelay $0x3  }
0x94: {  	_ =	strace s2  }
0x95: {  	s2 =	sld [smem:$0x3FFD];
	_ =	sdelay $0x3  }
0x96: {  	_ =	strace s2  }
0x97: {  	_ =	strace $0x8FFFFFFF  }
0x98: {  	s18 =	sld [smem:$0x3FDB];
	_ =	sdelay $0x1  }
0x99: {  	s19 =	simm.s32 $_scs_section_size  }
0x9a: {  	s4 =	simm.s32 $_size__tile_overlayer_lowered;
	s5 =	simm.s32 $_tile_overlayer_lowered  }
0x9b: {  	s22 =	simm.s32 $0x1BFF;
	s21 =	sshll.u32 s5, $0x1;
	s2 =	sadd.s32 s19, s18  }
0x9c: {  	s6 =	simm.s32 $0x0;
	s20 =	sshll.u32 s4, $0x1;
	s4 =	sadd.s32 s21, s2  }
0x9d: {  	[timem:s6], [sflag:s22] =	dma.local [hbm:s4], s20  }
0x9e: {  	_ =	swait.ge [sflag:s22], s20  }
0x9f: {  	s3 =	ssub.s32 $0x0, s20;
	[sflag:s22] =	ssyncset.done $0x0  }
0xa0: {  	[sflag:s22] =	ssyncadd.s32 s3;
	_ =	sdelay $0x1  }
0xa1: {  	s23 =	simm.s32 $0x1B8B  }
0xa2: {  	_ =	swait.ge [sflag:s23], $0x1  }
0xa3: {  	[sflag:s23] =	ssyncset.done $0x0  }
0xa4: {  	s25 =	simm.s32 $0x1B8E;
	s24 =	sld [smem:$0x3FFE];
	[sflag:s23] =	ssyncadd.s32 $0xFFFFFFFF  }
0xa5: {  	s26 =	simm.s32 $execute0_lowered;
	[smem:$0x3FD2] =	sst s25  }
0xa6: {  	s4 =	sshll.u32 s26, $0x1;
	_ =	strace $0x80000046;
	[dreg:$0x1] =	wrdreg $0xFFFFFFFF  }
0xa7: {  	s28 =	simm.s32 $_size_execute0_lowered;
	s2 =	sadd.s32 s2, s4;
	[dreg:$0x0] =	wrdreg $0x0  }
0xa8: {  	s4 =	sshll.u32 s28, $0x1;
	[dreg:$0x2] =	wrdreg s2  }
0xa9: {  	[dreg:$0x3] =	wrdreg s4  }
0xaa: {  	[dreg:$0x4] =	wrdreg $0xC0  }
0xab: {  	_ =	task [dreg:s6], $0x5FFFF  }
0xac: {  	[dreg:$0x1] =	wrdreg $0xFFFFFFFF  }
0xad: {  	[dreg:$0x0] =	wrdreg $0x60  }
0xae: {  	[dreg:$0x2] =	wrdreg s24  }
0xaf: {  	[dreg:$0x3] =	wrdreg $0x0  }
0xb0: {  	[dreg:$0x4] =	wrdreg $0x19000  }
0xb1: {  	[dreg:$0x5] =	wrdreg $0x9  }
0xb2: {  	_ =	task.clear_ibuf [dreg:s6], $0x6FFFF;
	_ =	strace $0x90000046  }
0xb3: {  	s29 =	simm.s32 $0x9;
	_ =	strace $0x80000048  }
0xb4: {  	_ =	swait.ge [sflag:s29], $0x1  }
0xb5: {  	[sflag:s29] =	ssyncadd.s32 $0xFFFFFFFF  }
0xb6: {  	_ =	strace $0x90000048  }
0xb7: {  	_ =	sfence  }
0xb8: {  	s30 =	sld [smem:$0x0];
	_ =	sdelay $0x2  }
0xb9: {  	s31 =	sshll.u32 s1, $0xD;
	s1 =	sshrl.u32 s1, $0x2  }
0xba: {  	s3 =	sand.u32 $0x4000, s31;
	s1 =	sadd.s32 s1, s30  }
0xbb: {  	s0 =	sor.u32 s3, s0;
	s1 =	sshll.u32 s1, $0x11  }
0xbc: {  	s0 =	sor.u32 s1, s0  }
0xbd: {  	s0 =	sadd.s32 $0x8F2B, s0  }
0xbe: {  	[sflag:s0] =	ssyncadd.remote.s32 $0x1  }
0xbf: {  	_ =	sfence.sel $0xFFFF  }
0xc0: {  	[dreg:$0x0] =	wrdreg $0xFFFFFFFF;
	(pc) =	sbr.abs _section_cstart, $3  }
0xc1: {  	[dreg:$0x1] =	wrdreg $0xFFFFFFFF  }
0xc2: {  	_ =	task.clear_ibuf [dreg:s6], $0x2FFFF;
	_ =	strace $0x9FFFFFFF  }
0xc3: {  	(tm) =	ssettm $0x7FFFFFFF  }
tec
execute0_lowered:
.L_overlay_start_1:
0x0: {  	(tag) =	ssettag $0x1  }
0x1: {  	s5 =	rddreg [dreg:$0x0]  }
0x2: {  	s2 =	rddreg [dreg:$0x1]  }
0x3: {  	s3 =	rddreg [dreg:$0x2];
	s4 =	simm.s32 $0x0;
	s7 =	stileid.u32  }
0x4: {  	s0 =	srdreg.scid;
	[smem:$0x7FF] =	sst s4  }
0x5: {  	s24 =	smul.u32 $0x1900, s7;
	s26 =	sadd.s32 $0x65400, s5;
	s1 =	sand.u32 $0x1, s0  }
0x6: {  	s7 =	sshll.u32 s7, $0x1;
	s9 =	sadd.s32 $0x250EE0, s5;
	_ =	strace $0x80000047  }
0x7: {  	s7 =	sor.u32 s1, s7;
	[dreg:$0x7] =	wrdreg s9;
	s6 =	sshrl.u32 s24, $0x3  }
0x8: {  	s22 =	sadd.s32 s24, s2;
	s8 =	sadd.s32 s24, s3;
	s25 =	smul.u32 $0x186A0, s7  }
0x9: {  	s0 =	sadd.s32 s6, s5;
	[dreg:$0x4] =	wrdreg s22;
	s6 =	smul.u32 $0x30D4, s7  }
0xa: {  	s28 =	sadd.s32 $0x3800, s5;
	[dreg:$0x5] =	wrdreg s8;
	s23 =	sadd.s32 $0x24E000, s0  }
0xb: {  	s11 =	sadd.s32 $0x1388, s25;
	[dreg:$0x6] =	wrdreg s23;
	s10 =	sadd.s32 s26, s6  }
0xc: {  	s9 =	sadd.s32 s28, s6;
	s7 =	sshrl.u32 s11, $0x3;
	[dreg:$0x8] =	wrdreg s10  }
0xd: {  	s29 =	sshrl.u32 s25, $0x3;
	[dreg:$0x9] =	wrdreg s9;
	s8 =	sadd.s32 s26, s7  }
0xe: {  	s12 =	sadd.s32 s28, s7;
	[dreg:$0xa] =	wrdreg s8;
	s8 =	sadd.s32 $0x4E2, s29  }
0xf: {  	s10 =	sadd.s32 $0x3A98, s25;
	[dreg:$0xb] =	wrdreg s12;
	s13 =	sadd.s32 s26, s8  }
0x10: {  	s9 =	sshrl.u32 s10, $0x3;
	s11 =	sadd.s32 s28, s8;
	[dreg:$0xc] =	wrdreg s13  }
0x11: {  	s10 =	sadd.s32 s26, s9;
	[dreg:$0xd] =	wrdreg s11  }
0x12: {  	s14 =	sadd.s32 s28, s9;
	[dreg:$0xe] =	wrdreg s10;
	s10 =	sadd.s32 $0x9C4, s29  }
0x13: {  	s12 =	sadd.s32 $0x61A8, s25;
	[dreg:$0xf] =	wrdreg s14;
	s15 =	sadd.s32 s26, s10  }
0x14: {  	s11 =	sshrl.u32 s12, $0x3;
	s13 =	sadd.s32 s28, s10;
	[dreg:$0x10] =	wrdreg s15  }
0x15: {  	s12 =	sadd.s32 s26, s11;
	[dreg:$0x11] =	wrdreg s13  }
0x16: {  	s16 =	sadd.s32 s28, s11;
	[dreg:$0x12] =	wrdreg s12;
	s12 =	sadd.s32 $0xEA6, s29  }
0x17: {  	s14 =	sadd.s32 $0x88B8, s25;
	[dreg:$0x13] =	wrdreg s16;
	s17 =	sadd.s32 s26, s12  }
0x18: {  	s13 =	sshrl.u32 s14, $0x3;
	s15 =	sadd.s32 s28, s12;
	[dreg:$0x14] =	wrdreg s17  }
0x19: {  	s14 =	sadd.s32 s26, s13;
	[dreg:$0x15] =	wrdreg s15  }
0x1a: {  	s18 =	sadd.s32 s28, s13;
	[dreg:$0x16] =	wrdreg s14;
	s14 =	sadd.s32 $0x1388, s29  }
0x1b: {  	s16 =	sadd.s32 $0xAFC8, s25;
	[dreg:$0x17] =	wrdreg s18;
	s19 =	sadd.s32 s26, s14  }
0x1c: {  	s15 =	sshrl.u32 s16, $0x3;
	s17 =	sadd.s32 s28, s14;
	[dreg:$0x18] =	wrdreg s19  }
0x1d: {  	s16 =	sadd.s32 s26, s15;
	[dreg:$0x19] =	wrdreg s17  }
0x1e: {  	s20 =	sadd.s32 s28, s15;
	[dreg:$0x1a] =	wrdreg s16;
	s16 =	sadd.s32 $0x186A, s29  }
0x1f: {  	s18 =	sadd.s32 $0xD6D8, s25;
	[dreg:$0x1b] =	wrdreg s20;
	s21 =	sadd.s32 s26, s16  }
0x20: {  	s17 =	sshrl.u32 s18, $0x3;
	s19 =	sadd.s32 s28, s16;
	[dreg:$0x1c] =	wrdreg s21  }
0x21: {  	s18 =	sadd.s32 s26, s17;
	[dreg:$0x1d] =	wrdreg s19  }
0x22: {  	s22 =	sadd.s32 s28, s17;
	[dreg:$0x1e] =	wrdreg s18;
	s18 =	sadd.s32 $0x1D4C, s29  }
0x23: {  	s20 =	sadd.s32 $0xFDE8, s25;
	[dreg:$0x1f] =	wrdreg s22;
	s23 =	sadd.s32 s26, s18  }
0x24: {  	s19 =	sshrl.u32 s20, $0x3;
	s21 =	sadd.s32 s28, s18;
	[smem:$0x794] =	sst s23  }
0x25: {  	s30 =	smul.u32 $0x19000, s1;
	s22 =	sadd.s32 s26, s19;
	[smem:$0x795] =	sst s21  }
0x26: {  	s20 =	sadd.s32 $0x222E, s29;
	[smem:$0x796] =	sst s22;
	s21 =	sadd.s32 s28, s19  }
0x27: {  	s23 =	sadd.s32 s26, s20;
	s22 =	sadd.s32 $0x124F8, s25;
	[smem:$0x797] =	sst s21  }
0x28: {  	[smem:$0x798] =	sst s23;
	s21 =	sshrl.u32 s22, $0x3;
	s23 =	sadd.s32 s28, s20  }
0x29: {  	s30 =	sadd.s32 s24, s30;
	[smem:$0x799] =	sst s23;
	s23 =	sadd.s32 s26, s21  }
0x2a: {  	s22 =	sadd.s32 $0x2710, s29;
	[smem:$0x79A] =	sst s23;
	s23 =	sadd.s32 s28, s21  }
0x2b: {  	s31 =	sadd.s32 $0x14C08, s25;
	[smem:$0x79B] =	sst s23;
	s23 =	sadd.s32 s26, s22  }
0x2c: {  	[smem:$0x79C] =	sst s23;
	s23 =	sshrl.u32 s31, $0x3;
	s31 =	sadd.s32 s28, s22  }
0x2d: {  	s25 =	sadd.s32 $0x17318, s25;
	[smem:$0x79D] =	sst s31;
	s24 =	sadd.s32 s26, s23  }
0x2e: {  	[smem:$0x79E] =	sst s24;
	s24 =	sadd.s32 $0x2BF2, s29;
	s29 =	sadd.s32 s28, s23  }
0x2f: {  	s25 =	sshrl.u32 s25, $0x3;
	[smem:$0x79F] =	sst s29;
	s29 =	sadd.s32 s26, s24  }
0x30: {  	s26 =	sadd.s32 s26, s25;
	[smem:$0x7A0] =	sst s29  }
0x31: {  	s29 =	sadd.s32 s28, s24;
	[smem:$0x7A2] =	sst s26  }
0x32: {  	s28 =	sadd.s32 s28, s25;
	[smem:$0x7A1] =	sst s29;
	s29 =	sshrl.u32 s30, $0x3  }
0x33: {  	[smem:$0x7A3] =	sst s28;
	s26 =	sadd.s32 s29, s5  }
0x34: {  	s29 =	sadd.s32 $0x2540E0, s5;
	s28 =	sadd.s32 $0x25A800, s26  }
0x35: {  	[smem:$0x7A4] =	sst s28;
	s28 =	sadd.s32 $0x251200, s0  }
0x36: {  	[smem:$0x7A5] =	sst s28;
	s28 =	sadd.s32 $0x128C00, s5  }
0x37: {  	[smem:$0x7A6] =	sst s29;
	s29 =	sadd.s32 $0xC7000, s5;
	s30 =	sadd.s32 s28, s6  }
0x38: {  	[smem:$0x7A7] =	sst s30;
	s30 =	sadd.s32 s29, s6  }
0x39: {  	[smem:$0x7A8] =	sst s30;
	s30 =	sadd.s32 s28, s7  }
0x3a: {  	[smem:$0x7A9] =	sst s30;
	s30 =	sadd.s32 s29, s7  }
0x3b: {  	[smem:$0x7AA] =	sst s30;
	s30 =	sadd.s32 s28, s8  }
0x3c: {  	[smem:$0x7AB] =	sst s30;
	s30 =	sadd.s32 s29, s8  }
0x3d: {  	[smem:$0x7AC] =	sst s30;
	s30 =	sadd.s32 s28, s9  }
0x3e: {  	[smem:$0x7AD] =	sst s30;
	s30 =	sadd.s32 s29, s9  }
0x3f: {  	[smem:$0x7AE] =	sst s30;
	s30 =	sadd.s32 s28, s10  }
0x40: {  	[smem:$0x7AF] =	sst s30;
	s30 =	sadd.s32 s29, s10  }
0x41: {  	[smem:$0x7B0] =	sst s30;
	s30 =	sadd.s32 s28, s11  }
0x42: {  	[smem:$0x7B1] =	sst s30;
	s30 =	sadd.s32 s29, s11  }
0x43: {  	[smem:$0x7B2] =	sst s30;
	s30 =	sadd.s32 s28, s12  }
0x44: {  	[smem:$0x7B3] =	sst s30;
	s30 =	sadd.s32 s29, s12  }
0x45: {  	[smem:$0x7B4] =	sst s30;
	s30 =	sadd.s32 s28, s13  }
0x46: {  	[smem:$0x7B5] =	sst s30;
	s30 =	sadd.s32 s29, s13  }
0x47: {  	[smem:$0x7B6] =	sst s30;
	s30 =	sadd.s32 s28, s14  }
0x48: {  	[smem:$0x7B7] =	sst s30;
	s30 =	sadd.s32 s29, s14  }
0x49: {  	[smem:$0x7B8] =	sst s30;
	s30 =	sadd.s32 s28, s15  }
0x4a: {  	[smem:$0x7B9] =	sst s30;
	s30 =	sadd.s32 s29, s15  }
0x4b: {  	[smem:$0x7BA] =	sst s30;
	s30 =	sadd.s32 s28, s16  }
0x4c: {  	[smem:$0x7BB] =	sst s30;
	s30 =	sadd.s32 s29, s16  }
0x4d: {  	[smem:$0x7BC] =	sst s30;
	s30 =	sadd.s32 s28, s17  }
0x4e: {  	[smem:$0x7BD] =	sst s30;
	s30 =	sadd.s32 s29, s17  }
0x4f: {  	[smem:$0x7BE] =	sst s30;
	s30 =	sadd.s32 s28, s18  }
0x50: {  	[smem:$0x7BF] =	sst s30;
	s30 =	sadd.s32 s29, s18  }
0x51: {  	[smem:$0x7C0] =	sst s30;
	s30 =	sadd.s32 s28, s19  }
0x52: {  	[smem:$0x7C1] =	sst s30;
	s30 =	sadd.s32 s29, s19  }
0x53: {  	[smem:$0x7C2] =	sst s30;
	s30 =	sadd.s32 s28, s20  }
0x54: {  	[smem:$0x7C3] =	sst s30;
	s30 =	sadd.s32 s29, s20  }
0x55: {  	[smem:$0x7C4] =	sst s30;
	s30 =	sadd.s32 s28, s21  }
0x56: {  	[smem:$0x7C5] =	sst s30;
	s30 =	sadd.s32 s29, s21  }
0x57: {  	[smem:$0x7C6] =	sst s30;
	s30 =	sadd.s32 s28, s22  }
0x58: {  	[smem:$0x7C7] =	sst s30;
	s30 =	sadd.s32 s29, s22  }
0x59: {  	[smem:$0x7C8] =	sst s30;
	s30 =	sadd.s32 s28, s23  }
0x5a: {  	[smem:$0x7C9] =	sst s30;
	s30 =	sadd.s32 s29, s23  }
0x5b: {  	[smem:$0x7CA] =	sst s30;
	s30 =	sadd.s32 s28, s24  }
0x5c: {  	s28 =	sadd.s32 s28, s25;
	[smem:$0x7CB] =	sst s30  }
0x5d: {  	s30 =	sadd.s32 s29, s24;
	[smem:$0x7CD] =	sst s28  }
0x5e: {  	s28 =	sadd.s32 s29, s25;
	[smem:$0x7CC] =	sst s30  }
0x5f: {  	s29 =	sadd.s32 $0x2572E0, s5;
	[smem:$0x7CE] =	sst s28  }
0x60: {  	s28 =	sadd.s32 $0x260C00, s26;
	[smem:$0x7D1] =	sst s29  }
0x61: {  	[smem:$0x7CF] =	sst s28  }
0x62: {  	s28 =	sadd.s32 $0x254400, s0;
	s0 =	sadd.s32 $0x257600, s0  }
0x63: {  	[smem:$0x7D0] =	sst s28;
	s28 =	sadd.s32 $0x1EC400, s5  }
0x64: {  	s5 =	sadd.s32 $0x18A800, s5;
	[smem:$0x7F7] =	sst s0;
	s29 =	sadd.s32 s28, s6  }
0x65: {  	s6 =	sadd.s32 s5, s6;
	[smem:$0x7D2] =	sst s29  }
0x66: {  	[smem:$0x7D3] =	sst s6;
	s6 =	sadd.s32 s28, s7  }
0x67: {  	s7 =	sadd.s32 s5, s7;
	[smem:$0x7D4] =	sst s6  }
0x68: {  	[smem:$0x7D5] =	sst s7;
	s7 =	sadd.s32 s28, s8  }
0x69: {  	[smem:$0x7D6] =	sst s7;
	s7 =	sadd.s32 s5, s8  }
0x6a: {  	s8 =	sadd.s32 s28, s9;
	[smem:$0x7D7] =	sst s7  }
0x6b: {  	s9 =	sadd.s32 s5, s9;
	[smem:$0x7D8] =	sst s8  }
0x6c: {  	[smem:$0x7D9] =	sst s9;
	s7 =	sadd.s32 s28, s10  }
0x6d: {  	s8 =	sadd.s32 s5, s10;
	[smem:$0x7DA] =	sst s7  }
0x6e: {  	s9 =	sadd.s32 s28, s11;
	[smem:$0x7DB] =	sst s8  }
0x6f: {  	s10 =	sadd.s32 s5, s11;
	[smem:$0x7DC] =	sst s9  }
0x70: {  	s11 =	sadd.s32 s28, s12;
	[smem:$0x7DD] =	sst s10  }
0x71: {  	s12 =	sadd.s32 s5, s12;
	[smem:$0x7DE] =	sst s11  }
0x72: {  	[smem:$0x7DF] =	sst s12;
	s7 =	sadd.s32 s28, s13  }
0x73: {  	s8 =	sadd.s32 s5, s13;
	[smem:$0x7E0] =	sst s7  }
0x74: {  	s9 =	sadd.s32 s28, s14;
	[smem:$0x7E1] =	sst s8  }
0x75: {  	s10 =	sadd.s32 s5, s14;
	[smem:$0x7E2] =	sst s9  }
0x76: {  	s11 =	sadd.s32 s28, s15;
	[smem:$0x7E3] =	sst s10  }
0x77: {  	s12 =	sadd.s32 s5, s15;
	[smem:$0x7E4] =	sst s11  }
0x78: {  	s13 =	sadd.s32 s28, s16;
	[smem:$0x7E5] =	sst s12  }
0x79: {  	s14 =	sadd.s32 s5, s16;
	[smem:$0x7E6] =	sst s13  }
0x7a: {  	s15 =	sadd.s32 s28, s17;
	[smem:$0x7E7] =	sst s14  }
0x7b: {  	s16 =	sadd.s32 s5, s17;
	[smem:$0x7E8] =	sst s15  }
0x7c: {  	s17 =	sadd.s32 s28, s18;
	[smem:$0x7E9] =	sst s16  }
0x7d: {  	s18 =	sadd.s32 s5, s18;
	[smem:$0x7EA] =	sst s17  }
0x7e: {  	[smem:$0x7EB] =	sst s18;
	s7 =	sadd.s32 s28, s19  }
0x7f: {  	s8 =	sadd.s32 s5, s19;
	[smem:$0x7EC] =	sst s7  }
0x80: {  	s9 =	sadd.s32 s28, s20;
	[smem:$0x7ED] =	sst s8  }
0x81: {  	s10 =	sadd.s32 s5, s20;
	[smem:$0x7EE] =	sst s9  }
0x82: {  	s11 =	sadd.s32 s28, s21;
	[smem:$0x7EF] =	sst s10  }
0x83: {  	s12 =	sadd.s32 s5, s21;
	[smem:$0x7F0] =	sst s11  }
0x84: {  	s13 =	sadd.s32 s28, s22;
	[smem:$0x7F1] =	sst s12  }
0x85: {  	s1 =	ssub.s32 $0x2, s1;
	s14 =	sadd.s32 s5, s22;
	[smem:$0x7F2] =	sst s13  }
0x86: {  	s31 =	simm.s32 $0xA;
	s15 =	sadd.s32 s28, s23;
	[smem:$0x7F3] =	sst s14  }
0x87: {  	s30 =	simm.s32 $0x6;
	s16 =	sadd.s32 s5, s23;
	[smem:$0x7F4] =	sst s15  }
0x88: {  	s0 =	simm.s32 $0x7;
	s18 =	sadd.s32 s28, s24;
	[smem:$0x7F5] =	sst s16  }
0x89: {  	s29 =	simm.s32 $0xE200;
	s19 =	sadd.s32 s5, s24;
	[smem:$0x7F6] =	sst s18  }
0x8a: {  	s17 =	sshrl.u32 s1, $0x1;
	s20 =	sadd.s32 s28, s25;
	[smem:$0x7F8] =	sst s19  }
0x8b: {  	s21 =	stileid.u32;
	s23 =	sadd.s32 s5, s25;
	[smem:$0x7F9] =	sst s20  }
0x8c: {  	s25 =	sadd.s32 $0x267000, s26;
	s26 =	sadd.s32 $0x17700, s3;
	[smem:$0x7FB] =	sst s23  }
0x8d: {  	s28 =	simm.s32 $0x9;
	s5 =	simm.s32 $0x8;
	[smem:$0x7FC] =	sst s26  }
0x8e: {  	s1 =	ssub.s32 s1, s17;
	s22 =	sshll.u32 s21, $0x6;
	[smem:$0x7FD] =	sst s25  }
0x8f: {  	p0 =	seq.s32 s21, $0xF;
	s12 =	simm.s32 $0x1;
	s15 =	simm.s32 $0x1388  }
0x90: {  	s17 =	simm.s32 $0x2;
	s21 =	simm.s32 $0x3;
	s26 =	simm.s32 $0x4  }
0x91: {  	s7 =	simm.s32 $0xC;
	s11 =	simm.s32 $0x4200;
	s14 =	simm.s32 $0x7E00  }
0x92: {  	s18 =	simm.s32 $0x6A00;
	s19 =	simm.s32 $0xBA00;
	s23 =	simm.s32 $0xF600  }
0x93: {  	s13 =	simm.s32 $0x11E00;
	s24 =	sor.u32 $0x1C0D, s22;
	s6 =	smax.u32 s1, $0x1  }
0x94: {  	s1 =	simm.s32 $0xB;
	[smem:$0x7FA] =	sst s24;
	s24 =	simm.s32 $0x5  }
.LBB2_1:
0x95: {  	s10 =	rddreg [dreg:$0x4]  }
0x96: {  	s16 =	sld [smem:$0x7F7]  }
0x97: {  	s20 =	sld [smem:$0x7FA]  }
0x98: {  	[smem:$0x793] =	sst s6;
	s8 =	sshrl.u32 s10, $0x3  }
0x99: {  	s22 =	simm.s32 $0xD;
	[smem:$0x792] =	sst s8  }
0x9a: {  	[spmem:s8], [sflag:s20] =	dma.local [hbm:s16], $0x320  }
0x9b: {  	_ =	swait.ge [sflag:s22], $0x320  }
0x9c: {  	s9 =	simm.s32 @p0 $0x0;
	[sflag:s22] =	ssyncset.done $0x0  }
0x9d: {  	s8 =	simm.s32 @p0 $0x3200;
	s6 =	rddreg [dreg:$0x7];
	[sflag:s22] =	ssyncadd.s32 $0xFFFFFCE0  }
0x9e: {  	[tilespmem:s8], [sflag:$0xD] =	stream.linear.gather @p0 [hbm4b:s6+s9], $0xFA0, $0x38;
	[tilespmem:$0x13200] =	vst v63  }
0x9f: {  	s6 =	simm.s32 @p0 $0xD  }
0xa0: {  	_ =	swait.ge @p0 [sflag:s6], $0xFA0  }
0xa1: {  	s9 =	sld [smem:$0x7FC]  }
0xa2: {  	[sflag:s6] =	ssyncset.done @p0 $0x0  }
0xa3: {  	[sflag:s6] =	ssyncadd.s32 @p0 $0xFFFFF060  }
0xa4: {  	[spmem:s9] =	stream.linear.scatter @p0 [tilespmem:s8], [sflag:$0xD], $0xFA0, $0x38;
	[tilespmem:$0x13200] =	vst v63  }
0xa5: {  	_ =	swait.ge @p0 [sflag:s6], $0xFA0  }
0xa6: {  	s8 =	rddreg [dreg:$0x5]  }
0xa7: {  	s9 =	rddreg [dreg:$0x6];
	[sflag:s6] =	ssyncset.done @p0 $0x0;
	s8 =	sshrl.u32 @!p0 s8, $0x3  }
0xa8: {  	[sflag:s6] =	ssyncadd.s32 @p0 $0xFFFFF060;
	[smem:$0x791] =	sst s8  }
0xa9: {  	[spmem:s8], [sflag:s20] =	dma.local @!p0 [hbm:s9], $0x320  }
0xaa: {  	s8 =	simm.s32 @!p0 $0xD  }
0xab: {  	_ =	swait.ge @!p0 [sflag:s8], $0x320  }
0xac: {  	[sflag:s8] =	ssyncset.done @!p0 $0x0  }
0xad: {  	[sflag:s8] =	ssyncadd.s32 @!p0 $0xFFFFFCE0  }
0xae: {  	[bflag:$0x0] =	sbarrier.arrive $0xFFFF  }
0xaf: {  	s25 =	rddreg [dreg:$0x8]  }
0xb0: {  	[tilespmem:s11], [sflag:$0x1] =	stream.linear.gather [hbm4b:s25+s4], $0x1388, $0x38;
	[tilespmem:$0x13200] =	vst v63  }
0xb1: {  	s10 =	simm.s32 $0x5600;
	s6 =	rddreg [dreg:$0x9]  }
0xb2: {  	[tilespmem:s10], [sflag:$0x1] =	stream.linear.gather [hbm4b:s6+s4], $0x1388, $0x38;
	[tilespmem:$0x13200] =	vst v63  }
0xb3: {  	_ =	swait.ge [sflag:s12], $0x1388  }
0xb4: {  	[sflag:s12] =	ssyncset.done $0x0  }
0xb5: {  	[sflag:s12] =	ssyncadd.s32 $0xFFFFEC78  }
0xb6: {  	_ =	swait.ge [sflag:s12], $0x1388  }
0xb7: {  	[sflag:s12] =	ssyncset.done $0x0  }
0xb8: {  	s16 =	rddreg [dreg:$0xa];
	[sflag:s12] =	ssyncadd.s32 $0xFFFFEC78  }
0xb9: {  	[tilespmem:s14], [sflag:$0x2] =	stream.linear.gather [hbm4b:s16+s4], $0x1388, $0x38;
	[tilespmem:$0x13200] =	vst v63  }
0xba: {  	s6 =	simm.s32 $0x9200;
	s22 =	rddreg [dreg:$0xb]  }
0xbb: {  	[tilespmem:s6], [sflag:$0x2] =	stream.linear.gather [hbm4b:s22+s4], $0x1388, $0x38;
	[tilespmem:$0x13200] =	vst v63  }
0xbc: {  	_ = 	snop  }
0xbd: {  	[tilespmem:s18], [sflag:$0x5] =	stream.indirect.gather [spmem:s3], $0x1, s11, s15, $0xb8;
	[tilespmem:$0x13200] =	vst v63  }
0xbe: {  	_ =	swait.ge [sflag:s17], $0x1388  }
0xbf: {  	[sflag:s17] =	ssyncset.done $0x0  }
0xc0: {  	[sflag:s17] =	ssyncadd.s32 $0xFFFFEC78  }
0xc1: {  	_ =	swait.ge [sflag:s17], $0x1388  }
0xc2: {  	[sflag:s17] =	ssyncset.done $0x0  }
0xc3: {  	s9 =	rddreg [dreg:$0xc];
	[sflag:s17] =	ssyncadd.s32 $0xFFFFEC78  }
0xc4: {  	[tilespmem:s19], [sflag:$0x3] =	stream.linear.gather [hbm4b:s9+s4], $0x1388, $0x38;
	[tilespmem:$0x13200] =	vst v63  }
0xc5: {  	s22 =	simm.s32 $0xCE00;
	s16 =	rddreg [dreg:$0xd]  }
0xc6: {  	[tilespmem:s22], [sflag:$0x3] =	stream.linear.gather [hbm4b:s16+s4], $0x1388, $0x38;
	[tilespmem:$0x13200] =	vst v63  }
0xc7: {  	s6 =	simm.s32 $0xA600  }
0xc8: {  	[tilespmem:s6], [sflag:$0x6] =	stream.indirect.gather [spmem:s3], $0x1, s14, s15, $0xb8;
	[tilespmem:$0x13200] =	vst v63  }
0xc9: {  	_ =	swait.ge [sflag:s21], $0x1388  }
0xca: {  	[sflag:s21] =	ssyncset.done $0x0  }
0xcb: {  	[sflag:s21] =	ssyncadd.s32 $0xFFFFEC78  }
0xcc: {  	_ =	swait.ge [sflag:s21], $0x1388  }
0xcd: {  	[sflag:s21] =	ssyncset.done $0x0  }
0xce: {  	s9 =	rddreg [dreg:$0xe];
	[sflag:s21] =	ssyncadd.s32 $0xFFFFEC78  }
0xcf: {  	[tilespmem:s23], [sflag:$0x4] =	stream.linear.gather [hbm4b:s9+s4], $0x1388, $0x38;
	[tilespmem:$0x13200] =	vst v63  }
0xd0: {  	s22 =	simm.s32 $0x10A00;
	s16 =	rddreg [dreg:$0xf]  }
0xd1: {  	[tilespmem:s22], [sflag:$0x4] =	stream.linear.gather [hbm4b:s16+s4], $0x1388, $0x38;
	[tilespmem:$0x13200] =	vst v63  }
0xd2: {  	_ = 	snop  }
0xd3: {  	[tilespmem:s29], [sflag:$0x7] =	stream.indirect.gather [spmem:s3], $0x1, s19, s15, $0xb8;
	[tilespmem:$0x13200] =	vst v63  }
0xd4: {  	_ =	swait.ge [sflag:s24], $0x1388  }
0xd5: {  	[sflag:s24] =	ssyncset.done $0x0  }
0xd6: {  	s25 =	simm.s32 $0x5600;
	[sflag:s24] =	ssyncadd.s32 $0xFFFFEC78  }
0xd7: {  	[spmem:s2] =	stream.indirect.scatter.add.f32 [tilespmem:s18], [sflag:$0x9], $0x1, s25, s15, $0xb8;
	[tilespmem:$0x13200] =	vst v63  }
0xd8: {  	_ =	swait.ge [sflag:s26], $0x1388  }
0xd9: {  	[sflag:s26] =	ssyncset.done $0x0  }
0xda: {  	[sflag:s26] =	ssyncadd.s32 $0xFFFFEC78  }
0xdb: {  	_ =	swait.ge [sflag:s26], $0x1388  }
0xdc: {  	[sflag:s26] =	ssyncset.done $0x0  }
0xdd: {  	[sflag:s26] =	ssyncadd.s32 $0xFFFFEC78  }
0xde: {  	_ =	swait.ge [sflag:s28], $0x1388  }
0xdf: {  	[sflag:s28] =	ssyncset.done $0x0  }
0xe0: {  	s16 =	rddreg [dreg:$0x10];
	[sflag:s28] =	ssyncadd.s32 $0xFFFFEC78  }
0xe1: {  	[tilespmem:s11], [sflag:$0x1] =	stream.linear.gather [hbm4b:s16+s4], $0x1388, $0x38;
	[tilespmem:$0x13200] =	vst v63  }
0xe2: {  	s22 =	rddreg [dreg:$0x11]  }
0xe3: {  	[tilespmem:s25], [sflag:$0x1] =	stream.linear.gather [hbm4b:s22+s4], $0x1388, $0x38;
	[tilespmem:$0x13200] =	vst v63  }
0xe4: {  	_ = 	snop  }
0xe5: {  	[tilespmem:s13], [sflag:$0x8] =	stream.indirect.gather [spmem:s3], $0x1, s23, s15, $0xb8;
	[tilespmem:$0x13200] =	vst v63  }
0xe6: {  	_ =	swait.ge [sflag:s30], $0x1388  }
0xe7: {  	[sflag:s30] =	ssyncset.done $0x0  }
0xe8: {  	s10 =	simm.s32 $0x9200;
	s6 =	simm.s32 $0xA600;
	[sflag:s30] =	ssyncadd.s32 $0xFFFFEC78  }
0xe9: {  	[spmem:s2] =	stream.indirect.scatter.add.f32 [tilespmem:s6], [sflag:$0xA], $0x1, s10, s15, $0xb8;
	[tilespmem:$0x13200] =	vst v63  }
0xea: {  	_ =	swait.ge [sflag:s12], $0x1388  }
0xeb: {  	[sflag:s12] =	ssyncset.done $0x0  }
0xec: {  	[sflag:s12] =	ssyncadd.s32 $0xFFFFEC78  }
0xed: {  	_ =	swait.ge [sflag:s12], $0x1388  }
0xee: {  	[sflag:s12] =	ssyncset.done $0x0  }
0xef: {  	[sflag:s12] =	ssyncadd.s32 $0xFFFFEC78  }
0xf0: {  	_ =	swait.ge [sflag:s31], $0x1388  }
0xf1: {  	[sflag:s31] =	ssyncset.done $0x0  }
0xf2: {  	s16 =	rddreg [dreg:$0x12];
	[sflag:s31] =	ssyncadd.s32 $0xFFFFEC78  }
0xf3: {  	[tilespmem:s14], [sflag:$0x2] =	stream.linear.gather [hbm4b:s16+s4], $0x1388, $0x38;
	[tilespmem:$0x13200] =	vst v63  }
0xf4: {  	s22 =	rddreg [dreg:$0x13]  }
0xf5: {  	[tilespmem:s10], [sflag:$0x2] =	stream.linear.gather [hbm4b:s22+s4], $0x1388, $0x38;
	[tilespmem:$0x13200] =	vst v63  }
0xf6: {  	_ = 	snop  }
0xf7: {  	[tilespmem:s18], [sflag:$0x5] =	stream.indirect.gather [spmem:s3], $0x1, s11, s15, $0xb8;
	[tilespmem:$0x13200] =	vst v63  }
0xf8: {  	_ =	swait.ge [sflag:s0], $0x1388  }
0xf9: {  	[sflag:s0] =	ssyncset.done $0x0  }
0xfa: {  	s16 =	simm.s32 $0xCE00;
	[sflag:s0] =	ssyncadd.s32 $0xFFFFEC78  }
0xfb: {  	[spmem:s2] =	stream.indirect.scatter.add.f32 [tilespmem:s29], [sflag:$0xB], $0x1, s16, s15, $0xb8;
	[tilespmem:$0x13200] =	vst v63  }
0xfc: {  	_ =	swait.ge [sflag:s17], $0x1388  }
0xfd: {  	[sflag:s17] =	ssyncset.done $0x0  }
0xfe: {  	[sflag:s17] =	ssyncadd.s32 $0xFFFFEC78  }
0xff: {  	_ =	swait.ge [sflag:s17], $0x1388  }
0x100: {  	[sflag:s17] =	ssyncset.done $0x0  }
0x101: {  	[sflag:s17] =	ssyncadd.s32 $0xFFFFEC78  }
0x102: {  	_ =	swait.ge [sflag:s1], $0x1388  }
0x103: {  	[sflag:s1] =	ssyncset.done $0x0  }
0x104: {  	s9 =	rddreg [dreg:$0x14];
	[sflag:s1] =	ssyncadd.s32 $0xFFFFEC78  }
0x105: {  	[tilespmem:s19], [sflag:$0x3] =	stream.linear.gather [hbm4b:s9+s4], $0x1388, $0x38;
	[tilespmem:$0x13200] =	vst v63  }
0x106: {  	s22 =	rddreg [dreg:$0x15]  }
0x107: {  	[tilespmem:s16], [sflag:$0x3] =	stream.linear.gather [hbm4b:s22+s4], $0x1388, $0x38;
	[tilespmem:$0x13200] =	vst v63  }
0x108: {  	_ = 	snop  }
0x109: {  	[tilespmem:s6], [sflag:$0x6] =	stream.indirect.gather [spmem:s3], $0x1, s14, s15, $0xb8;
	[tilespmem:$0x13200] =	vst v63  }
0x10a: {  	_ =	swait.ge [sflag:s5], $0x1388  }
0x10b: {  	[sflag:s5] =	ssyncset.done $0x0  }
0x10c: {  	s16 =	simm.s32 $0x10A00;
	[sflag:s5] =	ssyncadd.s32 $0xFFFFEC78  }
0x10d: {  	[spmem:s2] =	stream.indirect.scatter.add.f32 [tilespmem:s13], [sflag:$0xC], $0x1, s16, s15, $0xb8;
	[tilespmem:$0x13200] =	vst v63  }
0x10e: {  	_ =	swait.ge [sflag:s21], $0x1388  }
0x10f: {  	[sflag:s21] =	ssyncset.done $0x0  }
0x110: {  	[sflag:s21] =	ssyncadd.s32 $0xFFFFEC78  }
0x111: {  	_ =	swait.ge [sflag:s21], $0x1388  }
0x112: {  	[sflag:s21] =	ssyncset.done $0x0  }
0x113: {  	[sflag:s21] =	ssyncadd.s32 $0xFFFFEC78  }
0x114: {  	_ =	swait.ge [sflag:s7], $0x1388  }
0x115: {  	[sflag:s7] =	ssyncset.done $0x0  }
0x116: {  	s9 =	rddreg [dreg:$0x16];
	[sflag:s7] =	ssyncadd.s32 $0xFFFFEC78  }
0x117: {  	[tilespmem:s23], [sflag:$0x4] =	stream.linear.gather [hbm4b:s9+s4], $0x1388, $0x38;
	[tilespmem:$0x13200] =	vst v63  }
0x118: {  	s22 =	rddreg [dreg:$0x17]  }
0x119: {  	[tilespmem:s16], [sflag:$0x4] =	stream.linear.gather [hbm4b:s22+s4], $0x1388, $0x38;
	[tilespmem:$0x13200] =	vst v63  }
0x11a: {  	_ = 	snop  }
0x11b: {  	[tilespmem:s29], [sflag:$0x7] =	stream.indirect.gather [spmem:s3], $0x1, s19, s15, $0xb8;
	[tilespmem:$0x13200] =	vst v63  }
0x11c: {  	_ =	swait.ge [sflag:s24], $0x1388  }
0x11d: {  	[sflag:s24] =	ssyncset.done $0x0  }
0x11e: {  	[sflag:s24] =	ssyncadd.s32 $0xFFFFEC78  }
0x11f: {  	[spmem:s2] =	stream.indirect.scatter.add.f32 [tilespmem:s18], [sflag:$0x9], $0x1, s25, s15, $0xb8;
	[tilespmem:$0x13200] =	vst v63  }
0x120: {  	_ =	swait.ge [sflag:s26], $0x1388  }
0x121: {  	[sflag:s26] =	ssyncset.done $0x0  }
0x122: {  	[sflag:s26] =	ssyncadd.s32 $0xFFFFEC78  }
0x123: {  	_ =	swait.ge [sflag:s26], $0x1388  }
0x124: {  	[sflag:s26] =	ssyncset.done $0x0  }
0x125: {  	[sflag:s26] =	ssyncadd.s32 $0xFFFFEC78  }
0x126: {  	_ =	swait.ge [sflag:s28], $0x1388  }
0x127: {  	[sflag:s28] =	ssyncset.done $0x0  }
0x128: {  	s16 =	rddreg [dreg:$0x18];
	[sflag:s28] =	ssyncadd.s32 $0xFFFFEC78  }
0x129: {  	[tilespmem:s11], [sflag:$0x1] =	stream.linear.gather [hbm4b:s16+s4], $0x1388, $0x38;
	[tilespmem:$0x13200] =	vst v63  }
0x12a: {  	s22 =	rddreg [dreg:$0x19]  }
0x12b: {  	[tilespmem:s25], [sflag:$0x1] =	stream.linear.gather [hbm4b:s22+s4], $0x1388, $0x38;
	[tilespmem:$0x13200] =	vst v63  }
0x12c: {  	_ = 	snop  }
0x12d: {  	[tilespmem:s13], [sflag:$0x8] =	stream.indirect.gather [spmem:s3], $0x1, s23, s15, $0xb8;
	[tilespmem:$0x13200] =	vst v63  }
0x12e: {  	_ =	swait.ge [sflag:s30], $0x1388  }
0x12f: {  	[sflag:s30] =	ssyncset.done $0x0  }
0x130: {  	[sflag:s30] =	ssyncadd.s32 $0xFFFFEC78  }
0x131: {  	[spmem:s2] =	stream.indirect.scatter.add.f32 [tilespmem:s6], [sflag:$0xA], $0x1, s10, s15, $0xb8;
	[tilespmem:$0x13200] =	vst v63  }
0x132: {  	_ =	swait.ge [sflag:s12], $0x1388  }
0x133: {  	[sflag:s12] =	ssyncset.done $0x0  }
0x134: {  	[sflag:s12] =	ssyncadd.s32 $0xFFFFEC78  }
0x135: {  	_ =	swait.ge [sflag:s12], $0x1388  }
0x136: {  	[sflag:s12] =	ssyncset.done $0x0  }
0x137: {  	[sflag:s12] =	ssyncadd.s32 $0xFFFFEC78  }
0x138: {  	_ =	swait.ge [sflag:s31], $0x1388  }
0x139: {  	[sflag:s31] =	ssyncset.done $0x0  }
0x13a: {  	s16 =	rddreg [dreg:$0x1a];
	[sflag:s31] =	ssyncadd.s32 $0xFFFFEC78  }
0x13b: {  	[tilespmem:s14], [sflag:$0x2] =	stream.linear.gather [hbm4b:s16+s4], $0x1388, $0x38;
	[tilespmem:$0x13200] =	vst v63  }
0x13c: {  	s22 =	rddreg [dreg:$0x1b]  }
0x13d: {  	[tilespmem:s10], [sflag:$0x2] =	stream.linear.gather [hbm4b:s22+s4], $0x1388, $0x38;
	[tilespmem:$0x13200] =	vst v63  }
0x13e: {  	_ = 	snop  }
0x13f: {  	[tilespmem:s18], [sflag:$0x5] =	stream.indirect.gather [spmem:s3], $0x1, s11, s15, $0xb8;
	[tilespmem:$0x13200] =	vst v63  }
0x140: {  	_ =	swait.ge [sflag:s0], $0x1388  }
0x141: {  	[sflag:s0] =	ssyncset.done $0x0  }
0x142: {  	s16 =	simm.s32 $0xCE00;
	[sflag:s0] =	ssyncadd.s32 $0xFFFFEC78  }
0x143: {  	[spmem:s2] =	stream.indirect.scatter.add.f32 [tilespmem:s29], [sflag:$0xB], $0x1, s16, s15, $0xb8;
	[tilespmem:$0x13200] =	vst v63  }
0x144: {  	_ =	swait.ge [sflag:s17], $0x1388  }
0x145: {  	[sflag:s17] =	ssyncset.done $0x0  }
0x146: {  	[sflag:s17] =	ssyncadd.s32 $0xFFFFEC78  }
0x147: {  	_ =	swait.ge [sflag:s17], $0x1388  }
0x148: {  	[sflag:s17] =	ssyncset.done $0x0  }
0x149: {  	[sflag:s17] =	ssyncadd.s32 $0xFFFFEC78  }
0x14a: {  	_ =	swait.ge [sflag:s1], $0x1388  }
0x14b: {  	[sflag:s1] =	ssyncset.done $0x0  }
0x14c: {  	s9 =	rddreg [dreg:$0x1c];
	[sflag:s1] =	ssyncadd.s32 $0xFFFFEC78  }
0x14d: {  	[tilespmem:s19], [sflag:$0x3] =	stream.linear.gather [hbm4b:s9+s4], $0x1388, $0x38;
	[tilespmem:$0x13200] =	vst v63  }
0x14e: {  	s22 =	rddreg [dreg:$0x1d]  }
0x14f: {  	[tilespmem:s16], [sflag:$0x3] =	stream.linear.gather [hbm4b:s22+s4], $0x1388, $0x38;
	[tilespmem:$0x13200] =	vst v63  }
0x150: {  	_ = 	snop  }
0x151: {  	[tilespmem:s6], [sflag:$0x6] =	stream.indirect.gather [spmem:s3], $0x1, s14, s15, $0xb8;
	[tilespmem:$0x13200] =	vst v63  }
0x152: {  	_ =	swait.ge [sflag:s5], $0x1388  }
0x153: {  	[sflag:s5] =	ssyncset.done $0x0  }
0x154: {  	s16 =	simm.s32 $0x10A00;
	[sflag:s5] =	ssyncadd.s32 $0xFFFFEC78  }
0x155: {  	[spmem:s2] =	stream.indirect.scatter.add.f32 [tilespmem:s13], [sflag:$0xC], $0x1, s16, s15, $0xb8;
	[tilespmem:$0x13200] =	vst v63  }
0x156: {  	_ =	swait.ge [sflag:s21], $0x1388  }
0x157: {  	[sflag:s21] =	ssyncset.done $0x0  }
0x158: {  	[sflag:s21] =	ssyncadd.s32 $0xFFFFEC78  }
0x159: {  	_ =	swait.ge [sflag:s21], $0x1388  }
0x15a: {  	[sflag:s21] =	ssyncset.done $0x0  }
0x15b: {  	[sflag:s21] =	ssyncadd.s32 $0xFFFFEC78  }
0x15c: {  	_ =	swait.ge [sflag:s7], $0x1388  }
0x15d: {  	[sflag:s7] =	ssyncset.done $0x0  }
0x15e: {  	s9 =	rddreg [dreg:$0x1e];
	[sflag:s7] =	ssyncadd.s32 $0xFFFFEC78  }
0x15f: {  	[tilespmem:s23], [sflag:$0x4] =	stream.linear.gather [hbm4b:s9+s4], $0x1388, $0x38;
	[tilespmem:$0x13200] =	vst v63  }
0x160: {  	s22 =	rddreg [dreg:$0x1f]  }
0x161: {  	[tilespmem:s16], [sflag:$0x4] =	stream.linear.gather [hbm4b:s22+s4], $0x1388, $0x38;
	[tilespmem:$0x13200] =	vst v63  }
0x162: {  	_ = 	snop  }
0x163: {  	[tilespmem:s29], [sflag:$0x7] =	stream.indirect.gather [spmem:s3], $0x1, s19, s15, $0xb8;
	[tilespmem:$0x13200] =	vst v63  }
0x164: {  	_ =	swait.ge [sflag:s24], $0x1388  }
0x165: {  	[sflag:s24] =	ssyncset.done $0x0  }
0x166: {  	[sflag:s24] =	ssyncadd.s32 $0xFFFFEC78  }
0x167: {  	[spmem:s2] =	stream.indirect.scatter.add.f32 [tilespmem:s18], [sflag:$0x9], $0x1, s25, s15, $0xb8;
	[tilespmem:$0x13200] =	vst v63  }
0x168: {  	_ =	swait.ge [sflag:s26], $0x1388  }
0x169: {  	[sflag:s26] =	ssyncset.done $0x0  }
0x16a: {  	[sflag:s26] =	ssyncadd.s32 $0xFFFFEC78  }
0x16b: {  	_ =	swait.ge [sflag:s26], $0x1388  }
0x16c: {  	[sflag:s26] =	ssyncset.done $0x0  }
0x16d: {  	[sflag:s26] =	ssyncadd.s32 $0xFFFFEC78  }
0x16e: {  	_ =	swait.ge [sflag:s28], $0x1388  }
0x16f: {  	s16 =	sld [smem:$0x794]  }
0x170: {  	[sflag:s28] =	ssyncset.done $0x0  }
0x171: {  	s22 =	sld [smem:$0x795];
	[sflag:s28] =	ssyncadd.s32 $0xFFFFEC78  }
0x172: {  	[tilespmem:s11], [sflag:$0x1] =	stream.linear.gather [hbm4b:s16+s4], $0x1388, $0x38;
	[tilespmem:$0x13200] =	vst v63  }
0x173: {  	_ = 	snop  }
0x174: {  	[tilespmem:s25], [sflag:$0x1] =	stream.linear.gather [hbm4b:s22+s4], $0x1388, $0x38;
	[tilespmem:$0x13200] =	vst v63  }
0x175: {  	_ = 	snop  }
0x176: {  	[tilespmem:s13], [sflag:$0x8] =	stream.indirect.gather [spmem:s3], $0x1, s23, s15, $0xb8;
	[tilespmem:$0x13200] =	vst v63  }
0x177: {  	_ =	swait.ge [sflag:s30], $0x1388  }
0x178: {  	[sflag:s30] =	ssyncset.done $0x0  }
0x179: {  	[sflag:s30] =	ssyncadd.s32 $0xFFFFEC78  }
0x17a: {  	[spmem:s2] =	stream.indirect.scatter.add.f32 [tilespmem:s6], [sflag:$0xA], $0x1, s10, s15, $0xb8;
	[tilespmem:$0x13200] =	vst v63  }
0x17b: {  	_ =	swait.ge [sflag:s12], $0x1388  }
0x17c: {  	[sflag:s12] =	ssyncset.done $0x0  }
0x17d: {  	[sflag:s12] =	ssyncadd.s32 $0xFFFFEC78  }
0x17e: {  	_ =	swait.ge [sflag:s12], $0x1388  }
0x17f: {  	[sflag:s12] =	ssyncset.done $0x0  }
0x180: {  	[sflag:s12] =	ssyncadd.s32 $0xFFFFEC78  }
0x181: {  	_ =	swait.ge [sflag:s31], $0x1388  }
0x182: {  	s16 =	sld [smem:$0x796]  }
0x183: {  	[sflag:s31] =	ssyncset.done $0x0  }
0x184: {  	s22 =	sld [smem:$0x797];
	[sflag:s31] =	ssyncadd.s32 $0xFFFFEC78  }
0x185: {  	[tilespmem:s14], [sflag:$0x2] =	stream.linear.gather [hbm4b:s16+s4], $0x1388, $0x38;
	[tilespmem:$0x13200] =	vst v63  }
0x186: {  	_ = 	snop  }
0x187: {  	[tilespmem:s10], [sflag:$0x2] =	stream.linear.gather [hbm4b:s22+s4], $0x1388, $0x38;
	[tilespmem:$0x13200] =	vst v63  }
0x188: {  	_ = 	snop  }
0x189: {  	[tilespmem:s18], [sflag:$0x5] =	stream.indirect.gather [spmem:s3], $0x1, s11, s15, $0xb8;
	[tilespmem:$0x13200] =	vst v63  }
0x18a: {  	_ =	swait.ge [sflag:s0], $0x1388  }
0x18b: {  	[sflag:s0] =	ssyncset.done $0x0  }
0x18c: {  	s16 =	simm.s32 $0xCE00;
	[sflag:s0] =	ssyncadd.s32 $0xFFFFEC78  }
0x18d: {  	[spmem:s2] =	stream.indirect.scatter.add.f32 [tilespmem:s29], [sflag:$0xB], $0x1, s16, s15, $0xb8;
	[tilespmem:$0x13200] =	vst v63  }
0x18e: {  	_ =	swait.ge [sflag:s17], $0x1388  }
0x18f: {  	[sflag:s17] =	ssyncset.done $0x0  }
0x190: {  	[sflag:s17] =	ssyncadd.s32 $0xFFFFEC78  }
0x191: {  	_ =	swait.ge [sflag:s17], $0x1388  }
0x192: {  	[sflag:s17] =	ssyncset.done $0x0  }
0x193: {  	[sflag:s17] =	ssyncadd.s32 $0xFFFFEC78  }
0x194: {  	_ =	swait.ge [sflag:s1], $0x1388  }
0x195: {  	s9 =	sld [smem:$0x798]  }
0x196: {  	[sflag:s1] =	ssyncset.done $0x0  }
0x197: {  	s22 =	sld [smem:$0x799];
	[sflag:s1] =	ssyncadd.s32 $0xFFFFEC78  }
0x198: {  	[tilespmem:s19], [sflag:$0x3] =	stream.linear.gather [hbm4b:s9+s4], $0x1388, $0x38;
	[tilespmem:$0x13200] =	vst v63  }
0x199: {  	_ = 	snop  }
0x19a: {  	[tilespmem:s16], [sflag:$0x3] =	stream.linear.gather [hbm4b:s22+s4], $0x1388, $0x38;
	[tilespmem:$0x13200] =	vst v63  }
0x19b: {  	_ = 	snop  }
0x19c: {  	[tilespmem:s6], [sflag:$0x6] =	stream.indirect.gather [spmem:s3], $0x1, s14, s15, $0xb8;
	[tilespmem:$0x13200] =	vst v63  }
0x19d: {  	_ =	swait.ge [sflag:s5], $0x1388  }
0x19e: {  	[sflag:s5] =	ssyncset.done $0x0  }
0x19f: {  	s16 =	simm.s32 $0x10A00;
	[sflag:s5] =	ssyncadd.s32 $0xFFFFEC78  }
0x1a0: {  	[spmem:s2] =	stream.indirect.scatter.add.f32 [tilespmem:s13], [sflag:$0xC], $0x1, s16, s15, $0xb8;
	[tilespmem:$0x13200] =	vst v63  }
0x1a1: {  	_ =	swait.ge [sflag:s21], $0x1388  }
0x1a2: {  	[sflag:s21] =	ssyncset.done $0x0  }
0x1a3: {  	[sflag:s21] =	ssyncadd.s32 $0xFFFFEC78  }
0x1a4: {  	_ =	swait.ge [sflag:s21], $0x1388  }
0x1a5: {  	[sflag:s21] =	ssyncset.done $0x0  }
0x1a6: {  	[sflag:s21] =	ssyncadd.s32 $0xFFFFEC78  }
0x1a7: {  	_ =	swait.ge [sflag:s7], $0x1388  }
0x1a8: {  	s9 =	sld [smem:$0x79A]  }
0x1a9: {  	[sflag:s7] =	ssyncset.done $0x0  }
0x1aa: {  	s22 =	sld [smem:$0x79B];
	[sflag:s7] =	ssyncadd.s32 $0xFFFFEC78  }
0x1ab: {  	[tilespmem:s23], [sflag:$0x4] =	stream.linear.gather [hbm4b:s9+s4], $0x1388, $0x38;
	[tilespmem:$0x13200] =	vst v63  }
0x1ac: {  	_ = 	snop  }
0x1ad: {  	[tilespmem:s16], [sflag:$0x4] =	stream.linear.gather [hbm4b:s22+s4], $0x1388, $0x38;
	[tilespmem:$0x13200] =	vst v63  }
0x1ae: {  	_ = 	snop  }
0x1af: {  	[tilespmem:s29], [sflag:$0x7] =	stream.indirect.gather [spmem:s3], $0x1, s19, s15, $0xb8;
	[tilespmem:$0x13200] =	vst v63  }
0x1b0: {  	_ =	swait.ge [sflag:s24], $0x1388  }
0x1b1: {  	[sflag:s24] =	ssyncset.done $0x0  }
0x1b2: {  	[sflag:s24] =	ssyncadd.s32 $0xFFFFEC78  }
0x1b3: {  	[spmem:s2] =	stream.indirect.scatter.add.f32 [tilespmem:s18], [sflag:$0x9], $0x1, s25, s15, $0xb8;
	[tilespmem:$0x13200] =	vst v63  }
0x1b4: {  	_ =	swait.ge [sflag:s26], $0x1388  }
0x1b5: {  	[sflag:s26] =	ssyncset.done $0x0  }
0x1b6: {  	[sflag:s26] =	ssyncadd.s32 $0xFFFFEC78  }
0x1b7: {  	_ =	swait.ge [sflag:s26], $0x1388  }
0x1b8: {  	[sflag:s26] =	ssyncset.done $0x0  }
0x1b9: {  	[sflag:s26] =	ssyncadd.s32 $0xFFFFEC78  }
0x1ba: {  	_ =	swait.ge [sflag:s28], $0x1388  }
0x1bb: {  	s16 =	sld [smem:$0x79C]  }
0x1bc: {  	[sflag:s28] =	ssyncset.done $0x0  }
0x1bd: {  	s22 =	sld [smem:$0x79D];
	[sflag:s28] =	ssyncadd.s32 $0xFFFFEC78  }
0x1be: {  	[tilespmem:s11], [sflag:$0x1] =	stream.linear.gather [hbm4b:s16+s4], $0x1388, $0x38;
	[tilespmem:$0x13200] =	vst v63  }
0x1bf: {  	_ = 	snop  }
0x1c0: {  	[tilespmem:s25], [sflag:$0x1] =	stream.linear.gather [hbm4b:s22+s4], $0x1388, $0x38;
	[tilespmem:$0x13200] =	vst v63  }
0x1c1: {  	_ = 	snop  }
0x1c2: {  	[tilespmem:s13], [sflag:$0x8] =	stream.indirect.gather [spmem:s3], $0x1, s23, s15, $0xb8;
	[tilespmem:$0x13200] =	vst v63  }
0x1c3: {  	_ =	swait.ge [sflag:s30], $0x1388  }
0x1c4: {  	[sflag:s30] =	ssyncset.done $0x0  }
0x1c5: {  	[sflag:s30] =	ssyncadd.s32 $0xFFFFEC78  }
0x1c6: {  	[spmem:s2] =	stream.indirect.scatter.add.f32 [tilespmem:s6], [sflag:$0xA], $0x1, s10, s15, $0xb8;
	[tilespmem:$0x13200] =	vst v63  }
0x1c7: {  	_ =	swait.ge [sflag:s12], $0x1388  }
0x1c8: {  	[sflag:s12] =	ssyncset.done $0x0  }
0x1c9: {  	[sflag:s12] =	ssyncadd.s32 $0xFFFFEC78  }
0x1ca: {  	_ =	swait.ge [sflag:s12], $0x1388  }
0x1cb: {  	[sflag:s12] =	ssyncset.done $0x0  }
0x1cc: {  	[sflag:s12] =	ssyncadd.s32 $0xFFFFEC78  }
0x1cd: {  	_ =	swait.ge [sflag:s31], $0x1388  }
0x1ce: {  	s16 =	sld [smem:$0x79E]  }
0x1cf: {  	[sflag:s31] =	ssyncset.done $0x0  }
0x1d0: {  	s22 =	sld [smem:$0x79F];
	[sflag:s31] =	ssyncadd.s32 $0xFFFFEC78  }
0x1d1: {  	[tilespmem:s14], [sflag:$0x2] =	stream.linear.gather [hbm4b:s16+s4], $0x1388, $0x38;
	[tilespmem:$0x13200] =	vst v63  }
0x1d2: {  	_ = 	snop  }
0x1d3: {  	[tilespmem:s10], [sflag:$0x2] =	stream.linear.gather [hbm4b:s22+s4], $0x1388, $0x38;
	[tilespmem:$0x13200] =	vst v63  }
0x1d4: {  	_ = 	snop  }
0x1d5: {  	[tilespmem:s18], [sflag:$0x5] =	stream.indirect.gather [spmem:s3], $0x1, s11, s15, $0xb8;
	[tilespmem:$0x13200] =	vst v63  }
0x1d6: {  	_ =	swait.ge [sflag:s0], $0x1388  }
0x1d7: {  	[sflag:s0] =	ssyncset.done $0x0  }
0x1d8: {  	s16 =	simm.s32 $0xCE00;
	[sflag:s0] =	ssyncadd.s32 $0xFFFFEC78  }
0x1d9: {  	[spmem:s2] =	stream.indirect.scatter.add.f32 [tilespmem:s29], [sflag:$0xB], $0x1, s16, s15, $0xb8;
	[tilespmem:$0x13200] =	vst v63  }
0x1da: {  	_ =	swait.ge [sflag:s17], $0x1388  }
0x1db: {  	[sflag:s17] =	ssyncset.done $0x0  }
0x1dc: {  	[sflag:s17] =	ssyncadd.s32 $0xFFFFEC78  }
0x1dd: {  	_ =	swait.ge [sflag:s17], $0x1388  }
0x1de: {  	[sflag:s17] =	ssyncset.done $0x0  }
0x1df: {  	[sflag:s17] =	ssyncadd.s32 $0xFFFFEC78  }
0x1e0: {  	_ =	swait.ge [sflag:s1], $0x1388  }
0x1e1: {  	s9 =	sld [smem:$0x7A0]  }
0x1e2: {  	[sflag:s1] =	ssyncset.done $0x0  }
0x1e3: {  	s22 =	sld [smem:$0x7A1];
	[sflag:s1] =	ssyncadd.s32 $0xFFFFEC78  }
0x1e4: {  	[tilespmem:s19], [sflag:$0x3] =	stream.linear.gather [hbm4b:s9+s4], $0x1388, $0x38;
	[tilespmem:$0x13200] =	vst v63  }
0x1e5: {  	_ = 	snop  }
0x1e6: {  	[tilespmem:s16], [sflag:$0x3] =	stream.linear.gather [hbm4b:s22+s4], $0x1388, $0x38;
	[tilespmem:$0x13200] =	vst v63  }
0x1e7: {  	_ = 	snop  }
0x1e8: {  	[tilespmem:s6], [sflag:$0x6] =	stream.indirect.gather [spmem:s3], $0x1, s14, s15, $0xb8;
	[tilespmem:$0x13200] =	vst v63  }
0x1e9: {  	_ =	swait.ge [sflag:s5], $0x1388  }
0x1ea: {  	[sflag:s5] =	ssyncset.done $0x0  }
0x1eb: {  	s22 =	simm.s32 $0x10A00;
	[sflag:s5] =	ssyncadd.s32 $0xFFFFEC78  }
0x1ec: {  	[spmem:s2] =	stream.indirect.scatter.add.f32 [tilespmem:s13], [sflag:$0xC], $0x1, s22, s15, $0xb8;
	[tilespmem:$0x13200] =	vst v63  }
0x1ed: {  	_ =	swait.ge [sflag:s21], $0x1388  }
0x1ee: {  	[sflag:s21] =	ssyncset.done $0x0  }
0x1ef: {  	[sflag:s21] =	ssyncadd.s32 $0xFFFFEC78  }
0x1f0: {  	_ =	swait.ge [sflag:s21], $0x1388  }
0x1f1: {  	[sflag:s21] =	ssyncset.done $0x0  }
0x1f2: {  	[sflag:s21] =	ssyncadd.s32 $0xFFFFEC78  }
0x1f3: {  	_ =	swait.ge [sflag:s7], $0x1388  }
0x1f4: {  	s8 =	sld [smem:$0x7A2]  }
0x1f5: {  	[sflag:s7] =	ssyncset.done $0x0  }
0x1f6: {  	s9 =	sld [smem:$0x7A3];
	[sflag:s7] =	ssyncadd.s32 $0xFFFFEC78  }
0x1f7: {  	[tilespmem:s23], [sflag:$0x4] =	stream.linear.gather [hbm4b:s8+s4], $0x1388, $0x38;
	[tilespmem:$0x13200] =	vst v63  }
0x1f8: {  	_ = 	snop  }
0x1f9: {  	[tilespmem:s22], [sflag:$0x4] =	stream.linear.gather [hbm4b:s9+s4], $0x1388, $0x38;
	[tilespmem:$0x13200] =	vst v63  }
0x1fa: {  	_ = 	snop  }
0x1fb: {  	[tilespmem:s29], [sflag:$0x7] =	stream.indirect.gather [spmem:s3], $0x1, s19, s15, $0xb8;
	[tilespmem:$0x13200] =	vst v63  }
0x1fc: {  	_ =	swait.ge [sflag:s24], $0x1388  }
0x1fd: {  	[sflag:s24] =	ssyncset.done $0x0  }
0x1fe: {  	[sflag:s24] =	ssyncadd.s32 $0xFFFFEC78  }
0x1ff: {  	[spmem:s2] =	stream.indirect.scatter.add.f32 [tilespmem:s18], [sflag:$0x9], $0x1, s25, s15, $0xb8;
	[tilespmem:$0x13200] =	vst v63  }
0x200: {  	_ =	swait.ge [sflag:s26], $0x1388  }
0x201: {  	[sflag:s26] =	ssyncset.done $0x0  }
0x202: {  	[sflag:s26] =	ssyncadd.s32 $0xFFFFEC78  }
0x203: {  	_ =	swait.ge [sflag:s26], $0x1388  }
0x204: {  	[sflag:s26] =	ssyncset.done $0x0  }
0x205: {  	[sflag:s26] =	ssyncadd.s32 $0xFFFFEC78  }
0x206: {  	_ =	swait.ge [sflag:s28], $0x1388  }
0x207: {  	[sflag:s28] =	ssyncset.done $0x0  }
0x208: {  	[sflag:s28] =	ssyncadd.s32 $0xFFFFEC78  }
0x209: {  	[tilespmem:s13], [sflag:$0x8] =	stream.indirect.gather [spmem:s3], $0x1, s23, s15, $0xb8;
	[tilespmem:$0x13200] =	vst v63  }
0x20a: {  	_ =	swait.ge [sflag:s30], $0x1388  }
0x20b: {  	[sflag:s30] =	ssyncset.done $0x0  }
0x20c: {  	[sflag:s30] =	ssyncadd.s32 $0xFFFFEC78  }
0x20d: {  	[spmem:s2] =	stream.indirect.scatter.add.f32 [tilespmem:s6], [sflag:$0xA], $0x1, s10, s15, $0xb8;
	[tilespmem:$0x13200] =	vst v63  }
0x20e: {  	_ =	swait.ge [sflag:s0], $0x1388  }
0x20f: {  	[sflag:s0] =	ssyncset.done $0x0  }
0x210: {  	s16 =	simm.s32 $0xCE00;
	[sflag:s0] =	ssyncadd.s32 $0xFFFFEC78  }
0x211: {  	[spmem:s2] =	stream.indirect.scatter.add.f32 [tilespmem:s29], [sflag:$0xB], $0x1, s16, s15, $0xb8;
	[tilespmem:$0x13200] =	vst v63  }
0x212: {  	_ =	swait.ge [sflag:s5], $0x1388  }
0x213: {  	[sflag:s5] =	ssyncset.done $0x0  }
0x214: {  	s9 =	simm.s32 $0x10A00;
	[sflag:s5] =	ssyncadd.s32 $0xFFFFEC78  }
0x215: {  	[spmem:s2] =	stream.indirect.scatter.add.f32 [tilespmem:s13], [sflag:$0xC], $0x1, s9, s15, $0xb8;
	[tilespmem:$0x13200] =	vst v63  }
0x216: {  	_ =	swait.ge [sflag:s31], $0x1388  }
0x217: {  	[sflag:s31] =	ssyncset.done $0x0  }
0x218: {  	[sflag:s31] =	ssyncadd.s32 $0xFFFFEC78  }
0x219: {  	_ =	swait.ge [sflag:s1], $0x1388  }
0x21a: {  	[sflag:s1] =	ssyncset.done $0x0  }
0x21b: {  	[sflag:s1] =	ssyncadd.s32 $0xFFFFEC78  }
0x21c: {  	_ =	swait.ge [sflag:s7], $0x1388  }
0x21d: {  	[sflag:s7] =	ssyncset.done $0x0  }
0x21e: {  	[sflag:s7] =	ssyncadd.s32 $0xFFFFEC78  }
0x21f: {  	[bflag:$0x0] =	sbarrier.arrive $0xFFFF  }
0x220: {  	s10 =	sld [smem:$0x7A4]  }
0x221: {  	s9 =	sld [smem:$0x792];
	_ =	sdelay $0x2  }
0x222: {  	[hbm:s10], [sflag:s20] =	dma.local [spmem:s9], $0x320  }
0x223: {  	s22 =	smov.u32 s20;
	s20 =	simm.s32 $0xD  }
0x224: {  	_ =	swait.ge [sflag:s20], $0x320  }
0x225: {  	[sflag:s20] =	ssyncset.done $0x0  }
0x226: {  	[sflag:s20] =	ssyncadd.s32 $0xFFFFFCE0  }
0x227: {  	[bflag:$0x0] =	sbarrier.arrive $0xFFFF  }
0x228: {  	s10 =	sld [smem:$0x7F7];
	_ =	sdelay $0x2  }
0x229: {  	[spmem:s9], [sflag:s22] =	dma.local [hbm:s10], $0x320  }
0x22a: {  	_ =	swait.ge [sflag:s20], $0x320  }
0x22b: {  	s8 =	sld [smem:$0x7A6]  }
0x22c: {  	[sflag:s20] =	ssyncset.done $0x0  }
0x22d: {  	s9 =	simm.s32 @p0 $0x3200;
	s10 =	simm.s32 @p0 $0x0;
	[sflag:s20] =	ssyncadd.s32 $0xFFFFFCE0  }
0x22e: {  	[tilespmem:s9], [sflag:$0xD] =	stream.linear.gather @p0 [hbm4b:s8+s10], $0xFA0, $0x38;
	[tilespmem:$0x13200] =	vst v63  }
0x22f: {  	s10 =	simm.s32 @p0 $0xD  }
0x230: {  	_ =	swait.ge @p0 [sflag:s10], $0xFA0  }
0x231: {  	s8 =	sld [smem:$0x7FC]  }
0x232: {  	[sflag:s10] =	ssyncset.done @p0 $0x0  }
0x233: {  	[sflag:s10] =	ssyncadd.s32 @p0 $0xFFFFF060  }
0x234: {  	[spmem:s8] =	stream.linear.scatter @p0 [tilespmem:s9], [sflag:$0xD], $0xFA0, $0x38;
	[tilespmem:$0x13200] =	vst v63  }
0x235: {  	_ =	swait.ge @p0 [sflag:s10], $0xFA0  }
0x236: {  	s8 =	sld [smem:$0x7A5]  }
0x237: {  	s9 =	sld [smem:$0x791]  }
0x238: {  	[sflag:s10] =	ssyncset.done @p0 $0x0  }
0x239: {  	[sflag:s10] =	ssyncadd.s32 @p0 $0xFFFFF060  }
0x23a: {  	[spmem:s9], [sflag:s22] =	dma.local @!p0 [hbm:s8], $0x320  }
0x23b: {  	s8 =	simm.s32 @!p0 $0xD  }
0x23c: {  	_ =	swait.ge @!p0 [sflag:s8], $0x320  }
0x23d: {  	[sflag:s8] =	ssyncset.done @!p0 $0x0  }
0x23e: {  	[sflag:s8] =	ssyncadd.s32 @!p0 $0xFFFFFCE0  }
0x23f: {  	[bflag:$0x0] =	sbarrier.arrive $0xFFFF  }
0x240: {  	s10 =	sld [smem:$0x7A7];
	_ =	sdelay $0x1  }
0x241: {  	s22 =	sld [smem:$0x7A8]  }
0x242: {  	[tilespmem:s11], [sflag:$0x1] =	stream.linear.gather [hbm4b:s10+s4], $0x1388, $0x38;
	[tilespmem:$0x13200] =	vst v63  }
0x243: {  	_ = 	snop  }
0x244: {  	[tilespmem:s25], [sflag:$0x1] =	stream.linear.gather [hbm4b:s22+s4], $0x1388, $0x38;
	[tilespmem:$0x13200] =	vst v63  }
0x245: {  	_ =	swait.ge [sflag:s12], $0x1388  }
0x246: {  	[sflag:s12] =	ssyncset.done $0x0  }
0x247: {  	[sflag:s12] =	ssyncadd.s32 $0xFFFFEC78  }
0x248: {  	_ =	swait.ge [sflag:s12], $0x1388  }
0x249: {  	s10 =	sld [smem:$0x7A9]  }
0x24a: {  	[sflag:s12] =	ssyncset.done $0x0  }
0x24b: {  	s22 =	sld [smem:$0x7AA];
	[sflag:s12] =	ssyncadd.s32 $0xFFFFEC78  }
0x24c: {  	[tilespmem:s14], [sflag:$0x2] =	stream.linear.gather [hbm4b:s10+s4], $0x1388, $0x38;
	[tilespmem:$0x13200] =	vst v63  }
0x24d: {  	s10 =	simm.s32 $0x9200  }
0x24e: {  	[tilespmem:s10], [sflag:$0x2] =	stream.linear.gather [hbm4b:s22+s4], $0x1388, $0x38;
	[tilespmem:$0x13200] =	vst v63  }
0x24f: {  	_ = 	snop  }
0x250: {  	[tilespmem:s18], [sflag:$0x5] =	stream.indirect.gather [spmem:s3], $0x1, s11, s15, $0xb8;
	[tilespmem:$0x13200] =	vst v63  }
0x251: {  	_ =	swait.ge [sflag:s17], $0x1388  }
0x252: {  	[sflag:s17] =	ssyncset.done $0x0  }
0x253: {  	[sflag:s17] =	ssyncadd.s32 $0xFFFFEC78  }
0x254: {  	_ =	swait.ge [sflag:s17], $0x1388  }
0x255: {  	s9 =	sld [smem:$0x7AB]  }
0x256: {  	[sflag:s17] =	ssyncset.done $0x0  }
0x257: {  	s22 =	sld [smem:$0x7AC];
	[sflag:s17] =	ssyncadd.s32 $0xFFFFEC78  }
0x258: {  	[tilespmem:s19], [sflag:$0x3] =	stream.linear.gather [hbm4b:s9+s4], $0x1388, $0x38;
	[tilespmem:$0x13200] =	vst v63  }
0x259: {  	_ = 	snop  }
0x25a: {  	[tilespmem:s16], [sflag:$0x3] =	stream.linear.gather [hbm4b:s22+s4], $0x1388, $0x38;
	[tilespmem:$0x13200] =	vst v63  }
0x25b: {  	_ = 	snop  }
0x25c: {  	[tilespmem:s6], [sflag:$0x6] =	stream.indirect.gather [spmem:s3], $0x1, s14, s15, $0xb8;
	[tilespmem:$0x13200] =	vst v63  }
0x25d: {  	_ =	swait.ge [sflag:s21], $0x1388  }
0x25e: {  	[sflag:s21] =	ssyncset.done $0x0  }
0x25f: {  	[sflag:s21] =	ssyncadd.s32 $0xFFFFEC78  }
0x260: {  	_ =	swait.ge [sflag:s21], $0x1388  }
0x261: {  	s22 =	sld [smem:$0x7AD]  }
0x262: {  	[sflag:s21] =	ssyncset.done $0x0  }
0x263: {  	s9 =	sld [smem:$0x7AE];
	[sflag:s21] =	ssyncadd.s32 $0xFFFFEC78  }
0x264: {  	[tilespmem:s23], [sflag:$0x4] =	stream.linear.gather [hbm4b:s22+s4], $0x1388, $0x38;
	[tilespmem:$0x13200] =	vst v63  }
0x265: {  	s22 =	simm.s32 $0x10A00  }
0x266: {  	[tilespmem:s22], [sflag:$0x4] =	stream.linear.gather [hbm4b:s9+s4], $0x1388, $0x38;
	[tilespmem:$0x13200] =	vst v63  }
0x267: {  	_ = 	snop  }
0x268: {  	[tilespmem:s29], [sflag:$0x7] =	stream.indirect.gather [spmem:s3], $0x1, s19, s15, $0xb8;
	[tilespmem:$0x13200] =	vst v63  }
0x269: {  	_ =	swait.ge [sflag:s24], $0x1388  }
0x26a: {  	[sflag:s24] =	ssyncset.done $0x0  }
0x26b: {  	[sflag:s24] =	ssyncadd.s32 $0xFFFFEC78  }
0x26c: {  	[spmem:s2] =	stream.indirect.scatter.add.f32 [tilespmem:s18], [sflag:$0x9], $0x1, s25, s15, $0xb8;
	[tilespmem:$0x13200] =	vst v63  }
0x26d: {  	_ =	swait.ge [sflag:s26], $0x1388  }
0x26e: {  	[sflag:s26] =	ssyncset.done $0x0  }
0x26f: {  	[sflag:s26] =	ssyncadd.s32 $0xFFFFEC78  }
0x270: {  	_ =	swait.ge [sflag:s26], $0x1388  }
0x271: {  	[sflag:s26] =	ssyncset.done $0x0  }
0x272: {  	[sflag:s26] =	ssyncadd.s32 $0xFFFFEC78  }
0x273: {  	_ =	swait.ge [sflag:s28], $0x1388  }
0x274: {  	s8 =	sld [smem:$0x7AF]  }
0x275: {  	[sflag:s28] =	ssyncset.done $0x0  }
0x276: {  	s9 =	sld [smem:$0x7B0];
	[sflag:s28] =	ssyncadd.s32 $0xFFFFEC78  }
0x277: {  	[tilespmem:s11], [sflag:$0x1] =	stream.linear.gather [hbm4b:s8+s4], $0x1388, $0x38;
	[tilespmem:$0x13200] =	vst v63  }
0x278: {  	_ = 	snop  }
0x279: {  	[tilespmem:s25], [sflag:$0x1] =	stream.linear.gather [hbm4b:s9+s4], $0x1388, $0x38;
	[tilespmem:$0x13200] =	vst v63  }
0x27a: {  	_ = 	snop  }
0x27b: {  	[tilespmem:s13], [sflag:$0x8] =	stream.indirect.gather [spmem:s3], $0x1, s23, s15, $0xb8;
	[tilespmem:$0x13200] =	vst v63  }
0x27c: {  	_ =	swait.ge [sflag:s30], $0x1388  }
0x27d: {  	[sflag:s30] =	ssyncset.done $0x0  }
0x27e: {  	[sflag:s30] =	ssyncadd.s32 $0xFFFFEC78  }
0x27f: {  	[spmem:s2] =	stream.indirect.scatter.add.f32 [tilespmem:s6], [sflag:$0xA], $0x1, s10, s15, $0xb8;
	[tilespmem:$0x13200] =	vst v63  }
0x280: {  	_ =	swait.ge [sflag:s12], $0x1388  }
0x281: {  	[sflag:s12] =	ssyncset.done $0x0  }
0x282: {  	[sflag:s12] =	ssyncadd.s32 $0xFFFFEC78  }
0x283: {  	_ =	swait.ge [sflag:s12], $0x1388  }
0x284: {  	[sflag:s12] =	ssyncset.done $0x0  }
0x285: {  	[sflag:s12] =	ssyncadd.s32 $0xFFFFEC78  }
0x286: {  	_ =	swait.ge [sflag:s31], $0x1388  }
0x287: {  	s8 =	sld [smem:$0x7B1]  }
0x288: {  	[sflag:s31] =	ssyncset.done $0x0  }
0x289: {  	s9 =	sld [smem:$0x7B2];
	[sflag:s31] =	ssyncadd.s32 $0xFFFFEC78  }
0x28a: {  	[tilespmem:s14], [sflag:$0x2] =	stream.linear.gather [hbm4b:s8+s4], $0x1388, $0x38;
	[tilespmem:$0x13200] =	vst v63  }
0x28b: {  	_ = 	snop  }
0x28c: {  	[tilespmem:s10], [sflag:$0x2] =	stream.linear.gather [hbm4b:s9+s4], $0x1388, $0x38;
	[tilespmem:$0x13200] =	vst v63  }
0x28d: {  	_ = 	snop  }
0x28e: {  	[tilespmem:s18], [sflag:$0x5] =	stream.indirect.gather [spmem:s3], $0x1, s11, s15, $0xb8;
	[tilespmem:$0x13200] =	vst v63  }
0x28f: {  	_ =	swait.ge [sflag:s0], $0x1388  }
0x290: {  	[sflag:s0] =	ssyncset.done $0x0  }
0x291: {  	[sflag:s0] =	ssyncadd.s32 $0xFFFFEC78  }
0x292: {  	[spmem:s2] =	stream.indirect.scatter.add.f32 [tilespmem:s29], [sflag:$0xB], $0x1, s16, s15, $0xb8;
	[tilespmem:$0x13200] =	vst v63  }
0x293: {  	_ =	swait.ge [sflag:s17], $0x1388  }
0x294: {  	[sflag:s17] =	ssyncset.done $0x0  }
0x295: {  	[sflag:s17] =	ssyncadd.s32 $0xFFFFEC78  }
0x296: {  	_ =	swait.ge [sflag:s17], $0x1388  }
0x297: {  	[sflag:s17] =	ssyncset.done $0x0  }
0x298: {  	[sflag:s17] =	ssyncadd.s32 $0xFFFFEC78  }
0x299: {  	_ =	swait.ge [sflag:s1], $0x1388  }
0x29a: {  	s8 =	sld [smem:$0x7B3]  }
0x29b: {  	[sflag:s1] =	ssyncset.done $0x0  }
0x29c: {  	s9 =	sld [smem:$0x7B4];
	[sflag:s1] =	ssyncadd.s32 $0xFFFFEC78  }
0x29d: {  	[tilespmem:s19], [sflag:$0x3] =	stream.linear.gather [hbm4b:s8+s4], $0x1388, $0x38;
	[tilespmem:$0x13200] =	vst v63  }
0x29e: {  	_ = 	snop  }
0x29f: {  	[tilespmem:s16], [sflag:$0x3] =	stream.linear.gather [hbm4b:s9+s4], $0x1388, $0x38;
	[tilespmem:$0x13200] =	vst v63  }
0x2a0: {  	_ = 	snop  }
0x2a1: {  	[tilespmem:s6], [sflag:$0x6] =	stream.indirect.gather [spmem:s3], $0x1, s14, s15, $0xb8;
	[tilespmem:$0x13200] =	vst v63  }
0x2a2: {  	_ =	swait.ge [sflag:s5], $0x1388  }
0x2a3: {  	[sflag:s5] =	ssyncset.done $0x0  }
0x2a4: {  	[sflag:s5] =	ssyncadd.s32 $0xFFFFEC78  }
0x2a5: {  	[spmem:s2] =	stream.indirect.scatter.add.f32 [tilespmem:s13], [sflag:$0xC], $0x1, s22, s15, $0xb8;
	[tilespmem:$0x13200] =	vst v63  }
0x2a6: {  	_ =	swait.ge [sflag:s21], $0x1388  }
0x2a7: {  	[sflag:s21] =	ssyncset.done $0x0  }
0x2a8: {  	[sflag:s21] =	ssyncadd.s32 $0xFFFFEC78  }
0x2a9: {  	_ =	swait.ge [sflag:s21], $0x1388  }
0x2aa: {  	[sflag:s21] =	ssyncset.done $0x0  }
0x2ab: {  	[sflag:s21] =	ssyncadd.s32 $0xFFFFEC78  }
0x2ac: {  	_ =	swait.ge [sflag:s7], $0x1388  }
0x2ad: {  	s8 =	sld [smem:$0x7B5]  }
0x2ae: {  	[sflag:s7] =	ssyncset.done $0x0  }
0x2af: {  	s9 =	sld [smem:$0x7B6];
	[sflag:s7] =	ssyncadd.s32 $0xFFFFEC78  }
0x2b0: {  	[tilespmem:s23], [sflag:$0x4] =	stream.linear.gather [hbm4b:s8+s4], $0x1388, $0x38;
	[tilespmem:$0x13200] =	vst v63  }
0x2b1: {  	_ = 	snop  }
0x2b2: {  	[tilespmem:s22], [sflag:$0x4] =	stream.linear.gather [hbm4b:s9+s4], $0x1388, $0x38;
	[tilespmem:$0x13200] =	vst v63  }
0x2b3: {  	_ = 	snop  }
0x2b4: {  	[tilespmem:s29], [sflag:$0x7] =	stream.indirect.gather [spmem:s3], $0x1, s19, s15, $0xb8;
	[tilespmem:$0x13200] =	vst v63  }
0x2b5: {  	_ =	swait.ge [sflag:s24], $0x1388  }
0x2b6: {  	[sflag:s24] =	ssyncset.done $0x0  }
0x2b7: {  	[sflag:s24] =	ssyncadd.s32 $0xFFFFEC78  }
0x2b8: {  	[spmem:s2] =	stream.indirect.scatter.add.f32 [tilespmem:s18], [sflag:$0x9], $0x1, s25, s15, $0xb8;
	[tilespmem:$0x13200] =	vst v63  }
0x2b9: {  	_ =	swait.ge [sflag:s26], $0x1388  }
0x2ba: {  	[sflag:s26] =	ssyncset.done $0x0  }
0x2bb: {  	[sflag:s26] =	ssyncadd.s32 $0xFFFFEC78  }
0x2bc: {  	_ =	swait.ge [sflag:s26], $0x1388  }
0x2bd: {  	[sflag:s26] =	ssyncset.done $0x0  }
0x2be: {  	[sflag:s26] =	ssyncadd.s32 $0xFFFFEC78  }
0x2bf: {  	_ =	swait.ge [sflag:s28], $0x1388  }
0x2c0: {  	s8 =	sld [smem:$0x7B7]  }
0x2c1: {  	[sflag:s28] =	ssyncset.done $0x0  }
0x2c2: {  	s9 =	sld [smem:$0x7B8];
	[sflag:s28] =	ssyncadd.s32 $0xFFFFEC78  }
0x2c3: {  	[tilespmem:s11], [sflag:$0x1] =	stream.linear.gather [hbm4b:s8+s4], $0x1388, $0x38;
	[tilespmem:$0x13200] =	vst v63  }
0x2c4: {  	_ = 	snop  }
0x2c5: {  	[tilespmem:s25], [sflag:$0x1] =	stream.linear.gather [hbm4b:s9+s4], $0x1388, $0x38;
	[tilespmem:$0x13200] =	vst v63  }
0x2c6: {  	_ = 	snop  }
0x2c7: {  	[tilespmem:s13], [sflag:$0x8] =	stream.indirect.gather [spmem:s3], $0x1, s23, s15, $0xb8;
	[tilespmem:$0x13200] =	vst v63  }
0x2c8: {  	_ =	swait.ge [sflag:s30], $0x1388  }
0x2c9: {  	[sflag:s30] =	ssyncset.done $0x0  }
0x2ca: {  	s10 =	simm.s32 $0x9200;
	[sflag:s30] =	ssyncadd.s32 $0xFFFFEC78  }
0x2cb: {  	[spmem:s2] =	stream.indirect.scatter.add.f32 [tilespmem:s6], [sflag:$0xA], $0x1, s10, s15, $0xb8;
	[tilespmem:$0x13200] =	vst v63  }
0x2cc: {  	_ =	swait.ge [sflag:s12], $0x1388  }
0x2cd: {  	[sflag:s12] =	ssyncset.done $0x0  }
0x2ce: {  	[sflag:s12] =	ssyncadd.s32 $0xFFFFEC78  }
0x2cf: {  	_ =	swait.ge [sflag:s12], $0x1388  }
0x2d0: {  	[sflag:s12] =	ssyncset.done $0x0  }
0x2d1: {  	[sflag:s12] =	ssyncadd.s32 $0xFFFFEC78  }
0x2d2: {  	_ =	swait.ge [sflag:s31], $0x1388  }
0x2d3: {  	s8 =	sld [smem:$0x7B9]  }
0x2d4: {  	[sflag:s31] =	ssyncset.done $0x0  }
0x2d5: {  	s9 =	sld [smem:$0x7BA];
	[sflag:s31] =	ssyncadd.s32 $0xFFFFEC78  }
0x2d6: {  	[tilespmem:s14], [sflag:$0x2] =	stream.linear.gather [hbm4b:s8+s4], $0x1388, $0x38;
	[tilespmem:$0x13200] =	vst v63  }
0x2d7: {  	_ = 	snop  }
0x2d8: {  	[tilespmem:s10], [sflag:$0x2] =	stream.linear.gather [hbm4b:s9+s4], $0x1388, $0x38;
	[tilespmem:$0x13200] =	vst v63  }
0x2d9: {  	_ = 	snop  }
0x2da: {  	[tilespmem:s18], [sflag:$0x5] =	stream.indirect.gather [spmem:s3], $0x1, s11, s15, $0xb8;
	[tilespmem:$0x13200] =	vst v63  }
0x2db: {  	_ =	swait.ge [sflag:s0], $0x1388  }
0x2dc: {  	[sflag:s0] =	ssyncset.done $0x0  }
0x2dd: {  	[sflag:s0] =	ssyncadd.s32 $0xFFFFEC78  }
0x2de: {  	[spmem:s2] =	stream.indirect.scatter.add.f32 [tilespmem:s29], [sflag:$0xB], $0x1, s16, s15, $0xb8;
	[tilespmem:$0x13200] =	vst v63  }
0x2df: {  	_ =	swait.ge [sflag:s17], $0x1388  }
0x2e0: {  	[sflag:s17] =	ssyncset.done $0x0  }
0x2e1: {  	[sflag:s17] =	ssyncadd.s32 $0xFFFFEC78  }
0x2e2: {  	_ =	swait.ge [sflag:s17], $0x1388  }
0x2e3: {  	[sflag:s17] =	ssyncset.done $0x0  }
0x2e4: {  	[sflag:s17] =	ssyncadd.s32 $0xFFFFEC78  }
0x2e5: {  	_ =	swait.ge [sflag:s1], $0x1388  }
0x2e6: {  	s8 =	sld [smem:$0x7BB]  }
0x2e7: {  	[sflag:s1] =	ssyncset.done $0x0  }
0x2e8: {  	s9 =	sld [smem:$0x7BC];
	[sflag:s1] =	ssyncadd.s32 $0xFFFFEC78  }
0x2e9: {  	[tilespmem:s19], [sflag:$0x3] =	stream.linear.gather [hbm4b:s8+s4], $0x1388, $0x38;
	[tilespmem:$0x13200] =	vst v63  }
0x2ea: {  	_ = 	snop  }
0x2eb: {  	[tilespmem:s16], [sflag:$0x3] =	stream.linear.gather [hbm4b:s9+s4], $0x1388, $0x38;
	[tilespmem:$0x13200] =	vst v63  }
0x2ec: {  	_ = 	snop  }
0x2ed: {  	[tilespmem:s6], [sflag:$0x6] =	stream.indirect.gather [spmem:s3], $0x1, s14, s15, $0xb8;
	[tilespmem:$0x13200] =	vst v63  }
0x2ee: {  	_ =	swait.ge [sflag:s5], $0x1388  }
0x2ef: {  	[sflag:s5] =	ssyncset.done $0x0  }
0x2f0: {  	s22 =	simm.s32 $0x10A00;
	[sflag:s5] =	ssyncadd.s32 $0xFFFFEC78  }
0x2f1: {  	[spmem:s2] =	stream.indirect.scatter.add.f32 [tilespmem:s13], [sflag:$0xC], $0x1, s22, s15, $0xb8;
	[tilespmem:$0x13200] =	vst v63  }
0x2f2: {  	_ =	swait.ge [sflag:s21], $0x1388  }
0x2f3: {  	[sflag:s21] =	ssyncset.done $0x0  }
0x2f4: {  	[sflag:s21] =	ssyncadd.s32 $0xFFFFEC78  }
0x2f5: {  	_ =	swait.ge [sflag:s21], $0x1388  }
0x2f6: {  	[sflag:s21] =	ssyncset.done $0x0  }
0x2f7: {  	[sflag:s21] =	ssyncadd.s32 $0xFFFFEC78  }
0x2f8: {  	_ =	swait.ge [sflag:s7], $0x1388  }
0x2f9: {  	s8 =	sld [smem:$0x7BD]  }
0x2fa: {  	[sflag:s7] =	ssyncset.done $0x0  }
0x2fb: {  	s9 =	sld [smem:$0x7BE];
	[sflag:s7] =	ssyncadd.s32 $0xFFFFEC78  }
0x2fc: {  	[tilespmem:s23], [sflag:$0x4] =	stream.linear.gather [hbm4b:s8+s4], $0x1388, $0x38;
	[tilespmem:$0x13200] =	vst v63  }
0x2fd: {  	_ = 	snop  }
0x2fe: {  	[tilespmem:s22], [sflag:$0x4] =	stream.linear.gather [hbm4b:s9+s4], $0x1388, $0x38;
	[tilespmem:$0x13200] =	vst v63  }
0x2ff: {  	_ = 	snop  }
0x300: {  	[tilespmem:s29], [sflag:$0x7] =	stream.indirect.gather [spmem:s3], $0x1, s19, s15, $0xb8;
	[tilespmem:$0x13200] =	vst v63  }
0x301: {  	_ =	swait.ge [sflag:s24], $0x1388  }
0x302: {  	[sflag:s24] =	ssyncset.done $0x0  }
0x303: {  	[sflag:s24] =	ssyncadd.s32 $0xFFFFEC78  }
0x304: {  	[spmem:s2] =	stream.indirect.scatter.add.f32 [tilespmem:s18], [sflag:$0x9], $0x1, s25, s15, $0xb8;
	[tilespmem:$0x13200] =	vst v63  }
0x305: {  	_ =	swait.ge [sflag:s26], $0x1388  }
0x306: {  	[sflag:s26] =	ssyncset.done $0x0  }
0x307: {  	[sflag:s26] =	ssyncadd.s32 $0xFFFFEC78  }
0x308: {  	_ =	swait.ge [sflag:s26], $0x1388  }
0x309: {  	[sflag:s26] =	ssyncset.done $0x0  }
0x30a: {  	[sflag:s26] =	ssyncadd.s32 $0xFFFFEC78  }
0x30b: {  	_ =	swait.ge [sflag:s28], $0x1388  }
0x30c: {  	s8 =	sld [smem:$0x7BF]  }
0x30d: {  	[sflag:s28] =	ssyncset.done $0x0  }
0x30e: {  	s9 =	sld [smem:$0x7C0];
	[sflag:s28] =	ssyncadd.s32 $0xFFFFEC78  }
0x30f: {  	[tilespmem:s11], [sflag:$0x1] =	stream.linear.gather [hbm4b:s8+s4], $0x1388, $0x38;
	[tilespmem:$0x13200] =	vst v63  }
0x310: {  	_ = 	snop  }
0x311: {  	[tilespmem:s25], [sflag:$0x1] =	stream.linear.gather [hbm4b:s9+s4], $0x1388, $0x38;
	[tilespmem:$0x13200] =	vst v63  }
0x312: {  	_ = 	snop  }
0x313: {  	[tilespmem:s13], [sflag:$0x8] =	stream.indirect.gather [spmem:s3], $0x1, s23, s15, $0xb8;
	[tilespmem:$0x13200] =	vst v63  }
0x314: {  	_ =	swait.ge [sflag:s30], $0x1388  }
0x315: {  	[sflag:s30] =	ssyncset.done $0x0  }
0x316: {  	[sflag:s30] =	ssyncadd.s32 $0xFFFFEC78  }
0x317: {  	[spmem:s2] =	stream.indirect.scatter.add.f32 [tilespmem:s6], [sflag:$0xA], $0x1, s10, s15, $0xb8;
	[tilespmem:$0x13200] =	vst v63  }
0x318: {  	_ =	swait.ge [sflag:s12], $0x1388  }
0x319: {  	[sflag:s12] =	ssyncset.done $0x0  }
0x31a: {  	[sflag:s12] =	ssyncadd.s32 $0xFFFFEC78  }
0x31b: {  	_ =	swait.ge [sflag:s12], $0x1388  }
0x31c: {  	[sflag:s12] =	ssyncset.done $0x0  }
0x31d: {  	[sflag:s12] =	ssyncadd.s32 $0xFFFFEC78  }
0x31e: {  	_ =	swait.ge [sflag:s31], $0x1388  }
0x31f: {  	s8 =	sld [smem:$0x7C1]  }
0x320: {  	[sflag:s31] =	ssyncset.done $0x0  }
0x321: {  	s9 =	sld [smem:$0x7C2];
	[sflag:s31] =	ssyncadd.s32 $0xFFFFEC78  }
0x322: {  	[tilespmem:s14], [sflag:$0x2] =	stream.linear.gather [hbm4b:s8+s4], $0x1388, $0x38;
	[tilespmem:$0x13200] =	vst v63  }
0x323: {  	_ = 	snop  }
0x324: {  	[tilespmem:s10], [sflag:$0x2] =	stream.linear.gather [hbm4b:s9+s4], $0x1388, $0x38;
	[tilespmem:$0x13200] =	vst v63  }
0x325: {  	_ = 	snop  }
0x326: {  	[tilespmem:s18], [sflag:$0x5] =	stream.indirect.gather [spmem:s3], $0x1, s11, s15, $0xb8;
	[tilespmem:$0x13200] =	vst v63  }
0x327: {  	_ =	swait.ge [sflag:s0], $0x1388  }
0x328: {  	[sflag:s0] =	ssyncset.done $0x0  }
0x329: {  	[sflag:s0] =	ssyncadd.s32 $0xFFFFEC78  }
0x32a: {  	[spmem:s2] =	stream.indirect.scatter.add.f32 [tilespmem:s29], [sflag:$0xB], $0x1, s16, s15, $0xb8;
	[tilespmem:$0x13200] =	vst v63  }
0x32b: {  	_ =	swait.ge [sflag:s17], $0x1388  }
0x32c: {  	[sflag:s17] =	ssyncset.done $0x0  }
0x32d: {  	[sflag:s17] =	ssyncadd.s32 $0xFFFFEC78  }
0x32e: {  	_ =	swait.ge [sflag:s17], $0x1388  }
0x32f: {  	[sflag:s17] =	ssyncset.done $0x0  }
0x330: {  	[sflag:s17] =	ssyncadd.s32 $0xFFFFEC78  }
0x331: {  	_ =	swait.ge [sflag:s1], $0x1388  }
0x332: {  	s8 =	sld [smem:$0x7C3]  }
0x333: {  	[sflag:s1] =	ssyncset.done $0x0  }
0x334: {  	s9 =	sld [smem:$0x7C4];
	[sflag:s1] =	ssyncadd.s32 $0xFFFFEC78  }
0x335: {  	[tilespmem:s19], [sflag:$0x3] =	stream.linear.gather [hbm4b:s8+s4], $0x1388, $0x38;
	[tilespmem:$0x13200] =	vst v63  }
0x336: {  	_ = 	snop  }
0x337: {  	[tilespmem:s16], [sflag:$0x3] =	stream.linear.gather [hbm4b:s9+s4], $0x1388, $0x38;
	[tilespmem:$0x13200] =	vst v63  }
0x338: {  	_ = 	snop  }
0x339: {  	[tilespmem:s6], [sflag:$0x6] =	stream.indirect.gather [spmem:s3], $0x1, s14, s15, $0xb8;
	[tilespmem:$0x13200] =	vst v63  }
0x33a: {  	_ =	swait.ge [sflag:s5], $0x1388  }
0x33b: {  	[sflag:s5] =	ssyncset.done $0x0  }
0x33c: {  	[sflag:s5] =	ssyncadd.s32 $0xFFFFEC78  }
0x33d: {  	[spmem:s2] =	stream.indirect.scatter.add.f32 [tilespmem:s13], [sflag:$0xC], $0x1, s22, s15, $0xb8;
	[tilespmem:$0x13200] =	vst v63  }
0x33e: {  	_ =	swait.ge [sflag:s21], $0x1388  }
0x33f: {  	[sflag:s21] =	ssyncset.done $0x0  }
0x340: {  	[sflag:s21] =	ssyncadd.s32 $0xFFFFEC78  }
0x341: {  	_ =	swait.ge [sflag:s21], $0x1388  }
0x342: {  	[sflag:s21] =	ssyncset.done $0x0  }
0x343: {  	[sflag:s21] =	ssyncadd.s32 $0xFFFFEC78  }
0x344: {  	_ =	swait.ge [sflag:s7], $0x1388  }
0x345: {  	s8 =	sld [smem:$0x7C5]  }
0x346: {  	[sflag:s7] =	ssyncset.done $0x0  }
0x347: {  	s9 =	sld [smem:$0x7C6];
	[sflag:s7] =	ssyncadd.s32 $0xFFFFEC78  }
0x348: {  	[tilespmem:s23], [sflag:$0x4] =	stream.linear.gather [hbm4b:s8+s4], $0x1388, $0x38;
	[tilespmem:$0x13200] =	vst v63  }
0x349: {  	_ = 	snop  }
0x34a: {  	[tilespmem:s22], [sflag:$0x4] =	stream.linear.gather [hbm4b:s9+s4], $0x1388, $0x38;
	[tilespmem:$0x13200] =	vst v63  }
0x34b: {  	_ = 	snop  }
0x34c: {  	[tilespmem:s29], [sflag:$0x7] =	stream.indirect.gather [spmem:s3], $0x1, s19, s15, $0xb8;
	[tilespmem:$0x13200] =	vst v63  }
0x34d: {  	_ =	swait.ge [sflag:s24], $0x1388  }
0x34e: {  	[sflag:s24] =	ssyncset.done $0x0  }
0x34f: {  	[sflag:s24] =	ssyncadd.s32 $0xFFFFEC78  }
0x350: {  	[spmem:s2] =	stream.indirect.scatter.add.f32 [tilespmem:s18], [sflag:$0x9], $0x1, s25, s15, $0xb8;
	[tilespmem:$0x13200] =	vst v63  }
0x351: {  	_ =	swait.ge [sflag:s26], $0x1388  }
0x352: {  	[sflag:s26] =	ssyncset.done $0x0  }
0x353: {  	[sflag:s26] =	ssyncadd.s32 $0xFFFFEC78  }
0x354: {  	_ =	swait.ge [sflag:s26], $0x1388  }
0x355: {  	[sflag:s26] =	ssyncset.done $0x0  }
0x356: {  	[sflag:s26] =	ssyncadd.s32 $0xFFFFEC78  }
0x357: {  	_ =	swait.ge [sflag:s28], $0x1388  }
0x358: {  	s8 =	sld [smem:$0x7C7]  }
0x359: {  	[sflag:s28] =	ssyncset.done $0x0  }
0x35a: {  	s9 =	sld [smem:$0x7C8];
	[sflag:s28] =	ssyncadd.s32 $0xFFFFEC78  }
0x35b: {  	[tilespmem:s11], [sflag:$0x1] =	stream.linear.gather [hbm4b:s8+s4], $0x1388, $0x38;
	[tilespmem:$0x13200] =	vst v63  }
0x35c: {  	_ = 	snop  }
0x35d: {  	[tilespmem:s25], [sflag:$0x1] =	stream.linear.gather [hbm4b:s9+s4], $0x1388, $0x38;
	[tilespmem:$0x13200] =	vst v63  }
0x35e: {  	_ = 	snop  }
0x35f: {  	[tilespmem:s13], [sflag:$0x8] =	stream.indirect.gather [spmem:s3], $0x1, s23, s15, $0xb8;
	[tilespmem:$0x13200] =	vst v63  }
0x360: {  	_ =	swait.ge [sflag:s30], $0x1388  }
0x361: {  	[sflag:s30] =	ssyncset.done $0x0  }
0x362: {  	[sflag:s30] =	ssyncadd.s32 $0xFFFFEC78  }
0x363: {  	[spmem:s2] =	stream.indirect.scatter.add.f32 [tilespmem:s6], [sflag:$0xA], $0x1, s10, s15, $0xb8;
	[tilespmem:$0x13200] =	vst v63  }
0x364: {  	_ =	swait.ge [sflag:s12], $0x1388  }
0x365: {  	[sflag:s12] =	ssyncset.done $0x0  }
0x366: {  	[sflag:s12] =	ssyncadd.s32 $0xFFFFEC78  }
0x367: {  	_ =	swait.ge [sflag:s12], $0x1388  }
0x368: {  	[sflag:s12] =	ssyncset.done $0x0  }
0x369: {  	[sflag:s12] =	ssyncadd.s32 $0xFFFFEC78  }
0x36a: {  	_ =	swait.ge [sflag:s31], $0x1388  }
0x36b: {  	s8 =	sld [smem:$0x7C9]  }
0x36c: {  	[sflag:s31] =	ssyncset.done $0x0  }
0x36d: {  	s9 =	sld [smem:$0x7CA];
	[sflag:s31] =	ssyncadd.s32 $0xFFFFEC78  }
0x36e: {  	[tilespmem:s14], [sflag:$0x2] =	stream.linear.gather [hbm4b:s8+s4], $0x1388, $0x38;
	[tilespmem:$0x13200] =	vst v63  }
0x36f: {  	_ = 	snop  }
0x370: {  	[tilespmem:s10], [sflag:$0x2] =	stream.linear.gather [hbm4b:s9+s4], $0x1388, $0x38;
	[tilespmem:$0x13200] =	vst v63  }
0x371: {  	_ = 	snop  }
0x372: {  	[tilespmem:s18], [sflag:$0x5] =	stream.indirect.gather [spmem:s3], $0x1, s11, s15, $0xb8;
	[tilespmem:$0x13200] =	vst v63  }
0x373: {  	_ =	swait.ge [sflag:s0], $0x1388  }
0x374: {  	[sflag:s0] =	ssyncset.done $0x0  }
0x375: {  	[sflag:s0] =	ssyncadd.s32 $0xFFFFEC78  }
0x376: {  	[spmem:s2] =	stream.indirect.scatter.add.f32 [tilespmem:s29], [sflag:$0xB], $0x1, s16, s15, $0xb8;
	[tilespmem:$0x13200] =	vst v63  }
0x377: {  	_ =	swait.ge [sflag:s17], $0x1388  }
0x378: {  	[sflag:s17] =	ssyncset.done $0x0  }
0x379: {  	[sflag:s17] =	ssyncadd.s32 $0xFFFFEC78  }
0x37a: {  	_ =	swait.ge [sflag:s17], $0x1388  }
0x37b: {  	[sflag:s17] =	ssyncset.done $0x0  }
0x37c: {  	[sflag:s17] =	ssyncadd.s32 $0xFFFFEC78  }
0x37d: {  	_ =	swait.ge [sflag:s1], $0x1388  }
0x37e: {  	s8 =	sld [smem:$0x7CB]  }
0x37f: {  	[sflag:s1] =	ssyncset.done $0x0  }
0x380: {  	s9 =	sld [smem:$0x7CC];
	[sflag:s1] =	ssyncadd.s32 $0xFFFFEC78  }
0x381: {  	[tilespmem:s19], [sflag:$0x3] =	stream.linear.gather [hbm4b:s8+s4], $0x1388, $0x38;
	[tilespmem:$0x13200] =	vst v63  }
0x382: {  	_ = 	snop  }
0x383: {  	[tilespmem:s16], [sflag:$0x3] =	stream.linear.gather [hbm4b:s9+s4], $0x1388, $0x38;
	[tilespmem:$0x13200] =	vst v63  }
0x384: {  	_ = 	snop  }
0x385: {  	[tilespmem:s6], [sflag:$0x6] =	stream.indirect.gather [spmem:s3], $0x1, s14, s15, $0xb8;
	[tilespmem:$0x13200] =	vst v63  }
0x386: {  	_ =	swait.ge [sflag:s5], $0x1388  }
0x387: {  	[sflag:s5] =	ssyncset.done $0x0  }
0x388: {  	[sflag:s5] =	ssyncadd.s32 $0xFFFFEC78  }
0x389: {  	[spmem:s2] =	stream.indirect.scatter.add.f32 [tilespmem:s13], [sflag:$0xC], $0x1, s22, s15, $0xb8;
	[tilespmem:$0x13200] =	vst v63  }
0x38a: {  	_ =	swait.ge [sflag:s21], $0x1388  }
0x38b: {  	[sflag:s21] =	ssyncset.done $0x0  }
0x38c: {  	[sflag:s21] =	ssyncadd.s32 $0xFFFFEC78  }
0x38d: {  	_ =	swait.ge [sflag:s21], $0x1388  }
0x38e: {  	[sflag:s21] =	ssyncset.done $0x0  }
0x38f: {  	[sflag:s21] =	ssyncadd.s32 $0xFFFFEC78  }
0x390: {  	_ =	swait.ge [sflag:s7], $0x1388  }
0x391: {  	s8 =	sld [smem:$0x7CD]  }
0x392: {  	[sflag:s7] =	ssyncset.done $0x0  }
0x393: {  	s9 =	sld [smem:$0x7CE];
	[sflag:s7] =	ssyncadd.s32 $0xFFFFEC78  }
0x394: {  	[tilespmem:s23], [sflag:$0x4] =	stream.linear.gather [hbm4b:s8+s4], $0x1388, $0x38;
	[tilespmem:$0x13200] =	vst v63  }
0x395: {  	_ = 	snop  }
0x396: {  	[tilespmem:s22], [sflag:$0x4] =	stream.linear.gather [hbm4b:s9+s4], $0x1388, $0x38;
	[tilespmem:$0x13200] =	vst v63  }
0x397: {  	_ = 	snop  }
0x398: {  	[tilespmem:s29], [sflag:$0x7] =	stream.indirect.gather [spmem:s3], $0x1, s19, s15, $0xb8;
	[tilespmem:$0x13200] =	vst v63  }
0x399: {  	_ =	swait.ge [sflag:s24], $0x1388  }
0x39a: {  	[sflag:s24] =	ssyncset.done $0x0  }
0x39b: {  	[sflag:s24] =	ssyncadd.s32 $0xFFFFEC78  }
0x39c: {  	[spmem:s2] =	stream.indirect.scatter.add.f32 [tilespmem:s18], [sflag:$0x9], $0x1, s25, s15, $0xb8;
	[tilespmem:$0x13200] =	vst v63  }
0x39d: {  	_ =	swait.ge [sflag:s26], $0x1388  }
0x39e: {  	[sflag:s26] =	ssyncset.done $0x0  }
0x39f: {  	[sflag:s26] =	ssyncadd.s32 $0xFFFFEC78  }
0x3a0: {  	_ =	swait.ge [sflag:s26], $0x1388  }
0x3a1: {  	[sflag:s26] =	ssyncset.done $0x0  }
0x3a2: {  	[sflag:s26] =	ssyncadd.s32 $0xFFFFEC78  }
0x3a3: {  	_ =	swait.ge [sflag:s28], $0x1388  }
0x3a4: {  	[sflag:s28] =	ssyncset.done $0x0  }
0x3a5: {  	[sflag:s28] =	ssyncadd.s32 $0xFFFFEC78  }
0x3a6: {  	[tilespmem:s13], [sflag:$0x8] =	stream.indirect.gather [spmem:s3], $0x1, s23, s15, $0xb8;
	[tilespmem:$0x13200] =	vst v63  }
0x3a7: {  	_ =	swait.ge [sflag:s30], $0x1388  }
0x3a8: {  	[sflag:s30] =	ssyncset.done $0x0  }
0x3a9: {  	[sflag:s30] =	ssyncadd.s32 $0xFFFFEC78  }
0x3aa: {  	[spmem:s2] =	stream.indirect.scatter.add.f32 [tilespmem:s6], [sflag:$0xA], $0x1, s10, s15, $0xb8;
	[tilespmem:$0x13200] =	vst v63  }
0x3ab: {  	_ =	swait.ge [sflag:s0], $0x1388  }
0x3ac: {  	[sflag:s0] =	ssyncset.done $0x0  }
0x3ad: {  	[sflag:s0] =	ssyncadd.s32 $0xFFFFEC78  }
0x3ae: {  	[spmem:s2] =	stream.indirect.scatter.add.f32 [tilespmem:s29], [sflag:$0xB], $0x1, s16, s15, $0xb8;
	[tilespmem:$0x13200] =	vst v63  }
0x3af: {  	_ =	swait.ge [sflag:s5], $0x1388  }
0x3b0: {  	[sflag:s5] =	ssyncset.done $0x0  }
0x3b1: {  	[sflag:s5] =	ssyncadd.s32 $0xFFFFEC78  }
0x3b2: {  	[spmem:s2] =	stream.indirect.scatter.add.f32 [tilespmem:s13], [sflag:$0xC], $0x1, s22, s15, $0xb8;
	[tilespmem:$0x13200] =	vst v63  }
0x3b3: {  	_ =	swait.ge [sflag:s31], $0x1388  }
0x3b4: {  	[sflag:s31] =	ssyncset.done $0x0  }
0x3b5: {  	[sflag:s31] =	ssyncadd.s32 $0xFFFFEC78  }
0x3b6: {  	_ =	swait.ge [sflag:s1], $0x1388  }
0x3b7: {  	[sflag:s1] =	ssyncset.done $0x0  }
0x3b8: {  	[sflag:s1] =	ssyncadd.s32 $0xFFFFEC78  }
0x3b9: {  	_ =	swait.ge [sflag:s7], $0x1388  }
0x3ba: {  	[sflag:s7] =	ssyncset.done $0x0  }
0x3bb: {  	[sflag:s7] =	ssyncadd.s32 $0xFFFFEC78  }
0x3bc: {  	[bflag:$0x0] =	sbarrier.arrive $0xFFFF  }
0x3bd: {  	s9 =	sld [smem:$0x7CF]  }
0x3be: {  	s25 =	sld [smem:$0x7FA]  }
0x3bf: {  	s6 =	sld [smem:$0x792];
	_ =	sdelay $0x2  }
0x3c0: {  	[hbm:s9], [sflag:s25] =	dma.local [spmem:s6], $0x320  }
0x3c1: {  	s9 =	simm.s32 $0xD  }
0x3c2: {  	_ =	swait.ge [sflag:s9], $0x320  }
0x3c3: {  	[sflag:s9] =	ssyncset.done $0x0  }
0x3c4: {  	[sflag:s9] =	ssyncadd.s32 $0xFFFFFCE0  }
0x3c5: {  	[bflag:$0x0] =	sbarrier.arrive $0xFFFF  }
0x3c6: {  	s16 =	sld [smem:$0x7F7];
	_ =	sdelay $0x2  }
0x3c7: {  	[spmem:s6], [sflag:s25] =	dma.local [hbm:s16], $0x320  }
0x3c8: {  	_ =	swait.ge [sflag:s9], $0x320  }
0x3c9: {  	s8 =	sld [smem:$0x7D1]  }
0x3ca: {  	s20 =	simm.s32 @p0 $0xD;
	[sflag:s9] =	ssyncset.done $0x0  }
0x3cb: {  	s6 =	simm.s32 @p0 $0x3200;
	[sflag:s9] =	ssyncadd.s32 $0xFFFFFCE0;
	s9 =	simm.s32 @p0 $0x0  }
0x3cc: {  	[tilespmem:s6], [sflag:$0xD] =	stream.linear.gather @p0 [hbm4b:s8+s9], $0xFA0, $0x38;
	[tilespmem:$0x13200] =	vst v63  }
0x3cd: {  	_ =	swait.ge @p0 [sflag:s20], $0xFA0  }
0x3ce: {  	s8 =	sld [smem:$0x7FC]  }
0x3cf: {  	[sflag:s20] =	ssyncset.done @p0 $0x0  }
0x3d0: {  	[sflag:s20] =	ssyncadd.s32 @p0 $0xFFFFF060  }
0x3d1: {  	[spmem:s8] =	stream.linear.scatter @p0 [tilespmem:s6], [sflag:$0xD], $0xFA0, $0x38;
	[tilespmem:$0x13200] =	vst v63  }
0x3d2: {  	_ =	swait.ge @p0 [sflag:s20], $0xFA0  }
0x3d3: {  	s8 =	sld [smem:$0x7D0]  }
0x3d4: {  	s6 =	sld [smem:$0x791]  }
0x3d5: {  	[sflag:s20] =	ssyncset.done @p0 $0x0  }
0x3d6: {  	[sflag:s20] =	ssyncadd.s32 @p0 $0xFFFFF060  }
0x3d7: {  	[spmem:s6], [sflag:s25] =	dma.local @!p0 [hbm:s8], $0x320  }
0x3d8: {  	s6 =	simm.s32 @!p0 $0xD  }
0x3d9: {  	_ =	swait.ge @!p0 [sflag:s6], $0x320  }
0x3da: {  	[sflag:s6] =	ssyncset.done @!p0 $0x0  }
0x3db: {  	[sflag:s6] =	ssyncadd.s32 @!p0 $0xFFFFFCE0  }
0x3dc: {  	[bflag:$0x0] =	sbarrier.arrive $0xFFFF  }
0x3dd: {  	s16 =	sld [smem:$0x7D2];
	_ =	sdelay $0x1  }
0x3de: {  	s20 =	sld [smem:$0x7D3]  }
0x3df: {  	[tilespmem:s11], [sflag:$0x1] =	stream.linear.gather [hbm4b:s16+s4], $0x1388, $0x38;
	[tilespmem:$0x13200] =	vst v63  }
0x3e0: {  	s9 =	simm.s32 $0x5600  }
0x3e1: {  	[tilespmem:s9], [sflag:$0x1] =	stream.linear.gather [hbm4b:s20+s4], $0x1388, $0x38;
	[tilespmem:$0x13200] =	vst v63  }
0x3e2: {  	_ =	swait.ge [sflag:s12], $0x1388  }
0x3e3: {  	[sflag:s12] =	ssyncset.done $0x0  }
0x3e4: {  	[sflag:s12] =	ssyncadd.s32 $0xFFFFEC78  }
0x3e5: {  	_ =	swait.ge [sflag:s12], $0x1388  }
0x3e6: {  	s16 =	sld [smem:$0x7D4]  }
0x3e7: {  	[sflag:s12] =	ssyncset.done $0x0  }
0x3e8: {  	s20 =	sld [smem:$0x7D5];
	[sflag:s12] =	ssyncadd.s32 $0xFFFFEC78  }
0x3e9: {  	[tilespmem:s14], [sflag:$0x2] =	stream.linear.gather [hbm4b:s16+s4], $0x1388, $0x38;
	[tilespmem:$0x13200] =	vst v63  }
0x3ea: {  	_ = 	snop  }
0x3eb: {  	[tilespmem:s10], [sflag:$0x2] =	stream.linear.gather [hbm4b:s20+s4], $0x1388, $0x38;
	[tilespmem:$0x13200] =	vst v63  }
0x3ec: {  	_ = 	snop  }
0x3ed: {  	[tilespmem:s18], [sflag:$0x5] =	stream.indirect.gather [spmem:s3], $0x1, s11, s15, $0xb8;
	[tilespmem:$0x13200] =	vst v63  }
0x3ee: {  	_ =	swait.ge [sflag:s17], $0x1388  }
0x3ef: {  	[sflag:s17] =	ssyncset.done $0x0  }
0x3f0: {  	[sflag:s17] =	ssyncadd.s32 $0xFFFFEC78  }
0x3f1: {  	_ =	swait.ge [sflag:s17], $0x1388  }
0x3f2: {  	s16 =	sld [smem:$0x7D6]  }
0x3f3: {  	[sflag:s17] =	ssyncset.done $0x0  }
0x3f4: {  	s20 =	sld [smem:$0x7D7];
	[sflag:s17] =	ssyncadd.s32 $0xFFFFEC78  }
0x3f5: {  	[tilespmem:s19], [sflag:$0x3] =	stream.linear.gather [hbm4b:s16+s4], $0x1388, $0x38;
	[tilespmem:$0x13200] =	vst v63  }
0x3f6: {  	s16 =	simm.s32 $0xCE00  }
0x3f7: {  	[tilespmem:s16], [sflag:$0x3] =	stream.linear.gather [hbm4b:s20+s4], $0x1388, $0x38;
	[tilespmem:$0x13200] =	vst v63  }
0x3f8: {  	s20 =	simm.s32 $0xA600  }
0x3f9: {  	[tilespmem:s20], [sflag:$0x6] =	stream.indirect.gather [spmem:s3], $0x1, s14, s15, $0xb8;
	[tilespmem:$0x13200] =	vst v63  }
0x3fa: {  	_ =	swait.ge [sflag:s21], $0x1388  }
0x3fb: {  	[sflag:s21] =	ssyncset.done $0x0  }
0x3fc: {  	[sflag:s21] =	ssyncadd.s32 $0xFFFFEC78  }
0x3fd: {  	_ =	swait.ge [sflag:s21], $0x1388  }
0x3fe: {  	s6 =	sld [smem:$0x7D8]  }
0x3ff: {  	[sflag:s21] =	ssyncset.done $0x0  }
0x400: {  	s8 =	sld [smem:$0x7D9];
	[sflag:s21] =	ssyncadd.s32 $0xFFFFEC78  }
0x401: {  	[tilespmem:s23], [sflag:$0x4] =	stream.linear.gather [hbm4b:s6+s4], $0x1388, $0x38;
	[tilespmem:$0x13200] =	vst v63  }
0x402: {  	_ = 	snop  }
0x403: {  	[tilespmem:s22], [sflag:$0x4] =	stream.linear.gather [hbm4b:s8+s4], $0x1388, $0x38;
	[tilespmem:$0x13200] =	vst v63  }
0x404: {  	_ = 	snop  }
0x405: {  	[tilespmem:s29], [sflag:$0x7] =	stream.indirect.gather [spmem:s3], $0x1, s19, s15, $0xb8;
	[tilespmem:$0x13200] =	vst v63  }
0x406: {  	_ =	swait.ge [sflag:s24], $0x1388  }
0x407: {  	[sflag:s24] =	ssyncset.done $0x0  }
0x408: {  	[sflag:s24] =	ssyncadd.s32 $0xFFFFEC78  }
0x409: {  	[spmem:s2] =	stream.indirect.scatter.add.f32 [tilespmem:s18], [sflag:$0x9], $0x1, s9, s15, $0xb8;
	[tilespmem:$0x13200] =	vst v63  }
0x40a: {  	_ =	swait.ge [sflag:s26], $0x1388  }
0x40b: {  	[sflag:s26] =	ssyncset.done $0x0  }
0x40c: {  	[sflag:s26] =	ssyncadd.s32 $0xFFFFEC78  }
0x40d: {  	_ =	swait.ge [sflag:s26], $0x1388  }
0x40e: {  	[sflag:s26] =	ssyncset.done $0x0  }
0x40f: {  	[sflag:s26] =	ssyncadd.s32 $0xFFFFEC78  }
0x410: {  	_ =	swait.ge [sflag:s28], $0x1388  }
0x411: {  	s6 =	sld [smem:$0x7DA]  }
0x412: {  	[sflag:s28] =	ssyncset.done $0x0  }
0x413: {  	s8 =	sld [smem:$0x7DB];
	[sflag:s28] =	ssyncadd.s32 $0xFFFFEC78  }
0x414: {  	[tilespmem:s11], [sflag:$0x1] =	stream.linear.gather [hbm4b:s6+s4], $0x1388, $0x38;
	[tilespmem:$0x13200] =	vst v63  }
0x415: {  	_ = 	snop  }
0x416: {  	[tilespmem:s9], [sflag:$0x1] =	stream.linear.gather [hbm4b:s8+s4], $0x1388, $0x38;
	[tilespmem:$0x13200] =	vst v63  }
0x417: {  	_ = 	snop  }
0x418: {  	[tilespmem:s13], [sflag:$0x8] =	stream.indirect.gather [spmem:s3], $0x1, s23, s15, $0xb8;
	[tilespmem:$0x13200] =	vst v63  }
0x419: {  	_ =	swait.ge [sflag:s30], $0x1388  }
0x41a: {  	[sflag:s30] =	ssyncset.done $0x0  }
0x41b: {  	[sflag:s30] =	ssyncadd.s32 $0xFFFFEC78  }
0x41c: {  	[spmem:s2] =	stream.indirect.scatter.add.f32 [tilespmem:s20], [sflag:$0xA], $0x1, s10, s15, $0xb8;
	[tilespmem:$0x13200] =	vst v63  }
0x41d: {  	_ =	swait.ge [sflag:s12], $0x1388  }
0x41e: {  	[sflag:s12] =	ssyncset.done $0x0  }
0x41f: {  	[sflag:s12] =	ssyncadd.s32 $0xFFFFEC78  }
0x420: {  	_ =	swait.ge [sflag:s12], $0x1388  }
0x421: {  	[sflag:s12] =	ssyncset.done $0x0  }
0x422: {  	[sflag:s12] =	ssyncadd.s32 $0xFFFFEC78  }
0x423: {  	_ =	swait.ge [sflag:s31], $0x1388  }
0x424: {  	s6 =	sld [smem:$0x7DC]  }
0x425: {  	[sflag:s31] =	ssyncset.done $0x0  }
0x426: {  	s8 =	sld [smem:$0x7DD];
	[sflag:s31] =	ssyncadd.s32 $0xFFFFEC78  }
0x427: {  	[tilespmem:s14], [sflag:$0x2] =	stream.linear.gather [hbm4b:s6+s4], $0x1388, $0x38;
	[tilespmem:$0x13200] =	vst v63  }
0x428: {  	_ = 	snop  }
0x429: {  	[tilespmem:s10], [sflag:$0x2] =	stream.linear.gather [hbm4b:s8+s4], $0x1388, $0x38;
	[tilespmem:$0x13200] =	vst v63  }
0x42a: {  	_ = 	snop  }
0x42b: {  	[tilespmem:s18], [sflag:$0x5] =	stream.indirect.gather [spmem:s3], $0x1, s11, s15, $0xb8;
	[tilespmem:$0x13200] =	vst v63  }
0x42c: {  	_ =	swait.ge [sflag:s0], $0x1388  }
0x42d: {  	[sflag:s0] =	ssyncset.done $0x0  }
0x42e: {  	[sflag:s0] =	ssyncadd.s32 $0xFFFFEC78  }
0x42f: {  	[spmem:s2] =	stream.indirect.scatter.add.f32 [tilespmem:s29], [sflag:$0xB], $0x1, s16, s15, $0xb8;
	[tilespmem:$0x13200] =	vst v63  }
0x430: {  	_ =	swait.ge [sflag:s17], $0x1388  }
0x431: {  	[sflag:s17] =	ssyncset.done $0x0  }
0x432: {  	[sflag:s17] =	ssyncadd.s32 $0xFFFFEC78  }
0x433: {  	_ =	swait.ge [sflag:s17], $0x1388  }
0x434: {  	[sflag:s17] =	ssyncset.done $0x0  }
0x435: {  	[sflag:s17] =	ssyncadd.s32 $0xFFFFEC78  }
0x436: {  	_ =	swait.ge [sflag:s1], $0x1388  }
0x437: {  	s6 =	sld [smem:$0x7DE]  }
0x438: {  	[sflag:s1] =	ssyncset.done $0x0  }
0x439: {  	s8 =	sld [smem:$0x7DF];
	[sflag:s1] =	ssyncadd.s32 $0xFFFFEC78  }
0x43a: {  	[tilespmem:s19], [sflag:$0x3] =	stream.linear.gather [hbm4b:s6+s4], $0x1388, $0x38;
	[tilespmem:$0x13200] =	vst v63  }
0x43b: {  	_ = 	snop  }
0x43c: {  	[tilespmem:s16], [sflag:$0x3] =	stream.linear.gather [hbm4b:s8+s4], $0x1388, $0x38;
	[tilespmem:$0x13200] =	vst v63  }
0x43d: {  	s20 =	simm.s32 $0xA600  }
0x43e: {  	[tilespmem:s20], [sflag:$0x6] =	stream.indirect.gather [spmem:s3], $0x1, s14, s15, $0xb8;
	[tilespmem:$0x13200] =	vst v63  }
0x43f: {  	_ =	swait.ge [sflag:s5], $0x1388  }
0x440: {  	[sflag:s5] =	ssyncset.done $0x0  }
0x441: {  	[sflag:s5] =	ssyncadd.s32 $0xFFFFEC78  }
0x442: {  	[spmem:s2] =	stream.indirect.scatter.add.f32 [tilespmem:s13], [sflag:$0xC], $0x1, s22, s15, $0xb8;
	[tilespmem:$0x13200] =	vst v63  }
0x443: {  	_ =	swait.ge [sflag:s21], $0x1388  }
0x444: {  	[sflag:s21] =	ssyncset.done $0x0  }
0x445: {  	[sflag:s21] =	ssyncadd.s32 $0xFFFFEC78  }
0x446: {  	_ =	swait.ge [sflag:s21], $0x1388  }
0x447: {  	[sflag:s21] =	ssyncset.done $0x0  }
0x448: {  	[sflag:s21] =	ssyncadd.s32 $0xFFFFEC78  }
0x449: {  	_ =	swait.ge [sflag:s7], $0x1388  }
0x44a: {  	s6 =	sld [smem:$0x7E0]  }
0x44b: {  	[sflag:s7] =	ssyncset.done $0x0  }
0x44c: {  	s8 =	sld [smem:$0x7E1];
	[sflag:s7] =	ssyncadd.s32 $0xFFFFEC78  }
0x44d: {  	[tilespmem:s23], [sflag:$0x4] =	stream.linear.gather [hbm4b:s6+s4], $0x1388, $0x38;
	[tilespmem:$0x13200] =	vst v63  }
0x44e: {  	_ = 	snop  }
0x44f: {  	[tilespmem:s22], [sflag:$0x4] =	stream.linear.gather [hbm4b:s8+s4], $0x1388, $0x38;
	[tilespmem:$0x13200] =	vst v63  }
0x450: {  	_ = 	snop  }
0x451: {  	[tilespmem:s29], [sflag:$0x7] =	stream.indirect.gather [spmem:s3], $0x1, s19, s15, $0xb8;
	[tilespmem:$0x13200] =	vst v63  }
0x452: {  	_ =	swait.ge [sflag:s24], $0x1388  }
0x453: {  	[sflag:s24] =	ssyncset.done $0x0  }
0x454: {  	s9 =	simm.s32 $0x5600;
	[sflag:s24] =	ssyncadd.s32 $0xFFFFEC78  }
0x455: {  	[spmem:s2] =	stream.indirect.scatter.add.f32 [tilespmem:s18], [sflag:$0x9], $0x1, s9, s15, $0xb8;
	[tilespmem:$0x13200] =	vst v63  }
0x456: {  	_ =	swait.ge [sflag:s26], $0x1388  }
0x457: {  	[sflag:s26] =	ssyncset.done $0x0  }
0x458: {  	[sflag:s26] =	ssyncadd.s32 $0xFFFFEC78  }
0x459: {  	_ =	swait.ge [sflag:s26], $0x1388  }
0x45a: {  	[sflag:s26] =	ssyncset.done $0x0  }
0x45b: {  	[sflag:s26] =	ssyncadd.s32 $0xFFFFEC78  }
0x45c: {  	_ =	swait.ge [sflag:s28], $0x1388  }
0x45d: {  	s6 =	sld [smem:$0x7E2]  }
0x45e: {  	[sflag:s28] =	ssyncset.done $0x0  }
0x45f: {  	s8 =	sld [smem:$0x7E3];
	[sflag:s28] =	ssyncadd.s32 $0xFFFFEC78  }
0x460: {  	[tilespmem:s11], [sflag:$0x1] =	stream.linear.gather [hbm4b:s6+s4], $0x1388, $0x38;
	[tilespmem:$0x13200] =	vst v63  }
0x461: {  	_ = 	snop  }
0x462: {  	[tilespmem:s9], [sflag:$0x1] =	stream.linear.gather [hbm4b:s8+s4], $0x1388, $0x38;
	[tilespmem:$0x13200] =	vst v63  }
0x463: {  	_ = 	snop  }
0x464: {  	[tilespmem:s13], [sflag:$0x8] =	stream.indirect.gather [spmem:s3], $0x1, s23, s15, $0xb8;
	[tilespmem:$0x13200] =	vst v63  }
0x465: {  	_ =	swait.ge [sflag:s30], $0x1388  }
0x466: {  	[sflag:s30] =	ssyncset.done $0x0  }
0x467: {  	[sflag:s30] =	ssyncadd.s32 $0xFFFFEC78  }
0x468: {  	[spmem:s2] =	stream.indirect.scatter.add.f32 [tilespmem:s20], [sflag:$0xA], $0x1, s10, s15, $0xb8;
	[tilespmem:$0x13200] =	vst v63  }
0x469: {  	_ =	swait.ge [sflag:s12], $0x1388  }
0x46a: {  	[sflag:s12] =	ssyncset.done $0x0  }
0x46b: {  	[sflag:s12] =	ssyncadd.s32 $0xFFFFEC78  }
0x46c: {  	_ =	swait.ge [sflag:s12], $0x1388  }
0x46d: {  	[sflag:s12] =	ssyncset.done $0x0  }
0x46e: {  	[sflag:s12] =	ssyncadd.s32 $0xFFFFEC78  }
0x46f: {  	_ =	swait.ge [sflag:s31], $0x1388  }
0x470: {  	s6 =	sld [smem:$0x7E4]  }
0x471: {  	[sflag:s31] =	ssyncset.done $0x0  }
0x472: {  	s8 =	sld [smem:$0x7E5];
	[sflag:s31] =	ssyncadd.s32 $0xFFFFEC78  }
0x473: {  	[tilespmem:s14], [sflag:$0x2] =	stream.linear.gather [hbm4b:s6+s4], $0x1388, $0x38;
	[tilespmem:$0x13200] =	vst v63  }
0x474: {  	_ = 	snop  }
0x475: {  	[tilespmem:s10], [sflag:$0x2] =	stream.linear.gather [hbm4b:s8+s4], $0x1388, $0x38;
	[tilespmem:$0x13200] =	vst v63  }
0x476: {  	_ = 	snop  }
0x477: {  	[tilespmem:s18], [sflag:$0x5] =	stream.indirect.gather [spmem:s3], $0x1, s11, s15, $0xb8;
	[tilespmem:$0x13200] =	vst v63  }
0x478: {  	_ =	swait.ge [sflag:s0], $0x1388  }
0x479: {  	[sflag:s0] =	ssyncset.done $0x0  }
0x47a: {  	s16 =	simm.s32 $0xCE00;
	[sflag:s0] =	ssyncadd.s32 $0xFFFFEC78  }
0x47b: {  	[spmem:s2] =	stream.indirect.scatter.add.f32 [tilespmem:s29], [sflag:$0xB], $0x1, s16, s15, $0xb8;
	[tilespmem:$0x13200] =	vst v63  }
0x47c: {  	_ =	swait.ge [sflag:s17], $0x1388  }
0x47d: {  	[sflag:s17] =	ssyncset.done $0x0  }
0x47e: {  	[sflag:s17] =	ssyncadd.s32 $0xFFFFEC78  }
0x47f: {  	_ =	swait.ge [sflag:s17], $0x1388  }
0x480: {  	[sflag:s17] =	ssyncset.done $0x0  }
0x481: {  	[sflag:s17] =	ssyncadd.s32 $0xFFFFEC78  }
0x482: {  	_ =	swait.ge [sflag:s1], $0x1388  }
0x483: {  	s6 =	sld [smem:$0x7E6]  }
0x484: {  	[sflag:s1] =	ssyncset.done $0x0  }
0x485: {  	s8 =	sld [smem:$0x7E7];
	[sflag:s1] =	ssyncadd.s32 $0xFFFFEC78  }
0x486: {  	[tilespmem:s19], [sflag:$0x3] =	stream.linear.gather [hbm4b:s6+s4], $0x1388, $0x38;
	[tilespmem:$0x13200] =	vst v63  }
0x487: {  	_ = 	snop  }
0x488: {  	[tilespmem:s16], [sflag:$0x3] =	stream.linear.gather [hbm4b:s8+s4], $0x1388, $0x38;
	[tilespmem:$0x13200] =	vst v63  }
0x489: {  	_ = 	snop  }
0x48a: {  	[tilespmem:s20], [sflag:$0x6] =	stream.indirect.gather [spmem:s3], $0x1, s14, s15, $0xb8;
	[tilespmem:$0x13200] =	vst v63  }
0x48b: {  	_ =	swait.ge [sflag:s5], $0x1388  }
0x48c: {  	[sflag:s5] =	ssyncset.done $0x0  }
0x48d: {  	[sflag:s5] =	ssyncadd.s32 $0xFFFFEC78  }
0x48e: {  	[spmem:s2] =	stream.indirect.scatter.add.f32 [tilespmem:s13], [sflag:$0xC], $0x1, s22, s15, $0xb8;
	[tilespmem:$0x13200] =	vst v63  }
0x48f: {  	_ =	swait.ge [sflag:s21], $0x1388  }
0x490: {  	[sflag:s21] =	ssyncset.done $0x0  }
0x491: {  	[sflag:s21] =	ssyncadd.s32 $0xFFFFEC78  }
0x492: {  	_ =	swait.ge [sflag:s21], $0x1388  }
0x493: {  	[sflag:s21] =	ssyncset.done $0x0  }
0x494: {  	[sflag:s21] =	ssyncadd.s32 $0xFFFFEC78  }
0x495: {  	_ =	swait.ge [sflag:s7], $0x1388  }
0x496: {  	s6 =	sld [smem:$0x7E8]  }
0x497: {  	[sflag:s7] =	ssyncset.done $0x0  }
0x498: {  	s8 =	sld [smem:$0x7E9];
	[sflag:s7] =	ssyncadd.s32 $0xFFFFEC78  }
0x499: {  	[tilespmem:s23], [sflag:$0x4] =	stream.linear.gather [hbm4b:s6+s4], $0x1388, $0x38;
	[tilespmem:$0x13200] =	vst v63  }
0x49a: {  	_ = 	snop  }
0x49b: {  	[tilespmem:s22], [sflag:$0x4] =	stream.linear.gather [hbm4b:s8+s4], $0x1388, $0x38;
	[tilespmem:$0x13200] =	vst v63  }
0x49c: {  	_ = 	snop  }
0x49d: {  	[tilespmem:s29], [sflag:$0x7] =	stream.indirect.gather [spmem:s3], $0x1, s19, s15, $0xb8;
	[tilespmem:$0x13200] =	vst v63  }
0x49e: {  	_ =	swait.ge [sflag:s24], $0x1388  }
0x49f: {  	[sflag:s24] =	ssyncset.done $0x0  }
0x4a0: {  	[sflag:s24] =	ssyncadd.s32 $0xFFFFEC78  }
0x4a1: {  	[spmem:s2] =	stream.indirect.scatter.add.f32 [tilespmem:s18], [sflag:$0x9], $0x1, s9, s15, $0xb8;
	[tilespmem:$0x13200] =	vst v63  }
0x4a2: {  	_ =	swait.ge [sflag:s26], $0x1388  }
0x4a3: {  	[sflag:s26] =	ssyncset.done $0x0  }
0x4a4: {  	[sflag:s26] =	ssyncadd.s32 $0xFFFFEC78  }
0x4a5: {  	_ =	swait.ge [sflag:s26], $0x1388  }
0x4a6: {  	[sflag:s26] =	ssyncset.done $0x0  }
0x4a7: {  	[sflag:s26] =	ssyncadd.s32 $0xFFFFEC78  }
0x4a8: {  	_ =	swait.ge [sflag:s28], $0x1388  }
0x4a9: {  	s6 =	sld [smem:$0x7EA]  }
0x4aa: {  	[sflag:s28] =	ssyncset.done $0x0  }
0x4ab: {  	s8 =	sld [smem:$0x7EB];
	[sflag:s28] =	ssyncadd.s32 $0xFFFFEC78  }
0x4ac: {  	[tilespmem:s11], [sflag:$0x1] =	stream.linear.gather [hbm4b:s6+s4], $0x1388, $0x38;
	[tilespmem:$0x13200] =	vst v63  }
0x4ad: {  	_ = 	snop  }
0x4ae: {  	[tilespmem:s9], [sflag:$0x1] =	stream.linear.gather [hbm4b:s8+s4], $0x1388, $0x38;
	[tilespmem:$0x13200] =	vst v63  }
0x4af: {  	_ = 	snop  }
0x4b0: {  	[tilespmem:s13], [sflag:$0x8] =	stream.indirect.gather [spmem:s3], $0x1, s23, s15, $0xb8;
	[tilespmem:$0x13200] =	vst v63  }
0x4b1: {  	_ =	swait.ge [sflag:s30], $0x1388  }
0x4b2: {  	[sflag:s30] =	ssyncset.done $0x0  }
0x4b3: {  	[sflag:s30] =	ssyncadd.s32 $0xFFFFEC78  }
0x4b4: {  	[spmem:s2] =	stream.indirect.scatter.add.f32 [tilespmem:s20], [sflag:$0xA], $0x1, s10, s15, $0xb8;
	[tilespmem:$0x13200] =	vst v63  }
0x4b5: {  	_ =	swait.ge [sflag:s12], $0x1388  }
0x4b6: {  	[sflag:s12] =	ssyncset.done $0x0  }
0x4b7: {  	[sflag:s12] =	ssyncadd.s32 $0xFFFFEC78  }
0x4b8: {  	_ =	swait.ge [sflag:s12], $0x1388  }
0x4b9: {  	[sflag:s12] =	ssyncset.done $0x0  }
0x4ba: {  	[sflag:s12] =	ssyncadd.s32 $0xFFFFEC78  }
0x4bb: {  	_ =	swait.ge [sflag:s31], $0x1388  }
0x4bc: {  	s6 =	sld [smem:$0x7EC]  }
0x4bd: {  	[sflag:s31] =	ssyncset.done $0x0  }
0x4be: {  	s8 =	sld [smem:$0x7ED];
	[sflag:s31] =	ssyncadd.s32 $0xFFFFEC78  }
0x4bf: {  	[tilespmem:s14], [sflag:$0x2] =	stream.linear.gather [hbm4b:s6+s4], $0x1388, $0x38;
	[tilespmem:$0x13200] =	vst v63  }
0x4c0: {  	_ = 	snop  }
0x4c1: {  	[tilespmem:s10], [sflag:$0x2] =	stream.linear.gather [hbm4b:s8+s4], $0x1388, $0x38;
	[tilespmem:$0x13200] =	vst v63  }
0x4c2: {  	_ = 	snop  }
0x4c3: {  	[tilespmem:s18], [sflag:$0x5] =	stream.indirect.gather [spmem:s3], $0x1, s11, s15, $0xb8;
	[tilespmem:$0x13200] =	vst v63  }
0x4c4: {  	_ =	swait.ge [sflag:s0], $0x1388  }
0x4c5: {  	[sflag:s0] =	ssyncset.done $0x0  }
0x4c6: {  	[sflag:s0] =	ssyncadd.s32 $0xFFFFEC78  }
0x4c7: {  	[spmem:s2] =	stream.indirect.scatter.add.f32 [tilespmem:s29], [sflag:$0xB], $0x1, s16, s15, $0xb8;
	[tilespmem:$0x13200] =	vst v63  }
0x4c8: {  	_ =	swait.ge [sflag:s17], $0x1388  }
0x4c9: {  	[sflag:s17] =	ssyncset.done $0x0  }
0x4ca: {  	[sflag:s17] =	ssyncadd.s32 $0xFFFFEC78  }
0x4cb: {  	_ =	swait.ge [sflag:s17], $0x1388  }
0x4cc: {  	[sflag:s17] =	ssyncset.done $0x0  }
0x4cd: {  	[sflag:s17] =	ssyncadd.s32 $0xFFFFEC78  }
0x4ce: {  	_ =	swait.ge [sflag:s1], $0x1388  }
0x4cf: {  	s6 =	sld [smem:$0x7EE]  }
0x4d0: {  	[sflag:s1] =	ssyncset.done $0x0  }
0x4d1: {  	s8 =	sld [smem:$0x7EF];
	[sflag:s1] =	ssyncadd.s32 $0xFFFFEC78  }
0x4d2: {  	[tilespmem:s19], [sflag:$0x3] =	stream.linear.gather [hbm4b:s6+s4], $0x1388, $0x38;
	[tilespmem:$0x13200] =	vst v63  }
0x4d3: {  	_ = 	snop  }
0x4d4: {  	[tilespmem:s16], [sflag:$0x3] =	stream.linear.gather [hbm4b:s8+s4], $0x1388, $0x38;
	[tilespmem:$0x13200] =	vst v63  }
0x4d5: {  	_ = 	snop  }
0x4d6: {  	[tilespmem:s20], [sflag:$0x6] =	stream.indirect.gather [spmem:s3], $0x1, s14, s15, $0xb8;
	[tilespmem:$0x13200] =	vst v63  }
0x4d7: {  	_ =	swait.ge [sflag:s5], $0x1388  }
0x4d8: {  	[sflag:s5] =	ssyncset.done $0x0  }
0x4d9: {  	[sflag:s5] =	ssyncadd.s32 $0xFFFFEC78  }
0x4da: {  	[spmem:s2] =	stream.indirect.scatter.add.f32 [tilespmem:s13], [sflag:$0xC], $0x1, s22, s15, $0xb8;
	[tilespmem:$0x13200] =	vst v63  }
0x4db: {  	_ =	swait.ge [sflag:s21], $0x1388  }
0x4dc: {  	[sflag:s21] =	ssyncset.done $0x0  }
0x4dd: {  	[sflag:s21] =	ssyncadd.s32 $0xFFFFEC78  }
0x4de: {  	_ =	swait.ge [sflag:s21], $0x1388  }
0x4df: {  	[sflag:s21] =	ssyncset.done $0x0  }
0x4e0: {  	[sflag:s21] =	ssyncadd.s32 $0xFFFFEC78  }
0x4e1: {  	_ =	swait.ge [sflag:s7], $0x1388  }
0x4e2: {  	s6 =	sld [smem:$0x7F0]  }
0x4e3: {  	[sflag:s7] =	ssyncset.done $0x0  }
0x4e4: {  	s8 =	sld [smem:$0x7F1];
	[sflag:s7] =	ssyncadd.s32 $0xFFFFEC78  }
0x4e5: {  	[tilespmem:s23], [sflag:$0x4] =	stream.linear.gather [hbm4b:s6+s4], $0x1388, $0x38;
	[tilespmem:$0x13200] =	vst v63  }
0x4e6: {  	_ = 	snop  }
0x4e7: {  	[tilespmem:s22], [sflag:$0x4] =	stream.linear.gather [hbm4b:s8+s4], $0x1388, $0x38;
	[tilespmem:$0x13200] =	vst v63  }
0x4e8: {  	_ = 	snop  }
0x4e9: {  	[tilespmem:s29], [sflag:$0x7] =	stream.indirect.gather [spmem:s3], $0x1, s19, s15, $0xb8;
	[tilespmem:$0x13200] =	vst v63  }
0x4ea: {  	_ =	swait.ge [sflag:s24], $0x1388  }
0x4eb: {  	[sflag:s24] =	ssyncset.done $0x0  }
0x4ec: {  	[sflag:s24] =	ssyncadd.s32 $0xFFFFEC78  }
0x4ed: {  	[spmem:s2] =	stream.indirect.scatter.add.f32 [tilespmem:s18], [sflag:$0x9], $0x1, s9, s15, $0xb8;
	[tilespmem:$0x13200] =	vst v63  }
0x4ee: {  	_ =	swait.ge [sflag:s26], $0x1388  }
0x4ef: {  	[sflag:s26] =	ssyncset.done $0x0  }
0x4f0: {  	[sflag:s26] =	ssyncadd.s32 $0xFFFFEC78  }
0x4f1: {  	_ =	swait.ge [sflag:s26], $0x1388  }
0x4f2: {  	[sflag:s26] =	ssyncset.done $0x0  }
0x4f3: {  	[sflag:s26] =	ssyncadd.s32 $0xFFFFEC78  }
0x4f4: {  	_ =	swait.ge [sflag:s28], $0x1388  }
0x4f5: {  	s6 =	sld [smem:$0x7F2]  }
0x4f6: {  	[sflag:s28] =	ssyncset.done $0x0  }
0x4f7: {  	s8 =	sld [smem:$0x7F3];
	[sflag:s28] =	ssyncadd.s32 $0xFFFFEC78  }
0x4f8: {  	[tilespmem:s11], [sflag:$0x1] =	stream.linear.gather [hbm4b:s6+s4], $0x1388, $0x38;
	[tilespmem:$0x13200] =	vst v63  }
0x4f9: {  	_ = 	snop  }
0x4fa: {  	[tilespmem:s9], [sflag:$0x1] =	stream.linear.gather [hbm4b:s8+s4], $0x1388, $0x38;
	[tilespmem:$0x13200] =	vst v63  }
0x4fb: {  	_ = 	snop  }
0x4fc: {  	[tilespmem:s13], [sflag:$0x8] =	stream.indirect.gather [spmem:s3], $0x1, s23, s15, $0xb8;
	[tilespmem:$0x13200] =	vst v63  }
0x4fd: {  	_ =	swait.ge [sflag:s30], $0x1388  }
0x4fe: {  	[sflag:s30] =	ssyncset.done $0x0  }
0x4ff: {  	[sflag:s30] =	ssyncadd.s32 $0xFFFFEC78  }
0x500: {  	[spmem:s2] =	stream.indirect.scatter.add.f32 [tilespmem:s20], [sflag:$0xA], $0x1, s10, s15, $0xb8;
	[tilespmem:$0x13200] =	vst v63  }
0x501: {  	_ =	swait.ge [sflag:s12], $0x1388  }
0x502: {  	[sflag:s12] =	ssyncset.done $0x0  }
0x503: {  	[sflag:s12] =	ssyncadd.s32 $0xFFFFEC78  }
0x504: {  	_ =	swait.ge [sflag:s12], $0x1388  }
0x505: {  	[sflag:s12] =	ssyncset.done $0x0  }
0x506: {  	[sflag:s12] =	ssyncadd.s32 $0xFFFFEC78  }
0x507: {  	_ =	swait.ge [sflag:s31], $0x1388  }
0x508: {  	s6 =	sld [smem:$0x7F4]  }
0x509: {  	[sflag:s31] =	ssyncset.done $0x0  }
0x50a: {  	s8 =	sld [smem:$0x7F5];
	[sflag:s31] =	ssyncadd.s32 $0xFFFFEC78  }
0x50b: {  	[tilespmem:s14], [sflag:$0x2] =	stream.linear.gather [hbm4b:s6+s4], $0x1388, $0x38;
	[tilespmem:$0x13200] =	vst v63  }
0x50c: {  	_ = 	snop  }
0x50d: {  	[tilespmem:s10], [sflag:$0x2] =	stream.linear.gather [hbm4b:s8+s4], $0x1388, $0x38;
	[tilespmem:$0x13200] =	vst v63  }
0x50e: {  	_ = 	snop  }
0x50f: {  	[tilespmem:s18], [sflag:$0x5] =	stream.indirect.gather [spmem:s3], $0x1, s11, s15, $0xb8;
	[tilespmem:$0x13200] =	vst v63  }
0x510: {  	_ =	swait.ge [sflag:s0], $0x1388  }
0x511: {  	[sflag:s0] =	ssyncset.done $0x0  }
0x512: {  	[sflag:s0] =	ssyncadd.s32 $0xFFFFEC78  }
0x513: {  	[spmem:s2] =	stream.indirect.scatter.add.f32 [tilespmem:s29], [sflag:$0xB], $0x1, s16, s15, $0xb8;
	[tilespmem:$0x13200] =	vst v63  }
0x514: {  	_ =	swait.ge [sflag:s17], $0x1388  }
0x515: {  	[sflag:s17] =	ssyncset.done $0x0  }
0x516: {  	[sflag:s17] =	ssyncadd.s32 $0xFFFFEC78  }
0x517: {  	_ =	swait.ge [sflag:s17], $0x1388  }
0x518: {  	[sflag:s17] =	ssyncset.done $0x0  }
0x519: {  	[sflag:s17] =	ssyncadd.s32 $0xFFFFEC78  }
0x51a: {  	_ =	swait.ge [sflag:s1], $0x1388  }
0x51b: {  	s6 =	sld [smem:$0x7F6]  }
0x51c: {  	[sflag:s1] =	ssyncset.done $0x0  }
0x51d: {  	s8 =	sld [smem:$0x7F8];
	[sflag:s1] =	ssyncadd.s32 $0xFFFFEC78  }
0x51e: {  	[tilespmem:s19], [sflag:$0x3] =	stream.linear.gather [hbm4b:s6+s4], $0x1388, $0x38;
	[tilespmem:$0x13200] =	vst v63  }
0x51f: {  	_ = 	snop  }
0x520: {  	[tilespmem:s16], [sflag:$0x3] =	stream.linear.gather [hbm4b:s8+s4], $0x1388, $0x38;
	[tilespmem:$0x13200] =	vst v63  }
0x521: {  	_ = 	snop  }
0x522: {  	[tilespmem:s20], [sflag:$0x6] =	stream.indirect.gather [spmem:s3], $0x1, s14, s15, $0xb8;
	[tilespmem:$0x13200] =	vst v63  }
0x523: {  	_ =	swait.ge [sflag:s5], $0x1388  }
0x524: {  	[sflag:s5] =	ssyncset.done $0x0  }
0x525: {  	[sflag:s5] =	ssyncadd.s32 $0xFFFFEC78  }
0x526: {  	[spmem:s2] =	stream.indirect.scatter.add.f32 [tilespmem:s13], [sflag:$0xC], $0x1, s22, s15, $0xb8;
	[tilespmem:$0x13200] =	vst v63  }
0x527: {  	_ =	swait.ge [sflag:s21], $0x1388  }
0x528: {  	[sflag:s21] =	ssyncset.done $0x0  }
0x529: {  	[sflag:s21] =	ssyncadd.s32 $0xFFFFEC78  }
0x52a: {  	_ =	swait.ge [sflag:s21], $0x1388  }
0x52b: {  	[sflag:s21] =	ssyncset.done $0x0  }
0x52c: {  	[sflag:s21] =	ssyncadd.s32 $0xFFFFEC78  }
0x52d: {  	_ =	swait.ge [sflag:s7], $0x1388  }
0x52e: {  	s22 =	sld [smem:$0x7F9]  }
0x52f: {  	[sflag:s7] =	ssyncset.done $0x0  }
0x530: {  	s8 =	sld [smem:$0x7FB];
	[sflag:s7] =	ssyncadd.s32 $0xFFFFEC78  }
0x531: {  	[tilespmem:s23], [sflag:$0x4] =	stream.linear.gather [hbm4b:s22+s4], $0x1388, $0x38;
	[tilespmem:$0x13200] =	vst v63  }
0x532: {  	s22 =	simm.s32 $0x10A00  }
0x533: {  	[tilespmem:s22], [sflag:$0x4] =	stream.linear.gather [hbm4b:s8+s4], $0x1388, $0x38;
	[tilespmem:$0x13200] =	vst v63  }
0x534: {  	_ = 	snop  }
0x535: {  	[tilespmem:s29], [sflag:$0x7] =	stream.indirect.gather [spmem:s3], $0x1, s19, s15, $0xb8;
	[tilespmem:$0x13200] =	vst v63  }
0x536: {  	_ =	swait.ge [sflag:s24], $0x1388  }
0x537: {  	[sflag:s24] =	ssyncset.done $0x0  }
0x538: {  	[sflag:s24] =	ssyncadd.s32 $0xFFFFEC78  }
0x539: {  	[spmem:s2] =	stream.indirect.scatter.add.f32 [tilespmem:s18], [sflag:$0x9], $0x1, s9, s15, $0xb8;
	[tilespmem:$0x13200] =	vst v63  }
0x53a: {  	_ =	swait.ge [sflag:s26], $0x1388  }
0x53b: {  	[sflag:s26] =	ssyncset.done $0x0  }
0x53c: {  	[sflag:s26] =	ssyncadd.s32 $0xFFFFEC78  }
0x53d: {  	_ =	swait.ge [sflag:s26], $0x1388  }
0x53e: {  	[sflag:s26] =	ssyncset.done $0x0  }
0x53f: {  	[sflag:s26] =	ssyncadd.s32 $0xFFFFEC78  }
0x540: {  	_ =	swait.ge [sflag:s28], $0x1388  }
0x541: {  	[sflag:s28] =	ssyncset.done $0x0  }
0x542: {  	[sflag:s28] =	ssyncadd.s32 $0xFFFFEC78  }
0x543: {  	[tilespmem:s13], [sflag:$0x8] =	stream.indirect.gather [spmem:s3], $0x1, s23, s15, $0xb8;
	[tilespmem:$0x13200] =	vst v63  }
0x544: {  	_ =	swait.ge [sflag:s30], $0x1388  }
0x545: {  	[sflag:s30] =	ssyncset.done $0x0  }
0x546: {  	[sflag:s30] =	ssyncadd.s32 $0xFFFFEC78  }
0x547: {  	[spmem:s2] =	stream.indirect.scatter.add.f32 [tilespmem:s20], [sflag:$0xA], $0x1, s10, s15, $0xb8;
	[tilespmem:$0x13200] =	vst v63  }
0x548: {  	_ =	swait.ge [sflag:s0], $0x1388  }
0x549: {  	[sflag:s0] =	ssyncset.done $0x0  }
0x54a: {  	[sflag:s0] =	ssyncadd.s32 $0xFFFFEC78  }
0x54b: {  	[spmem:s2] =	stream.indirect.scatter.add.f32 [tilespmem:s29], [sflag:$0xB], $0x1, s16, s15, $0xb8;
	[tilespmem:$0x13200] =	vst v63  }
0x54c: {  	_ =	swait.ge [sflag:s5], $0x1388  }
0x54d: {  	[sflag:s5] =	ssyncset.done $0x0  }
0x54e: {  	[sflag:s5] =	ssyncadd.s32 $0xFFFFEC78  }
0x54f: {  	[spmem:s2] =	stream.indirect.scatter.add.f32 [tilespmem:s13], [sflag:$0xC], $0x1, s22, s15, $0xb8;
	[tilespmem:$0x13200] =	vst v63  }
0x550: {  	_ =	swait.ge [sflag:s31], $0x1388  }
0x551: {  	[sflag:s31] =	ssyncset.done $0x0  }
0x552: {  	[sflag:s31] =	ssyncadd.s32 $0xFFFFEC78  }
0x553: {  	_ =	swait.ge [sflag:s1], $0x1388  }
0x554: {  	[sflag:s1] =	ssyncset.done $0x0  }
0x555: {  	[sflag:s1] =	ssyncadd.s32 $0xFFFFEC78  }
0x556: {  	_ =	swait.ge [sflag:s7], $0x1388  }
0x557: {  	[sflag:s7] =	ssyncset.done $0x0  }
0x558: {  	[sflag:s7] =	ssyncadd.s32 $0xFFFFEC78  }
0x559: {  	[bflag:$0x0] =	sbarrier.arrive $0xFFFF  }
0x55a: {  	s16 =	sld [smem:$0x7FD]  }
0x55b: {  	s20 =	sld [smem:$0x792];
	_ =	sdelay $0x2  }
0x55c: {  	[hbm:s16], [sflag:s25] =	dma.local [spmem:s20], $0x320  }
0x55d: {  	s6 =	sld [smem:$0x793];
	_ =	sdelay $0x2  }
0x55e: {  	s6 =	sadd.s32 $0xFFFFFFFF, s6  }
0x55f: {  	s22 =	simm.s32 $0xD;
	p1 =	sne.s32 s6, $0x0  }
.Ltmp0:
0x560: {  	_ =	swait.ge [sflag:s22], $0x320;
	(pc) =	sbr.rel @p1 .LBB2_1-.Ltmp0, $3  }
0x561: {  	s25 =	simm.s32 $0xD;
	[sflag:s22] =	ssyncset.done $0x0  }
0x562: {  	[sflag:s25] =	ssyncadd.s32 $0xFFFFFCE0  }
0x563: {  	[bflag:$0x0] =	sbarrier.arrive $0xFFFF;
	_ =	sdelay $0x1  }
0x564: {  	_ =	sfence.sel $0x180000  }
0x565: {  	[bflag:$0x0] =	sbarrier.arrive $0xFFFF  }
0x566: {  	_ =	strace $0x90000047  }
0x567: {  	s0 =	stileid.u32;
	[bflag:$0x2] =	sbarrier.arrive $0xFFFF  }
0x568: {  	p0 =	sne.s32 s0, $0x0;
	s0 =	rddreg [dreg:$0x3]  }
0x569: {  	s0 =	sadd.s32 @!p0 $0x100000, s0  }
0x56a: {  	[sflag:s0] =	ssyncadd.tile.s32 @!p0 $0x1;
	_ =	shalt  }
.Lfunc_end2:
_tile_overlayer_lowered:
.L_overlay_start_2:
0x56b: {  	(tag) =	ssettag $0x2  }
0x56c: {  	s0 =	rddreg [dreg:$0x0];
	s2 =	stileid.u32  }
0x56d: {  	s1 =	rddreg [dreg:$0x1];
	p0 =	sne.s32 s2, $0x0  }
0x56e: {  	s3 =	rddreg [dreg:$0x2];
	[bflag:$0x3] =	sbarrier.arrive $0xFFFF;
	s2 =	simm.s32 @!p0 $0x1C0D  }
0x56f: {  	[timem:s3], [sflag:s2] =	dma.local @!p0 [hbm:s0], s1  }
0x570: {  	s0 =	simm.s32 @!p0 $0xD  }
0x571: {  	_ =	swait.ge @!p0 [sflag:s0], s1  }
0x572: {  	s1 =	ssub.s32 @!p0 $0x0, s1;
	[sflag:s0] =	ssyncset.done @!p0 $0x0  }
0x573: {  	[sflag:s0] =	ssyncadd.s32 @!p0 s1  }
0x574: {  	[bflag:$0x3] =	sbarrier.arrive $0xFFFF  }
0x575: {  	_ =	shalt  }

</sc_bundles>
